<compile_context>
chip_gen: v7x
topology: tpu7x:2x2x1
jax: 0.10.2.dev20260603
libtpu: 0.0.44.dev20260713+nightly
codegen_flags: <defaults>
</compile_context>

<pallas_src>
import functools

import jax
import jax.numpy as jnp
from jax import lax
from jax.experimental import pallas as pl
from jax.experimental.pallas import tpu as pltpu
from jax.experimental.pallas import tpu_sc as plsc

B, C, N, K, OUT = 1, 128, 10000, 32, 128
NC, NS, L = 2, 16, 16
NW = NC * NS
FPW = OUT // NW
PPW = FPW // 2
OH = OUT // 2
NB = 1024
BLOCKS = [(i * NB, NB) for i in range(N // NB)] + [((N // NB) * NB, N % NB)]


def _pack_rows(even, odd):
    lo = lax.bitcast_convert_type(even.astype(jnp.bfloat16), jnp.uint16)
    hi = lax.bitcast_convert_type(odd.astype(jnp.bfloat16), jnp.uint16)
    return lo.astype(jnp.int32) | (hi.astype(jnp.int32) << 16)


_DN = (((1,), (1,)), ((), ()))


def _tc_tables(x_ref, m1e_ref, m1o_ref, m2e_ref, m2o_ref, be_ref, bo_ref,
               a_ref, c_ref):
    xb = x_ref[...]
    f32 = jnp.float32
    dg = lambda m: lax.dot_general(m, xb, _DN, preferred_element_type=f32)
    ae = dg(m1e_ref[...]) + be_ref[...]
    ao = dg(m1o_ref[...]) + bo_ref[...]
    ce = dg(m2e_ref[...])
    co = dg(m2o_ref[...])
    a_ref[...] = _pack_rows(ae, ao)
    c_ref[...] = _pack_rows(ce, co)


def _make_tables(x2, w, b):
    bn = N
    grid = 1
    w1 = w[:, :C] - w[:, C:]
    w2 = w[:, C:]
    mat_spec = pl.BlockSpec((OH, C), lambda i: (0, 0))
    vec_spec = pl.BlockSpec((OH, 1), lambda i: (0, 0))
    return pl.pallas_call(
        _tc_tables,
        grid=(grid,),
        in_specs=[
            pl.BlockSpec((bn, C), lambda i: (i, 0)),
            mat_spec, mat_spec, mat_spec, mat_spec, vec_spec, vec_spec,
        ],
        out_specs=[
            pl.BlockSpec((OH, bn), lambda i: (0, i)),
            pl.BlockSpec((OH, bn), lambda i: (0, i)),
        ],
        out_shape=[
            jax.ShapeDtypeStruct((OH, N), jnp.int32),
            jax.ShapeDtypeStruct((OH, N), jnp.int32),
        ],
    )(
        x2, w1[0::2], w1[1::2], w2[0::2], w2[1::2],
        b[0::2].reshape(OH, 1), b[1::2].reshape(OH, 1),
    )


@functools.partial(
    pl.kernel,
    out_type=jax.ShapeDtypeStruct((OUT, N), jnp.float32),
    mesh=plsc.VectorSubcoreMesh(
        core_axis_name="c", subcore_axis_name="s", num_cores=NC, num_subcores=NS
    ),
    compiler_params=pltpu.CompilerParams(
        needs_layout_passes=False,
        use_tc_tiling_on_sc=False,
        disable_bounds_checks=True,
    ),
    scratch_types=[
        pltpu.VMEM((PPW * N,), jnp.int32),
        pltpu.VMEM((PPW * N,), jnp.int32),
        pltpu.VMEM((K, NB), jnp.int32),
        pltpu.VMEM((K, NB), jnp.int32),
        pltpu.VMEM((FPW, NB), jnp.float32),
        pltpu.VMEM((FPW, NB), jnp.float32),
        pltpu.SemaphoreType.DMA,
        pltpu.SemaphoreType.DMA,
        pltpu.SemaphoreType.DMA,
        pltpu.SemaphoreType.DMA,
    ],
)
def _sc_edge_max(
    a_hbm, c_hbm, ij_hbm, out_hbm,
    a_v, c_v, ij_v0, ij_v1, ob_v0, ob_v1, sem_in0, sem_in1, sem_out0, sem_out1,
):
    wid = lax.axis_index("c") * NS + lax.axis_index("s")
    pltpu.sync_copy(a_hbm.at[wid], a_v)
    pltpu.sync_copy(c_hbm.at[wid], c_v)

    ij_bufs = (ij_v0, ij_v1)
    ob_bufs = (ob_v0, ob_v1)
    sem_in = (sem_in0, sem_in1)
    sem_out = (sem_out0, sem_out1)
    p_off = [jnp.full((L,), p * N, jnp.int32) for p in range(PPW)]

    def start_in(blk):
        bi = blk % 2
        n0, nb = BLOCKS[blk]
        return pltpu.async_copy(
            ij_hbm.at[:, pl.ds(n0, nb)],
            ij_bufs[bi].at[:, pl.ds(0, nb)],
            sem_in[bi],
        )

    pending = {0: start_in(0)}
    out_pending = {}
    for blk in range(len(BLOCKS)):
        bi = blk % 2
        n0, nb = BLOCKS[blk]
        if blk + 1 < len(BLOCKS):
            pending[blk + 1] = start_in(blk + 1)
        pending.pop(blk).wait()
        if blk - 2 in out_pending:
            out_pending.pop(blk - 2).wait()

        ij_b = ij_bufs[bi]
        ob_b = ob_bufs[bi]

        def nb_body(nb_i):
            base = nb_i * L

            def k8_body(k8, accs):
                accs = list(accs)
                for kk in range(8):
                    w = ij_b[k8 * 8 + kk, pl.ds(base, L)]
                    iv = w & 0xFFFF
                    jv = lax.shift_right_logical(w, 16)
                    chain = kk % 2
                    for p in range(PPW):
                        av = plsc.bitcast(
                            plsc.load_gather(a_v, [p_off[p] + iv]), jnp.bfloat16
                        )
                        cv = plsc.bitcast(
                            plsc.load_gather(c_v, [p_off[p] + jv]), jnp.bfloat16
                        )
                        s = 2 * p + chain
                        accs[s] = jnp.maximum(accs[s], av + cv)
                return tuple(accs)

            accs = lax.fori_loop(
                0, K // 8, k8_body,
                tuple(jnp.zeros((2 * L,), jnp.bfloat16) for _ in range(2 * PPW)),
            )
            for p in range(PPW):
                m = plsc.bitcast(
                    jnp.maximum(accs[2 * p], accs[2 * p + 1]), jnp.int32
                )
                ob_b[2 * p, pl.ds(base, L)] = plsc.bitcast(
                    lax.shift_left(m, 16), jnp.float32
                )
                ob_b[2 * p + 1, pl.ds(base, L)] = plsc.bitcast(
                    m & jnp.int32(-65536), jnp.float32
                )

        plsc.parallel_loop(0, nb // L, 1)(nb_body)
        out_pending[blk] = pltpu.async_copy(
            ob_b.at[:, pl.ds(0, nb)],
            out_hbm.at[pl.ds(wid * FPW, FPW), pl.ds(n0, nb)],
            sem_out[bi],
        )
    for h in out_pending.values():
        h.wait()


def kernel(x, edge_index, W, b):
    x2 = x[0, :, :, 0].T
    a_t, c_t = _make_tables(x2, W, b)
    a_r = a_t.reshape(NW, PPW * N)
    c_r = c_t.reshape(NW, PPW * N)

    ij = edge_index[1, 0] | (edge_index[0, 0] << 16)
    out = _sc_edge_max(a_r, c_r, ij.T)
    return out.reshape(1, OUT, N, 1)

# --- scband reference (transcript-rebuilt; emitter-appended) ---
"""Pipeline reference for scband-graph-conv2d-58961311040361 (READ-ONLY COPY).

The authoritative reference and input builder live on the scoring server;
editing this copy changes nothing except your own understanding.
"""

import jax, jax.numpy as jnp
import numpy as np

B, C, N, K, OUT = 1, 128, 10000, 32, 128


def batched_index_select(x, idx):
    # x: [B, C, N, 1], idx: [B, N, K] -> [B, C, N, K]
    b, c, n, _ = x.shape
    k = idx.shape[-1]
    x2 = x[..., 0]  # [B, C, N]
    idx_r = idx.reshape(b, 1, n * k)
    idx_b = jnp.broadcast_to(idx_r, (b, c, n * k))
    g = jnp.take_along_axis(x2, idx_b, axis=2)
    return g.reshape(b, c, n, k)


def setup_inputs(seed: int = 0) -> dict:
    key = jax.random.key(seed)
    k1, k2, k3 = jax.random.split(key, 3)
    x = jax.random.normal(k1, (B, C, N, 1), dtype=jnp.float32)
    edge_index = jax.random.randint(k2, (2, B, N, K), 0, N, dtype=jnp.int32)
    # BasicConv([2*C, OUT]) with 1x1 Conv2d + bias + relu (norm=None)
    W = jax.random.normal(k3, (OUT, 2 * C), dtype=jnp.float32) * 0.05
    b = jnp.zeros((OUT,), dtype=jnp.float32)
    return {"x": x, "edge_index": edge_index, "W": W, "b": b}


def reference(x, edge_index, W, b):
    # GraphConv2d(conv='edge') -> EdgeConv2d.forward
    x_i = batched_index_select(x, edge_index[1])  # [B, C, N, K]
    x_j = batched_index_select(x, edge_index[0])  # [B, C, N, K]
    feat = jnp.concatenate([x_i, x_j - x_i], axis=1)  # [B, 2C, N, K]
    out = jnp.einsum('oi,bink->bonk', W, feat) + b[None, :, None, None]
    out = jax.nn.relu(out)
    max_value = jnp.max(out, axis=-1, keepdims=True)  # [B, OUT, N, 1]
    return max_value

if __name__ == "__main__":
    import jax
    _d = setup_inputs()
    print(jax.jit(kernel)(*tuple(_d.values())))

</pallas_src>

<mosaic_0001>
#map = affine_map<(d0, d1) -> (0, 0)>
module attributes {stable_mosaic.version = 14 : i64} {
  func.func @_sc_edge_max(%arg0: i32, %arg1: i32, %arg2: memref<32x20000xi32, #tpu.memory_space<hbm>>, %arg3: memref<32x20000xi32, #tpu.memory_space<hbm>>, %arg4: memref<32x10000xi32, #tpu.memory_space<hbm>>, %arg5: memref<128x10000xf32, #tpu.memory_space<hbm>>, %arg6: memref<20000xi32, #tpu.memory_space<vmem>>, %arg7: memref<20000xi32, #tpu.memory_space<vmem>>, %arg8: memref<32x1024xi32, #tpu.memory_space<vmem>>, %arg9: memref<32x1024xi32, #tpu.memory_space<vmem>>, %arg10: memref<4x1024xf32, #tpu.memory_space<vmem>>, %arg11: memref<4x1024xf32, #tpu.memory_space<vmem>>, %arg12: memref<!tpu.dma_semaphore, #tpu.memory_space<semaphore_mem>>, %arg13: memref<!tpu.dma_semaphore, #tpu.memory_space<semaphore_mem>>, %arg14: memref<!tpu.dma_semaphore, #tpu.memory_space<semaphore_mem>>, %arg15: memref<!tpu.dma_semaphore, #tpu.memory_space<semaphore_mem>>) attributes {dimension_semantics = [#tpu.dimension_semantics<core_parallel>, #tpu.dimension_semantics<subcore_parallel>], iteration_bounds = array<i64: 2, 16>, scalar_prefetch = 0 : i64, scratch_operands = 10 : i64, tpu.core_type = #tpu.core_type<sc_vector_subcore>, window_params = [{transform_indices = #map}, {transform_indices = #map}, {transform_indices = #map}, {transform_indices = #map}]} {
    %mul3A = arith.constant 16 : i32
    %mul3A_0 = arith.muli %arg0, %mul3A : i32
    %add3A = arith.addi %mul3A_0, %arg1 : i32
    "tpu.region"() ({
      %run_scoped3A = tpu.sem_alloc : memref<!tpu.dma_semaphore, #tpu.memory_space<semaphore_mem>>
      %dma_start3A_491 = arith.constant 0 : i32
      %dma_start3A_492 = tpu.memref_slice %arg2[%add3A, %dma_start3A_491] : memref<32x20000xi32, #tpu.memory_space<hbm>> -> memref<1x20000xi32, #tpu.memory_space<hbm>>
      %dma_start3A_493 = tpu.memref_squeeze %dma_start3A_492 : memref<1x20000xi32, #tpu.memory_space<hbm>> -> memref<20000xi32, #tpu.memory_space<hbm>>
      %dma_start3A_494 = arith.constant 0 : i32
      %dma_start3A_495 = tpu.memref_slice %arg2[%add3A, %dma_start3A_494] : memref<32x20000xi32, #tpu.memory_space<hbm>> -> memref<1x20000xi32, #tpu.memory_space<hbm>>
      %dma_start3A_496 = tpu.memref_squeeze %dma_start3A_495 : memref<1x20000xi32, #tpu.memory_space<hbm>> -> memref<20000xi32, #tpu.memory_space<hbm>>
      tpu.enqueue_dma source(%dma_start3A_496 : memref<20000xi32, #tpu.memory_space<hbm>>) target(%arg6 : memref<20000xi32, #tpu.memory_space<vmem>>) target_semaphore(%run_scoped3A : memref<!tpu.dma_semaphore, #tpu.memory_space<semaphore_mem>>)
      %dma_wait3A_497 = arith.constant 0 : i32
      %dma_wait3A_498 = tpu.memref_slice %arg2[%add3A, %dma_wait3A_497] : memref<32x20000xi32, #tpu.memory_space<hbm>> -> memref<1x20000xi32, #tpu.memory_space<hbm>>
      %dma_wait3A_499 = tpu.memref_squeeze %dma_wait3A_498 : memref<1x20000xi32, #tpu.memory_space<hbm>> -> memref<20000xi32, #tpu.memory_space<hbm>>
      %dma_wait3A_500 = arith.constant 0 : i32
      %dma_wait3A_501 = tpu.memref_slice %arg2[%add3A, %dma_wait3A_500] : memref<32x20000xi32, #tpu.memory_space<hbm>> -> memref<1x20000xi32, #tpu.memory_space<hbm>>
      %dma_wait3A_502 = tpu.memref_squeeze %dma_wait3A_501 : memref<1x20000xi32, #tpu.memory_space<hbm>> -> memref<20000xi32, #tpu.memory_space<hbm>>
      tpu.wait_dma2 semaphore(%run_scoped3A : memref<!tpu.dma_semaphore, #tpu.memory_space<semaphore_mem>>) src(%dma_wait3A_502 : memref<20000xi32, #tpu.memory_space<hbm>>) dst(%arg6 : memref<20000xi32, #tpu.memory_space<vmem>>)
      tpu.yield
    }) : () -> ()
    "tpu.region"() ({
      %run_scoped3A = tpu.sem_alloc : memref<!tpu.dma_semaphore, #tpu.memory_space<semaphore_mem>>
      %dma_start3A_491 = arith.constant 0 : i32
      %dma_start3A_492 = tpu.memref_slice %arg3[%add3A, %dma_start3A_491] : memref<32x20000xi32, #tpu.memory_space<hbm>> -> memref<1x20000xi32, #tpu.memory_space<hbm>>
      %dma_start3A_493 = tpu.memref_squeeze %dma_start3A_492 : memref<1x20000xi32, #tpu.memory_space<hbm>> -> memref<20000xi32, #tpu.memory_space<hbm>>
      %dma_start3A_494 = arith.constant 0 : i32
      %dma_start3A_495 = tpu.memref_slice %arg3[%add3A, %dma_start3A_494] : memref<32x20000xi32, #tpu.memory_space<hbm>> -> memref<1x20000xi32, #tpu.memory_space<hbm>>
      %dma_start3A_496 = tpu.memref_squeeze %dma_start3A_495 : memref<1x20000xi32, #tpu.memory_space<hbm>> -> memref<20000xi32, #tpu.memory_space<hbm>>
      tpu.enqueue_dma source(%dma_start3A_496 : memref<20000xi32, #tpu.memory_space<hbm>>) target(%arg7 : memref<20000xi32, #tpu.memory_space<vmem>>) target_semaphore(%run_scoped3A : memref<!tpu.dma_semaphore, #tpu.memory_space<semaphore_mem>>)
      %dma_wait3A_497 = arith.constant 0 : i32
      %dma_wait3A_498 = tpu.memref_slice %arg3[%add3A, %dma_wait3A_497] : memref<32x20000xi32, #tpu.memory_space<hbm>> -> memref<1x20000xi32, #tpu.memory_space<hbm>>
      %dma_wait3A_499 = tpu.memref_squeeze %dma_wait3A_498 : memref<1x20000xi32, #tpu.memory_space<hbm>> -> memref<20000xi32, #tpu.memory_space<hbm>>
      %dma_wait3A_500 = arith.constant 0 : i32
      %dma_wait3A_501 = tpu.memref_slice %arg3[%add3A, %dma_wait3A_500] : memref<32x20000xi32, #tpu.memory_space<hbm>> -> memref<1x20000xi32, #tpu.memory_space<hbm>>
      %dma_wait3A_502 = tpu.memref_squeeze %dma_wait3A_501 : memref<1x20000xi32, #tpu.memory_space<hbm>> -> memref<20000xi32, #tpu.memory_space<hbm>>
      tpu.wait_dma2 semaphore(%run_scoped3A : memref<!tpu.dma_semaphore, #tpu.memory_space<semaphore_mem>>) src(%dma_wait3A_502 : memref<20000xi32, #tpu.memory_space<hbm>>) dst(%arg7 : memref<20000xi32, #tpu.memory_space<vmem>>)
      tpu.yield
    }) : () -> ()
    %broadcast_in_dim3A = arith.constant 0 : i32
    %broadcast_in_dim3A_1 = vector.broadcast %broadcast_in_dim3A : i32 to vector<16xi32>
    %broadcast_in_dim3A_2 = arith.constant 10000 : i32
    %broadcast_in_dim3A_3 = vector.broadcast %broadcast_in_dim3A_2 : i32 to vector<16xi32>
    %dma_start3A = arith.constant 0 : i32
    %dma_start3A_4 = arith.constant 0 : i32
    %dma_start3A_5 = tpu.memref_slice %arg8[%dma_start3A, %dma_start3A_4] : memref<32x1024xi32, #tpu.memory_space<vmem>> -> memref<32x1024xi32, #tpu.memory_space<vmem>>
    %dma_start3A_6 = arith.constant 0 : i32
    %dma_start3A_7 = arith.constant 0 : i32
    %dma_start3A_8 = tpu.memref_slice %arg4[%dma_start3A_6, %dma_start3A_7] : memref<32x10000xi32, #tpu.memory_space<hbm>> -> memref<32x1024xi32, #tpu.memory_space<hbm>>
    %dma_start3A_9 = arith.constant 0 : i32
    %dma_start3A_10 = arith.constant 0 : i32
    %dma_start3A_11 = tpu.memref_slice %arg8[%dma_start3A_9, %dma_start3A_10] : memref<32x1024xi32, #tpu.memory_space<vmem>> -> memref<32x1024xi32, #tpu.memory_space<vmem>>
    %dma_start3A_12 = arith.constant 0 : i32
    %dma_start3A_13 = arith.constant 0 : i32
    %dma_start3A_14 = tpu.memref_slice %arg4[%dma_start3A_12, %dma_start3A_13] : memref<32x10000xi32, #tpu.memory_space<hbm>> -> memref<32x1024xi32, #tpu.memory_space<hbm>>
    tpu.enqueue_dma source(%dma_start3A_14 : memref<32x1024xi32, #tpu.memory_space<hbm>>) target(%dma_start3A_11 : memref<32x1024xi32, #tpu.memory_space<vmem>>) target_semaphore(%arg12 : memref<!tpu.dma_semaphore, #tpu.memory_space<semaphore_mem>>)
    %dma_start3A_15 = arith.constant 0 : i32
    %dma_start3A_16 = arith.constant 0 : i32
    %dma_start3A_17 = tpu.memref_slice %arg9[%dma_start3A_15, %dma_start3A_16] : memref<32x1024xi32, #tpu.memory_space<vmem>> -> memref<32x1024xi32, #tpu.memory_space<vmem>>
    %dma_start3A_18 = arith.constant 0 : i32
    %dma_start3A_19 = arith.constant 1024 : i32
    %dma_start3A_20 = tpu.memref_slice %arg4[%dma_start3A_18, %dma_start3A_19] : memref<32x10000xi32, #tpu.memory_space<hbm>> -> memref<32x1024xi32, #tpu.memory_space<hbm>>
    %dma_start3A_21 = arith.constant 0 : i32
    %dma_start3A_22 = arith.constant 0 : i32
    %dma_start3A_23 = tpu.memref_slice %arg9[%dma_start3A_21, %dma_start3A_22] : memref<32x1024xi32, #tpu.memory_space<vmem>> -> memref<32x1024xi32, #tpu.memory_space<vmem>>
    %dma_start3A_24 = arith.constant 0 : i32
    %dma_start3A_25 = arith.constant 1024 : i32
    %dma_start3A_26 = tpu.memref_slice %arg4[%dma_start3A_24, %dma_start3A_25] : memref<32x10000xi32, #tpu.memory_space<hbm>> -> memref<32x1024xi32, #tpu.memory_space<hbm>>
    tpu.enqueue_dma source(%dma_start3A_26 : memref<32x1024xi32, #tpu.memory_space<hbm>>) target(%dma_start3A_23 : memref<32x1024xi32, #tpu.memory_space<vmem>>) target_semaphore(%arg13 : memref<!tpu.dma_semaphore, #tpu.memory_space<semaphore_mem>>)
    %dma_wait3A = arith.constant 0 : i32
    %dma_wait3A_27 = arith.constant 0 : i32
    %dma_wait3A_28 = tpu.memref_slice %arg8[%dma_wait3A, %dma_wait3A_27] : memref<32x1024xi32, #tpu.memory_space<vmem>> -> memref<32x1024xi32, #tpu.memory_space<vmem>>
    %dma_wait3A_29 = arith.constant 0 : i32
    %dma_wait3A_30 = arith.constant 0 : i32
    %dma_wait3A_31 = tpu.memref_slice %arg4[%dma_wait3A_29, %dma_wait3A_30] : memref<32x10000xi32, #tpu.memory_space<hbm>> -> memref<32x1024xi32, #tpu.memory_space<hbm>>
    %dma_wait3A_32 = arith.constant 0 : i32
    %dma_wait3A_33 = arith.constant 0 : i32
    %dma_wait3A_34 = tpu.memref_slice %arg8[%dma_wait3A_32, %dma_wait3A_33] : memref<32x1024xi32, #tpu.memory_space<vmem>> -> memref<32x1024xi32, #tpu.memory_space<vmem>>
    %dma_wait3A_35 = arith.constant 0 : i32
    %dma_wait3A_36 = arith.constant 0 : i32
    %dma_wait3A_37 = tpu.memref_slice %arg4[%dma_wait3A_35, %dma_wait3A_36] : memref<32x10000xi32, #tpu.memory_space<hbm>> -> memref<32x1024xi32, #tpu.memory_space<hbm>>
    tpu.wait_dma2 semaphore(%arg12 : memref<!tpu.dma_semaphore, #tpu.memory_space<semaphore_mem>>) src(%dma_wait3A_37 : memref<32x1024xi32, #tpu.memory_space<hbm>>) dst(%dma_wait3A_34 : memref<32x1024xi32, #tpu.memory_space<vmem>>)
    %parallel_loop3A = arith.constant 0 : i32
    %parallel_loop3A_38 = arith.constant 64 : i32
    %parallel_loop3A_39 = arith.constant 1 : i32
    scf.for %parallel_loop3A_491 = %parallel_loop3A to %parallel_loop3A_38 step %parallel_loop3A_39  : i32 {
      %parallel_loop3A_492 = arith.constant 16 : i32
      %parallel_loop3A_493 = arith.muli %parallel_loop3A_491, %parallel_loop3A_492 : i32
      %parallel_loop3A_494 = arith.constant 0.000000e+00 : bf16
      %parallel_loop3A_495 = vector.broadcast %parallel_loop3A_494 : bf16 to vector<32xbf16>
      %parallel_loop3A_496 = arith.constant 0.000000e+00 : bf16
      %parallel_loop3A_497 = vector.broadcast %parallel_loop3A_496 : bf16 to vector<32xbf16>
      %parallel_loop3A_498 = arith.constant 0.000000e+00 : bf16
      %parallel_loop3A_499 = vector.broadcast %parallel_loop3A_498 : bf16 to vector<32xbf16>
      %parallel_loop3A_500 = arith.constant 0.000000e+00 : bf16
      %parallel_loop3A_501 = vector.broadcast %parallel_loop3A_500 : bf16 to vector<32xbf16>
      %parallel_loop3A_502 = arith.constant 0 : i32
      %parallel_loop3A_503 = arith.constant 4 : i32
      %parallel_loop3A_504 = arith.addi %parallel_loop3A_502, %parallel_loop3A_503 : i32
      %parallel_loop3A_505 = arith.constant 1 : i32
      %parallel_loop3A_506:4 = scf.for %scan3A = %parallel_loop3A_502 to %parallel_loop3A_504 step %parallel_loop3A_505 iter_args(%scan3A_544 = %parallel_loop3A_495, %scan3A_545 = %parallel_loop3A_497, %scan3A_546 = %parallel_loop3A_499, %scan3A_547 = %parallel_loop3A_501) -> (vector<32xbf16>, vector<32xbf16>, vector<32xbf16>, vector<32xbf16>)  : i32 {
        %parallel_loop3A_548 = arith.constant 8 : i32
        %parallel_loop3A_549 = arith.muli %scan3A, %parallel_loop3A_548 : i32
        %parallel_loop3A_550 = arith.constant 0 : i32
        %parallel_loop3A_551 = arith.addi %parallel_loop3A_549, %parallel_loop3A_550 : i32
        %parallel_loop3A_552 = arith.index_cast %parallel_loop3A_551 : i32 to index
        %parallel_loop3A_553 = arith.index_cast %parallel_loop3A_493 : i32 to index
        %parallel_loop3A_554 = tpu.vector_load %arg8[%parallel_loop3A_552, %parallel_loop3A_553] {strides = array<i32>} : memref<32x1024xi32, #tpu.memory_space<vmem>>, vector<16xi32>,
        %parallel_loop3A_555 = arith.constant 65535 : i32
        %parallel_loop3A_556 = vector.broadcast %parallel_loop3A_555 : i32 to vector<16xi32>
        %parallel_loop3A_557 = arith.andi %parallel_loop3A_554, %parallel_loop3A_556 : vector<16xi32>
        %parallel_loop3A_558 = arith.constant 16 : i32
        %parallel_loop3A_559 = vector.broadcast %parallel_loop3A_558 : i32 to vector<16xi32>
        %parallel_loop3A_560 = arith.shrui %parallel_loop3A_554, %parallel_loop3A_559 : vector<16xi32>
        %parallel_loop3A_561 = arith.addi %broadcast_in_dim3A_1, %parallel_loop3A_557 : vector<16xi32>
        %parallel_loop3A_562 = tpu.vector_load_idx %arg6[%parallel_loop3A_561] : memref<20000xi32, #tpu.memory_space<vmem>>[vector<16xi32>], vector<16xi32>,
        %parallel_loop3A_563 = vector.bitcast %parallel_loop3A_562 : vector<16xi32> to vector<32xbf16>
        %parallel_loop3A_564 = arith.addi %broadcast_in_dim3A_1, %parallel_loop3A_560 : vector<16xi32>
        %parallel_loop3A_565 = tpu.vector_load_idx %arg7[%parallel_loop3A_564] : memref<20000xi32, #tpu.memory_space<vmem>>[vector<16xi32>], vector<16xi32>,
        %parallel_loop3A_566 = vector.bitcast %parallel_loop3A_565 : vector<16xi32> to vector<32xbf16>
        %parallel_loop3A_567 = arith.addf %parallel_loop3A_563, %parallel_loop3A_566 : vector<32xbf16>
        %parallel_loop3A_568 = arith.maximumf %scan3A_544, %parallel_loop3A_567 : vector<32xbf16>
        %parallel_loop3A_569 = arith.addi %broadcast_in_dim3A_3, %parallel_loop3A_557 : vector<16xi32>
        %parallel_loop3A_570 = tpu.vector_load_idx %arg6[%parallel_loop3A_569] : memref<20000xi32, #tpu.memory_space<vmem>>[vector<16xi32>], vector<16xi32>,
        %parallel_loop3A_571 = vector.bitcast %parallel_loop3A_570 : vector<16xi32> to vector<32xbf16>
        %parallel_loop3A_572 = arith.addi %broadcast_in_dim3A_3, %parallel_loop3A_560 : vector<16xi32>
        %parallel_loop3A_573 = tpu.vector_load_idx %arg7[%parallel_loop3A_572] : memref<20000xi32, #tpu.memory_space<vmem>>[vector<16xi32>], vector<16xi32>,
        %parallel_loop3A_574 = vector.bitcast %parallel_loop3A_573 : vector<16xi32> to vector<32xbf16>
        %parallel_loop3A_575 = arith.addf %parallel_loop3A_571, %parallel_loop3A_574 : vector<32xbf16>
        %parallel_loop3A_576 = arith.maximumf %scan3A_546, %parallel_loop3A_575 : vector<32xbf16>
        %parallel_loop3A_577 = arith.constant 8 : i32
        %parallel_loop3A_578 = arith.muli %scan3A, %parallel_loop3A_577 : i32
        %parallel_loop3A_579 = arith.constant 1 : i32
        %parallel_loop3A_580 = arith.addi %parallel_loop3A_578, %parallel_loop3A_579 : i32
        %parallel_loop3A_581 = arith.index_cast %parallel_loop3A_580 : i32 to index
        %parallel_loop3A_582 = arith.index_cast %parallel_loop3A_493 : i32 to index
        %parallel_loop3A_583 = tpu.vector_load %arg8[%parallel_loop3A_581, %parallel_loop3A_582] {strides = array<i32>} : memref<32x1024xi32, #tpu.memory_space<vmem>>, vector<16xi32>,
        %parallel_loop3A_584 = arith.constant 65535 : i32
        %parallel_loop3A_585 = vector.broadcast %parallel_loop3A_584 : i32 to vector<16xi32>
        %parallel_loop3A_586 = arith.andi %parallel_loop3A_583, %parallel_loop3A_585 : vector<16xi32>
        %parallel_loop3A_587 = arith.constant 16 : i32
        %parallel_loop3A_588 = vector.broadcast %parallel_loop3A_587 : i32 to vector<16xi32>
        %parallel_loop3A_589 = arith.shrui %parallel_loop3A_583, %parallel_loop3A_588 : vector<16xi32>
        %parallel_loop3A_590 = arith.addi %broadcast_in_dim3A_1, %parallel_loop3A_586 : vector<16xi32>
        %parallel_loop3A_591 = tpu.vector_load_idx %arg6[%parallel_loop3A_590] : memref<20000xi32, #tpu.memory_space<vmem>>[vector<16xi32>], vector<16xi32>,
        %parallel_loop3A_592 = vector.bitcast %parallel_loop3A_591 : vector<16xi32> to vector<32xbf16>
        %parallel_loop3A_593 = arith.addi %broadcast_in_dim3A_1, %parallel_loop3A_589 : vector<16xi32>
        %parallel_loop3A_594 = tpu.vector_load_idx %arg7[%parallel_loop3A_593] : memref<20000xi32, #tpu.memory_space<vmem>>[vector<16xi32>], vector<16xi32>,
        %parallel_loop3A_595 = vector.bitcast %parallel_loop3A_594 : vector<16xi32> to vector<32xbf16>
        %parallel_loop3A_596 = arith.addf %parallel_loop3A_592, %parallel_loop3A_595 : vector<32xbf16>
        %parallel_loop3A_597 = arith.maximumf %scan3A_545, %parallel_loop3A_596 : vector<32xbf16>
        %parallel_loop3A_598 = arith.addi %broadcast_in_dim3A_3, %parallel_loop3A_586 : vector<16xi32>
        %parallel_loop3A_599 = tpu.vector_load_idx %arg6[%parallel_loop3A_598] : memref<20000xi32, #tpu.memory_space<vmem>>[vector<16xi32>], vector<16xi32>,
        %parallel_loop3A_600 = vector.bitcast %parallel_loop3A_599 : vector<16xi32> to vector<32xbf16>
        %parallel_loop3A_601 = arith.addi %broadcast_in_dim3A_3, %parallel_loop3A_589 : vector<16xi32>
        %parallel_loop3A_602 = tpu.vector_load_idx %arg7[%parallel_loop3A_601] : memref<20000xi32, #tpu.memory_space<vmem>>[vector<16xi32>], vector<16xi32>,
        %parallel_loop3A_603 = vector.bitcast %parallel_loop3A_602 : vector<16xi32> to vector<32xbf16>
        %parallel_loop3A_604 = arith.addf %parallel_loop3A_600, %parallel_loop3A_603 : vector<32xbf16>
        %parallel_loop3A_605 = arith.maximumf %scan3A_547, %parallel_loop3A_604 : vector<32xbf16>
        %parallel_loop3A_606 = arith.constant 8 : i32
        %parallel_loop3A_607 = arith.muli %scan3A, %parallel_loop3A_606 : i32
        %parallel_loop3A_608 = arith.constant 2 : i32
        %parallel_loop3A_609 = arith.addi %parallel_loop3A_607, %parallel_loop3A_608 : i32
        %parallel_loop3A_610 = arith.index_cast %parallel_loop3A_609 : i32 to index
        %parallel_loop3A_611 = arith.index_cast %parallel_loop3A_493 : i32 to index
        %parallel_loop3A_612 = tpu.vector_load %arg8[%parallel_loop3A_610, %parallel_loop3A_611] {strides = array<i32>} : memref<32x1024xi32, #tpu.memory_space<vmem>>, vector<16xi32>,
        %parallel_loop3A_613 = arith.constant 65535 : i32
        %parallel_loop3A_614 = vector.broadcast %parallel_loop3A_613 : i32 to vector<16xi32>
        %parallel_loop3A_615 = arith.andi %parallel_loop3A_612, %parallel_loop3A_614 : vector<16xi32>
        %parallel_loop3A_616 = arith.constant 16 : i32
        %parallel_loop3A_617 = vector.broadcast %parallel_loop3A_616 : i32 to vector<16xi32>
        %parallel_loop3A_618 = arith.shrui %parallel_loop3A_612, %parallel_loop3A_617 : vector<16xi32>
        %parallel_loop3A_619 = arith.addi %broadcast_in_dim3A_1, %parallel_loop3A_615 : vector<16xi32>
        %parallel_loop3A_620 = tpu.vector_load_idx %arg6[%parallel_loop3A_619] : memref<20000xi32, #tpu.memory_space<vmem>>[vector<16xi32>], vector<16xi32>,
        %parallel_loop3A_621 = vector.bitcast %parallel_loop3A_620 : vector<16xi32> to vector<32xbf16>
        %parallel_loop3A_622 = arith.addi %broadcast_in_dim3A_1, %parallel_loop3A_618 : vector<16xi32>
        %parallel_loop3A_623 = tpu.vector_load_idx %arg7[%parallel_loop3A_622] : memref<20000xi32, #tpu.memory_space<vmem>>[vector<16xi32>], vector<16xi32>,
        %parallel_loop3A_624 = vector.bitcast %parallel_loop3A_623 : vector<16xi32> to vector<32xbf16>
        %parallel_loop3A_625 = arith.addf %parallel_loop3A_621, %parallel_loop3A_624 : vector<32xbf16>
        %parallel_loop3A_626 = arith.maximumf %parallel_loop3A_568, %parallel_loop3A_625 : vector<32xbf16>
        %parallel_loop3A_627 = arith.addi %broadcast_in_dim3A_3, %parallel_loop3A_615 : vector<16xi32>
        %parallel_loop3A_628 = tpu.vector_load_idx %arg6[%parallel_loop3A_627] : memref<20000xi32, #tpu.memory_space<vmem>>[vector<16xi32>], vector<16xi32>,
        %parallel_loop3A_629 = vector.bitcast %parallel_loop3A_628 : vector<16xi32> to vector<32xbf16>
        %parallel_loop3A_630 = arith.addi %broadcast_in_dim3A_3, %parallel_loop3A_618 : vector<16xi32>
        %parallel_loop3A_631 = tpu.vector_load_idx %arg7[%parallel_loop3A_630] : memref<20000xi32, #tpu.memory_space<vmem>>[vector<16xi32>], vector<16xi32>,
        %parallel_loop3A_632 = vector.bitcast %parallel_loop3A_631 : vector<16xi32> to vector<32xbf16>
        %parallel_loop3A_633 = arith.addf %parallel_loop3A_629, %parallel_loop3A_632 : vector<32xbf16>
        %parallel_loop3A_634 = arith.maximumf %parallel_loop3A_576, %parallel_loop3A_633 : vector<32xbf16>
        %parallel_loop3A_635 = arith.constant 8 : i32
        %parallel_loop3A_636 = arith.muli %scan3A, %parallel_loop3A_635 : i32
        %parallel_loop3A_637 = arith.constant 3 : i32
        %parallel_loop3A_638 = arith.addi %parallel_loop3A_636, %parallel_loop3A_637 : i32
        %parallel_loop3A_639 = arith.index_cast %parallel_loop3A_638 : i32 to index
        %parallel_loop3A_640 = arith.index_cast %parallel_loop3A_493 : i32 to index
        %parallel_loop3A_641 = tpu.vector_load %arg8[%parallel_loop3A_639, %parallel_loop3A_640] {strides = array<i32>} : memref<32x1024xi32, #tpu.memory_space<vmem>>, vector<16xi32>,
        %parallel_loop3A_642 = arith.constant 65535 : i32
        %parallel_loop3A_643 = vector.broadcast %parallel_loop3A_642 : i32 to vector<16xi32>
        %parallel_loop3A_644 = arith.andi %parallel_loop3A_641, %parallel_loop3A_643 : vector<16xi32>
        %parallel_loop3A_645 = arith.constant 16 : i32
        %parallel_loop3A_646 = vector.broadcast %parallel_loop3A_645 : i32 to vector<16xi32>
        %parallel_loop3A_647 = arith.shrui %parallel_loop3A_641, %parallel_loop3A_646 : vector<16xi32>
        %parallel_loop3A_648 = arith.addi %broadcast_in_dim3A_1, %parallel_loop3A_644 : vector<16xi32>
        %parallel_loop3A_649 = tpu.vector_load_idx %arg6[%parallel_loop3A_648] : memref<20000xi32, #tpu.memory_space<vmem>>[vector<16xi32>], vector<16xi32>,
        %parallel_loop3A_650 = vector.bitcast %parallel_loop3A_649 : vector<16xi32> to vector<32xbf16>
        %parallel_loop3A_651 = arith.addi %broadcast_in_dim3A_1, %parallel_loop3A_647 : vector<16xi32>
        %parallel_loop3A_652 = tpu.vector_load_idx %arg7[%parallel_loop3A_651] : memref<20000xi32, #tpu.memory_space<vmem>>[vector<16xi32>], vector<16xi32>,
        %parallel_loop3A_653 = vector.bitcast %parallel_loop3A_652 : vector<16xi32> to vector<32xbf16>
        %parallel_loop3A_654 = arith.addf %parallel_loop3A_650, %parallel_loop3A_653 : vector<32xbf16>
        %parallel_loop3A_655 = arith.maximumf %parallel_loop3A_597, %parallel_loop3A_654 : vector<32xbf16>
        %parallel_loop3A_656 = arith.addi %broadcast_in_dim3A_3, %parallel_loop3A_644 : vector<16xi32>
        %parallel_loop3A_657 = tpu.vector_load_idx %arg6[%parallel_loop3A_656] : memref<20000xi32, #tpu.memory_space<vmem>>[vector<16xi32>], vector<16xi32>,
        %parallel_loop3A_658 = vector.bitcast %parallel_loop3A_657 : vector<16xi32> to vector<32xbf16>
        %parallel_loop3A_659 = arith.addi %broadcast_in_dim3A_3, %parallel_loop3A_647 : vector<16xi32>
        %parallel_loop3A_660 = tpu.vector_load_idx %arg7[%parallel_loop3A_659] : memref<20000xi32, #tpu.memory_space<vmem>>[vector<16xi32>], vector<16xi32>,
        %parallel_loop3A_661 = vector.bitcast %parallel_loop3A_660 : vector<16xi32> to vector<32xbf16>
        %parallel_loop3A_662 = arith.addf %parallel_loop3A_658, %parallel_loop3A_661 : vector<32xbf16>
        %parallel_loop3A_663 = arith.maximumf %parallel_loop3A_605, %parallel_loop3A_662 : vector<32xbf16>
        %parallel_loop3A_664 = arith.constant 8 : i32
        %parallel_loop3A_665 = arith.muli %scan3A, %parallel_loop3A_664 : i32
        %parallel_loop3A_666 = arith.constant 4 : i32
        %parallel_loop3A_667 = arith.addi %parallel_loop3A_665, %parallel_loop3A_666 : i32
        %parallel_loop3A_668 = arith.index_cast %parallel_loop3A_667 : i32 to index
        %parallel_loop3A_669 = arith.index_cast %parallel_loop3A_493 : i32 to index
        %parallel_loop3A_670 = tpu.vector_load %arg8[%parallel_loop3A_668, %parallel_loop3A_669] {strides = array<i32>} : memref<32x1024xi32, #tpu.memory_space<vmem>>, vector<16xi32>,
        %parallel_loop3A_671 = arith.constant 65535 : i32
        %parallel_loop3A_672 = vector.broadcast %parallel_loop3A_671 : i32 to vector<16xi32>
        %parallel_loop3A_673 = arith.andi %parallel_loop3A_670, %parallel_loop3A_672 : vector<16xi32>
        %parallel_loop3A_674 = arith.constant 16 : i32
        %parallel_loop3A_675 = vector.broadcast %parallel_loop3A_674 : i32 to vector<16xi32>
        %parallel_loop3A_676 = arith.shrui %parallel_loop3A_670, %parallel_loop3A_675 : vector<16xi32>
        %parallel_loop3A_677 = arith.addi %broadcast_in_dim3A_1, %parallel_loop3A_673 : vector<16xi32>
        %parallel_loop3A_678 = tpu.vector_load_idx %arg6[%parallel_loop3A_677] : memref<20000xi32, #tpu.memory_space<vmem>>[vector<16xi32>], vector<16xi32>,
        %parallel_loop3A_679 = vector.bitcast %parallel_loop3A_678 : vector<16xi32> to vector<32xbf16>
        %parallel_loop3A_680 = arith.addi %broadcast_in_dim3A_1, %parallel_loop3A_676 : vector<16xi32>
        %parallel_loop3A_681 = tpu.vector_load_idx %arg7[%parallel_loop3A_680] : memref<20000xi32, #tpu.memory_space<vmem>>[vector<16xi32>], vector<16xi32>,
        %parallel_loop3A_682 = vector.bitcast %parallel_loop3A_681 : vector<16xi32> to vector<32xbf16>
        %parallel_loop3A_683 = arith.addf %parallel_loop3A_679, %parallel_loop3A_682 : vector<32xbf16>
        %parallel_loop3A_684 = arith.maximumf %parallel_loop3A_626, %parallel_loop3A_683 : vector<32xbf16>
        %parallel_loop3A_685 = arith.addi %broadcast_in_dim3A_3, %parallel_loop3A_673 : vector<16xi32>
        %parallel_loop3A_686 = tpu.vector_load_idx %arg6[%parallel_loop3A_685] : memref<20000xi32, #tpu.memory_space<vmem>>[vector<16xi32>], vector<16xi32>,
        %parallel_loop3A_687 = vector.bitcast %parallel_loop3A_686 : vector<16xi32> to vector<32xbf16>
        %parallel_loop3A_688 = arith.addi %broadcast_in_dim3A_3, %parallel_loop3A_676 : vector<16xi32>
        %parallel_loop3A_689 = tpu.vector_load_idx %arg7[%parallel_loop3A_688] : memref<20000xi32, #tpu.memory_space<vmem>>[vector<16xi32>], vector<16xi32>,
        %parallel_loop3A_690 = vector.bitcast %parallel_loop3A_689 : vector<16xi32> to vector<32xbf16>
        %parallel_loop3A_691 = arith.addf %parallel_loop3A_687, %parallel_loop3A_690 : vector<32xbf16>
        %parallel_loop3A_692 = arith.maximumf %parallel_loop3A_634, %parallel_loop3A_691 : vector<32xbf16>
        %parallel_loop3A_693 = arith.constant 8 : i32
        %parallel_loop3A_694 = arith.muli %scan3A, %parallel_loop3A_693 : i32
        %parallel_loop3A_695 = arith.constant 5 : i32
        %parallel_loop3A_696 = arith.addi %parallel_loop3A_694, %parallel_loop3A_695 : i32
        %parallel_loop3A_697 = arith.index_cast %parallel_loop3A_696 : i32 to index
        %parallel_loop3A_698 = arith.index_cast %parallel_loop3A_493 : i32 to index
        %parallel_loop3A_699 = tpu.vector_load %arg8[%parallel_loop3A_697, %parallel_loop3A_698] {strides = array<i32>} : memref<32x1024xi32, #tpu.memory_space<vmem>>, vector<16xi32>,
        %parallel_loop3A_700 = arith.constant 65535 : i32
        %parallel_loop3A_701 = vector.broadcast %parallel_loop3A_700 : i32 to vector<16xi32>
        %parallel_loop3A_702 = arith.andi %parallel_loop3A_699, %parallel_loop3A_701 : vector<16xi32>
        %parallel_loop3A_703 = arith.constant 16 : i32
        %parallel_loop3A_704 = vector.broadcast %parallel_loop3A_703 : i32 to vector<16xi32>
        %parallel_loop3A_705 = arith.shrui %parallel_loop3A_699, %parallel_loop3A_704 : vector<16xi32>
        %parallel_loop3A_706 = arith.addi %broadcast_in_dim3A_1, %parallel_loop3A_702 : vector<16xi32>
        %parallel_loop3A_707 = tpu.vector_load_idx %arg6[%parallel_loop3A_706] : memref<20000xi32, #tpu.memory_space<vmem>>[vector<16xi32>], vector<16xi32>,
        %parallel_loop3A_708 = vector.bitcast %parallel_loop3A_707 : vector<16xi32> to vector<32xbf16>
        %parallel_loop3A_709 = arith.addi %broadcast_in_dim3A_1, %parallel_loop3A_705 : vector<16xi32>
        %parallel_loop3A_710 = tpu.vector_load_idx %arg7[%parallel_loop3A_709] : memref<20000xi32, #tpu.memory_space<vmem>>[vector<16xi32>], vector<16xi32>,
        %parallel_loop3A_711 = vector.bitcast %parallel_loop3A_710 : vector<16xi32> to vector<32xbf16>
        %parallel_loop3A_712 = arith.addf %parallel_loop3A_708, %parallel_loop3A_711 : vector<32xbf16>
        %parallel_loop3A_713 = arith.maximumf %parallel_loop3A_655, %parallel_loop3A_712 : vector<32xbf16>
        %parallel_loop3A_714 = arith.addi %broadcast_in_dim3A_3, %parallel_loop3A_702 : vector<16xi32>
        %parallel_loop3A_715 = tpu.vector_load_idx %arg6[%parallel_loop3A_714] : memref<20000xi32, #tpu.memory_space<vmem>>[vector<16xi32>], vector<16xi32>,
        %parallel_loop3A_716 = vector.bitcast %parallel_loop3A_715 : vector<16xi32> to vector<32xbf16>
        %parallel_loop3A_717 = arith.addi %broadcast_in_dim3A_3, %parallel_loop3A_705 : vector<16xi32>
        %parallel_loop3A_718 = tpu.vector_load_idx %arg7[%parallel_loop3A_717] : memref<20000xi32, #tpu.memory_space<vmem>>[vector<16xi32>], vector<16xi32>,
        %parallel_loop3A_719 = vector.bitcast %parallel_loop3A_718 : vector<16xi32> to vector<32xbf16>
        %parallel_loop3A_720 = arith.addf %parallel_loop3A_716, %parallel_loop3A_719 : vector<32xbf16>
        %parallel_loop3A_721 = arith.maximumf %parallel_loop3A_663, %parallel_loop3A_720 : vector<32xbf16>
        %parallel_loop3A_722 = arith.constant 8 : i32
        %parallel_loop3A_723 = arith.muli %scan3A, %parallel_loop3A_722 : i32
        %parallel_loop3A_724 = arith.constant 6 : i32
        %parallel_loop3A_725 = arith.addi %parallel_loop3A_723, %parallel_loop3A_724 : i32
        %parallel_loop3A_726 = arith.index_cast %parallel_loop3A_725 : i32 to index
        %parallel_loop3A_727 = arith.index_cast %parallel_loop3A_493 : i32 to index
        %parallel_loop3A_728 = tpu.vector_load %arg8[%parallel_loop3A_726, %parallel_loop3A_727] {strides = array<i32>} : memref<32x1024xi32, #tpu.memory_space<vmem>>, vector<16xi32>,
        %parallel_loop3A_729 = arith.constant 65535 : i32
        %parallel_loop3A_730 = vector.broadcast %parallel_loop3A_729 : i32 to vector<16xi32>
        %parallel_loop3A_731 = arith.andi %parallel_loop3A_728, %parallel_loop3A_730 : vector<16xi32>
        %parallel_loop3A_732 = arith.constant 16 : i32
        %parallel_loop3A_733 = vector.broadcast %parallel_loop3A_732 : i32 to vector<16xi32>
        %parallel_loop3A_734 = arith.shrui %parallel_loop3A_728, %parallel_loop3A_733 : vector<16xi32>
        %parallel_loop3A_735 = arith.addi %broadcast_in_dim3A_1, %parallel_loop3A_731 : vector<16xi32>
        %parallel_loop3A_736 = tpu.vector_load_idx %arg6[%parallel_loop3A_735] : memref<20000xi32, #tpu.memory_space<vmem>>[vector<16xi32>], vector<16xi32>,
        %parallel_loop3A_737 = vector.bitcast %parallel_loop3A_736 : vector<16xi32> to vector<32xbf16>
        %parallel_loop3A_738 = arith.addi %broadcast_in_dim3A_1, %parallel_loop3A_734 : vector<16xi32>
        %parallel_loop3A_739 = tpu.vector_load_idx %arg7[%parallel_loop3A_738] : memref<20000xi32, #tpu.memory_space<vmem>>[vector<16xi32>], vector<16xi32>,
        %parallel_loop3A_740 = vector.bitcast %parallel_loop3A_739 : vector<16xi32> to vector<32xbf16>
        %parallel_loop3A_741 = arith.addf %parallel_loop3A_737, %parallel_loop3A_740 : vector<32xbf16>
        %parallel_loop3A_742 = arith.maximumf %parallel_loop3A_684, %parallel_loop3A_741 : vector<32xbf16>
        %parallel_loop3A_743 = arith.addi %broadcast_in_dim3A_3, %parallel_loop3A_731 : vector<16xi32>
        %parallel_loop3A_744 = tpu.vector_load_idx %arg6[%parallel_loop3A_743] : memref<20000xi32, #tpu.memory_space<vmem>>[vector<16xi32>], vector<16xi32>,
        %parallel_loop3A_745 = vector.bitcast %parallel_loop3A_744 : vector<16xi32> to vector<32xbf16>
        %parallel_loop3A_746 = arith.addi %broadcast_in_dim3A_3, %parallel_loop3A_734 : vector<16xi32>
        %parallel_loop3A_747 = tpu.vector_load_idx %arg7[%parallel_loop3A_746] : memref<20000xi32, #tpu.memory_space<vmem>>[vector<16xi32>], vector<16xi32>,
        %parallel_loop3A_748 = vector.bitcast %parallel_loop3A_747 : vector<16xi32> to vector<32xbf16>
        %parallel_loop3A_749 = arith.addf %parallel_loop3A_745, %parallel_loop3A_748 : vector<32xbf16>
        %parallel_loop3A_750 = arith.maximumf %parallel_loop3A_692, %parallel_loop3A_749 : vector<32xbf16>
        %parallel_loop3A_751 = arith.constant 8 : i32
        %parallel_loop3A_752 = arith.muli %scan3A, %parallel_loop3A_751 : i32
        %parallel_loop3A_753 = arith.constant 7 : i32
        %parallel_loop3A_754 = arith.addi %parallel_loop3A_752, %parallel_loop3A_753 : i32
        %parallel_loop3A_755 = arith.index_cast %parallel_loop3A_754 : i32 to index
        %parallel_loop3A_756 = arith.index_cast %parallel_loop3A_493 : i32 to index
        %parallel_loop3A_757 = tpu.vector_load %arg8[%parallel_loop3A_755, %parallel_loop3A_756] {strides = array<i32>} : memref<32x1024xi32, #tpu.memory_space<vmem>>, vector<16xi32>,
        %parallel_loop3A_758 = arith.constant 65535 : i32
        %parallel_loop3A_759 = vector.broadcast %parallel_loop3A_758 : i32 to vector<16xi32>
        %parallel_loop3A_760 = arith.andi %parallel_loop3A_757, %parallel_loop3A_759 : vector<16xi32>
        %parallel_loop3A_761 = arith.constant 16 : i32
        %parallel_loop3A_762 = vector.broadcast %parallel_loop3A_761 : i32 to vector<16xi32>
        %parallel_loop3A_763 = arith.shrui %parallel_loop3A_757, %parallel_loop3A_762 : vector<16xi32>
        %parallel_loop3A_764 = arith.addi %broadcast_in_dim3A_1, %parallel_loop3A_760 : vector<16xi32>
        %parallel_loop3A_765 = tpu.vector_load_idx %arg6[%parallel_loop3A_764] : memref<20000xi32, #tpu.memory_space<vmem>>[vector<16xi32>], vector<16xi32>,
        %parallel_loop3A_766 = vector.bitcast %parallel_loop3A_765 : vector<16xi32> to vector<32xbf16>
        %parallel_loop3A_767 = arith.addi %broadcast_in_dim3A_1, %parallel_loop3A_763 : vector<16xi32>
        %parallel_loop3A_768 = tpu.vector_load_idx %arg7[%parallel_loop3A_767] : memref<20000xi32, #tpu.memory_space<vmem>>[vector<16xi32>], vector<16xi32>,
        %parallel_loop3A_769 = vector.bitcast %parallel_loop3A_768 : vector<16xi32> to vector<32xbf16>
        %parallel_loop3A_770 = arith.addf %parallel_loop3A_766, %parallel_loop3A_769 : vector<32xbf16>
        %parallel_loop3A_771 = arith.maximumf %parallel_loop3A_713, %parallel_loop3A_770 : vector<32xbf16>
        %parallel_loop3A_772 = arith.addi %broadcast_in_dim3A_3, %parallel_loop3A_760 : vector<16xi32>
        %parallel_loop3A_773 = tpu.vector_load_idx %arg6[%parallel_loop3A_772] : memref<20000xi32, #tpu.memory_space<vmem>>[vector<16xi32>], vector<16xi32>,
        %parallel_loop3A_774 = vector.bitcast %parallel_loop3A_773 : vector<16xi32> to vector<32xbf16>
        %parallel_loop3A_775 = arith.addi %broadcast_in_dim3A_3, %parallel_loop3A_763 : vector<16xi32>
        %parallel_loop3A_776 = tpu.vector_load_idx %arg7[%parallel_loop3A_775] : memref<20000xi32, #tpu.memory_space<vmem>>[vector<16xi32>], vector<16xi32>,
        %parallel_loop3A_777 = vector.bitcast %parallel_loop3A_776 : vector<16xi32> to vector<32xbf16>
        %parallel_loop3A_778 = arith.addf %parallel_loop3A_774, %parallel_loop3A_777 : vector<32xbf16>
        %parallel_loop3A_779 = arith.maximumf %parallel_loop3A_721, %parallel_loop3A_778 : vector<32xbf16>
        scf.yield %parallel_loop3A_742, %parallel_loop3A_771, %parallel_loop3A_750, %parallel_loop3A_779 : vector<32xbf16>, vector<32xbf16>, vector<32xbf16>, vector<32xbf16>
      }
      %parallel_loop3A_507 = arith.constant 4 : i32
      %parallel_loop3A_508 = arith.maximumf %parallel_loop3A_506#0, %parallel_loop3A_506#1 : vector<32xbf16>
      %parallel_loop3A_509 = vector.bitcast %parallel_loop3A_508 : vector<32xbf16> to vector<16xi32>
      %parallel_loop3A_510 = arith.constant 16 : i32
      %parallel_loop3A_511 = vector.broadcast %parallel_loop3A_510 : i32 to vector<16xi32>
      %parallel_loop3A_512 = arith.shli %parallel_loop3A_509, %parallel_loop3A_511 : vector<16xi32>
      %parallel_loop3A_513 = vector.bitcast %parallel_loop3A_512 : vector<16xi32> to vector<16xf32>
      %parallel_loop3A_514 = arith.constant 0 : i32
      %parallel_loop3A_515 = arith.index_cast %parallel_loop3A_514 : i32 to index
      %parallel_loop3A_516 = arith.index_cast %parallel_loop3A_493 : i32 to index
      %parallel_loop3A_517 = tpu.vector_load %arg10[%parallel_loop3A_515, %parallel_loop3A_516] {strides = array<i32>} : memref<4x1024xf32, #tpu.memory_space<vmem>>, vector<16xf32>,
      tpu.vector_store %arg10[%parallel_loop3A_515, %parallel_loop3A_516], %parallel_loop3A_513 {strides = array<i32>} : memref<4x1024xf32, #tpu.memory_space<vmem>>, vector<16xf32>,
      %parallel_loop3A_518 = arith.constant -65536 : i32
      %parallel_loop3A_519 = vector.broadcast %parallel_loop3A_518 : i32 to vector<16xi32>
      %parallel_loop3A_520 = arith.andi %parallel_loop3A_509, %parallel_loop3A_519 : vector<16xi32>
      %parallel_loop3A_521 = vector.bitcast %parallel_loop3A_520 : vector<16xi32> to vector<16xf32>
      %parallel_loop3A_522 = arith.constant 1 : i32
      %parallel_loop3A_523 = arith.index_cast %parallel_loop3A_522 : i32 to index
      %parallel_loop3A_524 = arith.index_cast %parallel_loop3A_493 : i32 to index
      %parallel_loop3A_525 = tpu.vector_load %arg10[%parallel_loop3A_523, %parallel_loop3A_524] {strides = array<i32>} : memref<4x1024xf32, #tpu.memory_space<vmem>>, vector<16xf32>,
      tpu.vector_store %arg10[%parallel_loop3A_523, %parallel_loop3A_524], %parallel_loop3A_521 {strides = array<i32>} : memref<4x1024xf32, #tpu.memory_space<vmem>>, vector<16xf32>,
      %parallel_loop3A_526 = arith.maximumf %parallel_loop3A_506#2, %parallel_loop3A_506#3 : vector<32xbf16>
      %parallel_loop3A_527 = vector.bitcast %parallel_loop3A_526 : vector<32xbf16> to vector<16xi32>
      %parallel_loop3A_528 = arith.constant 16 : i32
      %parallel_loop3A_529 = vector.broadcast %parallel_loop3A_528 : i32 to vector<16xi32>
      %parallel_loop3A_530 = arith.shli %parallel_loop3A_527, %parallel_loop3A_529 : vector<16xi32>
      %parallel_loop3A_531 = vector.bitcast %parallel_loop3A_530 : vector<16xi32> to vector<16xf32>
      %parallel_loop3A_532 = arith.constant 2 : i32
      %parallel_loop3A_533 = arith.index_cast %parallel_loop3A_532 : i32 to index
      %parallel_loop3A_534 = arith.index_cast %parallel_loop3A_493 : i32 to index
      %parallel_loop3A_535 = tpu.vector_load %arg10[%parallel_loop3A_533, %parallel_loop3A_534] {strides = array<i32>} : memref<4x1024xf32, #tpu.memory_space<vmem>>, vector<16xf32>,
      tpu.vector_store %arg10[%parallel_loop3A_533, %parallel_loop3A_534], %parallel_loop3A_531 {strides = array<i32>} : memref<4x1024xf32, #tpu.memory_space<vmem>>, vector<16xf32>,
      %parallel_loop3A_536 = arith.constant -65536 : i32
      %parallel_loop3A_537 = vector.broadcast %parallel_loop3A_536 : i32 to vector<16xi32>
      %parallel_loop3A_538 = arith.andi %parallel_loop3A_527, %parallel_loop3A_537 : vector<16xi32>
      %parallel_loop3A_539 = vector.bitcast %parallel_loop3A_538 : vector<16xi32> to vector<16xf32>
      %parallel_loop3A_540 = arith.constant 3 : i32
      %parallel_loop3A_541 = arith.index_cast %parallel_loop3A_540 : i32 to index
      %parallel_loop3A_542 = arith.index_cast %parallel_loop3A_493 : i32 to index
      %parallel_loop3A_543 = tpu.vector_load %arg10[%parallel_loop3A_541, %parallel_loop3A_542] {strides = array<i32>} : memref<4x1024xf32, #tpu.memory_space<vmem>>, vector<16xf32>,
      tpu.vector_store %arg10[%parallel_loop3A_541, %parallel_loop3A_542], %parallel_loop3A_539 {strides = array<i32>} : memref<4x1024xf32, #tpu.memory_space<vmem>>, vector<16xf32>,
    } {sc.loop_unroll_factor = 1 : i64, sc.parallel_access}
    %mul3A_40 = arith.constant 4 : i32
    %mul3A_41 = arith.muli %add3A, %mul3A_40 : i32
    %dma_start3A_42 = arith.constant 0 : i32
    %dma_start3A_43 = arith.constant 0 : i32
    %dma_start3A_44 = tpu.memref_slice %arg10[%dma_start3A_42, %dma_start3A_43] : memref<4x1024xf32, #tpu.memory_space<vmem>> -> memref<4x1024xf32, #tpu.memory_space<vmem>>
    %dma_start3A_45 = arith.constant 0 : i32
    %dma_start3A_46 = tpu.memref_slice %arg5[%mul3A_41, %dma_start3A_45] : memref<128x10000xf32, #tpu.memory_space<hbm>> -> memref<4x1024xf32, #tpu.memory_space<hbm>>
    %dma_start3A_47 = arith.constant 0 : i32
    %dma_start3A_48 = tpu.memref_slice %arg5[%mul3A_41, %dma_start3A_47] : memref<128x10000xf32, #tpu.memory_space<hbm>> -> memref<4x1024xf32, #tpu.memory_space<hbm>>
    %dma_start3A_49 = arith.constant 0 : i32
    %dma_start3A_50 = arith.constant 0 : i32
    %dma_start3A_51 = tpu.memref_slice %arg10[%dma_start3A_49, %dma_start3A_50] : memref<4x1024xf32, #tpu.memory_space<vmem>> -> memref<4x1024xf32, #tpu.memory_space<vmem>>
    tpu.enqueue_dma source(%dma_start3A_51 : memref<4x1024xf32, #tpu.memory_space<vmem>>) target(%dma_start3A_48 : memref<4x1024xf32, #tpu.memory_space<hbm>>) target_semaphore(%arg14 : memref<!tpu.dma_semaphore, #tpu.memory_space<semaphore_mem>>)
    %dma_start3A_52 = arith.constant 0 : i32
    %dma_start3A_53 = arith.constant 0 : i32
    %dma_start3A_54 = tpu.memref_slice %arg8[%dma_start3A_52, %dma_start3A_53] : memref<32x1024xi32, #tpu.memory_space<vmem>> -> memref<32x1024xi32, #tpu.memory_space<vmem>>
    %dma_start3A_55 = arith.constant 0 : i32
    %dma_start3A_56 = arith.constant 2048 : i32
    %dma_start3A_57 = tpu.memref_slice %arg4[%dma_start3A_55, %dma_start3A_56] : memref<32x10000xi32, #tpu.memory_space<hbm>> -> memref<32x1024xi32, #tpu.memory_space<hbm>>
    %dma_start3A_58 = arith.constant 0 : i32
    %dma_start3A_59 = arith.constant 0 : i32
    %dma_start3A_60 = tpu.memref_slice %arg8[%dma_start3A_58, %dma_start3A_59] : memref<32x1024xi32, #tpu.memory_space<vmem>> -> memref<32x1024xi32, #tpu.memory_space<vmem>>
    %dma_start3A_61 = arith.constant 0 : i32
    %dma_start3A_62 = arith.constant 2048 : i32
    %dma_start3A_63 = tpu.memref_slice %arg4[%dma_start3A_61, %dma_start3A_62] : memref<32x10000xi32, #tpu.memory_space<hbm>> -> memref<32x1024xi32, #tpu.memory_space<hbm>>
    tpu.enqueue_dma source(%dma_start3A_63 : memref<32x1024xi32, #tpu.memory_space<hbm>>) target(%dma_start3A_60 : memref<32x1024xi32, #tpu.memory_space<vmem>>) target_semaphore(%arg12 : memref<!tpu.dma_semaphore, #tpu.memory_space<semaphore_mem>>)
    %dma_wait3A_64 = arith.constant 0 : i32
    %dma_wait3A_65 = arith.constant 0 : i32
    %dma_wait3A_66 = tpu.memref_slice %arg9[%dma_wait3A_64, %dma_wait3A_65] : memref<32x1024xi32, #tpu.memory_space<vmem>> -> memref<32x1024xi32, #tpu.memory_space<vmem>>
    %dma_wait3A_67 = arith.constant 0 : i32
    %dma_wait3A_68 = arith.constant 1024 : i32
    %dma_wait3A_69 = tpu.memref_slice %arg4[%dma_wait3A_67, %dma_wait3A_68] : memref<32x10000xi32, #tpu.memory_space<hbm>> -> memref<32x1024xi32, #tpu.memory_space<hbm>>
    %dma_wait3A_70 = arith.constant 0 : i32
    %dma_wait3A_71 = arith.constant 0 : i32
    %dma_wait3A_72 = tpu.memref_slice %arg9[%dma_wait3A_70, %dma_wait3A_71] : memref<32x1024xi32, #tpu.memory_space<vmem>> -> memref<32x1024xi32, #tpu.memory_space<vmem>>
    %dma_wait3A_73 = arith.constant 0 : i32
    %dma_wait3A_74 = arith.constant 1024 : i32
    %dma_wait3A_75 = tpu.memref_slice %arg4[%dma_wait3A_73, %dma_wait3A_74] : memref<32x10000xi32, #tpu.memory_space<hbm>> -> memref<32x1024xi32, #tpu.memory_space<hbm>>
    tpu.wait_dma2 semaphore(%arg13 : memref<!tpu.dma_semaphore, #tpu.memory_space<semaphore_mem>>) src(%dma_wait3A_75 : memref<32x1024xi32, #tpu.memory_space<hbm>>) dst(%dma_wait3A_72 : memref<32x1024xi32, #tpu.memory_space<vmem>>)
    %parallel_loop3A_76 = arith.constant 0 : i32
    %parallel_loop3A_77 = arith.constant 64 : i32
    %parallel_loop3A_78 = arith.constant 1 : i32
    scf.for %parallel_loop3A_491 = %parallel_loop3A_76 to %parallel_loop3A_77 step %parallel_loop3A_78  : i32 {
      %parallel_loop3A_492 = arith.constant 16 : i32
      %parallel_loop3A_493 = arith.muli %parallel_loop3A_491, %parallel_loop3A_492 : i32
      %parallel_loop3A_494 = arith.constant 0.000000e+00 : bf16
      %parallel_loop3A_495 = vector.broadcast %parallel_loop3A_494 : bf16 to vector<32xbf16>
      %parallel_loop3A_496 = arith.constant 0.000000e+00 : bf16
      %parallel_loop3A_497 = vector.broadcast %parallel_loop3A_496 : bf16 to vector<32xbf16>
      %parallel_loop3A_498 = arith.constant 0.000000e+00 : bf16
      %parallel_loop3A_499 = vector.broadcast %parallel_loop3A_498 : bf16 to vector<32xbf16>
      %parallel_loop3A_500 = arith.constant 0.000000e+00 : bf16
      %parallel_loop3A_501 = vector.broadcast %parallel_loop3A_500 : bf16 to vector<32xbf16>
      %parallel_loop3A_502 = arith.constant 0 : i32
      %parallel_loop3A_503 = arith.constant 4 : i32
      %parallel_loop3A_504 = arith.addi %parallel_loop3A_502, %parallel_loop3A_503 : i32
      %parallel_loop3A_505 = arith.constant 1 : i32
      %parallel_loop3A_506:4 = scf.for %scan3A = %parallel_loop3A_502 to %parallel_loop3A_504 step %parallel_loop3A_505 iter_args(%scan3A_544 = %parallel_loop3A_495, %scan3A_545 = %parallel_loop3A_497, %scan3A_546 = %parallel_loop3A_499, %scan3A_547 = %parallel_loop3A_501) -> (vector<32xbf16>, vector<32xbf16>, vector<32xbf16>, vector<32xbf16>)  : i32 {
        %parallel_loop3A_548 = arith.constant 8 : i32
        %parallel_loop3A_549 = arith.muli %scan3A, %parallel_loop3A_548 : i32
        %parallel_loop3A_550 = arith.constant 0 : i32
        %parallel_loop3A_551 = arith.addi %parallel_loop3A_549, %parallel_loop3A_550 : i32
        %parallel_loop3A_552 = arith.index_cast %parallel_loop3A_551 : i32 to index
        %parallel_loop3A_553 = arith.index_cast %parallel_loop3A_493 : i32 to index
        %parallel_loop3A_554 = tpu.vector_load %arg9[%parallel_loop3A_552, %parallel_loop3A_553] {strides = array<i32>} : memref<32x1024xi32, #tpu.memory_space<vmem>>, vector<16xi32>,
        %parallel_loop3A_555 = arith.constant 65535 : i32
        %parallel_loop3A_556 = vector.broadcast %parallel_loop3A_555 : i32 to vector<16xi32>
        %parallel_loop3A_557 = arith.andi %parallel_loop3A_554, %parallel_loop3A_556 : vector<16xi32>
        %parallel_loop3A_558 = arith.constant 16 : i32
        %parallel_loop3A_559 = vector.broadcast %parallel_loop3A_558 : i32 to vector<16xi32>
        %parallel_loop3A_560 = arith.shrui %parallel_loop3A_554, %parallel_loop3A_559 : vector<16xi32>
        %parallel_loop3A_561 = arith.addi %broadcast_in_dim3A_1, %parallel_loop3A_557 : vector<16xi32>
        %parallel_loop3A_562 = tpu.vector_load_idx %arg6[%parallel_loop3A_561] : memref<20000xi32, #tpu.memory_space<vmem>>[vector<16xi32>], vector<16xi32>,
        %parallel_loop3A_563 = vector.bitcast %parallel_loop3A_562 : vector<16xi32> to vector<32xbf16>
        %parallel_loop3A_564 = arith.addi %broadcast_in_dim3A_1, %parallel_loop3A_560 : vector<16xi32>
        %parallel_loop3A_565 = tpu.vector_load_idx %arg7[%parallel_loop3A_564] : memref<20000xi32, #tpu.memory_space<vmem>>[vector<16xi32>], vector<16xi32>,
        %parallel_loop3A_566 = vector.bitcast %parallel_loop3A_565 : vector<16xi32> to vector<32xbf16>
        %parallel_loop3A_567 = arith.addf %parallel_loop3A_563, %parallel_loop3A_566 : vector<32xbf16>
        %parallel_loop3A_568 = arith.maximumf %scan3A_544, %parallel_loop3A_567 : vector<32xbf16>
        %parallel_loop3A_569 = arith.addi %broadcast_in_dim3A_3, %parallel_loop3A_557 : vector<16xi32>
        %parallel_loop3A_570 = tpu.vector_load_idx %arg6[%parallel_loop3A_569] : memref<20000xi32, #tpu.memory_space<vmem>>[vector<16xi32>], vector<16xi32>,
        %parallel_loop3A_571 = vector.bitcast %parallel_loop3A_570 : vector<16xi32> to vector<32xbf16>
        %parallel_loop3A_572 = arith.addi %broadcast_in_dim3A_3, %parallel_loop3A_560 : vector<16xi32>
        %parallel_loop3A_573 = tpu.vector_load_idx %arg7[%parallel_loop3A_572] : memref<20000xi32, #tpu.memory_space<vmem>>[vector<16xi32>], vector<16xi32>,
        %parallel_loop3A_574 = vector.bitcast %parallel_loop3A_573 : vector<16xi32> to vector<32xbf16>
        %parallel_loop3A_575 = arith.addf %parallel_loop3A_571, %parallel_loop3A_574 : vector<32xbf16>
        %parallel_loop3A_576 = arith.maximumf %scan3A_546, %parallel_loop3A_575 : vector<32xbf16>
        %parallel_loop3A_577 = arith.constant 8 : i32
        %parallel_loop3A_578 = arith.muli %scan3A, %parallel_loop3A_577 : i32
        %parallel_loop3A_579 = arith.constant 1 : i32
        %parallel_loop3A_580 = arith.addi %parallel_loop3A_578, %parallel_loop3A_579 : i32
        %parallel_loop3A_581 = arith.index_cast %parallel_loop3A_580 : i32 to index
        %parallel_loop3A_582 = arith.index_cast %parallel_loop3A_493 : i32 to index
        %parallel_loop3A_583 = tpu.vector_load %arg9[%parallel_loop3A_581, %parallel_loop3A_582] {strides = array<i32>} : memref<32x1024xi32, #tpu.memory_space<vmem>>, vector<16xi32>,
        %parallel_loop3A_584 = arith.constant 65535 : i32
        %parallel_loop3A_585 = vector.broadcast %parallel_loop3A_584 : i32 to vector<16xi32>
        %parallel_loop3A_586 = arith.andi %parallel_loop3A_583, %parallel_loop3A_585 : vector<16xi32>
        %parallel_loop3A_587 = arith.constant 16 : i32
        %parallel_loop3A_588 = vector.broadcast %parallel_loop3A_587 : i32 to vector<16xi32>
        %parallel_loop3A_589 = arith.shrui %parallel_loop3A_583, %parallel_loop3A_588 : vector<16xi32>
        %parallel_loop3A_590 = arith.addi %broadcast_in_dim3A_1, %parallel_loop3A_586 : vector<16xi32>
        %parallel_loop3A_591 = tpu.vector_load_idx %arg6[%parallel_loop3A_590] : memref<20000xi32, #tpu.memory_space<vmem>>[vector<16xi32>], vector<16xi32>,
        %parallel_loop3A_592 = vector.bitcast %parallel_loop3A_591 : vector<16xi32> to vector<32xbf16>
        %parallel_loop3A_593 = arith.addi %broadcast_in_dim3A_1, %parallel_loop3A_589 : vector<16xi32>
        %parallel_loop3A_594 = tpu.vector_load_idx %arg7[%parallel_loop3A_593] : memref<20000xi32, #tpu.memory_space<vmem>>[vector<16xi32>], vector<16xi32>,
        %parallel_loop3A_595 = vector.bitcast %parallel_loop3A_594 : vector<16xi32> to vector<32xbf16>
        %parallel_loop3A_596 = arith.addf %parallel_loop3A_592, %parallel_loop3A_595 : vector<32xbf16>
        %parallel_loop3A_597 = arith.maximumf %scan3A_545, %parallel_loop3A_596 : vector<32xbf16>
        %parallel_loop3A_598 = arith.addi %broadcast_in_dim3A_3, %parallel_loop3A_586 : vector<16xi32>
        %parallel_loop3A_599 = tpu.vector_load_idx %arg6[%parallel_loop3A_598] : memref<20000xi32, #tpu.memory_space<vmem>>[vector<16xi32>], vector<16xi32>,
        %parallel_loop3A_600 = vector.bitcast %parallel_loop3A_599 : vector<16xi32> to vector<32xbf16>
        %parallel_loop3A_601 = arith.addi %broadcast_in_dim3A_3, %parallel_loop3A_589 : vector<16xi32>
        %parallel_loop3A_602 = tpu.vector_load_idx %arg7[%parallel_loop3A_601] : memref<20000xi32, #tpu.memory_space<vmem>>[vector<16xi32>], vector<16xi32>,
        %parallel_loop3A_603 = vector.bitcast %parallel_loop3A_602 : vector<16xi32> to vector<32xbf16>
        %parallel_loop3A_604 = arith.addf %parallel_loop3A_600, %parallel_loop3A_603 : vector<32xbf16>
        %parallel_loop3A_605 = arith.maximumf %scan3A_547, %parallel_loop3A_604 : vector<32xbf16>
        %parallel_loop3A_606 = arith.constant 8 : i32
        %parallel_loop3A_607 = arith.muli %scan3A, %parallel_loop3A_606 : i32
        %parallel_loop3A_608 = arith.constant 2 : i32
        %parallel_loop3A_609 = arith.addi %parallel_loop3A_607, %parallel_loop3A_608 : i32
        %parallel_loop3A_610 = arith.index_cast %parallel_loop3A_609 : i32 to index
        %parallel_loop3A_611 = arith.index_cast %parallel_loop3A_493 : i32 to index
        %parallel_loop3A_612 = tpu.vector_load %arg9[%parallel_loop3A_610, %parallel_loop3A_611] {strides = array<i32>} : memref<32x1024xi32, #tpu.memory_space<vmem>>, vector<16xi32>,
        %parallel_loop3A_613 = arith.constant 65535 : i32
        %parallel_loop3A_614 = vector.broadcast %parallel_loop3A_613 : i32 to vector<16xi32>
        %parallel_loop3A_615 = arith.andi %parallel_loop3A_612, %parallel_loop3A_614 : vector<16xi32>
        %parallel_loop3A_616 = arith.constant 16 : i32
        %parallel_loop3A_617 = vector.broadcast %parallel_loop3A_616 : i32 to vector<16xi32>
        %parallel_loop3A_618 = arith.shrui %parallel_loop3A_612, %parallel_loop3A_617 : vector<16xi32>
        %parallel_loop3A_619 = arith.addi %broadcast_in_dim3A_1, %parallel_loop3A_615 : vector<16xi32>
        %parallel_loop3A_620 = tpu.vector_load_idx %arg6[%parallel_loop3A_619] : memref<20000xi32, #tpu.memory_space<vmem>>[vector<16xi32>], vector<16xi32>,
        %parallel_loop3A_621 = vector.bitcast %parallel_loop3A_620 : vector<16xi32> to vector<32xbf16>
        %parallel_loop3A_622 = arith.addi %broadcast_in_dim3A_1, %parallel_loop3A_618 : vector<16xi32>
        %parallel_loop3A_623 = tpu.vector_load_idx %arg7[%parallel_loop3A_622] : memref<20000xi32, #tpu.memory_space<vmem>>[vector<16xi32>], vector<16xi32>,
        %parallel_loop3A_624 = vector.bitcast %parallel_loop3A_623 : vector<16xi32> to vector<32xbf16>
        %parallel_loop3A_625 = arith.addf %parallel_loop3A_621, %parallel_loop3A_624 : vector<32xbf16>
        %parallel_loop3A_626 = arith.maximumf %parallel_loop3A_568, %parallel_loop3A_625 : vector<32xbf16>
        %parallel_loop3A_627 = arith.addi %broadcast_in_dim3A_3, %parallel_loop3A_615 : vector<16xi32>
        %parallel_loop3A_628 = tpu.vector_load_idx %arg6[%parallel_loop3A_627] : memref<20000xi32, #tpu.memory_space<vmem>>[vector<16xi32>], vector<16xi32>,
        %parallel_loop3A_629 = vector.bitcast %parallel_loop3A_628 : vector<16xi32> to vector<32xbf16>
        %parallel_loop3A_630 = arith.addi %broadcast_in_dim3A_3, %parallel_loop3A_618 : vector<16xi32>
        %parallel_loop3A_631 = tpu.vector_load_idx %arg7[%parallel_loop3A_630] : memref<20000xi32, #tpu.memory_space<vmem>>[vector<16xi32>], vector<16xi32>,
        %parallel_loop3A_632 = vector.bitcast %parallel_loop3A_631 : vector<16xi32> to vector<32xbf16>
        %parallel_loop3A_633 = arith.addf %parallel_loop3A_629, %parallel_loop3A_632 : vector<32xbf16>
        %parallel_loop3A_634 = arith.maximumf %parallel_loop3A_576, %parallel_loop3A_633 : vector<32xbf16>
        %parallel_loop3A_635 = arith.constant 8 : i32
        %parallel_loop3A_636 = arith.muli %scan3A, %parallel_loop3A_635 : i32
        %parallel_loop3A_637 = arith.constant 3 : i32
        %parallel_loop3A_638 = arith.addi %parallel_loop3A_636, %parallel_loop3A_637 : i32
        %parallel_loop3A_639 = arith.index_cast %parallel_loop3A_638 : i32 to index
        %parallel_loop3A_640 = arith.index_cast %parallel_loop3A_493 : i32 to index
        %parallel_loop3A_641 = tpu.vector_load %arg9[%parallel_loop3A_639, %parallel_loop3A_640] {strides = array<i32>} : memref<32x1024xi32, #tpu.memory_space<vmem>>, vector<16xi32>,
        %parallel_loop3A_642 = arith.constant 65535 : i32
        %parallel_loop3A_643 = vector.broadcast %parallel_loop3A_642 : i32 to vector<16xi32>
        %parallel_loop3A_644 = arith.andi %parallel_loop3A_641, %parallel_loop3A_643 : vector<16xi32>
        %parallel_loop3A_645 = arith.constant 16 : i32
        %parallel_loop3A_646 = vector.broadcast %parallel_loop3A_645 : i32 to vector<16xi32>
        %parallel_loop3A_647 = arith.shrui %parallel_loop3A_641, %parallel_loop3A_646 : vector<16xi32>
        %parallel_loop3A_648 = arith.addi %broadcast_in_dim3A_1, %parallel_loop3A_644 : vector<16xi32>
        %parallel_loop3A_649 = tpu.vector_load_idx %arg6[%parallel_loop3A_648] : memref<20000xi32, #tpu.memory_space<vmem>>[vector<16xi32>], vector<16xi32>,
        %parallel_loop3A_650 = vector.bitcast %parallel_loop3A_649 : vector<16xi32> to vector<32xbf16>
        %parallel_loop3A_651 = arith.addi %broadcast_in_dim3A_1, %parallel_loop3A_647 : vector<16xi32>
        %parallel_loop3A_652 = tpu.vector_load_idx %arg7[%parallel_loop3A_651] : memref<20000xi32, #tpu.memory_space<vmem>>[vector<16xi32>], vector<16xi32>,
        %parallel_loop3A_653 = vector.bitcast %parallel_loop3A_652 : vector<16xi32> to vector<32xbf16>
        %parallel_loop3A_654 = arith.addf %parallel_loop3A_650, %parallel_loop3A_653 : vector<32xbf16>
        %parallel_loop3A_655 = arith.maximumf %parallel_loop3A_597, %parallel_loop3A_654 : vector<32xbf16>
        %parallel_loop3A_656 = arith.addi %broadcast_in_dim3A_3, %parallel_loop3A_644 : vector<16xi32>
        %parallel_loop3A_657 = tpu.vector_load_idx %arg6[%parallel_loop3A_656] : memref<20000xi32, #tpu.memory_space<vmem>>[vector<16xi32>], vector<16xi32>,
        %parallel_loop3A_658 = vector.bitcast %parallel_loop3A_657 : vector<16xi32> to vector<32xbf16>
        %parallel_loop3A_659 = arith.addi %broadcast_in_dim3A_3, %parallel_loop3A_647 : vector<16xi32>
        %parallel_loop3A_660 = tpu.vector_load_idx %arg7[%parallel_loop3A_659] : memref<20000xi32, #tpu.memory_space<vmem>>[vector<16xi32>], vector<16xi32>,
        %parallel_loop3A_661 = vector.bitcast %parallel_loop3A_660 : vector<16xi32> to vector<32xbf16>
        %parallel_loop3A_662 = arith.addf %parallel_loop3A_658, %parallel_loop3A_661 : vector<32xbf16>
        %parallel_loop3A_663 = arith.maximumf %parallel_loop3A_605, %parallel_loop3A_662 : vector<32xbf16>
        %parallel_loop3A_664 = arith.constant 8 : i32
        %parallel_loop3A_665 = arith.muli %scan3A, %parallel_loop3A_664 : i32
        %parallel_loop3A_666 = arith.constant 4 : i32
        %parallel_loop3A_667 = arith.addi %parallel_loop3A_665, %parallel_loop3A_666 : i32
        %parallel_loop3A_668 = arith.index_cast %parallel_loop3A_667 : i32 to index
        %parallel_loop3A_669 = arith.index_cast %parallel_loop3A_493 : i32 to index
        %parallel_loop3A_670 = tpu.vector_load %arg9[%parallel_loop3A_668, %parallel_loop3A_669] {strides = array<i32>} : memref<32x1024xi32, #tpu.memory_space<vmem>>, vector<16xi32>,
        %parallel_loop3A_671 = arith.constant 65535 : i32
        %parallel_loop3A_672 = vector.broadcast %parallel_loop3A_671 : i32 to vector<16xi32>
        %parallel_loop3A_673 = arith.andi %parallel_loop3A_670, %parallel_loop3A_672 : vector<16xi32>
        %parallel_loop3A_674 = arith.constant 16 : i32
        %parallel_loop3A_675 = vector.broadcast %parallel_loop3A_674 : i32 to vector<16xi32>
        %parallel_loop3A_676 = arith.shrui %parallel_loop3A_670, %parallel_loop3A_675 : vector<16xi32>
        %parallel_loop3A_677 = arith.addi %broadcast_in_dim3A_1, %parallel_loop3A_673 : vector<16xi32>
        %parallel_loop3A_678 = tpu.vector_load_idx %arg6[%parallel_loop3A_677] : memref<20000xi32, #tpu.memory_space<vmem>>[vector<16xi32>], vector<16xi32>,
        %parallel_loop3A_679 = vector.bitcast %parallel_loop3A_678 : vector<16xi32> to vector<32xbf16>
        %parallel_loop3A_680 = arith.addi %broadcast_in_dim3A_1, %parallel_loop3A_676 : vector<16xi32>
        %parallel_loop3A_681 = tpu.vector_load_idx %arg7[%parallel_loop3A_680] : memref<20000xi32, #tpu.memory_space<vmem>>[vector<16xi32>], vector<16xi32>,
        %parallel_loop3A_682 = vector.bitcast %parallel_loop3A_681 : vector<16xi32> to vector<32xbf16>
        %parallel_loop3A_683 = arith.addf %parallel_loop3A_679, %parallel_loop3A_682 : vector<32xbf16>
        %parallel_loop3A_684 = arith.maximumf %parallel_loop3A_626, %parallel_loop3A_683 : vector<32xbf16>
        %parallel_loop3A_685 = arith.addi %broadcast_in_dim3A_3, %parallel_loop3A_673 : vector<16xi32>
        %parallel_loop3A_686 = tpu.vector_load_idx %arg6[%parallel_loop3A_685] : memref<20000xi32, #tpu.memory_space<vmem>>[vector<16xi32>], vector<16xi32>,
        %parallel_loop3A_687 = vector.bitcast %parallel_loop3A_686 : vector<16xi32> to vector<32xbf16>
        %parallel_loop3A_688 = arith.addi %broadcast_in_dim3A_3, %parallel_loop3A_676 : vector<16xi32>
        %parallel_loop3A_689 = tpu.vector_load_idx %arg7[%parallel_loop3A_688] : memref<20000xi32, #tpu.memory_space<vmem>>[vector<16xi32>], vector<16xi32>,
        %parallel_loop3A_690 = vector.bitcast %parallel_loop3A_689 : vector<16xi32> to vector<32xbf16>
        %parallel_loop3A_691 = arith.addf %parallel_loop3A_687, %parallel_loop3A_690 : vector<32xbf16>
        %parallel_loop3A_692 = arith.maximumf %parallel_loop3A_634, %parallel_loop3A_691 : vector<32xbf16>
        %parallel_loop3A_693 = arith.constant 8 : i32
        %parallel_loop3A_694 = arith.muli %scan3A, %parallel_loop3A_693 : i32
        %parallel_loop3A_695 = arith.constant 5 : i32
        %parallel_loop3A_696 = arith.addi %parallel_loop3A_694, %parallel_loop3A_695 : i32
        %parallel_loop3A_697 = arith.index_cast %parallel_loop3A_696 : i32 to index
        %parallel_loop3A_698 = arith.index_cast %parallel_loop3A_493 : i32 to index
        %parallel_loop3A_699 = tpu.vector_load %arg9[%parallel_loop3A_697, %parallel_loop3A_698] {strides = array<i32>} : memref<32x1024xi32, #tpu.memory_space<vmem>>, vector<16xi32>,
        %parallel_loop3A_700 = arith.constant 65535 : i32
        %parallel_loop3A_701 = vector.broadcast %parallel_loop3A_700 : i32 to vector<16xi32>
        %parallel_loop3A_702 = arith.andi %parallel_loop3A_699, %parallel_loop3A_701 : vector<16xi32>
        %parallel_loop3A_703 = arith.constant 16 : i32
        %parallel_loop3A_704 = vector.broadcast %parallel_loop3A_703 : i32 to vector<16xi32>
        %parallel_loop3A_705 = arith.shrui %parallel_loop3A_699, %parallel_loop3A_704 : vector<16xi32>
        %parallel_loop3A_706 = arith.addi %broadcast_in_dim3A_1, %parallel_loop3A_702 : vector<16xi32>
        %parallel_loop3A_707 = tpu.vector_load_idx %arg6[%parallel_loop3A_706] : memref<20000xi32, #tpu.memory_space<vmem>>[vector<16xi32>], vector<16xi32>,
        %parallel_loop3A_708 = vector.bitcast %parallel_loop3A_707 : vector<16xi32> to vector<32xbf16>
        %parallel_loop3A_709 = arith.addi %broadcast_in_dim3A_1, %parallel_loop3A_705 : vector<16xi32>
        %parallel_loop3A_710 = tpu.vector_load_idx %arg7[%parallel_loop3A_709] : memref<20000xi32, #tpu.memory_space<vmem>>[vector<16xi32>], vector<16xi32>,
        %parallel_loop3A_711 = vector.bitcast %parallel_loop3A_710 : vector<16xi32> to vector<32xbf16>
        %parallel_loop3A_712 = arith.addf %parallel_loop3A_708, %parallel_loop3A_711 : vector<32xbf16>
        %parallel_loop3A_713 = arith.maximumf %parallel_loop3A_655, %parallel_loop3A_712 : vector<32xbf16>
        %parallel_loop3A_714 = arith.addi %broadcast_in_dim3A_3, %parallel_loop3A_702 : vector<16xi32>
        %parallel_loop3A_715 = tpu.vector_load_idx %arg6[%parallel_loop3A_714] : memref<20000xi32, #tpu.memory_space<vmem>>[vector<16xi32>], vector<16xi32>,
        %parallel_loop3A_716 = vector.bitcast %parallel_loop3A_715 : vector<16xi32> to vector<32xbf16>
        %parallel_loop3A_717 = arith.addi %broadcast_in_dim3A_3, %parallel_loop3A_705 : vector<16xi32>
        %parallel_loop3A_718 = tpu.vector_load_idx %arg7[%parallel_loop3A_717] : memref<20000xi32, #tpu.memory_space<vmem>>[vector<16xi32>], vector<16xi32>,
        %parallel_loop3A_719 = vector.bitcast %parallel_loop3A_718 : vector<16xi32> to vector<32xbf16>
        %parallel_loop3A_720 = arith.addf %parallel_loop3A_716, %parallel_loop3A_719 : vector<32xbf16>
        %parallel_loop3A_721 = arith.maximumf %parallel_loop3A_663, %parallel_loop3A_720 : vector<32xbf16>
        %parallel_loop3A_722 = arith.constant 8 : i32
        %parallel_loop3A_723 = arith.muli %scan3A, %parallel_loop3A_722 : i32
        %parallel_loop3A_724 = arith.constant 6 : i32
        %parallel_loop3A_725 = arith.addi %parallel_loop3A_723, %parallel_loop3A_724 : i32
        %parallel_loop3A_726 = arith.index_cast %parallel_loop3A_725 : i32 to index
        %parallel_loop3A_727 = arith.index_cast %parallel_loop3A_493 : i32 to index
        %parallel_loop3A_728 = tpu.vector_load %arg9[%parallel_loop3A_726, %parallel_loop3A_727] {strides = array<i32>} : memref<32x1024xi32, #tpu.memory_space<vmem>>, vector<16xi32>,
        %parallel_loop3A_729 = arith.constant 65535 : i32
        %parallel_loop3A_730 = vector.broadcast %parallel_loop3A_729 : i32 to vector<16xi32>
        %parallel_loop3A_731 = arith.andi %parallel_loop3A_728, %parallel_loop3A_730 : vector<16xi32>
        %parallel_loop3A_732 = arith.constant 16 : i32
        %parallel_loop3A_733 = vector.broadcast %parallel_loop3A_732 : i32 to vector<16xi32>
        %parallel_loop3A_734 = arith.shrui %parallel_loop3A_728, %parallel_loop3A_733 : vector<16xi32>
        %parallel_loop3A_735 = arith.addi %broadcast_in_dim3A_1, %parallel_loop3A_731 : vector<16xi32>
        %parallel_loop3A_736 = tpu.vector_load_idx %arg6[%parallel_loop3A_735] : memref<20000xi32, #tpu.memory_space<vmem>>[vector<16xi32>], vector<16xi32>,
        %parallel_loop3A_737 = vector.bitcast %parallel_loop3A_736 : vector<16xi32> to vector<32xbf16>
        %parallel_loop3A_738 = arith.addi %broadcast_in_dim3A_1, %parallel_loop3A_734 : vector<16xi32>
        %parallel_loop3A_739 = tpu.vector_load_idx %arg7[%parallel_loop3A_738] : memref<20000xi32, #tpu.memory_space<vmem>>[vector<16xi32>], vector<16xi32>,
        %parallel_loop3A_740 = vector.bitcast %parallel_loop3A_739 : vector<16xi32> to vector<32xbf16>
        %parallel_loop3A_741 = arith.addf %parallel_loop3A_737, %parallel_loop3A_740 : vector<32xbf16>
        %parallel_loop3A_742 = arith.maximumf %parallel_loop3A_684, %parallel_loop3A_741 : vector<32xbf16>
        %parallel_loop3A_743 = arith.addi %broadcast_in_dim3A_3, %parallel_loop3A_731 : vector<16xi32>
        %parallel_loop3A_744 = tpu.vector_load_idx %arg6[%parallel_loop3A_743] : memref<20000xi32, #tpu.memory_space<vmem>>[vector<16xi32>], vector<16xi32>,
        %parallel_loop3A_745 = vector.bitcast %parallel_loop3A_744 : vector<16xi32> to vector<32xbf16>
        %parallel_loop3A_746 = arith.addi %broadcast_in_dim3A_3, %parallel_loop3A_734 : vector<16xi32>
        %parallel_loop3A_747 = tpu.vector_load_idx %arg7[%parallel_loop3A_746] : memref<20000xi32, #tpu.memory_space<vmem>>[vector<16xi32>], vector<16xi32>,
        %parallel_loop3A_748 = vector.bitcast %parallel_loop3A_747 : vector<16xi32> to vector<32xbf16>
        %parallel_loop3A_749 = arith.addf %parallel_loop3A_745, %parallel_loop3A_748 : vector<32xbf16>
        %parallel_loop3A_750 = arith.maximumf %parallel_loop3A_692, %parallel_loop3A_749 : vector<32xbf16>
        %parallel_loop3A_751 = arith.constant 8 : i32
        %parallel_loop3A_752 = arith.muli %scan3A, %parallel_loop3A_751 : i32
        %parallel_loop3A_753 = arith.constant 7 : i32
        %parallel_loop3A_754 = arith.addi %parallel_loop3A_752, %parallel_loop3A_753 : i32
        %parallel_loop3A_755 = arith.index_cast %parallel_loop3A_754 : i32 to index
        %parallel_loop3A_756 = arith.index_cast %parallel_loop3A_493 : i32 to index
        %parallel_loop3A_757 = tpu.vector_load %arg9[%parallel_loop3A_755, %parallel_loop3A_756] {strides = array<i32>} : memref<32x1024xi32, #tpu.memory_space<vmem>>, vector<16xi32>,
        %parallel_loop3A_758 = arith.constant 65535 : i32
        %parallel_loop3A_759 = vector.broadcast %parallel_loop3A_758 : i32 to vector<16xi32>
        %parallel_loop3A_760 = arith.andi %parallel_loop3A_757, %parallel_loop3A_759 : vector<16xi32>
        %parallel_loop3A_761 = arith.constant 16 : i32
        %parallel_loop3A_762 = vector.broadcast %parallel_loop3A_761 : i32 to vector<16xi32>
        %parallel_loop3A_763 = arith.shrui %parallel_loop3A_757, %parallel_loop3A_762 : vector<16xi32>
        %parallel_loop3A_764 = arith.addi %broadcast_in_dim3A_1, %parallel_loop3A_760 : vector<16xi32>
        %parallel_loop3A_765 = tpu.vector_load_idx %arg6[%parallel_loop3A_764] : memref<20000xi32, #tpu.memory_space<vmem>>[vector<16xi32>], vector<16xi32>,
        %parallel_loop3A_766 = vector.bitcast %parallel_loop3A_765 : vector<16xi32> to vector<32xbf16>
        %parallel_loop3A_767 = arith.addi %broadcast_in_dim3A_1, %parallel_loop3A_763 : vector<16xi32>
        %parallel_loop3A_768 = tpu.vector_load_idx %arg7[%parallel_loop3A_767] : memref<20000xi32, #tpu.memory_space<vmem>>[vector<16xi32>], vector<16xi32>,
        %parallel_loop3A_769 = vector.bitcast %parallel_loop3A_768 : vector<16xi32> to vector<32xbf16>
        %parallel_loop3A_770 = arith.addf %parallel_loop3A_766, %parallel_loop3A_769 : vector<32xbf16>
        %parallel_loop3A_771 = arith.maximumf %parallel_loop3A_713, %parallel_loop3A_770 : vector<32xbf16>
        %parallel_loop3A_772 = arith.addi %broadcast_in_dim3A_3, %parallel_loop3A_760 : vector<16xi32>
        %parallel_loop3A_773 = tpu.vector_load_idx %arg6[%parallel_loop3A_772] : memref<20000xi32, #tpu.memory_space<vmem>>[vector<16xi32>], vector<16xi32>,
        %parallel_loop3A_774 = vector.bitcast %parallel_loop3A_773 : vector<16xi32> to vector<32xbf16>
        %parallel_loop3A_775 = arith.addi %broadcast_in_dim3A_3, %parallel_loop3A_763 : vector<16xi32>
        %parallel_loop3A_776 = tpu.vector_load_idx %arg7[%parallel_loop3A_775] : memref<20000xi32, #tpu.memory_space<vmem>>[vector<16xi32>], vector<16xi32>,
        %parallel_loop3A_777 = vector.bitcast %parallel_loop3A_776 : vector<16xi32> to vector<32xbf16>
        %parallel_loop3A_778 = arith.addf %parallel_loop3A_774, %parallel_loop3A_777 : vector<32xbf16>
        %parallel_loop3A_779 = arith.maximumf %parallel_loop3A_721, %parallel_loop3A_778 : vector<32xbf16>
        scf.yield %parallel_loop3A_742, %parallel_loop3A_771, %parallel_loop3A_750, %parallel_loop3A_779 : vector<32xbf16>, vector<32xbf16>, vector<32xbf16>, vector<32xbf16>
      }
      %parallel_loop3A_507 = arith.constant 4 : i32
      %parallel_loop3A_508 = arith.maximumf %parallel_loop3A_506#0, %parallel_loop3A_506#1 : vector<32xbf16>
      %parallel_loop3A_509 = vector.bitcast %parallel_loop3A_508 : vector<32xbf16> to vector<16xi32>
      %parallel_loop3A_510 = arith.constant 16 : i32
      %parallel_loop3A_511 = vector.broadcast %parallel_loop3A_510 : i32 to vector<16xi32>
      %parallel_loop3A_512 = arith.shli %parallel_loop3A_509, %parallel_loop3A_511 : vector<16xi32>
      %parallel_loop3A_513 = vector.bitcast %parallel_loop3A_512 : vector<16xi32> to vector<16xf32>
      %parallel_loop3A_514 = arith.constant 0 : i32
      %parallel_loop3A_515 = arith.index_cast %parallel_loop3A_514 : i32 to index
      %parallel_loop3A_516 = arith.index_cast %parallel_loop3A_493 : i32 to index
      %parallel_loop3A_517 = tpu.vector_load %arg11[%parallel_loop3A_515, %parallel_loop3A_516] {strides = array<i32>} : memref<4x1024xf32, #tpu.memory_space<vmem>>, vector<16xf32>,
      tpu.vector_store %arg11[%parallel_loop3A_515, %parallel_loop3A_516], %parallel_loop3A_513 {strides = array<i32>} : memref<4x1024xf32, #tpu.memory_space<vmem>>, vector<16xf32>,
      %parallel_loop3A_518 = arith.constant -65536 : i32
      %parallel_loop3A_519 = vector.broadcast %parallel_loop3A_518 : i32 to vector<16xi32>
      %parallel_loop3A_520 = arith.andi %parallel_loop3A_509, %parallel_loop3A_519 : vector<16xi32>
      %parallel_loop3A_521 = vector.bitcast %parallel_loop3A_520 : vector<16xi32> to vector<16xf32>
      %parallel_loop3A_522 = arith.constant 1 : i32
      %parallel_loop3A_523 = arith.index_cast %parallel_loop3A_522 : i32 to index
      %parallel_loop3A_524 = arith.index_cast %parallel_loop3A_493 : i32 to index
      %parallel_loop3A_525 = tpu.vector_load %arg11[%parallel_loop3A_523, %parallel_loop3A_524] {strides = array<i32>} : memref<4x1024xf32, #tpu.memory_space<vmem>>, vector<16xf32>,
      tpu.vector_store %arg11[%parallel_loop3A_523, %parallel_loop3A_524], %parallel_loop3A_521 {strides = array<i32>} : memref<4x1024xf32, #tpu.memory_space<vmem>>, vector<16xf32>,
      %parallel_loop3A_526 = arith.maximumf %parallel_loop3A_506#2, %parallel_loop3A_506#3 : vector<32xbf16>
      %parallel_loop3A_527 = vector.bitcast %parallel_loop3A_526 : vector<32xbf16> to vector<16xi32>
      %parallel_loop3A_528 = arith.constant 16 : i32
      %parallel_loop3A_529 = vector.broadcast %parallel_loop3A_528 : i32 to vector<16xi32>
      %parallel_loop3A_530 = arith.shli %parallel_loop3A_527, %parallel_loop3A_529 : vector<16xi32>
      %parallel_loop3A_531 = vector.bitcast %parallel_loop3A_530 : vector<16xi32> to vector<16xf32>
      %parallel_loop3A_532 = arith.constant 2 : i32
      %parallel_loop3A_533 = arith.index_cast %parallel_loop3A_532 : i32 to index
      %parallel_loop3A_534 = arith.index_cast %parallel_loop3A_493 : i32 to index
      %parallel_loop3A_535 = tpu.vector_load %arg11[%parallel_loop3A_533, %parallel_loop3A_534] {strides = array<i32>} : memref<4x1024xf32, #tpu.memory_space<vmem>>, vector<16xf32>,
      tpu.vector_store %arg11[%parallel_loop3A_533, %parallel_loop3A_534], %parallel_loop3A_531 {strides = array<i32>} : memref<4x1024xf32, #tpu.memory_space<vmem>>, vector<16xf32>,
      %parallel_loop3A_536 = arith.constant -65536 : i32
      %parallel_loop3A_537 = vector.broadcast %parallel_loop3A_536 : i32 to vector<16xi32>
      %parallel_loop3A_538 = arith.andi %parallel_loop3A_527, %parallel_loop3A_537 : vector<16xi32>
      %parallel_loop3A_539 = vector.bitcast %parallel_loop3A_538 : vector<16xi32> to vector<16xf32>
      %parallel_loop3A_540 = arith.constant 3 : i32
      %parallel_loop3A_541 = arith.index_cast %parallel_loop3A_540 : i32 to index
      %parallel_loop3A_542 = arith.index_cast %parallel_loop3A_493 : i32 to index
      %parallel_loop3A_543 = tpu.vector_load %arg11[%parallel_loop3A_541, %parallel_loop3A_542] {strides = array<i32>} : memref<4x1024xf32, #tpu.memory_space<vmem>>, vector<16xf32>,
      tpu.vector_store %arg11[%parallel_loop3A_541, %parallel_loop3A_542], %parallel_loop3A_539 {strides = array<i32>} : memref<4x1024xf32, #tpu.memory_space<vmem>>, vector<16xf32>,
    } {sc.loop_unroll_factor = 1 : i64, sc.parallel_access}
    %mul3A_79 = arith.constant 4 : i32
    %mul3A_80 = arith.muli %add3A, %mul3A_79 : i32
    %dma_start3A_81 = arith.constant 0 : i32
    %dma_start3A_82 = arith.constant 0 : i32
    %dma_start3A_83 = tpu.memref_slice %arg11[%dma_start3A_81, %dma_start3A_82] : memref<4x1024xf32, #tpu.memory_space<vmem>> -> memref<4x1024xf32, #tpu.memory_space<vmem>>
    %dma_start3A_84 = arith.constant 1024 : i32
    %dma_start3A_85 = tpu.memref_slice %arg5[%mul3A_80, %dma_start3A_84] : memref<128x10000xf32, #tpu.memory_space<hbm>> -> memref<4x1024xf32, #tpu.memory_space<hbm>>
    %dma_start3A_86 = arith.constant 1024 : i32
    %dma_start3A_87 = tpu.memref_slice %arg5[%mul3A_80, %dma_start3A_86] : memref<128x10000xf32, #tpu.memory_space<hbm>> -> memref<4x1024xf32, #tpu.memory_space<hbm>>
    %dma_start3A_88 = arith.constant 0 : i32
    %dma_start3A_89 = arith.constant 0 : i32
    %dma_start3A_90 = tpu.memref_slice %arg11[%dma_start3A_88, %dma_start3A_89] : memref<4x1024xf32, #tpu.memory_space<vmem>> -> memref<4x1024xf32, #tpu.memory_space<vmem>>
    tpu.enqueue_dma source(%dma_start3A_90 : memref<4x1024xf32, #tpu.memory_space<vmem>>) target(%dma_start3A_87 : memref<4x1024xf32, #tpu.memory_space<hbm>>) target_semaphore(%arg15 : memref<!tpu.dma_semaphore, #tpu.memory_space<semaphore_mem>>)
    %dma_start3A_91 = arith.constant 0 : i32
    %dma_start3A_92 = arith.constant 0 : i32
    %dma_start3A_93 = tpu.memref_slice %arg9[%dma_start3A_91, %dma_start3A_92] : memref<32x1024xi32, #tpu.memory_space<vmem>> -> memref<32x1024xi32, #tpu.memory_space<vmem>>
    %dma_start3A_94 = arith.constant 0 : i32
    %dma_start3A_95 = arith.constant 3072 : i32
    %dma_start3A_96 = tpu.memref_slice %arg4[%dma_start3A_94, %dma_start3A_95] : memref<32x10000xi32, #tpu.memory_space<hbm>> -> memref<32x1024xi32, #tpu.memory_space<hbm>>
    %dma_start3A_97 = arith.constant 0 : i32
    %dma_start3A_98 = arith.constant 0 : i32
    %dma_start3A_99 = tpu.memref_slice %arg9[%dma_start3A_97, %dma_start3A_98] : memref<32x1024xi32, #tpu.memory_space<vmem>> -> memref<32x1024xi32, #tpu.memory_space<vmem>>
    %dma_start3A_100 = arith.constant 0 : i32
    %dma_start3A_101 = arith.constant 3072 : i32
    %dma_start3A_102 = tpu.memref_slice %arg4[%dma_start3A_100, %dma_start3A_101] : memref<32x10000xi32, #tpu.memory_space<hbm>> -> memref<32x1024xi32, #tpu.memory_space<hbm>>
    tpu.enqueue_dma source(%dma_start3A_102 : memref<32x1024xi32, #tpu.memory_space<hbm>>) target(%dma_start3A_99 : memref<32x1024xi32, #tpu.memory_space<vmem>>) target_semaphore(%arg13 : memref<!tpu.dma_semaphore, #tpu.memory_space<semaphore_mem>>)
    %dma_wait3A_103 = arith.constant 0 : i32
    %dma_wait3A_104 = arith.constant 0 : i32
    %dma_wait3A_105 = tpu.memref_slice %arg8[%dma_wait3A_103, %dma_wait3A_104] : memref<32x1024xi32, #tpu.memory_space<vmem>> -> memref<32x1024xi32, #tpu.memory_space<vmem>>
    %dma_wait3A_106 = arith.constant 0 : i32
    %dma_wait3A_107 = arith.constant 2048 : i32
    %dma_wait3A_108 = tpu.memref_slice %arg4[%dma_wait3A_106, %dma_wait3A_107] : memref<32x10000xi32, #tpu.memory_space<hbm>> -> memref<32x1024xi32, #tpu.memory_space<hbm>>
    %dma_wait3A_109 = arith.constant 0 : i32
    %dma_wait3A_110 = arith.constant 0 : i32
    %dma_wait3A_111 = tpu.memref_slice %arg8[%dma_wait3A_109, %dma_wait3A_110] : memref<32x1024xi32, #tpu.memory_space<vmem>> -> memref<32x1024xi32, #tpu.memory_space<vmem>>
    %dma_wait3A_112 = arith.constant 0 : i32
    %dma_wait3A_113 = arith.constant 2048 : i32
    %dma_wait3A_114 = tpu.memref_slice %arg4[%dma_wait3A_112, %dma_wait3A_113] : memref<32x10000xi32, #tpu.memory_space<hbm>> -> memref<32x1024xi32, #tpu.memory_space<hbm>>
    tpu.wait_dma2 semaphore(%arg12 : memref<!tpu.dma_semaphore, #tpu.memory_space<semaphore_mem>>) src(%dma_wait3A_114 : memref<32x1024xi32, #tpu.memory_space<hbm>>) dst(%dma_wait3A_111 : memref<32x1024xi32, #tpu.memory_space<vmem>>)
    %dma_wait3A_115 = arith.constant 0 : i32
    %dma_wait3A_116 = arith.constant 0 : i32
    %dma_wait3A_117 = tpu.memref_slice %arg10[%dma_wait3A_115, %dma_wait3A_116] : memref<4x1024xf32, #tpu.memory_space<vmem>> -> memref<4x1024xf32, #tpu.memory_space<vmem>>
    %dma_wait3A_118 = arith.constant 0 : i32
    %dma_wait3A_119 = tpu.memref_slice %arg5[%mul3A_41, %dma_wait3A_118] : memref<128x10000xf32, #tpu.memory_space<hbm>> -> memref<4x1024xf32, #tpu.memory_space<hbm>>
    %dma_wait3A_120 = arith.constant 0 : i32
    %dma_wait3A_121 = tpu.memref_slice %arg5[%mul3A_41, %dma_wait3A_120] : memref<128x10000xf32, #tpu.memory_space<hbm>> -> memref<4x1024xf32, #tpu.memory_space<hbm>>
    %dma_wait3A_122 = arith.constant 0 : i32
    %dma_wait3A_123 = arith.constant 0 : i32
    %dma_wait3A_124 = tpu.memref_slice %arg10[%dma_wait3A_122, %dma_wait3A_123] : memref<4x1024xf32, #tpu.memory_space<vmem>> -> memref<4x1024xf32, #tpu.memory_space<vmem>>
    tpu.wait_dma2 semaphore(%arg14 : memref<!tpu.dma_semaphore, #tpu.memory_space<semaphore_mem>>) src(%dma_wait3A_124 : memref<4x1024xf32, #tpu.memory_space<vmem>>) dst(%dma_wait3A_121 : memref<4x1024xf32, #tpu.memory_space<hbm>>)
    %parallel_loop3A_125 = arith.constant 0 : i32
    %parallel_loop3A_126 = arith.constant 64 : i32
    %parallel_loop3A_127 = arith.constant 1 : i32
    scf.for %parallel_loop3A_491 = %parallel_loop3A_125 to %parallel_loop3A_126 step %parallel_loop3A_127  : i32 {
      %parallel_loop3A_492 = arith.constant 16 : i32
      %parallel_loop3A_493 = arith.muli %parallel_loop3A_491, %parallel_loop3A_492 : i32
      %parallel_loop3A_494 = arith.constant 0.000000e+00 : bf16
      %parallel_loop3A_495 = vector.broadcast %parallel_loop3A_494 : bf16 to vector<32xbf16>
      %parallel_loop3A_496 = arith.constant 0.000000e+00 : bf16
      %parallel_loop3A_497 = vector.broadcast %parallel_loop3A_496 : bf16 to vector<32xbf16>
      %parallel_loop3A_498 = arith.constant 0.000000e+00 : bf16
      %parallel_loop3A_499 = vector.broadcast %parallel_loop3A_498 : bf16 to vector<32xbf16>
      %parallel_loop3A_500 = arith.constant 0.000000e+00 : bf16
      %parallel_loop3A_501 = vector.broadcast %parallel_loop3A_500 : bf16 to vector<32xbf16>
      %parallel_loop3A_502 = arith.constant 0 : i32
      %parallel_loop3A_503 = arith.constant 4 : i32
      %parallel_loop3A_504 = arith.addi %parallel_loop3A_502, %parallel_loop3A_503 : i32
      %parallel_loop3A_505 = arith.constant 1 : i32
      %parallel_loop3A_506:4 = scf.for %scan3A = %parallel_loop3A_502 to %parallel_loop3A_504 step %parallel_loop3A_505 iter_args(%scan3A_544 = %parallel_loop3A_495, %scan3A_545 = %parallel_loop3A_497, %scan3A_546 = %parallel_loop3A_499, %scan3A_547 = %parallel_loop3A_501) -> (vector<32xbf16>, vector<32xbf16>, vector<32xbf16>, vector<32xbf16>)  : i32 {
        %parallel_loop3A_548 = arith.constant 8 : i32
        %parallel_loop3A_549 = arith.muli %scan3A, %parallel_loop3A_548 : i32
        %parallel_loop3A_550 = arith.constant 0 : i32
        %parallel_loop3A_551 = arith.addi %parallel_loop3A_549, %parallel_loop3A_550 : i32
        %parallel_loop3A_552 = arith.index_cast %parallel_loop3A_551 : i32 to index
        %parallel_loop3A_553 = arith.index_cast %parallel_loop3A_493 : i32 to index
        %parallel_loop3A_554 = tpu.vector_load %arg8[%parallel_loop3A_552, %parallel_loop3A_553] {strides = array<i32>} : memref<32x1024xi32, #tpu.memory_space<vmem>>, vector<16xi32>,
        %parallel_loop3A_555 = arith.constant 65535 : i32
        %parallel_loop3A_556 = vector.broadcast %parallel_loop3A_555 : i32 to vector<16xi32>
        %parallel_loop3A_557 = arith.andi %parallel_loop3A_554, %parallel_loop3A_556 : vector<16xi32>
        %parallel_loop3A_558 = arith.constant 16 : i32
        %parallel_loop3A_559 = vector.broadcast %parallel_loop3A_558 : i32 to vector<16xi32>
        %parallel_loop3A_560 = arith.shrui %parallel_loop3A_554, %parallel_loop3A_559 : vector<16xi32>
        %parallel_loop3A_561 = arith.addi %broadcast_in_dim3A_1, %parallel_loop3A_557 : vector<16xi32>
        %parallel_loop3A_562 = tpu.vector_load_idx %arg6[%parallel_loop3A_561] : memref<20000xi32, #tpu.memory_space<vmem>>[vector<16xi32>], vector<16xi32>,
        %parallel_loop3A_563 = vector.bitcast %parallel_loop3A_562 : vector<16xi32> to vector<32xbf16>
        %parallel_loop3A_564 = arith.addi %broadcast_in_dim3A_1, %parallel_loop3A_560 : vector<16xi32>
        %parallel_loop3A_565 = tpu.vector_load_idx %arg7[%parallel_loop3A_564] : memref<20000xi32, #tpu.memory_space<vmem>>[vector<16xi32>], vector<16xi32>,
        %parallel_loop3A_566 = vector.bitcast %parallel_loop3A_565 : vector<16xi32> to vector<32xbf16>
        %parallel_loop3A_567 = arith.addf %parallel_loop3A_563, %parallel_loop3A_566 : vector<32xbf16>
        %parallel_loop3A_568 = arith.maximumf %scan3A_544, %parallel_loop3A_567 : vector<32xbf16>
        %parallel_loop3A_569 = arith.addi %broadcast_in_dim3A_3, %parallel_loop3A_557 : vector<16xi32>
        %parallel_loop3A_570 = tpu.vector_load_idx %arg6[%parallel_loop3A_569] : memref<20000xi32, #tpu.memory_space<vmem>>[vector<16xi32>], vector<16xi32>,
        %parallel_loop3A_571 = vector.bitcast %parallel_loop3A_570 : vector<16xi32> to vector<32xbf16>
        %parallel_loop3A_572 = arith.addi %broadcast_in_dim3A_3, %parallel_loop3A_560 : vector<16xi32>
        %parallel_loop3A_573 = tpu.vector_load_idx %arg7[%parallel_loop3A_572] : memref<20000xi32, #tpu.memory_space<vmem>>[vector<16xi32>], vector<16xi32>,
        %parallel_loop3A_574 = vector.bitcast %parallel_loop3A_573 : vector<16xi32> to vector<32xbf16>
        %parallel_loop3A_575 = arith.addf %parallel_loop3A_571, %parallel_loop3A_574 : vector<32xbf16>
        %parallel_loop3A_576 = arith.maximumf %scan3A_546, %parallel_loop3A_575 : vector<32xbf16>
        %parallel_loop3A_577 = arith.constant 8 : i32
        %parallel_loop3A_578 = arith.muli %scan3A, %parallel_loop3A_577 : i32
        %parallel_loop3A_579 = arith.constant 1 : i32
        %parallel_loop3A_580 = arith.addi %parallel_loop3A_578, %parallel_loop3A_579 : i32
        %parallel_loop3A_581 = arith.index_cast %parallel_loop3A_580 : i32 to index
        %parallel_loop3A_582 = arith.index_cast %parallel_loop3A_493 : i32 to index
        %parallel_loop3A_583 = tpu.vector_load %arg8[%parallel_loop3A_581, %parallel_loop3A_582] {strides = array<i32>} : memref<32x1024xi32, #tpu.memory_space<vmem>>, vector<16xi32>,
        %parallel_loop3A_584 = arith.constant 65535 : i32
        %parallel_loop3A_585 = vector.broadcast %parallel_loop3A_584 : i32 to vector<16xi32>
        %parallel_loop3A_586 = arith.andi %parallel_loop3A_583, %parallel_loop3A_585 : vector<16xi32>
        %parallel_loop3A_587 = arith.constant 16 : i32
        %parallel_loop3A_588 = vector.broadcast %parallel_loop3A_587 : i32 to vector<16xi32>
        %parallel_loop3A_589 = arith.shrui %parallel_loop3A_583, %parallel_loop3A_588 : vector<16xi32>
        %parallel_loop3A_590 = arith.addi %broadcast_in_dim3A_1, %parallel_loop3A_586 : vector<16xi32>
        %parallel_loop3A_591 = tpu.vector_load_idx %arg6[%parallel_loop3A_590] : memref<20000xi32, #tpu.memory_space<vmem>>[vector<16xi32>], vector<16xi32>,
        %parallel_loop3A_592 = vector.bitcast %parallel_loop3A_591 : vector<16xi32> to vector<32xbf16>
        %parallel_loop3A_593 = arith.addi %broadcast_in_dim3A_1, %parallel_loop3A_589 : vector<16xi32>
        %parallel_loop3A_594 = tpu.vector_load_idx %arg7[%parallel_loop3A_593] : memref<20000xi32, #tpu.memory_space<vmem>>[vector<16xi32>], vector<16xi32>,
        %parallel_loop3A_595 = vector.bitcast %parallel_loop3A_594 : vector<16xi32> to vector<32xbf16>
        %parallel_loop3A_596 = arith.addf %parallel_loop3A_592, %parallel_loop3A_595 : vector<32xbf16>
        %parallel_loop3A_597 = arith.maximumf %scan3A_545, %parallel_loop3A_596 : vector<32xbf16>
        %parallel_loop3A_598 = arith.addi %broadcast_in_dim3A_3, %parallel_loop3A_586 : vector<16xi32>
        %parallel_loop3A_599 = tpu.vector_load_idx %arg6[%parallel_loop3A_598] : memref<20000xi32, #tpu.memory_space<vmem>>[vector<16xi32>], vector<16xi32>,
        %parallel_loop3A_600 = vector.bitcast %parallel_loop3A_599 : vector<16xi32> to vector<32xbf16>
        %parallel_loop3A_601 = arith.addi %broadcast_in_dim3A_3, %parallel_loop3A_589 : vector<16xi32>
        %parallel_loop3A_602 = tpu.vector_load_idx %arg7[%parallel_loop3A_601] : memref<20000xi32, #tpu.memory_space<vmem>>[vector<16xi32>], vector<16xi32>,
        %parallel_loop3A_603 = vector.bitcast %parallel_loop3A_602 : vector<16xi32> to vector<32xbf16>
        %parallel_loop3A_604 = arith.addf %parallel_loop3A_600, %parallel_loop3A_603 : vector<32xbf16>
        %parallel_loop3A_605 = arith.maximumf %scan3A_547, %parallel_loop3A_604 : vector<32xbf16>
        %parallel_loop3A_606 = arith.constant 8 : i32
        %parallel_loop3A_607 = arith.muli %scan3A, %parallel_loop3A_606 : i32
        %parallel_loop3A_608 = arith.constant 2 : i32
        %parallel_loop3A_609 = arith.addi %parallel_loop3A_607, %parallel_loop3A_608 : i32
        %parallel_loop3A_610 = arith.index_cast %parallel_loop3A_609 : i32 to index
        %parallel_loop3A_611 = arith.index_cast %parallel_loop3A_493 : i32 to index
        %parallel_loop3A_612 = tpu.vector_load %arg8[%parallel_loop3A_610, %parallel_loop3A_611] {strides = array<i32>} : memref<32x1024xi32, #tpu.memory_space<vmem>>, vector<16xi32>,
        %parallel_loop3A_613 = arith.constant 65535 : i32
        %parallel_loop3A_614 = vector.broadcast %parallel_loop3A_613 : i32 to vector<16xi32>
        %parallel_loop3A_615 = arith.andi %parallel_loop3A_612, %parallel_loop3A_614 : vector<16xi32>
        %parallel_loop3A_616 = arith.constant 16 : i32
        %parallel_loop3A_617 = vector.broadcast %parallel_loop3A_616 : i32 to vector<16xi32>
        %parallel_loop3A_618 = arith.shrui %parallel_loop3A_612, %parallel_loop3A_617 : vector<16xi32>
        %parallel_loop3A_619 = arith.addi %broadcast_in_dim3A_1, %parallel_loop3A_615 : vector<16xi32>
        %parallel_loop3A_620 = tpu.vector_load_idx %arg6[%parallel_loop3A_619] : memref<20000xi32, #tpu.memory_space<vmem>>[vector<16xi32>], vector<16xi32>,
        %parallel_loop3A_621 = vector.bitcast %parallel_loop3A_620 : vector<16xi32> to vector<32xbf16>
        %parallel_loop3A_622 = arith.addi %broadcast_in_dim3A_1, %parallel_loop3A_618 : vector<16xi32>
        %parallel_loop3A_623 = tpu.vector_load_idx %arg7[%parallel_loop3A_622] : memref<20000xi32, #tpu.memory_space<vmem>>[vector<16xi32>], vector<16xi32>,
        %parallel_loop3A_624 = vector.bitcast %parallel_loop3A_623 : vector<16xi32> to vector<32xbf16>
        %parallel_loop3A_625 = arith.addf %parallel_loop3A_621, %parallel_loop3A_624 : vector<32xbf16>
        %parallel_loop3A_626 = arith.maximumf %parallel_loop3A_568, %parallel_loop3A_625 : vector<32xbf16>
        %parallel_loop3A_627 = arith.addi %broadcast_in_dim3A_3, %parallel_loop3A_615 : vector<16xi32>
        %parallel_loop3A_628 = tpu.vector_load_idx %arg6[%parallel_loop3A_627] : memref<20000xi32, #tpu.memory_space<vmem>>[vector<16xi32>], vector<16xi32>,
        %parallel_loop3A_629 = vector.bitcast %parallel_loop3A_628 : vector<16xi32> to vector<32xbf16>
        %parallel_loop3A_630 = arith.addi %broadcast_in_dim3A_3, %parallel_loop3A_618 : vector<16xi32>
        %parallel_loop3A_631 = tpu.vector_load_idx %arg7[%parallel_loop3A_630] : memref<20000xi32, #tpu.memory_space<vmem>>[vector<16xi32>], vector<16xi32>,
        %parallel_loop3A_632 = vector.bitcast %parallel_loop3A_631 : vector<16xi32> to vector<32xbf16>
        %parallel_loop3A_633 = arith.addf %parallel_loop3A_629, %parallel_loop3A_632 : vector<32xbf16>
        %parallel_loop3A_634 = arith.maximumf %parallel_loop3A_576, %parallel_loop3A_633 : vector<32xbf16>
        %parallel_loop3A_635 = arith.constant 8 : i32
        %parallel_loop3A_636 = arith.muli %scan3A, %parallel_loop3A_635 : i32
        %parallel_loop3A_637 = arith.constant 3 : i32
        %parallel_loop3A_638 = arith.addi %parallel_loop3A_636, %parallel_loop3A_637 : i32
        %parallel_loop3A_639 = arith.index_cast %parallel_loop3A_638 : i32 to index
        %parallel_loop3A_640 = arith.index_cast %parallel_loop3A_493 : i32 to index
        %parallel_loop3A_641 = tpu.vector_load %arg8[%parallel_loop3A_639, %parallel_loop3A_640] {strides = array<i32>} : memref<32x1024xi32, #tpu.memory_space<vmem>>, vector<16xi32>,
        %parallel_loop3A_642 = arith.constant 65535 : i32
        %parallel_loop3A_643 = vector.broadcast %parallel_loop3A_642 : i32 to vector<16xi32>
        %parallel_loop3A_644 = arith.andi %parallel_loop3A_641, %parallel_loop3A_643 : vector<16xi32>
        %parallel_loop3A_645 = arith.constant 16 : i32
        %parallel_loop3A_646 = vector.broadcast %parallel_loop3A_645 : i32 to vector<16xi32>
        %parallel_loop3A_647 = arith.shrui %parallel_loop3A_641, %parallel_loop3A_646 : vector<16xi32>
        %parallel_loop3A_648 = arith.addi %broadcast_in_dim3A_1, %parallel_loop3A_644 : vector<16xi32>
        %parallel_loop3A_649 = tpu.vector_load_idx %arg6[%parallel_loop3A_648] : memref<20000xi32, #tpu.memory_space<vmem>>[vector<16xi32>], vector<16xi32>,
        %parallel_loop3A_650 = vector.bitcast %parallel_loop3A_649 : vector<16xi32> to vector<32xbf16>
        %parallel_loop3A_651 = arith.addi %broadcast_in_dim3A_1, %parallel_loop3A_647 : vector<16xi32>
        %parallel_loop3A_652 = tpu.vector_load_idx %arg7[%parallel_loop3A_651] : memref<20000xi32, #tpu.memory_space<vmem>>[vector<16xi32>], vector<16xi32>,
        %parallel_loop3A_653 = vector.bitcast %parallel_loop3A_652 : vector<16xi32> to vector<32xbf16>
        %parallel_loop3A_654 = arith.addf %parallel_loop3A_650, %parallel_loop3A_653 : vector<32xbf16>
        %parallel_loop3A_655 = arith.maximumf %parallel_loop3A_597, %parallel_loop3A_654 : vector<32xbf16>
        %parallel_loop3A_656 = arith.addi %broadcast_in_dim3A_3, %parallel_loop3A_644 : vector<16xi32>
        %parallel_loop3A_657 = tpu.vector_load_idx %arg6[%parallel_loop3A_656] : memref<20000xi32, #tpu.memory_space<vmem>>[vector<16xi32>], vector<16xi32>,
        %parallel_loop3A_658 = vector.bitcast %parallel_loop3A_657 : vector<16xi32> to vector<32xbf16>
        %parallel_loop3A_659 = arith.addi %broadcast_in_dim3A_3, %parallel_loop3A_647 : vector<16xi32>
        %parallel_loop3A_660 = tpu.vector_load_idx %arg7[%parallel_loop3A_659] : memref<20000xi32, #tpu.memory_space<vmem>>[vector<16xi32>], vector<16xi32>,
        %parallel_loop3A_661 = vector.bitcast %parallel_loop3A_660 : vector<16xi32> to vector<32xbf16>
        %parallel_loop3A_662 = arith.addf %parallel_loop3A_658, %parallel_loop3A_661 : vector<32xbf16>
        %parallel_loop3A_663 = arith.maximumf %parallel_loop3A_605, %parallel_loop3A_662 : vector<32xbf16>
        %parallel_loop3A_664 = arith.constant 8 : i32
        %parallel_loop3A_665 = arith.muli %scan3A, %parallel_loop3A_664 : i32
        %parallel_loop3A_666 = arith.constant 4 : i32
        %parallel_loop3A_667 = arith.addi %parallel_loop3A_665, %parallel_loop3A_666 : i32
        %parallel_loop3A_668 = arith.index_cast %parallel_loop3A_667 : i32 to index
        %parallel_loop3A_669 = arith.index_cast %parallel_loop3A_493 : i32 to index
        %parallel_loop3A_670 = tpu.vector_load %arg8[%parallel_loop3A_668, %parallel_loop3A_669] {strides = array<i32>} : memref<32x1024xi32, #tpu.memory_space<vmem>>, vector<16xi32>,
        %parallel_loop3A_671 = arith.constant 65535 : i32
        %parallel_loop3A_672 = vector.broadcast %parallel_loop3A_671 : i32 to vector<16xi32>
        %parallel_loop3A_673 = arith.andi %parallel_loop3A_670, %parallel_loop3A_672 : vector<16xi32>
        %parallel_loop3A_674 = arith.constant 16 : i32
        %parallel_loop3A_675 = vector.broadcast %parallel_loop3A_674 : i32 to vector<16xi32>
        %parallel_loop3A_676 = arith.shrui %parallel_loop3A_670, %parallel_loop3A_675 : vector<16xi32>
        %parallel_loop3A_677 = arith.addi %broadcast_in_dim3A_1, %parallel_loop3A_673 : vector<16xi32>
        %parallel_loop3A_678 = tpu.vector_load_idx %arg6[%parallel_loop3A_677] : memref<20000xi32, #tpu.memory_space<vmem>>[vector<16xi32>], vector<16xi32>,
        %parallel_loop3A_679 = vector.bitcast %parallel_loop3A_678 : vector<16xi32> to vector<32xbf16>
        %parallel_loop3A_680 = arith.addi %broadcast_in_dim3A_1, %parallel_loop3A_676 : vector<16xi32>
        %parallel_loop3A_681 = tpu.vector_load_idx %arg7[%parallel_loop3A_680] : memref<20000xi32, #tpu.memory_space<vmem>>[vector<16xi32>], vector<16xi32>,
        %parallel_loop3A_682 = vector.bitcast %parallel_loop3A_681 : vector<16xi32> to vector<32xbf16>
        %parallel_loop3A_683 = arith.addf %parallel_loop3A_679, %parallel_loop3A_682 : vector<32xbf16>
        %parallel_loop3A_684 = arith.maximumf %parallel_loop3A_626, %parallel_loop3A_683 : vector<32xbf16>
        %parallel_loop3A_685 = arith.addi %broadcast_in_dim3A_3, %parallel_loop3A_673 : vector<16xi32>
        %parallel_loop3A_686 = tpu.vector_load_idx %arg6[%parallel_loop3A_685] : memref<20000xi32, #tpu.memory_space<vmem>>[vector<16xi32>], vector<16xi32>,
        %parallel_loop3A_687 = vector.bitcast %parallel_loop3A_686 : vector<16xi32> to vector<32xbf16>
        %parallel_loop3A_688 = arith.addi %broadcast_in_dim3A_3, %parallel_loop3A_676 : vector<16xi32>
        %parallel_loop3A_689 = tpu.vector_load_idx %arg7[%parallel_loop3A_688] : memref<20000xi32, #tpu.memory_space<vmem>>[vector<16xi32>], vector<16xi32>,
        %parallel_loop3A_690 = vector.bitcast %parallel_loop3A_689 : vector<16xi32> to vector<32xbf16>
        %parallel_loop3A_691 = arith.addf %parallel_loop3A_687, %parallel_loop3A_690 : vector<32xbf16>
        %parallel_loop3A_692 = arith.maximumf %parallel_loop3A_634, %parallel_loop3A_691 : vector<32xbf16>
        %parallel_loop3A_693 = arith.constant 8 : i32
        %parallel_loop3A_694 = arith.muli %scan3A, %parallel_loop3A_693 : i32
        %parallel_loop3A_695 = arith.constant 5 : i32
        %parallel_loop3A_696 = arith.addi %parallel_loop3A_694, %parallel_loop3A_695 : i32
        %parallel_loop3A_697 = arith.index_cast %parallel_loop3A_696 : i32 to index
        %parallel_loop3A_698 = arith.index_cast %parallel_loop3A_493 : i32 to index
        %parallel_loop3A_699 = tpu.vector_load %arg8[%parallel_loop3A_697, %parallel_loop3A_698] {strides = array<i32>} : memref<32x1024xi32, #tpu.memory_space<vmem>>, vector<16xi32>,
        %parallel_loop3A_700 = arith.constant 65535 : i32
        %parallel_loop3A_701 = vector.broadcast %parallel_loop3A_700 : i32 to vector<16xi32>
        %parallel_loop3A_702 = arith.andi %parallel_loop3A_699, %parallel_loop3A_701 : vector<16xi32>
        %parallel_loop3A_703 = arith.constant 16 : i32
        %parallel_loop3A_704 = vector.broadcast %parallel_loop3A_703 : i32 to vector<16xi32>
        %parallel_loop3A_705 = arith.shrui %parallel_loop3A_699, %parallel_loop3A_704 : vector<16xi32>
        %parallel_loop3A_706 = arith.addi %broadcast_in_dim3A_1, %parallel_loop3A_702 : vector<16xi32>
        %parallel_loop3A_707 = tpu.vector_load_idx %arg6[%parallel_loop3A_706] : memref<20000xi32, #tpu.memory_space<vmem>>[vector<16xi32>], vector<16xi32>,
        %parallel_loop3A_708 = vector.bitcast %parallel_loop3A_707 : vector<16xi32> to vector<32xbf16>
        %parallel_loop3A_709 = arith.addi %broadcast_in_dim3A_1, %parallel_loop3A_705 : vector<16xi32>
        %parallel_loop3A_710 = tpu.vector_load_idx %arg7[%parallel_loop3A_709] : memref<20000xi32, #tpu.memory_space<vmem>>[vector<16xi32>], vector<16xi32>,
        %parallel_loop3A_711 = vector.bitcast %parallel_loop3A_710 : vector<16xi32> to vector<32xbf16>
        %parallel_loop3A_712 = arith.addf %parallel_loop3A_708, %parallel_loop3A_711 : vector<32xbf16>
        %parallel_loop3A_713 = arith.maximumf %parallel_loop3A_655, %parallel_loop3A_712 : vector<32xbf16>
        %parallel_loop3A_714 = arith.addi %broadcast_in_dim3A_3, %parallel_loop3A_702 : vector<16xi32>
        %parallel_loop3A_715 = tpu.vector_load_idx %arg6[%parallel_loop3A_714] : memref<20000xi32, #tpu.memory_space<vmem>>[vector<16xi32>], vector<16xi32>,
        %parallel_loop3A_716 = vector.bitcast %parallel_loop3A_715 : vector<16xi32> to vector<32xbf16>
        %parallel_loop3A_717 = arith.addi %broadcast_in_dim3A_3, %parallel_loop3A_705 : vector<16xi32>
        %parallel_loop3A_718 = tpu.vector_load_idx %arg7[%parallel_loop3A_717] : memref<20000xi32, #tpu.memory_space<vmem>>[vector<16xi32>], vector<16xi32>,
        %parallel_loop3A_719 = vector.bitcast %parallel_loop3A_718 : vector<16xi32> to vector<32xbf16>
        %parallel_loop3A_720 = arith.addf %parallel_loop3A_716, %parallel_loop3A_719 : vector<32xbf16>
        %parallel_loop3A_721 = arith.maximumf %parallel_loop3A_663, %parallel_loop3A_720 : vector<32xbf16>
        %parallel_loop3A_722 = arith.constant 8 : i32
        %parallel_loop3A_723 = arith.muli %scan3A, %parallel_loop3A_722 : i32
        %parallel_loop3A_724 = arith.constant 6 : i32
        %parallel_loop3A_725 = arith.addi %parallel_loop3A_723, %parallel_loop3A_724 : i32
        %parallel_loop3A_726 = arith.index_cast %parallel_loop3A_725 : i32 to index
        %parallel_loop3A_727 = arith.index_cast %parallel_loop3A_493 : i32 to index
        %parallel_loop3A_728 = tpu.vector_load %arg8[%parallel_loop3A_726, %parallel_loop3A_727] {strides = array<i32>} : memref<32x1024xi32, #tpu.memory_space<vmem>>, vector<16xi32>,
        %parallel_loop3A_729 = arith.constant 65535 : i32
        %parallel_loop3A_730 = vector.broadcast %parallel_loop3A_729 : i32 to vector<16xi32>
        %parallel_loop3A_731 = arith.andi %parallel_loop3A_728, %parallel_loop3A_730 : vector<16xi32>
        %parallel_loop3A_732 = arith.constant 16 : i32
        %parallel_loop3A_733 = vector.broadcast %parallel_loop3A_732 : i32 to vector<16xi32>
        %parallel_loop3A_734 = arith.shrui %parallel_loop3A_728, %parallel_loop3A_733 : vector<16xi32>
        %parallel_loop3A_735 = arith.addi %broadcast_in_dim3A_1, %parallel_loop3A_731 : vector<16xi32>
        %parallel_loop3A_736 = tpu.vector_load_idx %arg6[%parallel_loop3A_735] : memref<20000xi32, #tpu.memory_space<vmem>>[vector<16xi32>], vector<16xi32>,
        %parallel_loop3A_737 = vector.bitcast %parallel_loop3A_736 : vector<16xi32> to vector<32xbf16>
        %parallel_loop3A_738 = arith.addi %broadcast_in_dim3A_1, %parallel_loop3A_734 : vector<16xi32>
        %parallel_loop3A_739 = tpu.vector_load_idx %arg7[%parallel_loop3A_738] : memref<20000xi32, #tpu.memory_space<vmem>>[vector<16xi32>], vector<16xi32>,
        %parallel_loop3A_740 = vector.bitcast %parallel_loop3A_739 : vector<16xi32> to vector<32xbf16>
        %parallel_loop3A_741 = arith.addf %parallel_loop3A_737, %parallel_loop3A_740 : vector<32xbf16>
        %parallel_loop3A_742 = arith.maximumf %parallel_loop3A_684, %parallel_loop3A_741 : vector<32xbf16>
        %parallel_loop3A_743 = arith.addi %broadcast_in_dim3A_3, %parallel_loop3A_731 : vector<16xi32>
        %parallel_loop3A_744 = tpu.vector_load_idx %arg6[%parallel_loop3A_743] : memref<20000xi32, #tpu.memory_space<vmem>>[vector<16xi32>], vector<16xi32>,
        %parallel_loop3A_745 = vector.bitcast %parallel_loop3A_744 : vector<16xi32> to vector<32xbf16>
        %parallel_loop3A_746 = arith.addi %broadcast_in_dim3A_3, %parallel_loop3A_734 : vector<16xi32>
        %parallel_loop3A_747 = tpu.vector_load_idx %arg7[%parallel_loop3A_746] : memref<20000xi32, #tpu.memory_space<vmem>>[vector<16xi32>], vector<16xi32>,
        %parallel_loop3A_748 = vector.bitcast %parallel_loop3A_747 : vector<16xi32> to vector<32xbf16>
        %parallel_loop3A_749 = arith.addf %parallel_loop3A_745, %parallel_loop3A_748 : vector<32xbf16>
        %parallel_loop3A_750 = arith.maximumf %parallel_loop3A_692, %parallel_loop3A_749 : vector<32xbf16>
        %parallel_loop3A_751 = arith.constant 8 : i32
        %parallel_loop3A_752 = arith.muli %scan3A, %parallel_loop3A_751 : i32
        %parallel_loop3A_753 = arith.constant 7 : i32
        %parallel_loop3A_754 = arith.addi %parallel_loop3A_752, %parallel_loop3A_753 : i32
        %parallel_loop3A_755 = arith.index_cast %parallel_loop3A_754 : i32 to index
        %parallel_loop3A_756 = arith.index_cast %parallel_loop3A_493 : i32 to index
        %parallel_loop3A_757 = tpu.vector_load %arg8[%parallel_loop3A_755, %parallel_loop3A_756] {strides = array<i32>} : memref<32x1024xi32, #tpu.memory_space<vmem>>, vector<16xi32>,
        %parallel_loop3A_758 = arith.constant 65535 : i32
        %parallel_loop3A_759 = vector.broadcast %parallel_loop3A_758 : i32 to vector<16xi32>
        %parallel_loop3A_760 = arith.andi %parallel_loop3A_757, %parallel_loop3A_759 : vector<16xi32>
        %parallel_loop3A_761 = arith.constant 16 : i32
        %parallel_loop3A_762 = vector.broadcast %parallel_loop3A_761 : i32 to vector<16xi32>
        %parallel_loop3A_763 = arith.shrui %parallel_loop3A_757, %parallel_loop3A_762 : vector<16xi32>
        %parallel_loop3A_764 = arith.addi %broadcast_in_dim3A_1, %parallel_loop3A_760 : vector<16xi32>
        %parallel_loop3A_765 = tpu.vector_load_idx %arg6[%parallel_loop3A_764] : memref<20000xi32, #tpu.memory_space<vmem>>[vector<16xi32>], vector<16xi32>,
        %parallel_loop3A_766 = vector.bitcast %parallel_loop3A_765 : vector<16xi32> to vector<32xbf16>
        %parallel_loop3A_767 = arith.addi %broadcast_in_dim3A_1, %parallel_loop3A_763 : vector<16xi32>
        %parallel_loop3A_768 = tpu.vector_load_idx %arg7[%parallel_loop3A_767] : memref<20000xi32, #tpu.memory_space<vmem>>[vector<16xi32>], vector<16xi32>,
        %parallel_loop3A_769 = vector.bitcast %parallel_loop3A_768 : vector<16xi32> to vector<32xbf16>
        %parallel_loop3A_770 = arith.addf %parallel_loop3A_766, %parallel_loop3A_769 : vector<32xbf16>
        %parallel_loop3A_771 = arith.maximumf %parallel_loop3A_713, %parallel_loop3A_770 : vector<32xbf16>
        %parallel_loop3A_772 = arith.addi %broadcast_in_dim3A_3, %parallel_loop3A_760 : vector<16xi32>
        %parallel_loop3A_773 = tpu.vector_load_idx %arg6[%parallel_loop3A_772] : memref<20000xi32, #tpu.memory_space<vmem>>[vector<16xi32>], vector<16xi32>,
        %parallel_loop3A_774 = vector.bitcast %parallel_loop3A_773 : vector<16xi32> to vector<32xbf16>
        %parallel_loop3A_775 = arith.addi %broadcast_in_dim3A_3, %parallel_loop3A_763 : vector<16xi32>
        %parallel_loop3A_776 = tpu.vector_load_idx %arg7[%parallel_loop3A_775] : memref<20000xi32, #tpu.memory_space<vmem>>[vector<16xi32>], vector<16xi32>,
        %parallel_loop3A_777 = vector.bitcast %parallel_loop3A_776 : vector<16xi32> to vector<32xbf16>
        %parallel_loop3A_778 = arith.addf %parallel_loop3A_774, %parallel_loop3A_777 : vector<32xbf16>
        %parallel_loop3A_779 = arith.maximumf %parallel_loop3A_721, %parallel_loop3A_778 : vector<32xbf16>
        scf.yield %parallel_loop3A_742, %parallel_loop3A_771, %parallel_loop3A_750, %parallel_loop3A_779 : vector<32xbf16>, vector<32xbf16>, vector<32xbf16>, vector<32xbf16>
      }
      %parallel_loop3A_507 = arith.constant 4 : i32
      %parallel_loop3A_508 = arith.maximumf %parallel_loop3A_506#0, %parallel_loop3A_506#1 : vector<32xbf16>
      %parallel_loop3A_509 = vector.bitcast %parallel_loop3A_508 : vector<32xbf16> to vector<16xi32>
      %parallel_loop3A_510 = arith.constant 16 : i32
      %parallel_loop3A_511 = vector.broadcast %parallel_loop3A_510 : i32 to vector<16xi32>
      %parallel_loop3A_512 = arith.shli %parallel_loop3A_509, %parallel_loop3A_511 : vector<16xi32>
      %parallel_loop3A_513 = vector.bitcast %parallel_loop3A_512 : vector<16xi32> to vector<16xf32>
      %parallel_loop3A_514 = arith.constant 0 : i32
      %parallel_loop3A_515 = arith.index_cast %parallel_loop3A_514 : i32 to index
      %parallel_loop3A_516 = arith.index_cast %parallel_loop3A_493 : i32 to index
      %parallel_loop3A_517 = tpu.vector_load %arg10[%parallel_loop3A_515, %parallel_loop3A_516] {strides = array<i32>} : memref<4x1024xf32, #tpu.memory_space<vmem>>, vector<16xf32>,
      tpu.vector_store %arg10[%parallel_loop3A_515, %parallel_loop3A_516], %parallel_loop3A_513 {strides = array<i32>} : memref<4x1024xf32, #tpu.memory_space<vmem>>, vector<16xf32>,
      %parallel_loop3A_518 = arith.constant -65536 : i32
      %parallel_loop3A_519 = vector.broadcast %parallel_loop3A_518 : i32 to vector<16xi32>
      %parallel_loop3A_520 = arith.andi %parallel_loop3A_509, %parallel_loop3A_519 : vector<16xi32>
      %parallel_loop3A_521 = vector.bitcast %parallel_loop3A_520 : vector<16xi32> to vector<16xf32>
      %parallel_loop3A_522 = arith.constant 1 : i32
      %parallel_loop3A_523 = arith.index_cast %parallel_loop3A_522 : i32 to index
      %parallel_loop3A_524 = arith.index_cast %parallel_loop3A_493 : i32 to index
      %parallel_loop3A_525 = tpu.vector_load %arg10[%parallel_loop3A_523, %parallel_loop3A_524] {strides = array<i32>} : memref<4x1024xf32, #tpu.memory_space<vmem>>, vector<16xf32>,
      tpu.vector_store %arg10[%parallel_loop3A_523, %parallel_loop3A_524], %parallel_loop3A_521 {strides = array<i32>} : memref<4x1024xf32, #tpu.memory_space<vmem>>, vector<16xf32>,
      %parallel_loop3A_526 = arith.maximumf %parallel_loop3A_506#2, %parallel_loop3A_506#3 : vector<32xbf16>
      %parallel_loop3A_527 = vector.bitcast %parallel_loop3A_526 : vector<32xbf16> to vector<16xi32>
      %parallel_loop3A_528 = arith.constant 16 : i32
      %parallel_loop3A_529 = vector.broadcast %parallel_loop3A_528 : i32 to vector<16xi32>
      %parallel_loop3A_530 = arith.shli %parallel_loop3A_527, %parallel_loop3A_529 : vector<16xi32>
      %parallel_loop3A_531 = vector.bitcast %parallel_loop3A_530 : vector<16xi32> to vector<16xf32>
      %parallel_loop3A_532 = arith.constant 2 : i32
      %parallel_loop3A_533 = arith.index_cast %parallel_loop3A_532 : i32 to index
      %parallel_loop3A_534 = arith.index_cast %parallel_loop3A_493 : i32 to index
      %parallel_loop3A_535 = tpu.vector_load %arg10[%parallel_loop3A_533, %parallel_loop3A_534] {strides = array<i32>} : memref<4x1024xf32, #tpu.memory_space<vmem>>, vector<16xf32>,
      tpu.vector_store %arg10[%parallel_loop3A_533, %parallel_loop3A_534], %parallel_loop3A_531 {strides = array<i32>} : memref<4x1024xf32, #tpu.memory_space<vmem>>, vector<16xf32>,
      %parallel_loop3A_536 = arith.constant -65536 : i32
      %parallel_loop3A_537 = vector.broadcast %parallel_loop3A_536 : i32 to vector<16xi32>
      %parallel_loop3A_538 = arith.andi %parallel_loop3A_527, %parallel_loop3A_537 : vector<16xi32>
      %parallel_loop3A_539 = vector.bitcast %parallel_loop3A_538 : vector<16xi32> to vector<16xf32>
      %parallel_loop3A_540 = arith.constant 3 : i32
      %parallel_loop3A_541 = arith.index_cast %parallel_loop3A_540 : i32 to index
      %parallel_loop3A_542 = arith.index_cast %parallel_loop3A_493 : i32 to index
      %parallel_loop3A_543 = tpu.vector_load %arg10[%parallel_loop3A_541, %parallel_loop3A_542] {strides = array<i32>} : memref<4x1024xf32, #tpu.memory_space<vmem>>, vector<16xf32>,
      tpu.vector_store %arg10[%parallel_loop3A_541, %parallel_loop3A_542], %parallel_loop3A_539 {strides = array<i32>} : memref<4x1024xf32, #tpu.memory_space<vmem>>, vector<16xf32>,
    } {sc.loop_unroll_factor = 1 : i64, sc.parallel_access}
    %mul3A_128 = arith.constant 4 : i32
    %mul3A_129 = arith.muli %add3A, %mul3A_128 : i32
    %dma_start3A_130 = arith.constant 0 : i32
    %dma_start3A_131 = arith.constant 0 : i32
    %dma_start3A_132 = tpu.memref_slice %arg10[%dma_start3A_130, %dma_start3A_131] : memref<4x1024xf32, #tpu.memory_space<vmem>> -> memref<4x1024xf32, #tpu.memory_space<vmem>>
    %dma_start3A_133 = arith.constant 2048 : i32
    %dma_start3A_134 = tpu.memref_slice %arg5[%mul3A_129, %dma_start3A_133] : memref<128x10000xf32, #tpu.memory_space<hbm>> -> memref<4x1024xf32, #tpu.memory_space<hbm>>
    %dma_start3A_135 = arith.constant 2048 : i32
    %dma_start3A_136 = tpu.memref_slice %arg5[%mul3A_129, %dma_start3A_135] : memref<128x10000xf32, #tpu.memory_space<hbm>> -> memref<4x1024xf32, #tpu.memory_space<hbm>>
    %dma_start3A_137 = arith.constant 0 : i32
    %dma_start3A_138 = arith.constant 0 : i32
    %dma_start3A_139 = tpu.memref_slice %arg10[%dma_start3A_137, %dma_start3A_138] : memref<4x1024xf32, #tpu.memory_space<vmem>> -> memref<4x1024xf32, #tpu.memory_space<vmem>>
    tpu.enqueue_dma source(%dma_start3A_139 : memref<4x1024xf32, #tpu.memory_space<vmem>>) target(%dma_start3A_136 : memref<4x1024xf32, #tpu.memory_space<hbm>>) target_semaphore(%arg14 : memref<!tpu.dma_semaphore, #tpu.memory_space<semaphore_mem>>)
    %dma_start3A_140 = arith.constant 0 : i32
    %dma_start3A_141 = arith.constant 0 : i32
    %dma_start3A_142 = tpu.memref_slice %arg8[%dma_start3A_140, %dma_start3A_141] : memref<32x1024xi32, #tpu.memory_space<vmem>> -> memref<32x1024xi32, #tpu.memory_space<vmem>>
    %dma_start3A_143 = arith.constant 0 : i32
    %dma_start3A_144 = arith.constant 4096 : i32
    %dma_start3A_145 = tpu.memref_slice %arg4[%dma_start3A_143, %dma_start3A_144] : memref<32x10000xi32, #tpu.memory_space<hbm>> -> memref<32x1024xi32, #tpu.memory_space<hbm>>
    %dma_start3A_146 = arith.constant 0 : i32
    %dma_start3A_147 = arith.constant 0 : i32
    %dma_start3A_148 = tpu.memref_slice %arg8[%dma_start3A_146, %dma_start3A_147] : memref<32x1024xi32, #tpu.memory_space<vmem>> -> memref<32x1024xi32, #tpu.memory_space<vmem>>
    %dma_start3A_149 = arith.constant 0 : i32
    %dma_start3A_150 = arith.constant 4096 : i32
    %dma_start3A_151 = tpu.memref_slice %arg4[%dma_start3A_149, %dma_start3A_150] : memref<32x10000xi32, #tpu.memory_space<hbm>> -> memref<32x1024xi32, #tpu.memory_space<hbm>>
    tpu.enqueue_dma source(%dma_start3A_151 : memref<32x1024xi32, #tpu.memory_space<hbm>>) target(%dma_start3A_148 : memref<32x1024xi32, #tpu.memory_space<vmem>>) target_semaphore(%arg12 : memref<!tpu.dma_semaphore, #tpu.memory_space<semaphore_mem>>)
    %dma_wait3A_152 = arith.constant 0 : i32
    %dma_wait3A_153 = arith.constant 0 : i32
    %dma_wait3A_154 = tpu.memref_slice %arg9[%dma_wait3A_152, %dma_wait3A_153] : memref<32x1024xi32, #tpu.memory_space<vmem>> -> memref<32x1024xi32, #tpu.memory_space<vmem>>
    %dma_wait3A_155 = arith.constant 0 : i32
    %dma_wait3A_156 = arith.constant 3072 : i32
    %dma_wait3A_157 = tpu.memref_slice %arg4[%dma_wait3A_155, %dma_wait3A_156] : memref<32x10000xi32, #tpu.memory_space<hbm>> -> memref<32x1024xi32, #tpu.memory_space<hbm>>
    %dma_wait3A_158 = arith.constant 0 : i32
    %dma_wait3A_159 = arith.constant 0 : i32
    %dma_wait3A_160 = tpu.memref_slice %arg9[%dma_wait3A_158, %dma_wait3A_159] : memref<32x1024xi32, #tpu.memory_space<vmem>> -> memref<32x1024xi32, #tpu.memory_space<vmem>>
    %dma_wait3A_161 = arith.constant 0 : i32
    %dma_wait3A_162 = arith.constant 3072 : i32
    %dma_wait3A_163 = tpu.memref_slice %arg4[%dma_wait3A_161, %dma_wait3A_162] : memref<32x10000xi32, #tpu.memory_space<hbm>> -> memref<32x1024xi32, #tpu.memory_space<hbm>>
    tpu.wait_dma2 semaphore(%arg13 : memref<!tpu.dma_semaphore, #tpu.memory_space<semaphore_mem>>) src(%dma_wait3A_163 : memref<32x1024xi32, #tpu.memory_space<hbm>>) dst(%dma_wait3A_160 : memref<32x1024xi32, #tpu.memory_space<vmem>>)
    %dma_wait3A_164 = arith.constant 0 : i32
    %dma_wait3A_165 = arith.constant 0 : i32
    %dma_wait3A_166 = tpu.memref_slice %arg11[%dma_wait3A_164, %dma_wait3A_165] : memref<4x1024xf32, #tpu.memory_space<vmem>> -> memref<4x1024xf32, #tpu.memory_space<vmem>>
    %dma_wait3A_167 = arith.constant 1024 : i32
    %dma_wait3A_168 = tpu.memref_slice %arg5[%mul3A_80, %dma_wait3A_167] : memref<128x10000xf32, #tpu.memory_space<hbm>> -> memref<4x1024xf32, #tpu.memory_space<hbm>>
    %dma_wait3A_169 = arith.constant 1024 : i32
    %dma_wait3A_170 = tpu.memref_slice %arg5[%mul3A_80, %dma_wait3A_169] : memref<128x10000xf32, #tpu.memory_space<hbm>> -> memref<4x1024xf32, #tpu.memory_space<hbm>>
    %dma_wait3A_171 = arith.constant 0 : i32
    %dma_wait3A_172 = arith.constant 0 : i32
    %dma_wait3A_173 = tpu.memref_slice %arg11[%dma_wait3A_171, %dma_wait3A_172] : memref<4x1024xf32, #tpu.memory_space<vmem>> -> memref<4x1024xf32, #tpu.memory_space<vmem>>
    tpu.wait_dma2 semaphore(%arg15 : memref<!tpu.dma_semaphore, #tpu.memory_space<semaphore_mem>>) src(%dma_wait3A_173 : memref<4x1024xf32, #tpu.memory_space<vmem>>) dst(%dma_wait3A_170 : memref<4x1024xf32, #tpu.memory_space<hbm>>)
    %parallel_loop3A_174 = arith.constant 0 : i32
    %parallel_loop3A_175 = arith.constant 64 : i32
    %parallel_loop3A_176 = arith.constant 1 : i32
    scf.for %parallel_loop3A_491 = %parallel_loop3A_174 to %parallel_loop3A_175 step %parallel_loop3A_176  : i32 {
      %parallel_loop3A_492 = arith.constant 16 : i32
      %parallel_loop3A_493 = arith.muli %parallel_loop3A_491, %parallel_loop3A_492 : i32
      %parallel_loop3A_494 = arith.constant 0.000000e+00 : bf16
      %parallel_loop3A_495 = vector.broadcast %parallel_loop3A_494 : bf16 to vector<32xbf16>
      %parallel_loop3A_496 = arith.constant 0.000000e+00 : bf16
      %parallel_loop3A_497 = vector.broadcast %parallel_loop3A_496 : bf16 to vector<32xbf16>
      %parallel_loop3A_498 = arith.constant 0.000000e+00 : bf16
      %parallel_loop3A_499 = vector.broadcast %parallel_loop3A_498 : bf16 to vector<32xbf16>
      %parallel_loop3A_500 = arith.constant 0.000000e+00 : bf16
      %parallel_loop3A_501 = vector.broadcast %parallel_loop3A_500 : bf16 to vector<32xbf16>
      %parallel_loop3A_502 = arith.constant 0 : i32
      %parallel_loop3A_503 = arith.constant 4 : i32
      %parallel_loop3A_504 = arith.addi %parallel_loop3A_502, %parallel_loop3A_503 : i32
      %parallel_loop3A_505 = arith.constant 1 : i32
      %parallel_loop3A_506:4 = scf.for %scan3A = %parallel_loop3A_502 to %parallel_loop3A_504 step %parallel_loop3A_505 iter_args(%scan3A_544 = %parallel_loop3A_495, %scan3A_545 = %parallel_loop3A_497, %scan3A_546 = %parallel_loop3A_499, %scan3A_547 = %parallel_loop3A_501) -> (vector<32xbf16>, vector<32xbf16>, vector<32xbf16>, vector<32xbf16>)  : i32 {
        %parallel_loop3A_548 = arith.constant 8 : i32
        %parallel_loop3A_549 = arith.muli %scan3A, %parallel_loop3A_548 : i32
        %parallel_loop3A_550 = arith.constant 0 : i32
        %parallel_loop3A_551 = arith.addi %parallel_loop3A_549, %parallel_loop3A_550 : i32
        %parallel_loop3A_552 = arith.index_cast %parallel_loop3A_551 : i32 to index
        %parallel_loop3A_553 = arith.index_cast %parallel_loop3A_493 : i32 to index
        %parallel_loop3A_554 = tpu.vector_load %arg9[%parallel_loop3A_552, %parallel_loop3A_553] {strides = array<i32>} : memref<32x1024xi32, #tpu.memory_space<vmem>>, vector<16xi32>,
        %parallel_loop3A_555 = arith.constant 65535 : i32
        %parallel_loop3A_556 = vector.broadcast %parallel_loop3A_555 : i32 to vector<16xi32>
        %parallel_loop3A_557 = arith.andi %parallel_loop3A_554, %parallel_loop3A_556 : vector<16xi32>
        %parallel_loop3A_558 = arith.constant 16 : i32
        %parallel_loop3A_559 = vector.broadcast %parallel_loop3A_558 : i32 to vector<16xi32>
        %parallel_loop3A_560 = arith.shrui %parallel_loop3A_554, %parallel_loop3A_559 : vector<16xi32>
        %parallel_loop3A_561 = arith.addi %broadcast_in_dim3A_1, %parallel_loop3A_557 : vector<16xi32>
        %parallel_loop3A_562 = tpu.vector_load_idx %arg6[%parallel_loop3A_561] : memref<20000xi32, #tpu.memory_space<vmem>>[vector<16xi32>], vector<16xi32>,
        %parallel_loop3A_563 = vector.bitcast %parallel_loop3A_562 : vector<16xi32> to vector<32xbf16>
        %parallel_loop3A_564 = arith.addi %broadcast_in_dim3A_1, %parallel_loop3A_560 : vector<16xi32>
        %parallel_loop3A_565 = tpu.vector_load_idx %arg7[%parallel_loop3A_564] : memref<20000xi32, #tpu.memory_space<vmem>>[vector<16xi32>], vector<16xi32>,
        %parallel_loop3A_566 = vector.bitcast %parallel_loop3A_565 : vector<16xi32> to vector<32xbf16>
        %parallel_loop3A_567 = arith.addf %parallel_loop3A_563, %parallel_loop3A_566 : vector<32xbf16>
        %parallel_loop3A_568 = arith.maximumf %scan3A_544, %parallel_loop3A_567 : vector<32xbf16>
        %parallel_loop3A_569 = arith.addi %broadcast_in_dim3A_3, %parallel_loop3A_557 : vector<16xi32>
        %parallel_loop3A_570 = tpu.vector_load_idx %arg6[%parallel_loop3A_569] : memref<20000xi32, #tpu.memory_space<vmem>>[vector<16xi32>], vector<16xi32>,
        %parallel_loop3A_571 = vector.bitcast %parallel_loop3A_570 : vector<16xi32> to vector<32xbf16>
        %parallel_loop3A_572 = arith.addi %broadcast_in_dim3A_3, %parallel_loop3A_560 : vector<16xi32>
        %parallel_loop3A_573 = tpu.vector_load_idx %arg7[%parallel_loop3A_572] : memref<20000xi32, #tpu.memory_space<vmem>>[vector<16xi32>], vector<16xi32>,
        %parallel_loop3A_574 = vector.bitcast %parallel_loop3A_573 : vector<16xi32> to vector<32xbf16>
        %parallel_loop3A_575 = arith.addf %parallel_loop3A_571, %parallel_loop3A_574 : vector<32xbf16>
        %parallel_loop3A_576 = arith.maximumf %scan3A_546, %parallel_loop3A_575 : vector<32xbf16>
        %parallel_loop3A_577 = arith.constant 8 : i32
        %parallel_loop3A_578 = arith.muli %scan3A, %parallel_loop3A_577 : i32
        %parallel_loop3A_579 = arith.constant 1 : i32
        %parallel_loop3A_580 = arith.addi %parallel_loop3A_578, %parallel_loop3A_579 : i32
        %parallel_loop3A_581 = arith.index_cast %parallel_loop3A_580 : i32 to index
        %parallel_loop3A_582 = arith.index_cast %parallel_loop3A_493 : i32 to index
        %parallel_loop3A_583 = tpu.vector_load %arg9[%parallel_loop3A_581, %parallel_loop3A_582] {strides = array<i32>} : memref<32x1024xi32, #tpu.memory_space<vmem>>, vector<16xi32>,
        %parallel_loop3A_584 = arith.constant 65535 : i32
        %parallel_loop3A_585 = vector.broadcast %parallel_loop3A_584 : i32 to vector<16xi32>
        %parallel_loop3A_586 = arith.andi %parallel_loop3A_583, %parallel_loop3A_585 : vector<16xi32>
        %parallel_loop3A_587 = arith.constant 16 : i32
        %parallel_loop3A_588 = vector.broadcast %parallel_loop3A_587 : i32 to vector<16xi32>
        %parallel_loop3A_589 = arith.shrui %parallel_loop3A_583, %parallel_loop3A_588 : vector<16xi32>
        %parallel_loop3A_590 = arith.addi %broadcast_in_dim3A_1, %parallel_loop3A_586 : vector<16xi32>
        %parallel_loop3A_591 = tpu.vector_load_idx %arg6[%parallel_loop3A_590] : memref<20000xi32, #tpu.memory_space<vmem>>[vector<16xi32>], vector<16xi32>,
        %parallel_loop3A_592 = vector.bitcast %parallel_loop3A_591 : vector<16xi32> to vector<32xbf16>
        %parallel_loop3A_593 = arith.addi %broadcast_in_dim3A_1, %parallel_loop3A_589 : vector<16xi32>
        %parallel_loop3A_594 = tpu.vector_load_idx %arg7[%parallel_loop3A_593] : memref<20000xi32, #tpu.memory_space<vmem>>[vector<16xi32>], vector<16xi32>,
        %parallel_loop3A_595 = vector.bitcast %parallel_loop3A_594 : vector<16xi32> to vector<32xbf16>
        %parallel_loop3A_596 = arith.addf %parallel_loop3A_592, %parallel_loop3A_595 : vector<32xbf16>
        %parallel_loop3A_597 = arith.maximumf %scan3A_545, %parallel_loop3A_596 : vector<32xbf16>
        %parallel_loop3A_598 = arith.addi %broadcast_in_dim3A_3, %parallel_loop3A_586 : vector<16xi32>
        %parallel_loop3A_599 = tpu.vector_load_idx %arg6[%parallel_loop3A_598] : memref<20000xi32, #tpu.memory_space<vmem>>[vector<16xi32>], vector<16xi32>,
        %parallel_loop3A_600 = vector.bitcast %parallel_loop3A_599 : vector<16xi32> to vector<32xbf16>
        %parallel_loop3A_601 = arith.addi %broadcast_in_dim3A_3, %parallel_loop3A_589 : vector<16xi32>
        %parallel_loop3A_602 = tpu.vector_load_idx %arg7[%parallel_loop3A_601] : memref<20000xi32, #tpu.memory_space<vmem>>[vector<16xi32>], vector<16xi32>,
        %parallel_loop3A_603 = vector.bitcast %parallel_loop3A_602 : vector<16xi32> to vector<32xbf16>
        %parallel_loop3A_604 = arith.addf %parallel_loop3A_600, %parallel_loop3A_603 : vector<32xbf16>
        %parallel_loop3A_605 = arith.maximumf %scan3A_547, %parallel_loop3A_604 : vector<32xbf16>
        %parallel_loop3A_606 = arith.constant 8 : i32
        %parallel_loop3A_607 = arith.muli %scan3A, %parallel_loop3A_606 : i32
        %parallel_loop3A_608 = arith.constant 2 : i32
        %parallel_loop3A_609 = arith.addi %parallel_loop3A_607, %parallel_loop3A_608 : i32
        %parallel_loop3A_610 = arith.index_cast %parallel_loop3A_609 : i32 to index
        %parallel_loop3A_611 = arith.index_cast %parallel_loop3A_493 : i32 to index
        %parallel_loop3A_612 = tpu.vector_load %arg9[%parallel_loop3A_610, %parallel_loop3A_611] {strides = array<i32>} : memref<32x1024xi32, #tpu.memory_space<vmem>>, vector<16xi32>,
        %parallel_loop3A_613 = arith.constant 65535 : i32
        %parallel_loop3A_614 = vector.broadcast %parallel_loop3A_613 : i32 to vector<16xi32>
        %parallel_loop3A_615 = arith.andi %parallel_loop3A_612, %parallel_loop3A_614 : vector<16xi32>
        %parallel_loop3A_616 = arith.constant 16 : i32
        %parallel_loop3A_617 = vector.broadcast %parallel_loop3A_616 : i32 to vector<16xi32>
        %parallel_loop3A_618 = arith.shrui %parallel_loop3A_612, %parallel_loop3A_617 : vector<16xi32>
        %parallel_loop3A_619 = arith.addi %broadcast_in_dim3A_1, %parallel_loop3A_615 : vector<16xi32>
        %parallel_loop3A_620 = tpu.vector_load_idx %arg6[%parallel_loop3A_619] : memref<20000xi32, #tpu.memory_space<vmem>>[vector<16xi32>], vector<16xi32>,
        %parallel_loop3A_621 = vector.bitcast %parallel_loop3A_620 : vector<16xi32> to vector<32xbf16>
        %parallel_loop3A_622 = arith.addi %broadcast_in_dim3A_1, %parallel_loop3A_618 : vector<16xi32>
        %parallel_loop3A_623 = tpu.vector_load_idx %arg7[%parallel_loop3A_622] : memref<20000xi32, #tpu.memory_space<vmem>>[vector<16xi32>], vector<16xi32>,
        %parallel_loop3A_624 = vector.bitcast %parallel_loop3A_623 : vector<16xi32> to vector<32xbf16>
        %parallel_loop3A_625 = arith.addf %parallel_loop3A_621, %parallel_loop3A_624 : vector<32xbf16>
        %parallel_loop3A_626 = arith.maximumf %parallel_loop3A_568, %parallel_loop3A_625 : vector<32xbf16>
        %parallel_loop3A_627 = arith.addi %broadcast_in_dim3A_3, %parallel_loop3A_615 : vector<16xi32>
        %parallel_loop3A_628 = tpu.vector_load_idx %arg6[%parallel_loop3A_627] : memref<20000xi32, #tpu.memory_space<vmem>>[vector<16xi32>], vector<16xi32>,
        %parallel_loop3A_629 = vector.bitcast %parallel_loop3A_628 : vector<16xi32> to vector<32xbf16>
        %parallel_loop3A_630 = arith.addi %broadcast_in_dim3A_3, %parallel_loop3A_618 : vector<16xi32>
        %parallel_loop3A_631 = tpu.vector_load_idx %arg7[%parallel_loop3A_630] : memref<20000xi32, #tpu.memory_space<vmem>>[vector<16xi32>], vector<16xi32>,
        %parallel_loop3A_632 = vector.bitcast %parallel_loop3A_631 : vector<16xi32> to vector<32xbf16>
        %parallel_loop3A_633 = arith.addf %parallel_loop3A_629, %parallel_loop3A_632 : vector<32xbf16>
        %parallel_loop3A_634 = arith.maximumf %parallel_loop3A_576, %parallel_loop3A_633 : vector<32xbf16>
        %parallel_loop3A_635 = arith.constant 8 : i32
        %parallel_loop3A_636 = arith.muli %scan3A, %parallel_loop3A_635 : i32
        %parallel_loop3A_637 = arith.constant 3 : i32
        %parallel_loop3A_638 = arith.addi %parallel_loop3A_636, %parallel_loop3A_637 : i32
        %parallel_loop3A_639 = arith.index_cast %parallel_loop3A_638 : i32 to index
        %parallel_loop3A_640 = arith.index_cast %parallel_loop3A_493 : i32 to index
        %parallel_loop3A_641 = tpu.vector_load %arg9[%parallel_loop3A_639, %parallel_loop3A_640] {strides = array<i32>} : memref<32x1024xi32, #tpu.memory_space<vmem>>, vector<16xi32>,
        %parallel_loop3A_642 = arith.constant 65535 : i32
        %parallel_loop3A_643 = vector.broadcast %parallel_loop3A_642 : i32 to vector<16xi32>
        %parallel_loop3A_644 = arith.andi %parallel_loop3A_641, %parallel_loop3A_643 : vector<16xi32>
        %parallel_loop3A_645 = arith.constant 16 : i32
        %parallel_loop3A_646 = vector.broadcast %parallel_loop3A_645 : i32 to vector<16xi32>
        %parallel_loop3A_647 = arith.shrui %parallel_loop3A_641, %parallel_loop3A_646 : vector<16xi32>
        %parallel_loop3A_648 = arith.addi %broadcast_in_dim3A_1, %parallel_loop3A_644 : vector<16xi32>
        %parallel_loop3A_649 = tpu.vector_load_idx %arg6[%parallel_loop3A_648] : memref<20000xi32, #tpu.memory_space<vmem>>[vector<16xi32>], vector<16xi32>,
        %parallel_loop3A_650 = vector.bitcast %parallel_loop3A_649 : vector<16xi32> to vector<32xbf16>
        %parallel_loop3A_651 = arith.addi %broadcast_in_dim3A_1, %parallel_loop3A_647 : vector<16xi32>
        %parallel_loop3A_652 = tpu.vector_load_idx %arg7[%parallel_loop3A_651] : memref<20000xi32, #tpu.memory_space<vmem>>[vector<16xi32>], vector<16xi32>,
        %parallel_loop3A_653 = vector.bitcast %parallel_loop3A_652 : vector<16xi32> to vector<32xbf16>
        %parallel_loop3A_654 = arith.addf %parallel_loop3A_650, %parallel_loop3A_653 : vector<32xbf16>
        %parallel_loop3A_655 = arith.maximumf %parallel_loop3A_597, %parallel_loop3A_654 : vector<32xbf16>
        %parallel_loop3A_656 = arith.addi %broadcast_in_dim3A_3, %parallel_loop3A_644 : vector<16xi32>
        %parallel_loop3A_657 = tpu.vector_load_idx %arg6[%parallel_loop3A_656] : memref<20000xi32, #tpu.memory_space<vmem>>[vector<16xi32>], vector<16xi32>,
        %parallel_loop3A_658 = vector.bitcast %parallel_loop3A_657 : vector<16xi32> to vector<32xbf16>
        %parallel_loop3A_659 = arith.addi %broadcast_in_dim3A_3, %parallel_loop3A_647 : vector<16xi32>
        %parallel_loop3A_660 = tpu.vector_load_idx %arg7[%parallel_loop3A_659] : memref<20000xi32, #tpu.memory_space<vmem>>[vector<16xi32>], vector<16xi32>,
        %parallel_loop3A_661 = vector.bitcast %parallel_loop3A_660 : vector<16xi32> to vector<32xbf16>
        %parallel_loop3A_662 = arith.addf %parallel_loop3A_658, %parallel_loop3A_661 : vector<32xbf16>
        %parallel_loop3A_663 = arith.maximumf %parallel_loop3A_605, %parallel_loop3A_662 : vector<32xbf16>
        %parallel_loop3A_664 = arith.constant 8 : i32
        %parallel_loop3A_665 = arith.muli %scan3A, %parallel_loop3A_664 : i32
        %parallel_loop3A_666 = arith.constant 4 : i32
        %parallel_loop3A_667 = arith.addi %parallel_loop3A_665, %parallel_loop3A_666 : i32
        %parallel_loop3A_668 = arith.index_cast %parallel_loop3A_667 : i32 to index
        %parallel_loop3A_669 = arith.index_cast %parallel_loop3A_493 : i32 to index
        %parallel_loop3A_670 = tpu.vector_load %arg9[%parallel_loop3A_668, %parallel_loop3A_669] {strides = array<i32>} : memref<32x1024xi32, #tpu.memory_space<vmem>>, vector<16xi32>,
        %parallel_loop3A_671 = arith.constant 65535 : i32
        %parallel_loop3A_672 = vector.broadcast %parallel_loop3A_671 : i32 to vector<16xi32>
        %parallel_loop3A_673 = arith.andi %parallel_loop3A_670, %parallel_loop3A_672 : vector<16xi32>
        %parallel_loop3A_674 = arith.constant 16 : i32
        %parallel_loop3A_675 = vector.broadcast %parallel_loop3A_674 : i32 to vector<16xi32>
        %parallel_loop3A_676 = arith.shrui %parallel_loop3A_670, %parallel_loop3A_675 : vector<16xi32>
        %parallel_loop3A_677 = arith.addi %broadcast_in_dim3A_1, %parallel_loop3A_673 : vector<16xi32>
        %parallel_loop3A_678 = tpu.vector_load_idx %arg6[%parallel_loop3A_677] : memref<20000xi32, #tpu.memory_space<vmem>>[vector<16xi32>], vector<16xi32>,
        %parallel_loop3A_679 = vector.bitcast %parallel_loop3A_678 : vector<16xi32> to vector<32xbf16>
        %parallel_loop3A_680 = arith.addi %broadcast_in_dim3A_1, %parallel_loop3A_676 : vector<16xi32>
        %parallel_loop3A_681 = tpu.vector_load_idx %arg7[%parallel_loop3A_680] : memref<20000xi32, #tpu.memory_space<vmem>>[vector<16xi32>], vector<16xi32>,
        %parallel_loop3A_682 = vector.bitcast %parallel_loop3A_681 : vector<16xi32> to vector<32xbf16>
        %parallel_loop3A_683 = arith.addf %parallel_loop3A_679, %parallel_loop3A_682 : vector<32xbf16>
        %parallel_loop3A_684 = arith.maximumf %parallel_loop3A_626, %parallel_loop3A_683 : vector<32xbf16>
        %parallel_loop3A_685 = arith.addi %broadcast_in_dim3A_3, %parallel_loop3A_673 : vector<16xi32>
        %parallel_loop3A_686 = tpu.vector_load_idx %arg6[%parallel_loop3A_685] : memref<20000xi32, #tpu.memory_space<vmem>>[vector<16xi32>], vector<16xi32>,
        %parallel_loop3A_687 = vector.bitcast %parallel_loop3A_686 : vector<16xi32> to vector<32xbf16>
        %parallel_loop3A_688 = arith.addi %broadcast_in_dim3A_3, %parallel_loop3A_676 : vector<16xi32>
        %parallel_loop3A_689 = tpu.vector_load_idx %arg7[%parallel_loop3A_688] : memref<20000xi32, #tpu.memory_space<vmem>>[vector<16xi32>], vector<16xi32>,
        %parallel_loop3A_690 = vector.bitcast %parallel_loop3A_689 : vector<16xi32> to vector<32xbf16>
        %parallel_loop3A_691 = arith.addf %parallel_loop3A_687, %parallel_loop3A_690 : vector<32xbf16>
        %parallel_loop3A_692 = arith.maximumf %parallel_loop3A_634, %parallel_loop3A_691 : vector<32xbf16>
        %parallel_loop3A_693 = arith.constant 8 : i32
        %parallel_loop3A_694 = arith.muli %scan3A, %parallel_loop3A_693 : i32
        %parallel_loop3A_695 = arith.constant 5 : i32
        %parallel_loop3A_696 = arith.addi %parallel_loop3A_694, %parallel_loop3A_695 : i32
        %parallel_loop3A_697 = arith.index_cast %parallel_loop3A_696 : i32 to index
        %parallel_loop3A_698 = arith.index_cast %parallel_loop3A_493 : i32 to index
        %parallel_loop3A_699 = tpu.vector_load %arg9[%parallel_loop3A_697, %parallel_loop3A_698] {strides = array<i32>} : memref<32x1024xi32, #tpu.memory_space<vmem>>, vector<16xi32>,
        %parallel_loop3A_700 = arith.constant 65535 : i32
        %parallel_loop3A_701 = vector.broadcast %parallel_loop3A_700 : i32 to vector<16xi32>
        %parallel_loop3A_702 = arith.andi %parallel_loop3A_699, %parallel_loop3A_701 : vector<16xi32>
        %parallel_loop3A_703 = arith.constant 16 : i32
        %parallel_loop3A_704 = vector.broadcast %parallel_loop3A_703 : i32 to vector<16xi32>
        %parallel_loop3A_705 = arith.shrui %parallel_loop3A_699, %parallel_loop3A_704 : vector<16xi32>
        %parallel_loop3A_706 = arith.addi %broadcast_in_dim3A_1, %parallel_loop3A_702 : vector<16xi32>
        %parallel_loop3A_707 = tpu.vector_load_idx %arg6[%parallel_loop3A_706] : memref<20000xi32, #tpu.memory_space<vmem>>[vector<16xi32>], vector<16xi32>,
        %parallel_loop3A_708 = vector.bitcast %parallel_loop3A_707 : vector<16xi32> to vector<32xbf16>
        %parallel_loop3A_709 = arith.addi %broadcast_in_dim3A_1, %parallel_loop3A_705 : vector<16xi32>
        %parallel_loop3A_710 = tpu.vector_load_idx %arg7[%parallel_loop3A_709] : memref<20000xi32, #tpu.memory_space<vmem>>[vector<16xi32>], vector<16xi32>,
        %parallel_loop3A_711 = vector.bitcast %parallel_loop3A_710 : vector<16xi32> to vector<32xbf16>
        %parallel_loop3A_712 = arith.addf %parallel_loop3A_708, %parallel_loop3A_711 : vector<32xbf16>
        %parallel_loop3A_713 = arith.maximumf %parallel_loop3A_655, %parallel_loop3A_712 : vector<32xbf16>
        %parallel_loop3A_714 = arith.addi %broadcast_in_dim3A_3, %parallel_loop3A_702 : vector<16xi32>
        %parallel_loop3A_715 = tpu.vector_load_idx %arg6[%parallel_loop3A_714] : memref<20000xi32, #tpu.memory_space<vmem>>[vector<16xi32>], vector<16xi32>,
        %parallel_loop3A_716 = vector.bitcast %parallel_loop3A_715 : vector<16xi32> to vector<32xbf16>
        %parallel_loop3A_717 = arith.addi %broadcast_in_dim3A_3, %parallel_loop3A_705 : vector<16xi32>
        %parallel_loop3A_718 = tpu.vector_load_idx %arg7[%parallel_loop3A_717] : memref<20000xi32, #tpu.memory_space<vmem>>[vector<16xi32>], vector<16xi32>,
        %parallel_loop3A_719 = vector.bitcast %parallel_loop3A_718 : vector<16xi32> to vector<32xbf16>
        %parallel_loop3A_720 = arith.addf %parallel_loop3A_716, %parallel_loop3A_719 : vector<32xbf16>
        %parallel_loop3A_721 = arith.maximumf %parallel_loop3A_663, %parallel_loop3A_720 : vector<32xbf16>
        %parallel_loop3A_722 = arith.constant 8 : i32
        %parallel_loop3A_723 = arith.muli %scan3A, %parallel_loop3A_722 : i32
        %parallel_loop3A_724 = arith.constant 6 : i32
        %parallel_loop3A_725 = arith.addi %parallel_loop3A_723, %parallel_loop3A_724 : i32
        %parallel_loop3A_726 = arith.index_cast %parallel_loop3A_725 : i32 to index
        %parallel_loop3A_727 = arith.index_cast %parallel_loop3A_493 : i32 to index
        %parallel_loop3A_728 = tpu.vector_load %arg9[%parallel_loop3A_726, %parallel_loop3A_727] {strides = array<i32>} : memref<32x1024xi32, #tpu.memory_space<vmem>>, vector<16xi32>,
        %parallel_loop3A_729 = arith.constant 65535 : i32
        %parallel_loop3A_730 = vector.broadcast %parallel_loop3A_729 : i32 to vector<16xi32>
        %parallel_loop3A_731 = arith.andi %parallel_loop3A_728, %parallel_loop3A_730 : vector<16xi32>
        %parallel_loop3A_732 = arith.constant 16 : i32
        %parallel_loop3A_733 = vector.broadcast %parallel_loop3A_732 : i32 to vector<16xi32>
        %parallel_loop3A_734 = arith.shrui %parallel_loop3A_728, %parallel_loop3A_733 : vector<16xi32>
        %parallel_loop3A_735 = arith.addi %broadcast_in_dim3A_1, %parallel_loop3A_731 : vector<16xi32>
        %parallel_loop3A_736 = tpu.vector_load_idx %arg6[%parallel_loop3A_735] : memref<20000xi32, #tpu.memory_space<vmem>>[vector<16xi32>], vector<16xi32>,
        %parallel_loop3A_737 = vector.bitcast %parallel_loop3A_736 : vector<16xi32> to vector<32xbf16>
        %parallel_loop3A_738 = arith.addi %broadcast_in_dim3A_1, %parallel_loop3A_734 : vector<16xi32>
        %parallel_loop3A_739 = tpu.vector_load_idx %arg7[%parallel_loop3A_738] : memref<20000xi32, #tpu.memory_space<vmem>>[vector<16xi32>], vector<16xi32>,
        %parallel_loop3A_740 = vector.bitcast %parallel_loop3A_739 : vector<16xi32> to vector<32xbf16>
        %parallel_loop3A_741 = arith.addf %parallel_loop3A_737, %parallel_loop3A_740 : vector<32xbf16>
        %parallel_loop3A_742 = arith.maximumf %parallel_loop3A_684, %parallel_loop3A_741 : vector<32xbf16>
        %parallel_loop3A_743 = arith.addi %broadcast_in_dim3A_3, %parallel_loop3A_731 : vector<16xi32>
        %parallel_loop3A_744 = tpu.vector_load_idx %arg6[%parallel_loop3A_743] : memref<20000xi32, #tpu.memory_space<vmem>>[vector<16xi32>], vector<16xi32>,
        %parallel_loop3A_745 = vector.bitcast %parallel_loop3A_744 : vector<16xi32> to vector<32xbf16>
        %parallel_loop3A_746 = arith.addi %broadcast_in_dim3A_3, %parallel_loop3A_734 : vector<16xi32>
        %parallel_loop3A_747 = tpu.vector_load_idx %arg7[%parallel_loop3A_746] : memref<20000xi32, #tpu.memory_space<vmem>>[vector<16xi32>], vector<16xi32>,
        %parallel_loop3A_748 = vector.bitcast %parallel_loop3A_747 : vector<16xi32> to vector<32xbf16>
        %parallel_loop3A_749 = arith.addf %parallel_loop3A_745, %parallel_loop3A_748 : vector<32xbf16>
        %parallel_loop3A_750 = arith.maximumf %parallel_loop3A_692, %parallel_loop3A_749 : vector<32xbf16>
        %parallel_loop3A_751 = arith.constant 8 : i32
        %parallel_loop3A_752 = arith.muli %scan3A, %parallel_loop3A_751 : i32
        %parallel_loop3A_753 = arith.constant 7 : i32
        %parallel_loop3A_754 = arith.addi %parallel_loop3A_752, %parallel_loop3A_753 : i32
        %parallel_loop3A_755 = arith.index_cast %parallel_loop3A_754 : i32 to index
        %parallel_loop3A_756 = arith.index_cast %parallel_loop3A_493 : i32 to index
        %parallel_loop3A_757 = tpu.vector_load %arg9[%parallel_loop3A_755, %parallel_loop3A_756] {strides = array<i32>} : memref<32x1024xi32, #tpu.memory_space<vmem>>, vector<16xi32>,
        %parallel_loop3A_758 = arith.constant 65535 : i32
        %parallel_loop3A_759 = vector.broadcast %parallel_loop3A_758 : i32 to vector<16xi32>
        %parallel_loop3A_760 = arith.andi %parallel_loop3A_757, %parallel_loop3A_759 : vector<16xi32>
        %parallel_loop3A_761 = arith.constant 16 : i32
        %parallel_loop3A_762 = vector.broadcast %parallel_loop3A_761 : i32 to vector<16xi32>
        %parallel_loop3A_763 = arith.shrui %parallel_loop3A_757, %parallel_loop3A_762 : vector<16xi32>
        %parallel_loop3A_764 = arith.addi %broadcast_in_dim3A_1, %parallel_loop3A_760 : vector<16xi32>
        %parallel_loop3A_765 = tpu.vector_load_idx %arg6[%parallel_loop3A_764] : memref<20000xi32, #tpu.memory_space<vmem>>[vector<16xi32>], vector<16xi32>,
        %parallel_loop3A_766 = vector.bitcast %parallel_loop3A_765 : vector<16xi32> to vector<32xbf16>
        %parallel_loop3A_767 = arith.addi %broadcast_in_dim3A_1, %parallel_loop3A_763 : vector<16xi32>
        %parallel_loop3A_768 = tpu.vector_load_idx %arg7[%parallel_loop3A_767] : memref<20000xi32, #tpu.memory_space<vmem>>[vector<16xi32>], vector<16xi32>,
        %parallel_loop3A_769 = vector.bitcast %parallel_loop3A_768 : vector<16xi32> to vector<32xbf16>
        %parallel_loop3A_770 = arith.addf %parallel_loop3A_766, %parallel_loop3A_769 : vector<32xbf16>
        %parallel_loop3A_771 = arith.maximumf %parallel_loop3A_713, %parallel_loop3A_770 : vector<32xbf16>
        %parallel_loop3A_772 = arith.addi %broadcast_in_dim3A_3, %parallel_loop3A_760 : vector<16xi32>
        %parallel_loop3A_773 = tpu.vector_load_idx %arg6[%parallel_loop3A_772] : memref<20000xi32, #tpu.memory_space<vmem>>[vector<16xi32>], vector<16xi32>,
        %parallel_loop3A_774 = vector.bitcast %parallel_loop3A_773 : vector<16xi32> to vector<32xbf16>
        %parallel_loop3A_775 = arith.addi %broadcast_in_dim3A_3, %parallel_loop3A_763 : vector<16xi32>
        %parallel_loop3A_776 = tpu.vector_load_idx %arg7[%parallel_loop3A_775] : memref<20000xi32, #tpu.memory_space<vmem>>[vector<16xi32>], vector<16xi32>,
        %parallel_loop3A_777 = vector.bitcast %parallel_loop3A_776 : vector<16xi32> to vector<32xbf16>
        %parallel_loop3A_778 = arith.addf %parallel_loop3A_774, %parallel_loop3A_777 : vector<32xbf16>
        %parallel_loop3A_779 = arith.maximumf %parallel_loop3A_721, %parallel_loop3A_778 : vector<32xbf16>
        scf.yield %parallel_loop3A_742, %parallel_loop3A_771, %parallel_loop3A_750, %parallel_loop3A_779 : vector<32xbf16>, vector<32xbf16>, vector<32xbf16>, vector<32xbf16>
      }
      %parallel_loop3A_507 = arith.constant 4 : i32
      %parallel_loop3A_508 = arith.maximumf %parallel_loop3A_506#0, %parallel_loop3A_506#1 : vector<32xbf16>
      %parallel_loop3A_509 = vector.bitcast %parallel_loop3A_508 : vector<32xbf16> to vector<16xi32>
      %parallel_loop3A_510 = arith.constant 16 : i32
      %parallel_loop3A_511 = vector.broadcast %parallel_loop3A_510 : i32 to vector<16xi32>
      %parallel_loop3A_512 = arith.shli %parallel_loop3A_509, %parallel_loop3A_511 : vector<16xi32>
      %parallel_loop3A_513 = vector.bitcast %parallel_loop3A_512 : vector<16xi32> to vector<16xf32>
      %parallel_loop3A_514 = arith.constant 0 : i32
      %parallel_loop3A_515 = arith.index_cast %parallel_loop3A_514 : i32 to index
      %parallel_loop3A_516 = arith.index_cast %parallel_loop3A_493 : i32 to index
      %parallel_loop3A_517 = tpu.vector_load %arg11[%parallel_loop3A_515, %parallel_loop3A_516] {strides = array<i32>} : memref<4x1024xf32, #tpu.memory_space<vmem>>, vector<16xf32>,
      tpu.vector_store %arg11[%parallel_loop3A_515, %parallel_loop3A_516], %parallel_loop3A_513 {strides = array<i32>} : memref<4x1024xf32, #tpu.memory_space<vmem>>, vector<16xf32>,
      %parallel_loop3A_518 = arith.constant -65536 : i32
      %parallel_loop3A_519 = vector.broadcast %parallel_loop3A_518 : i32 to vector<16xi32>
      %parallel_loop3A_520 = arith.andi %parallel_loop3A_509, %parallel_loop3A_519 : vector<16xi32>
      %parallel_loop3A_521 = vector.bitcast %parallel_loop3A_520 : vector<16xi32> to vector<16xf32>
      %parallel_loop3A_522 = arith.constant 1 : i32
      %parallel_loop3A_523 = arith.index_cast %parallel_loop3A_522 : i32 to index
      %parallel_loop3A_524 = arith.index_cast %parallel_loop3A_493 : i32 to index
      %parallel_loop3A_525 = tpu.vector_load %arg11[%parallel_loop3A_523, %parallel_loop3A_524] {strides = array<i32>} : memref<4x1024xf32, #tpu.memory_space<vmem>>, vector<16xf32>,
      tpu.vector_store %arg11[%parallel_loop3A_523, %parallel_loop3A_524], %parallel_loop3A_521 {strides = array<i32>} : memref<4x1024xf32, #tpu.memory_space<vmem>>, vector<16xf32>,
      %parallel_loop3A_526 = arith.maximumf %parallel_loop3A_506#2, %parallel_loop3A_506#3 : vector<32xbf16>
      %parallel_loop3A_527 = vector.bitcast %parallel_loop3A_526 : vector<32xbf16> to vector<16xi32>
      %parallel_loop3A_528 = arith.constant 16 : i32
      %parallel_loop3A_529 = vector.broadcast %parallel_loop3A_528 : i32 to vector<16xi32>
      %parallel_loop3A_530 = arith.shli %parallel_loop3A_527, %parallel_loop3A_529 : vector<16xi32>
      %parallel_loop3A_531 = vector.bitcast %parallel_loop3A_530 : vector<16xi32> to vector<16xf32>
      %parallel_loop3A_532 = arith.constant 2 : i32
      %parallel_loop3A_533 = arith.index_cast %parallel_loop3A_532 : i32 to index
      %parallel_loop3A_534 = arith.index_cast %parallel_loop3A_493 : i32 to index
      %parallel_loop3A_535 = tpu.vector_load %arg11[%parallel_loop3A_533, %parallel_loop3A_534] {strides = array<i32>} : memref<4x1024xf32, #tpu.memory_space<vmem>>, vector<16xf32>,
      tpu.vector_store %arg11[%parallel_loop3A_533, %parallel_loop3A_534], %parallel_loop3A_531 {strides = array<i32>} : memref<4x1024xf32, #tpu.memory_space<vmem>>, vector<16xf32>,
      %parallel_loop3A_536 = arith.constant -65536 : i32
      %parallel_loop3A_537 = vector.broadcast %parallel_loop3A_536 : i32 to vector<16xi32>
      %parallel_loop3A_538 = arith.andi %parallel_loop3A_527, %parallel_loop3A_537 : vector<16xi32>
      %parallel_loop3A_539 = vector.bitcast %parallel_loop3A_538 : vector<16xi32> to vector<16xf32>
      %parallel_loop3A_540 = arith.constant 3 : i32
      %parallel_loop3A_541 = arith.index_cast %parallel_loop3A_540 : i32 to index
      %parallel_loop3A_542 = arith.index_cast %parallel_loop3A_493 : i32 to index
      %parallel_loop3A_543 = tpu.vector_load %arg11[%parallel_loop3A_541, %parallel_loop3A_542] {strides = array<i32>} : memref<4x1024xf32, #tpu.memory_space<vmem>>, vector<16xf32>,
      tpu.vector_store %arg11[%parallel_loop3A_541, %parallel_loop3A_542], %parallel_loop3A_539 {strides = array<i32>} : memref<4x1024xf32, #tpu.memory_space<vmem>>, vector<16xf32>,
    } {sc.loop_unroll_factor = 1 : i64, sc.parallel_access}
    %mul3A_177 = arith.constant 4 : i32
    %mul3A_178 = arith.muli %add3A, %mul3A_177 : i32
    %dma_start3A_179 = arith.constant 0 : i32
    %dma_start3A_180 = arith.constant 0 : i32
    %dma_start3A_181 = tpu.memref_slice %arg11[%dma_start3A_179, %dma_start3A_180] : memref<4x1024xf32, #tpu.memory_space<vmem>> -> memref<4x1024xf32, #tpu.memory_space<vmem>>
    %dma_start3A_182 = arith.constant 3072 : i32
    %dma_start3A_183 = tpu.memref_slice %arg5[%mul3A_178, %dma_start3A_182] : memref<128x10000xf32, #tpu.memory_space<hbm>> -> memref<4x1024xf32, #tpu.memory_space<hbm>>
    %dma_start3A_184 = arith.constant 3072 : i32
    %dma_start3A_185 = tpu.memref_slice %arg5[%mul3A_178, %dma_start3A_184] : memref<128x10000xf32, #tpu.memory_space<hbm>> -> memref<4x1024xf32, #tpu.memory_space<hbm>>
    %dma_start3A_186 = arith.constant 0 : i32
    %dma_start3A_187 = arith.constant 0 : i32
    %dma_start3A_188 = tpu.memref_slice %arg11[%dma_start3A_186, %dma_start3A_187] : memref<4x1024xf32, #tpu.memory_space<vmem>> -> memref<4x1024xf32, #tpu.memory_space<vmem>>
    tpu.enqueue_dma source(%dma_start3A_188 : memref<4x1024xf32, #tpu.memory_space<vmem>>) target(%dma_start3A_185 : memref<4x1024xf32, #tpu.memory_space<hbm>>) target_semaphore(%arg15 : memref<!tpu.dma_semaphore, #tpu.memory_space<semaphore_mem>>)
    %dma_start3A_189 = arith.constant 0 : i32
    %dma_start3A_190 = arith.constant 0 : i32
    %dma_start3A_191 = tpu.memref_slice %arg9[%dma_start3A_189, %dma_start3A_190] : memref<32x1024xi32, #tpu.memory_space<vmem>> -> memref<32x1024xi32, #tpu.memory_space<vmem>>
    %dma_start3A_192 = arith.constant 0 : i32
    %dma_start3A_193 = arith.constant 5120 : i32
    %dma_start3A_194 = tpu.memref_slice %arg4[%dma_start3A_192, %dma_start3A_193] : memref<32x10000xi32, #tpu.memory_space<hbm>> -> memref<32x1024xi32, #tpu.memory_space<hbm>>
    %dma_start3A_195 = arith.constant 0 : i32
    %dma_start3A_196 = arith.constant 0 : i32
    %dma_start3A_197 = tpu.memref_slice %arg9[%dma_start3A_195, %dma_start3A_196] : memref<32x1024xi32, #tpu.memory_space<vmem>> -> memref<32x1024xi32, #tpu.memory_space<vmem>>
    %dma_start3A_198 = arith.constant 0 : i32
    %dma_start3A_199 = arith.constant 5120 : i32
    %dma_start3A_200 = tpu.memref_slice %arg4[%dma_start3A_198, %dma_start3A_199] : memref<32x10000xi32, #tpu.memory_space<hbm>> -> memref<32x1024xi32, #tpu.memory_space<hbm>>
    tpu.enqueue_dma source(%dma_start3A_200 : memref<32x1024xi32, #tpu.memory_space<hbm>>) target(%dma_start3A_197 : memref<32x1024xi32, #tpu.memory_space<vmem>>) target_semaphore(%arg13 : memref<!tpu.dma_semaphore, #tpu.memory_space<semaphore_mem>>)
    %dma_wait3A_201 = arith.constant 0 : i32
    %dma_wait3A_202 = arith.constant 0 : i32
    %dma_wait3A_203 = tpu.memref_slice %arg8[%dma_wait3A_201, %dma_wait3A_202] : memref<32x1024xi32, #tpu.memory_space<vmem>> -> memref<32x1024xi32, #tpu.memory_space<vmem>>
    %dma_wait3A_204 = arith.constant 0 : i32
    %dma_wait3A_205 = arith.constant 4096 : i32
    %dma_wait3A_206 = tpu.memref_slice %arg4[%dma_wait3A_204, %dma_wait3A_205] : memref<32x10000xi32, #tpu.memory_space<hbm>> -> memref<32x1024xi32, #tpu.memory_space<hbm>>
    %dma_wait3A_207 = arith.constant 0 : i32
    %dma_wait3A_208 = arith.constant 0 : i32
    %dma_wait3A_209 = tpu.memref_slice %arg8[%dma_wait3A_207, %dma_wait3A_208] : memref<32x1024xi32, #tpu.memory_space<vmem>> -> memref<32x1024xi32, #tpu.memory_space<vmem>>
    %dma_wait3A_210 = arith.constant 0 : i32
    %dma_wait3A_211 = arith.constant 4096 : i32
    %dma_wait3A_212 = tpu.memref_slice %arg4[%dma_wait3A_210, %dma_wait3A_211] : memref<32x10000xi32, #tpu.memory_space<hbm>> -> memref<32x1024xi32, #tpu.memory_space<hbm>>
    tpu.wait_dma2 semaphore(%arg12 : memref<!tpu.dma_semaphore, #tpu.memory_space<semaphore_mem>>) src(%dma_wait3A_212 : memref<32x1024xi32, #tpu.memory_space<hbm>>) dst(%dma_wait3A_209 : memref<32x1024xi32, #tpu.memory_space<vmem>>)
    %dma_wait3A_213 = arith.constant 0 : i32
    %dma_wait3A_214 = arith.constant 0 : i32
    %dma_wait3A_215 = tpu.memref_slice %arg10[%dma_wait3A_213, %dma_wait3A_214] : memref<4x1024xf32, #tpu.memory_space<vmem>> -> memref<4x1024xf32, #tpu.memory_space<vmem>>
    %dma_wait3A_216 = arith.constant 2048 : i32
    %dma_wait3A_217 = tpu.memref_slice %arg5[%mul3A_129, %dma_wait3A_216] : memref<128x10000xf32, #tpu.memory_space<hbm>> -> memref<4x1024xf32, #tpu.memory_space<hbm>>
    %dma_wait3A_218 = arith.constant 2048 : i32
    %dma_wait3A_219 = tpu.memref_slice %arg5[%mul3A_129, %dma_wait3A_218] : memref<128x10000xf32, #tpu.memory_space<hbm>> -> memref<4x1024xf32, #tpu.memory_space<hbm>>
    %dma_wait3A_220 = arith.constant 0 : i32
    %dma_wait3A_221 = arith.constant 0 : i32
    %dma_wait3A_222 = tpu.memref_slice %arg10[%dma_wait3A_220, %dma_wait3A_221] : memref<4x1024xf32, #tpu.memory_space<vmem>> -> memref<4x1024xf32, #tpu.memory_space<vmem>>
    tpu.wait_dma2 semaphore(%arg14 : memref<!tpu.dma_semaphore, #tpu.memory_space<semaphore_mem>>) src(%dma_wait3A_222 : memref<4x1024xf32, #tpu.memory_space<vmem>>) dst(%dma_wait3A_219 : memref<4x1024xf32, #tpu.memory_space<hbm>>)
    %parallel_loop3A_223 = arith.constant 0 : i32
    %parallel_loop3A_224 = arith.constant 64 : i32
    %parallel_loop3A_225 = arith.constant 1 : i32
    scf.for %parallel_loop3A_491 = %parallel_loop3A_223 to %parallel_loop3A_224 step %parallel_loop3A_225  : i32 {
      %parallel_loop3A_492 = arith.constant 16 : i32
      %parallel_loop3A_493 = arith.muli %parallel_loop3A_491, %parallel_loop3A_492 : i32
      %parallel_loop3A_494 = arith.constant 0.000000e+00 : bf16
      %parallel_loop3A_495 = vector.broadcast %parallel_loop3A_494 : bf16 to vector<32xbf16>
      %parallel_loop3A_496 = arith.constant 0.000000e+00 : bf16
      %parallel_loop3A_497 = vector.broadcast %parallel_loop3A_496 : bf16 to vector<32xbf16>
      %parallel_loop3A_498 = arith.constant 0.000000e+00 : bf16
      %parallel_loop3A_499 = vector.broadcast %parallel_loop3A_498 : bf16 to vector<32xbf16>
      %parallel_loop3A_500 = arith.constant 0.000000e+00 : bf16
      %parallel_loop3A_501 = vector.broadcast %parallel_loop3A_500 : bf16 to vector<32xbf16>
      %parallel_loop3A_502 = arith.constant 0 : i32
      %parallel_loop3A_503 = arith.constant 4 : i32
      %parallel_loop3A_504 = arith.addi %parallel_loop3A_502, %parallel_loop3A_503 : i32
      %parallel_loop3A_505 = arith.constant 1 : i32
      %parallel_loop3A_506:4 = scf.for %scan3A = %parallel_loop3A_502 to %parallel_loop3A_504 step %parallel_loop3A_505 iter_args(%scan3A_544 = %parallel_loop3A_495, %scan3A_545 = %parallel_loop3A_497, %scan3A_546 = %parallel_loop3A_499, %scan3A_547 = %parallel_loop3A_501) -> (vector<32xbf16>, vector<32xbf16>, vector<32xbf16>, vector<32xbf16>)  : i32 {
        %parallel_loop3A_548 = arith.constant 8 : i32
        %parallel_loop3A_549 = arith.muli %scan3A, %parallel_loop3A_548 : i32
        %parallel_loop3A_550 = arith.constant 0 : i32
        %parallel_loop3A_551 = arith.addi %parallel_loop3A_549, %parallel_loop3A_550 : i32
        %parallel_loop3A_552 = arith.index_cast %parallel_loop3A_551 : i32 to index
        %parallel_loop3A_553 = arith.index_cast %parallel_loop3A_493 : i32 to index
        %parallel_loop3A_554 = tpu.vector_load %arg8[%parallel_loop3A_552, %parallel_loop3A_553] {strides = array<i32>} : memref<32x1024xi32, #tpu.memory_space<vmem>>, vector<16xi32>,
        %parallel_loop3A_555 = arith.constant 65535 : i32
        %parallel_loop3A_556 = vector.broadcast %parallel_loop3A_555 : i32 to vector<16xi32>
        %parallel_loop3A_557 = arith.andi %parallel_loop3A_554, %parallel_loop3A_556 : vector<16xi32>
        %parallel_loop3A_558 = arith.constant 16 : i32
        %parallel_loop3A_559 = vector.broadcast %parallel_loop3A_558 : i32 to vector<16xi32>
        %parallel_loop3A_560 = arith.shrui %parallel_loop3A_554, %parallel_loop3A_559 : vector<16xi32>
        %parallel_loop3A_561 = arith.addi %broadcast_in_dim3A_1, %parallel_loop3A_557 : vector<16xi32>
        %parallel_loop3A_562 = tpu.vector_load_idx %arg6[%parallel_loop3A_561] : memref<20000xi32, #tpu.memory_space<vmem>>[vector<16xi32>], vector<16xi32>,
        %parallel_loop3A_563 = vector.bitcast %parallel_loop3A_562 : vector<16xi32> to vector<32xbf16>
        %parallel_loop3A_564 = arith.addi %broadcast_in_dim3A_1, %parallel_loop3A_560 : vector<16xi32>
        %parallel_loop3A_565 = tpu.vector_load_idx %arg7[%parallel_loop3A_564] : memref<20000xi32, #tpu.memory_space<vmem>>[vector<16xi32>], vector<16xi32>,
        %parallel_loop3A_566 = vector.bitcast %parallel_loop3A_565 : vector<16xi32> to vector<32xbf16>
        %parallel_loop3A_567 = arith.addf %parallel_loop3A_563, %parallel_loop3A_566 : vector<32xbf16>
        %parallel_loop3A_568 = arith.maximumf %scan3A_544, %parallel_loop3A_567 : vector<32xbf16>
        %parallel_loop3A_569 = arith.addi %broadcast_in_dim3A_3, %parallel_loop3A_557 : vector<16xi32>
        %parallel_loop3A_570 = tpu.vector_load_idx %arg6[%parallel_loop3A_569] : memref<20000xi32, #tpu.memory_space<vmem>>[vector<16xi32>], vector<16xi32>,
        %parallel_loop3A_571 = vector.bitcast %parallel_loop3A_570 : vector<16xi32> to vector<32xbf16>
        %parallel_loop3A_572 = arith.addi %broadcast_in_dim3A_3, %parallel_loop3A_560 : vector<16xi32>
        %parallel_loop3A_573 = tpu.vector_load_idx %arg7[%parallel_loop3A_572] : memref<20000xi32, #tpu.memory_space<vmem>>[vector<16xi32>], vector<16xi32>,
        %parallel_loop3A_574 = vector.bitcast %parallel_loop3A_573 : vector<16xi32> to vector<32xbf16>
        %parallel_loop3A_575 = arith.addf %parallel_loop3A_571, %parallel_loop3A_574 : vector<32xbf16>
        %parallel_loop3A_576 = arith.maximumf %scan3A_546, %parallel_loop3A_575 : vector<32xbf16>
        %parallel_loop3A_577 = arith.constant 8 : i32
        %parallel_loop3A_578 = arith.muli %scan3A, %parallel_loop3A_577 : i32
        %parallel_loop3A_579 = arith.constant 1 : i32
        %parallel_loop3A_580 = arith.addi %parallel_loop3A_578, %parallel_loop3A_579 : i32
        %parallel_loop3A_581 = arith.index_cast %parallel_loop3A_580 : i32 to index
        %parallel_loop3A_582 = arith.index_cast %parallel_loop3A_493 : i32 to index
        %parallel_loop3A_583 = tpu.vector_load %arg8[%parallel_loop3A_581, %parallel_loop3A_582] {strides = array<i32>} : memref<32x1024xi32, #tpu.memory_space<vmem>>, vector<16xi32>,
        %parallel_loop3A_584 = arith.constant 65535 : i32
        %parallel_loop3A_585 = vector.broadcast %parallel_loop3A_584 : i32 to vector<16xi32>
        %parallel_loop3A_586 = arith.andi %parallel_loop3A_583, %parallel_loop3A_585 : vector<16xi32>
        %parallel_loop3A_587 = arith.constant 16 : i32
        %parallel_loop3A_588 = vector.broadcast %parallel_loop3A_587 : i32 to vector<16xi32>
        %parallel_loop3A_589 = arith.shrui %parallel_loop3A_583, %parallel_loop3A_588 : vector<16xi32>
        %parallel_loop3A_590 = arith.addi %broadcast_in_dim3A_1, %parallel_loop3A_586 : vector<16xi32>
        %parallel_loop3A_591 = tpu.vector_load_idx %arg6[%parallel_loop3A_590] : memref<20000xi32, #tpu.memory_space<vmem>>[vector<16xi32>], vector<16xi32>,
        %parallel_loop3A_592 = vector.bitcast %parallel_loop3A_591 : vector<16xi32> to vector<32xbf16>
        %parallel_loop3A_593 = arith.addi %broadcast_in_dim3A_1, %parallel_loop3A_589 : vector<16xi32>
        %parallel_loop3A_594 = tpu.vector_load_idx %arg7[%parallel_loop3A_593] : memref<20000xi32, #tpu.memory_space<vmem>>[vector<16xi32>], vector<16xi32>,
        %parallel_loop3A_595 = vector.bitcast %parallel_loop3A_594 : vector<16xi32> to vector<32xbf16>
        %parallel_loop3A_596 = arith.addf %parallel_loop3A_592, %parallel_loop3A_595 : vector<32xbf16>
        %parallel_loop3A_597 = arith.maximumf %scan3A_545, %parallel_loop3A_596 : vector<32xbf16>
        %parallel_loop3A_598 = arith.addi %broadcast_in_dim3A_3, %parallel_loop3A_586 : vector<16xi32>
        %parallel_loop3A_599 = tpu.vector_load_idx %arg6[%parallel_loop3A_598] : memref<20000xi32, #tpu.memory_space<vmem>>[vector<16xi32>], vector<16xi32>,
        %parallel_loop3A_600 = vector.bitcast %parallel_loop3A_599 : vector<16xi32> to vector<32xbf16>
        %parallel_loop3A_601 = arith.addi %broadcast_in_dim3A_3, %parallel_loop3A_589 : vector<16xi32>
        %parallel_loop3A_602 = tpu.vector_load_idx %arg7[%parallel_loop3A_601] : memref<20000xi32, #tpu.memory_space<vmem>>[vector<16xi32>], vector<16xi32>,
        %parallel_loop3A_603 = vector.bitcast %parallel_loop3A_602 : vector<16xi32> to vector<32xbf16>
        %parallel_loop3A_604 = arith.addf %parallel_loop3A_600, %parallel_loop3A_603 : vector<32xbf16>
        %parallel_loop3A_605 = arith.maximumf %scan3A_547, %parallel_loop3A_604 : vector<32xbf16>
        %parallel_loop3A_606 = arith.constant 8 : i32
        %parallel_loop3A_607 = arith.muli %scan3A, %parallel_loop3A_606 : i32
        %parallel_loop3A_608 = arith.constant 2 : i32
        %parallel_loop3A_609 = arith.addi %parallel_loop3A_607, %parallel_loop3A_608 : i32
        %parallel_loop3A_610 = arith.index_cast %parallel_loop3A_609 : i32 to index
        %parallel_loop3A_611 = arith.index_cast %parallel_loop3A_493 : i32 to index
        %parallel_loop3A_612 = tpu.vector_load %arg8[%parallel_loop3A_610, %parallel_loop3A_611] {strides = array<i32>} : memref<32x1024xi32, #tpu.memory_space<vmem>>, vector<16xi32>,
        %parallel_loop3A_613 = arith.constant 65535 : i32
        %parallel_loop3A_614 = vector.broadcast %parallel_loop3A_613 : i32 to vector<16xi32>
        %parallel_loop3A_615 = arith.andi %parallel_loop3A_612, %parallel_loop3A_614 : vector<16xi32>
        %parallel_loop3A_616 = arith.constant 16 : i32
        %parallel_loop3A_617 = vector.broadcast %parallel_loop3A_616 : i32 to vector<16xi32>
        %parallel_loop3A_618 = arith.shrui %parallel_loop3A_612, %parallel_loop3A_617 : vector<16xi32>
        %parallel_loop3A_619 = arith.addi %broadcast_in_dim3A_1, %parallel_loop3A_615 : vector<16xi32>
        %parallel_loop3A_620 = tpu.vector_load_idx %arg6[%parallel_loop3A_619] : memref<20000xi32, #tpu.memory_space<vmem>>[vector<16xi32>], vector<16xi32>,
        %parallel_loop3A_621 = vector.bitcast %parallel_loop3A_620 : vector<16xi32> to vector<32xbf16>
        %parallel_loop3A_622 = arith.addi %broadcast_in_dim3A_1, %parallel_loop3A_618 : vector<16xi32>
        %parallel_loop3A_623 = tpu.vector_load_idx %arg7[%parallel_loop3A_622] : memref<20000xi32, #tpu.memory_space<vmem>>[vector<16xi32>], vector<16xi32>,
        %parallel_loop3A_624 = vector.bitcast %parallel_loop3A_623 : vector<16xi32> to vector<32xbf16>
        %parallel_loop3A_625 = arith.addf %parallel_loop3A_621, %parallel_loop3A_624 : vector<32xbf16>
        %parallel_loop3A_626 = arith.maximumf %parallel_loop3A_568, %parallel_loop3A_625 : vector<32xbf16>
        %parallel_loop3A_627 = arith.addi %broadcast_in_dim3A_3, %parallel_loop3A_615 : vector<16xi32>
        %parallel_loop3A_628 = tpu.vector_load_idx %arg6[%parallel_loop3A_627] : memref<20000xi32, #tpu.memory_space<vmem>>[vector<16xi32>], vector<16xi32>,
        %parallel_loop3A_629 = vector.bitcast %parallel_loop3A_628 : vector<16xi32> to vector<32xbf16>
        %parallel_loop3A_630 = arith.addi %broadcast_in_dim3A_3, %parallel_loop3A_618 : vector<16xi32>
        %parallel_loop3A_631 = tpu.vector_load_idx %arg7[%parallel_loop3A_630] : memref<20000xi32, #tpu.memory_space<vmem>>[vector<16xi32>], vector<16xi32>,
        %parallel_loop3A_632 = vector.bitcast %parallel_loop3A_631 : vector<16xi32> to vector<32xbf16>
        %parallel_loop3A_633 = arith.addf %parallel_loop3A_629, %parallel_loop3A_632 : vector<32xbf16>
        %parallel_loop3A_634 = arith.maximumf %parallel_loop3A_576, %parallel_loop3A_633 : vector<32xbf16>
        %parallel_loop3A_635 = arith.constant 8 : i32
        %parallel_loop3A_636 = arith.muli %scan3A, %parallel_loop3A_635 : i32
        %parallel_loop3A_637 = arith.constant 3 : i32
        %parallel_loop3A_638 = arith.addi %parallel_loop3A_636, %parallel_loop3A_637 : i32
        %parallel_loop3A_639 = arith.index_cast %parallel_loop3A_638 : i32 to index
        %parallel_loop3A_640 = arith.index_cast %parallel_loop3A_493 : i32 to index
        %parallel_loop3A_641 = tpu.vector_load %arg8[%parallel_loop3A_639, %parallel_loop3A_640] {strides = array<i32>} : memref<32x1024xi32, #tpu.memory_space<vmem>>, vector<16xi32>,
        %parallel_loop3A_642 = arith.constant 65535 : i32
        %parallel_loop3A_643 = vector.broadcast %parallel_loop3A_642 : i32 to vector<16xi32>
        %parallel_loop3A_644 = arith.andi %parallel_loop3A_641, %parallel_loop3A_643 : vector<16xi32>
        %parallel_loop3A_645 = arith.constant 16 : i32
        %parallel_loop3A_646 = vector.broadcast %parallel_loop3A_645 : i32 to vector<16xi32>
        %parallel_loop3A_647 = arith.shrui %parallel_loop3A_641, %parallel_loop3A_646 : vector<16xi32>
        %parallel_loop3A_648 = arith.addi %broadcast_in_dim3A_1, %parallel_loop3A_644 : vector<16xi32>
        %parallel_loop3A_649 = tpu.vector_load_idx %arg6[%parallel_loop3A_648] : memref<20000xi32, #tpu.memory_space<vmem>>[vector<16xi32>], vector<16xi32>,
        %parallel_loop3A_650 = vector.bitcast %parallel_loop3A_649 : vector<16xi32> to vector<32xbf16>
        %parallel_loop3A_651 = arith.addi %broadcast_in_dim3A_1, %parallel_loop3A_647 : vector<16xi32>
        %parallel_loop3A_652 = tpu.vector_load_idx %arg7[%parallel_loop3A_651] : memref<20000xi32, #tpu.memory_space<vmem>>[vector<16xi32>], vector<16xi32>,
        %parallel_loop3A_653 = vector.bitcast %parallel_loop3A_652 : vector<16xi32> to vector<32xbf16>
        %parallel_loop3A_654 = arith.addf %parallel_loop3A_650, %parallel_loop3A_653 : vector<32xbf16>
        %parallel_loop3A_655 = arith.maximumf %parallel_loop3A_597, %parallel_loop3A_654 : vector<32xbf16>
        %parallel_loop3A_656 = arith.addi %broadcast_in_dim3A_3, %parallel_loop3A_644 : vector<16xi32>
        %parallel_loop3A_657 = tpu.vector_load_idx %arg6[%parallel_loop3A_656] : memref<20000xi32, #tpu.memory_space<vmem>>[vector<16xi32>], vector<16xi32>,
        %parallel_loop3A_658 = vector.bitcast %parallel_loop3A_657 : vector<16xi32> to vector<32xbf16>
        %parallel_loop3A_659 = arith.addi %broadcast_in_dim3A_3, %parallel_loop3A_647 : vector<16xi32>
        %parallel_loop3A_660 = tpu.vector_load_idx %arg7[%parallel_loop3A_659] : memref<20000xi32, #tpu.memory_space<vmem>>[vector<16xi32>], vector<16xi32>,
        %parallel_loop3A_661 = vector.bitcast %parallel_loop3A_660 : vector<16xi32> to vector<32xbf16>
        %parallel_loop3A_662 = arith.addf %parallel_loop3A_658, %parallel_loop3A_661 : vector<32xbf16>
        %parallel_loop3A_663 = arith.maximumf %parallel_loop3A_605, %parallel_loop3A_662 : vector<32xbf16>
        %parallel_loop3A_664 = arith.constant 8 : i32
        %parallel_loop3A_665 = arith.muli %scan3A, %parallel_loop3A_664 : i32
        %parallel_loop3A_666 = arith.constant 4 : i32
        %parallel_loop3A_667 = arith.addi %parallel_loop3A_665, %parallel_loop3A_666 : i32
        %parallel_loop3A_668 = arith.index_cast %parallel_loop3A_667 : i32 to index
        %parallel_loop3A_669 = arith.index_cast %parallel_loop3A_493 : i32 to index
        %parallel_loop3A_670 = tpu.vector_load %arg8[%parallel_loop3A_668, %parallel_loop3A_669] {strides = array<i32>} : memref<32x1024xi32, #tpu.memory_space<vmem>>, vector<16xi32>,
        %parallel_loop3A_671 = arith.constant 65535 : i32
        %parallel_loop3A_672 = vector.broadcast %parallel_loop3A_671 : i32 to vector<16xi32>
        %parallel_loop3A_673 = arith.andi %parallel_loop3A_670, %parallel_loop3A_672 : vector<16xi32>
        %parallel_loop3A_674 = arith.constant 16 : i32
        %parallel_loop3A_675 = vector.broadcast %parallel_loop3A_674 : i32 to vector<16xi32>
        %parallel_loop3A_676 = arith.shrui %parallel_loop3A_670, %parallel_loop3A_675 : vector<16xi32>
        %parallel_loop3A_677 = arith.addi %broadcast_in_dim3A_1, %parallel_loop3A_673 : vector<16xi32>
        %parallel_loop3A_678 = tpu.vector_load_idx %arg6[%parallel_loop3A_677] : memref<20000xi32, #tpu.memory_space<vmem>>[vector<16xi32>], vector<16xi32>,
        %parallel_loop3A_679 = vector.bitcast %parallel_loop3A_678 : vector<16xi32> to vector<32xbf16>
        %parallel_loop3A_680 = arith.addi %broadcast_in_dim3A_1, %parallel_loop3A_676 : vector<16xi32>
        %parallel_loop3A_681 = tpu.vector_load_idx %arg7[%parallel_loop3A_680] : memref<20000xi32, #tpu.memory_space<vmem>>[vector<16xi32>], vector<16xi32>,
        %parallel_loop3A_682 = vector.bitcast %parallel_loop3A_681 : vector<16xi32> to vector<32xbf16>
        %parallel_loop3A_683 = arith.addf %parallel_loop3A_679, %parallel_loop3A_682 : vector<32xbf16>
        %parallel_loop3A_684 = arith.maximumf %parallel_loop3A_626, %parallel_loop3A_683 : vector<32xbf16>
        %parallel_loop3A_685 = arith.addi %broadcast_in_dim3A_3, %parallel_loop3A_673 : vector<16xi32>
        %parallel_loop3A_686 = tpu.vector_load_idx %arg6[%parallel_loop3A_685] : memref<20000xi32, #tpu.memory_space<vmem>>[vector<16xi32>], vector<16xi32>,
        %parallel_loop3A_687 = vector.bitcast %parallel_loop3A_686 : vector<16xi32> to vector<32xbf16>
        %parallel_loop3A_688 = arith.addi %broadcast_in_dim3A_3, %parallel_loop3A_676 : vector<16xi32>
        %parallel_loop3A_689 = tpu.vector_load_idx %arg7[%parallel_loop3A_688] : memref<20000xi32, #tpu.memory_space<vmem>>[vector<16xi32>], vector<16xi32>,
        %parallel_loop3A_690 = vector.bitcast %parallel_loop3A_689 : vector<16xi32> to vector<32xbf16>
        %parallel_loop3A_691 = arith.addf %parallel_loop3A_687, %parallel_loop3A_690 : vector<32xbf16>
        %parallel_loop3A_692 = arith.maximumf %parallel_loop3A_634, %parallel_loop3A_691 : vector<32xbf16>
        %parallel_loop3A_693 = arith.constant 8 : i32
        %parallel_loop3A_694 = arith.muli %scan3A, %parallel_loop3A_693 : i32
        %parallel_loop3A_695 = arith.constant 5 : i32
        %parallel_loop3A_696 = arith.addi %parallel_loop3A_694, %parallel_loop3A_695 : i32
        %parallel_loop3A_697 = arith.index_cast %parallel_loop3A_696 : i32 to index
        %parallel_loop3A_698 = arith.index_cast %parallel_loop3A_493 : i32 to index
        %parallel_loop3A_699 = tpu.vector_load %arg8[%parallel_loop3A_697, %parallel_loop3A_698] {strides = array<i32>} : memref<32x1024xi32, #tpu.memory_space<vmem>>, vector<16xi32>,
        %parallel_loop3A_700 = arith.constant 65535 : i32
        %parallel_loop3A_701 = vector.broadcast %parallel_loop3A_700 : i32 to vector<16xi32>
        %parallel_loop3A_702 = arith.andi %parallel_loop3A_699, %parallel_loop3A_701 : vector<16xi32>
        %parallel_loop3A_703 = arith.constant 16 : i32
        %parallel_loop3A_704 = vector.broadcast %parallel_loop3A_703 : i32 to vector<16xi32>
        %parallel_loop3A_705 = arith.shrui %parallel_loop3A_699, %parallel_loop3A_704 : vector<16xi32>
        %parallel_loop3A_706 = arith.addi %broadcast_in_dim3A_1, %parallel_loop3A_702 : vector<16xi32>
        %parallel_loop3A_707 = tpu.vector_load_idx %arg6[%parallel_loop3A_706] : memref<20000xi32, #tpu.memory_space<vmem>>[vector<16xi32>], vector<16xi32>,
        %parallel_loop3A_708 = vector.bitcast %parallel_loop3A_707 : vector<16xi32> to vector<32xbf16>
        %parallel_loop3A_709 = arith.addi %broadcast_in_dim3A_1, %parallel_loop3A_705 : vector<16xi32>
        %parallel_loop3A_710 = tpu.vector_load_idx %arg7[%parallel_loop3A_709] : memref<20000xi32, #tpu.memory_space<vmem>>[vector<16xi32>], vector<16xi32>,
        %parallel_loop3A_711 = vector.bitcast %parallel_loop3A_710 : vector<16xi32> to vector<32xbf16>
        %parallel_loop3A_712 = arith.addf %parallel_loop3A_708, %parallel_loop3A_711 : vector<32xbf16>
        %parallel_loop3A_713 = arith.maximumf %parallel_loop3A_655, %parallel_loop3A_712 : vector<32xbf16>
        %parallel_loop3A_714 = arith.addi %broadcast_in_dim3A_3, %parallel_loop3A_702 : vector<16xi32>
        %parallel_loop3A_715 = tpu.vector_load_idx %arg6[%parallel_loop3A_714] : memref<20000xi32, #tpu.memory_space<vmem>>[vector<16xi32>], vector<16xi32>,
        %parallel_loop3A_716 = vector.bitcast %parallel_loop3A_715 : vector<16xi32> to vector<32xbf16>
        %parallel_loop3A_717 = arith.addi %broadcast_in_dim3A_3, %parallel_loop3A_705 : vector<16xi32>
        %parallel_loop3A_718 = tpu.vector_load_idx %arg7[%parallel_loop3A_717] : memref<20000xi32, #tpu.memory_space<vmem>>[vector<16xi32>], vector<16xi32>,
        %parallel_loop3A_719 = vector.bitcast %parallel_loop3A_718 : vector<16xi32> to vector<32xbf16>
        %parallel_loop3A_720 = arith.addf %parallel_loop3A_716, %parallel_loop3A_719 : vector<32xbf16>
        %parallel_loop3A_721 = arith.maximumf %parallel_loop3A_663, %parallel_loop3A_720 : vector<32xbf16>
        %parallel_loop3A_722 = arith.constant 8 : i32
        %parallel_loop3A_723 = arith.muli %scan3A, %parallel_loop3A_722 : i32
        %parallel_loop3A_724 = arith.constant 6 : i32
        %parallel_loop3A_725 = arith.addi %parallel_loop3A_723, %parallel_loop3A_724 : i32
        %parallel_loop3A_726 = arith.index_cast %parallel_loop3A_725 : i32 to index
        %parallel_loop3A_727 = arith.index_cast %parallel_loop3A_493 : i32 to index
        %parallel_loop3A_728 = tpu.vector_load %arg8[%parallel_loop3A_726, %parallel_loop3A_727] {strides = array<i32>} : memref<32x1024xi32, #tpu.memory_space<vmem>>, vector<16xi32>,
        %parallel_loop3A_729 = arith.constant 65535 : i32
        %parallel_loop3A_730 = vector.broadcast %parallel_loop3A_729 : i32 to vector<16xi32>
        %parallel_loop3A_731 = arith.andi %parallel_loop3A_728, %parallel_loop3A_730 : vector<16xi32>
        %parallel_loop3A_732 = arith.constant 16 : i32
        %parallel_loop3A_733 = vector.broadcast %parallel_loop3A_732 : i32 to vector<16xi32>
        %parallel_loop3A_734 = arith.shrui %parallel_loop3A_728, %parallel_loop3A_733 : vector<16xi32>
        %parallel_loop3A_735 = arith.addi %broadcast_in_dim3A_1, %parallel_loop3A_731 : vector<16xi32>
        %parallel_loop3A_736 = tpu.vector_load_idx %arg6[%parallel_loop3A_735] : memref<20000xi32, #tpu.memory_space<vmem>>[vector<16xi32>], vector<16xi32>,
        %parallel_loop3A_737 = vector.bitcast %parallel_loop3A_736 : vector<16xi32> to vector<32xbf16>
        %parallel_loop3A_738 = arith.addi %broadcast_in_dim3A_1, %parallel_loop3A_734 : vector<16xi32>
        %parallel_loop3A_739 = tpu.vector_load_idx %arg7[%parallel_loop3A_738] : memref<20000xi32, #tpu.memory_space<vmem>>[vector<16xi32>], vector<16xi32>,
        %parallel_loop3A_740 = vector.bitcast %parallel_loop3A_739 : vector<16xi32> to vector<32xbf16>
        %parallel_loop3A_741 = arith.addf %parallel_loop3A_737, %parallel_loop3A_740 : vector<32xbf16>
        %parallel_loop3A_742 = arith.maximumf %parallel_loop3A_684, %parallel_loop3A_741 : vector<32xbf16>
        %parallel_loop3A_743 = arith.addi %broadcast_in_dim3A_3, %parallel_loop3A_731 : vector<16xi32>
        %parallel_loop3A_744 = tpu.vector_load_idx %arg6[%parallel_loop3A_743] : memref<20000xi32, #tpu.memory_space<vmem>>[vector<16xi32>], vector<16xi32>,
        %parallel_loop3A_745 = vector.bitcast %parallel_loop3A_744 : vector<16xi32> to vector<32xbf16>
        %parallel_loop3A_746 = arith.addi %broadcast_in_dim3A_3, %parallel_loop3A_734 : vector<16xi32>
        %parallel_loop3A_747 = tpu.vector_load_idx %arg7[%parallel_loop3A_746] : memref<20000xi32, #tpu.memory_space<vmem>>[vector<16xi32>], vector<16xi32>,
        %parallel_loop3A_748 = vector.bitcast %parallel_loop3A_747 : vector<16xi32> to vector<32xbf16>
        %parallel_loop3A_749 = arith.addf %parallel_loop3A_745, %parallel_loop3A_748 : vector<32xbf16>
        %parallel_loop3A_750 = arith.maximumf %parallel_loop3A_692, %parallel_loop3A_749 : vector<32xbf16>
        %parallel_loop3A_751 = arith.constant 8 : i32
        %parallel_loop3A_752 = arith.muli %scan3A, %parallel_loop3A_751 : i32
        %parallel_loop3A_753 = arith.constant 7 : i32
        %parallel_loop3A_754 = arith.addi %parallel_loop3A_752, %parallel_loop3A_753 : i32
        %parallel_loop3A_755 = arith.index_cast %parallel_loop3A_754 : i32 to index
        %parallel_loop3A_756 = arith.index_cast %parallel_loop3A_493 : i32 to index
        %parallel_loop3A_757 = tpu.vector_load %arg8[%parallel_loop3A_755, %parallel_loop3A_756] {strides = array<i32>} : memref<32x1024xi32, #tpu.memory_space<vmem>>, vector<16xi32>,
        %parallel_loop3A_758 = arith.constant 65535 : i32
        %parallel_loop3A_759 = vector.broadcast %parallel_loop3A_758 : i32 to vector<16xi32>
        %parallel_loop3A_760 = arith.andi %parallel_loop3A_757, %parallel_loop3A_759 : vector<16xi32>
        %parallel_loop3A_761 = arith.constant 16 : i32
        %parallel_loop3A_762 = vector.broadcast %parallel_loop3A_761 : i32 to vector<16xi32>
        %parallel_loop3A_763 = arith.shrui %parallel_loop3A_757, %parallel_loop3A_762 : vector<16xi32>
        %parallel_loop3A_764 = arith.addi %broadcast_in_dim3A_1, %parallel_loop3A_760 : vector<16xi32>
        %parallel_loop3A_765 = tpu.vector_load_idx %arg6[%parallel_loop3A_764] : memref<20000xi32, #tpu.memory_space<vmem>>[vector<16xi32>], vector<16xi32>,
        %parallel_loop3A_766 = vector.bitcast %parallel_loop3A_765 : vector<16xi32> to vector<32xbf16>
        %parallel_loop3A_767 = arith.addi %broadcast_in_dim3A_1, %parallel_loop3A_763 : vector<16xi32>
        %parallel_loop3A_768 = tpu.vector_load_idx %arg7[%parallel_loop3A_767] : memref<20000xi32, #tpu.memory_space<vmem>>[vector<16xi32>], vector<16xi32>,
        %parallel_loop3A_769 = vector.bitcast %parallel_loop3A_768 : vector<16xi32> to vector<32xbf16>
        %parallel_loop3A_770 = arith.addf %parallel_loop3A_766, %parallel_loop3A_769 : vector<32xbf16>
        %parallel_loop3A_771 = arith.maximumf %parallel_loop3A_713, %parallel_loop3A_770 : vector<32xbf16>
        %parallel_loop3A_772 = arith.addi %broadcast_in_dim3A_3, %parallel_loop3A_760 : vector<16xi32>
        %parallel_loop3A_773 = tpu.vector_load_idx %arg6[%parallel_loop3A_772] : memref<20000xi32, #tpu.memory_space<vmem>>[vector<16xi32>], vector<16xi32>,
        %parallel_loop3A_774 = vector.bitcast %parallel_loop3A_773 : vector<16xi32> to vector<32xbf16>
        %parallel_loop3A_775 = arith.addi %broadcast_in_dim3A_3, %parallel_loop3A_763 : vector<16xi32>
        %parallel_loop3A_776 = tpu.vector_load_idx %arg7[%parallel_loop3A_775] : memref<20000xi32, #tpu.memory_space<vmem>>[vector<16xi32>], vector<16xi32>,
        %parallel_loop3A_777 = vector.bitcast %parallel_loop3A_776 : vector<16xi32> to vector<32xbf16>
        %parallel_loop3A_778 = arith.addf %parallel_loop3A_774, %parallel_loop3A_777 : vector<32xbf16>
        %parallel_loop3A_779 = arith.maximumf %parallel_loop3A_721, %parallel_loop3A_778 : vector<32xbf16>
        scf.yield %parallel_loop3A_742, %parallel_loop3A_771, %parallel_loop3A_750, %parallel_loop3A_779 : vector<32xbf16>, vector<32xbf16>, vector<32xbf16>, vector<32xbf16>
      }
      %parallel_loop3A_507 = arith.constant 4 : i32
      %parallel_loop3A_508 = arith.maximumf %parallel_loop3A_506#0, %parallel_loop3A_506#1 : vector<32xbf16>
      %parallel_loop3A_509 = vector.bitcast %parallel_loop3A_508 : vector<32xbf16> to vector<16xi32>
      %parallel_loop3A_510 = arith.constant 16 : i32
      %parallel_loop3A_511 = vector.broadcast %parallel_loop3A_510 : i32 to vector<16xi32>
      %parallel_loop3A_512 = arith.shli %parallel_loop3A_509, %parallel_loop3A_511 : vector<16xi32>
      %parallel_loop3A_513 = vector.bitcast %parallel_loop3A_512 : vector<16xi32> to vector<16xf32>
      %parallel_loop3A_514 = arith.constant 0 : i32
      %parallel_loop3A_515 = arith.index_cast %parallel_loop3A_514 : i32 to index
      %parallel_loop3A_516 = arith.index_cast %parallel_loop3A_493 : i32 to index
      %parallel_loop3A_517 = tpu.vector_load %arg10[%parallel_loop3A_515, %parallel_loop3A_516] {strides = array<i32>} : memref<4x1024xf32, #tpu.memory_space<vmem>>, vector<16xf32>,
      tpu.vector_store %arg10[%parallel_loop3A_515, %parallel_loop3A_516], %parallel_loop3A_513 {strides = array<i32>} : memref<4x1024xf32, #tpu.memory_space<vmem>>, vector<16xf32>,
      %parallel_loop3A_518 = arith.constant -65536 : i32
      %parallel_loop3A_519 = vector.broadcast %parallel_loop3A_518 : i32 to vector<16xi32>
      %parallel_loop3A_520 = arith.andi %parallel_loop3A_509, %parallel_loop3A_519 : vector<16xi32>
      %parallel_loop3A_521 = vector.bitcast %parallel_loop3A_520 : vector<16xi32> to vector<16xf32>
      %parallel_loop3A_522 = arith.constant 1 : i32
      %parallel_loop3A_523 = arith.index_cast %parallel_loop3A_522 : i32 to index
      %parallel_loop3A_524 = arith.index_cast %parallel_loop3A_493 : i32 to index
      %parallel_loop3A_525 = tpu.vector_load %arg10[%parallel_loop3A_523, %parallel_loop3A_524] {strides = array<i32>} : memref<4x1024xf32, #tpu.memory_space<vmem>>, vector<16xf32>,
      tpu.vector_store %arg10[%parallel_loop3A_523, %parallel_loop3A_524], %parallel_loop3A_521 {strides = array<i32>} : memref<4x1024xf32, #tpu.memory_space<vmem>>, vector<16xf32>,
      %parallel_loop3A_526 = arith.maximumf %parallel_loop3A_506#2, %parallel_loop3A_506#3 : vector<32xbf16>
      %parallel_loop3A_527 = vector.bitcast %parallel_loop3A_526 : vector<32xbf16> to vector<16xi32>
      %parallel_loop3A_528 = arith.constant 16 : i32
      %parallel_loop3A_529 = vector.broadcast %parallel_loop3A_528 : i32 to vector<16xi32>
      %parallel_loop3A_530 = arith.shli %parallel_loop3A_527, %parallel_loop3A_529 : vector<16xi32>
      %parallel_loop3A_531 = vector.bitcast %parallel_loop3A_530 : vector<16xi32> to vector<16xf32>
      %parallel_loop3A_532 = arith.constant 2 : i32
      %parallel_loop3A_533 = arith.index_cast %parallel_loop3A_532 : i32 to index
      %parallel_loop3A_534 = arith.index_cast %parallel_loop3A_493 : i32 to index
      %parallel_loop3A_535 = tpu.vector_load %arg10[%parallel_loop3A_533, %parallel_loop3A_534] {strides = array<i32>} : memref<4x1024xf32, #tpu.memory_space<vmem>>, vector<16xf32>,
      tpu.vector_store %arg10[%parallel_loop3A_533, %parallel_loop3A_534], %parallel_loop3A_531 {strides = array<i32>} : memref<4x1024xf32, #tpu.memory_space<vmem>>, vector<16xf32>,
      %parallel_loop3A_536 = arith.constant -65536 : i32
      %parallel_loop3A_537 = vector.broadcast %parallel_loop3A_536 : i32 to vector<16xi32>
      %parallel_loop3A_538 = arith.andi %parallel_loop3A_527, %parallel_loop3A_537 : vector<16xi32>
      %parallel_loop3A_539 = vector.bitcast %parallel_loop3A_538 : vector<16xi32> to vector<16xf32>
      %parallel_loop3A_540 = arith.constant 3 : i32
      %parallel_loop3A_541 = arith.index_cast %parallel_loop3A_540 : i32 to index
      %parallel_loop3A_542 = arith.index_cast %parallel_loop3A_493 : i32 to index
      %parallel_loop3A_543 = tpu.vector_load %arg10[%parallel_loop3A_541, %parallel_loop3A_542] {strides = array<i32>} : memref<4x1024xf32, #tpu.memory_space<vmem>>, vector<16xf32>,
      tpu.vector_store %arg10[%parallel_loop3A_541, %parallel_loop3A_542], %parallel_loop3A_539 {strides = array<i32>} : memref<4x1024xf32, #tpu.memory_space<vmem>>, vector<16xf32>,
    } {sc.loop_unroll_factor = 1 : i64, sc.parallel_access}
    %mul3A_226 = arith.constant 4 : i32
    %mul3A_227 = arith.muli %add3A, %mul3A_226 : i32
    %dma_start3A_228 = arith.constant 0 : i32
    %dma_start3A_229 = arith.constant 0 : i32
    %dma_start3A_230 = tpu.memref_slice %arg10[%dma_start3A_228, %dma_start3A_229] : memref<4x1024xf32, #tpu.memory_space<vmem>> -> memref<4x1024xf32, #tpu.memory_space<vmem>>
    %dma_start3A_231 = arith.constant 4096 : i32
    %dma_start3A_232 = tpu.memref_slice %arg5[%mul3A_227, %dma_start3A_231] : memref<128x10000xf32, #tpu.memory_space<hbm>> -> memref<4x1024xf32, #tpu.memory_space<hbm>>
    %dma_start3A_233 = arith.constant 4096 : i32
    %dma_start3A_234 = tpu.memref_slice %arg5[%mul3A_227, %dma_start3A_233] : memref<128x10000xf32, #tpu.memory_space<hbm>> -> memref<4x1024xf32, #tpu.memory_space<hbm>>
    %dma_start3A_235 = arith.constant 0 : i32
    %dma_start3A_236 = arith.constant 0 : i32
    %dma_start3A_237 = tpu.memref_slice %arg10[%dma_start3A_235, %dma_start3A_236] : memref<4x1024xf32, #tpu.memory_space<vmem>> -> memref<4x1024xf32, #tpu.memory_space<vmem>>
    tpu.enqueue_dma source(%dma_start3A_237 : memref<4x1024xf32, #tpu.memory_space<vmem>>) target(%dma_start3A_234 : memref<4x1024xf32, #tpu.memory_space<hbm>>) target_semaphore(%arg14 : memref<!tpu.dma_semaphore, #tpu.memory_space<semaphore_mem>>)
    %dma_start3A_238 = arith.constant 0 : i32
    %dma_start3A_239 = arith.constant 0 : i32
    %dma_start3A_240 = tpu.memref_slice %arg8[%dma_start3A_238, %dma_start3A_239] : memref<32x1024xi32, #tpu.memory_space<vmem>> -> memref<32x1024xi32, #tpu.memory_space<vmem>>
    %dma_start3A_241 = arith.constant 0 : i32
    %dma_start3A_242 = arith.constant 6144 : i32
    %dma_start3A_243 = tpu.memref_slice %arg4[%dma_start3A_241, %dma_start3A_242] : memref<32x10000xi32, #tpu.memory_space<hbm>> -> memref<32x1024xi32, #tpu.memory_space<hbm>>
    %dma_start3A_244 = arith.constant 0 : i32
    %dma_start3A_245 = arith.constant 0 : i32
    %dma_start3A_246 = tpu.memref_slice %arg8[%dma_start3A_244, %dma_start3A_245] : memref<32x1024xi32, #tpu.memory_space<vmem>> -> memref<32x1024xi32, #tpu.memory_space<vmem>>
    %dma_start3A_247 = arith.constant 0 : i32
    %dma_start3A_248 = arith.constant 6144 : i32
    %dma_start3A_249 = tpu.memref_slice %arg4[%dma_start3A_247, %dma_start3A_248] : memref<32x10000xi32, #tpu.memory_space<hbm>> -> memref<32x1024xi32, #tpu.memory_space<hbm>>
    tpu.enqueue_dma source(%dma_start3A_249 : memref<32x1024xi32, #tpu.memory_space<hbm>>) target(%dma_start3A_246 : memref<32x1024xi32, #tpu.memory_space<vmem>>) target_semaphore(%arg12 : memref<!tpu.dma_semaphore, #tpu.memory_space<semaphore_mem>>)
    %dma_wait3A_250 = arith.constant 0 : i32
    %dma_wait3A_251 = arith.constant 0 : i32
    %dma_wait3A_252 = tpu.memref_slice %arg9[%dma_wait3A_250, %dma_wait3A_251] : memref<32x1024xi32, #tpu.memory_space<vmem>> -> memref<32x1024xi32, #tpu.memory_space<vmem>>
    %dma_wait3A_253 = arith.constant 0 : i32
    %dma_wait3A_254 = arith.constant 5120 : i32
    %dma_wait3A_255 = tpu.memref_slice %arg4[%dma_wait3A_253, %dma_wait3A_254] : memref<32x10000xi32, #tpu.memory_space<hbm>> -> memref<32x1024xi32, #tpu.memory_space<hbm>>
    %dma_wait3A_256 = arith.constant 0 : i32
    %dma_wait3A_257 = arith.constant 0 : i32
    %dma_wait3A_258 = tpu.memref_slice %arg9[%dma_wait3A_256, %dma_wait3A_257] : memref<32x1024xi32, #tpu.memory_space<vmem>> -> memref<32x1024xi32, #tpu.memory_space<vmem>>
    %dma_wait3A_259 = arith.constant 0 : i32
    %dma_wait3A_260 = arith.constant 5120 : i32
    %dma_wait3A_261 = tpu.memref_slice %arg4[%dma_wait3A_259, %dma_wait3A_260] : memref<32x10000xi32, #tpu.memory_space<hbm>> -> memref<32x1024xi32, #tpu.memory_space<hbm>>
    tpu.wait_dma2 semaphore(%arg13 : memref<!tpu.dma_semaphore, #tpu.memory_space<semaphore_mem>>) src(%dma_wait3A_261 : memref<32x1024xi32, #tpu.memory_space<hbm>>) dst(%dma_wait3A_258 : memref<32x1024xi32, #tpu.memory_space<vmem>>)
    %dma_wait3A_262 = arith.constant 0 : i32
    %dma_wait3A_263 = arith.constant 0 : i32
    %dma_wait3A_264 = tpu.memref_slice %arg11[%dma_wait3A_262, %dma_wait3A_263] : memref<4x1024xf32, #tpu.memory_space<vmem>> -> memref<4x1024xf32, #tpu.memory_space<vmem>>
    %dma_wait3A_265 = arith.constant 3072 : i32
    %dma_wait3A_266 = tpu.memref_slice %arg5[%mul3A_178, %dma_wait3A_265] : memref<128x10000xf32, #tpu.memory_space<hbm>> -> memref<4x1024xf32, #tpu.memory_space<hbm>>
    %dma_wait3A_267 = arith.constant 3072 : i32
    %dma_wait3A_268 = tpu.memref_slice %arg5[%mul3A_178, %dma_wait3A_267] : memref<128x10000xf32, #tpu.memory_space<hbm>> -> memref<4x1024xf32, #tpu.memory_space<hbm>>
    %dma_wait3A_269 = arith.constant 0 : i32
    %dma_wait3A_270 = arith.constant 0 : i32
    %dma_wait3A_271 = tpu.memref_slice %arg11[%dma_wait3A_269, %dma_wait3A_270] : memref<4x1024xf32, #tpu.memory_space<vmem>> -> memref<4x1024xf32, #tpu.memory_space<vmem>>
    tpu.wait_dma2 semaphore(%arg15 : memref<!tpu.dma_semaphore, #tpu.memory_space<semaphore_mem>>) src(%dma_wait3A_271 : memref<4x1024xf32, #tpu.memory_space<vmem>>) dst(%dma_wait3A_268 : memref<4x1024xf32, #tpu.memory_space<hbm>>)
    %parallel_loop3A_272 = arith.constant 0 : i32
    %parallel_loop3A_273 = arith.constant 64 : i32
    %parallel_loop3A_274 = arith.constant 1 : i32
    scf.for %parallel_loop3A_491 = %parallel_loop3A_272 to %parallel_loop3A_273 step %parallel_loop3A_274  : i32 {
      %parallel_loop3A_492 = arith.constant 16 : i32
      %parallel_loop3A_493 = arith.muli %parallel_loop3A_491, %parallel_loop3A_492 : i32
      %parallel_loop3A_494 = arith.constant 0.000000e+00 : bf16
      %parallel_loop3A_495 = vector.broadcast %parallel_loop3A_494 : bf16 to vector<32xbf16>
      %parallel_loop3A_496 = arith.constant 0.000000e+00 : bf16
      %parallel_loop3A_497 = vector.broadcast %parallel_loop3A_496 : bf16 to vector<32xbf16>
      %parallel_loop3A_498 = arith.constant 0.000000e+00 : bf16
      %parallel_loop3A_499 = vector.broadcast %parallel_loop3A_498 : bf16 to vector<32xbf16>
      %parallel_loop3A_500 = arith.constant 0.000000e+00 : bf16
      %parallel_loop3A_501 = vector.broadcast %parallel_loop3A_500 : bf16 to vector<32xbf16>
      %parallel_loop3A_502 = arith.constant 0 : i32
      %parallel_loop3A_503 = arith.constant 4 : i32
      %parallel_loop3A_504 = arith.addi %parallel_loop3A_502, %parallel_loop3A_503 : i32
      %parallel_loop3A_505 = arith.constant 1 : i32
      %parallel_loop3A_506:4 = scf.for %scan3A = %parallel_loop3A_502 to %parallel_loop3A_504 step %parallel_loop3A_505 iter_args(%scan3A_544 = %parallel_loop3A_495, %scan3A_545 = %parallel_loop3A_497, %scan3A_546 = %parallel_loop3A_499, %scan3A_547 = %parallel_loop3A_501) -> (vector<32xbf16>, vector<32xbf16>, vector<32xbf16>, vector<32xbf16>)  : i32 {
        %parallel_loop3A_548 = arith.constant 8 : i32
        %parallel_loop3A_549 = arith.muli %scan3A, %parallel_loop3A_548 : i32
        %parallel_loop3A_550 = arith.constant 0 : i32
        %parallel_loop3A_551 = arith.addi %parallel_loop3A_549, %parallel_loop3A_550 : i32
        %parallel_loop3A_552 = arith.index_cast %parallel_loop3A_551 : i32 to index
        %parallel_loop3A_553 = arith.index_cast %parallel_loop3A_493 : i32 to index
        %parallel_loop3A_554 = tpu.vector_load %arg9[%parallel_loop3A_552, %parallel_loop3A_553] {strides = array<i32>} : memref<32x1024xi32, #tpu.memory_space<vmem>>, vector<16xi32>,
        %parallel_loop3A_555 = arith.constant 65535 : i32
        %parallel_loop3A_556 = vector.broadcast %parallel_loop3A_555 : i32 to vector<16xi32>
        %parallel_loop3A_557 = arith.andi %parallel_loop3A_554, %parallel_loop3A_556 : vector<16xi32>
        %parallel_loop3A_558 = arith.constant 16 : i32
        %parallel_loop3A_559 = vector.broadcast %parallel_loop3A_558 : i32 to vector<16xi32>
        %parallel_loop3A_560 = arith.shrui %parallel_loop3A_554, %parallel_loop3A_559 : vector<16xi32>
        %parallel_loop3A_561 = arith.addi %broadcast_in_dim3A_1, %parallel_loop3A_557 : vector<16xi32>
        %parallel_loop3A_562 = tpu.vector_load_idx %arg6[%parallel_loop3A_561] : memref<20000xi32, #tpu.memory_space<vmem>>[vector<16xi32>], vector<16xi32>,
        %parallel_loop3A_563 = vector.bitcast %parallel_loop3A_562 : vector<16xi32> to vector<32xbf16>
        %parallel_loop3A_564 = arith.addi %broadcast_in_dim3A_1, %parallel_loop3A_560 : vector<16xi32>
        %parallel_loop3A_565 = tpu.vector_load_idx %arg7[%parallel_loop3A_564] : memref<20000xi32, #tpu.memory_space<vmem>>[vector<16xi32>], vector<16xi32>,
        %parallel_loop3A_566 = vector.bitcast %parallel_loop3A_565 : vector<16xi32> to vector<32xbf16>
        %parallel_loop3A_567 = arith.addf %parallel_loop3A_563, %parallel_loop3A_566 : vector<32xbf16>
        %parallel_loop3A_568 = arith.maximumf %scan3A_544, %parallel_loop3A_567 : vector<32xbf16>
        %parallel_loop3A_569 = arith.addi %broadcast_in_dim3A_3, %parallel_loop3A_557 : vector<16xi32>
        %parallel_loop3A_570 = tpu.vector_load_idx %arg6[%parallel_loop3A_569] : memref<20000xi32, #tpu.memory_space<vmem>>[vector<16xi32>], vector<16xi32>,
        %parallel_loop3A_571 = vector.bitcast %parallel_loop3A_570 : vector<16xi32> to vector<32xbf16>
        %parallel_loop3A_572 = arith.addi %broadcast_in_dim3A_3, %parallel_loop3A_560 : vector<16xi32>
        %parallel_loop3A_573 = tpu.vector_load_idx %arg7[%parallel_loop3A_572] : memref<20000xi32, #tpu.memory_space<vmem>>[vector<16xi32>], vector<16xi32>,
        %parallel_loop3A_574 = vector.bitcast %parallel_loop3A_573 : vector<16xi32> to vector<32xbf16>
        %parallel_loop3A_575 = arith.addf %parallel_loop3A_571, %parallel_loop3A_574 : vector<32xbf16>
        %parallel_loop3A_576 = arith.maximumf %scan3A_546, %parallel_loop3A_575 : vector<32xbf16>
        %parallel_loop3A_577 = arith.constant 8 : i32
        %parallel_loop3A_578 = arith.muli %scan3A, %parallel_loop3A_577 : i32
        %parallel_loop3A_579 = arith.constant 1 : i32
        %parallel_loop3A_580 = arith.addi %parallel_loop3A_578, %parallel_loop3A_579 : i32
        %parallel_loop3A_581 = arith.index_cast %parallel_loop3A_580 : i32 to index
        %parallel_loop3A_582 = arith.index_cast %parallel_loop3A_493 : i32 to index
        %parallel_loop3A_583 = tpu.vector_load %arg9[%parallel_loop3A_581, %parallel_loop3A_582] {strides = array<i32>} : memref<32x1024xi32, #tpu.memory_space<vmem>>, vector<16xi32>,
        %parallel_loop3A_584 = arith.constant 65535 : i32
        %parallel_loop3A_585 = vector.broadcast %parallel_loop3A_584 : i32 to vector<16xi32>
        %parallel_loop3A_586 = arith.andi %parallel_loop3A_583, %parallel_loop3A_585 : vector<16xi32>
        %parallel_loop3A_587 = arith.constant 16 : i32
        %parallel_loop3A_588 = vector.broadcast %parallel_loop3A_587 : i32 to vector<16xi32>
        %parallel_loop3A_589 = arith.shrui %parallel_loop3A_583, %parallel_loop3A_588 : vector<16xi32>
        %parallel_loop3A_590 = arith.addi %broadcast_in_dim3A_1, %parallel_loop3A_586 : vector<16xi32>
        %parallel_loop3A_591 = tpu.vector_load_idx %arg6[%parallel_loop3A_590] : memref<20000xi32, #tpu.memory_space<vmem>>[vector<16xi32>], vector<16xi32>,
        %parallel_loop3A_592 = vector.bitcast %parallel_loop3A_591 : vector<16xi32> to vector<32xbf16>
        %parallel_loop3A_593 = arith.addi %broadcast_in_dim3A_1, %parallel_loop3A_589 : vector<16xi32>
        %parallel_loop3A_594 = tpu.vector_load_idx %arg7[%parallel_loop3A_593] : memref<20000xi32, #tpu.memory_space<vmem>>[vector<16xi32>], vector<16xi32>,
        %parallel_loop3A_595 = vector.bitcast %parallel_loop3A_594 : vector<16xi32> to vector<32xbf16>
        %parallel_loop3A_596 = arith.addf %parallel_loop3A_592, %parallel_loop3A_595 : vector<32xbf16>
        %parallel_loop3A_597 = arith.maximumf %scan3A_545, %parallel_loop3A_596 : vector<32xbf16>
        %parallel_loop3A_598 = arith.addi %broadcast_in_dim3A_3, %parallel_loop3A_586 : vector<16xi32>
        %parallel_loop3A_599 = tpu.vector_load_idx %arg6[%parallel_loop3A_598] : memref<20000xi32, #tpu.memory_space<vmem>>[vector<16xi32>], vector<16xi32>,
        %parallel_loop3A_600 = vector.bitcast %parallel_loop3A_599 : vector<16xi32> to vector<32xbf16>
        %parallel_loop3A_601 = arith.addi %broadcast_in_dim3A_3, %parallel_loop3A_589 : vector<16xi32>
        %parallel_loop3A_602 = tpu.vector_load_idx %arg7[%parallel_loop3A_601] : memref<20000xi32, #tpu.memory_space<vmem>>[vector<16xi32>], vector<16xi32>,
        %parallel_loop3A_603 = vector.bitcast %parallel_loop3A_602 : vector<16xi32> to vector<32xbf16>
        %parallel_loop3A_604 = arith.addf %parallel_loop3A_600, %parallel_loop3A_603 : vector<32xbf16>
        %parallel_loop3A_605 = arith.maximumf %scan3A_547, %parallel_loop3A_604 : vector<32xbf16>
        %parallel_loop3A_606 = arith.constant 8 : i32
        %parallel_loop3A_607 = arith.muli %scan3A, %parallel_loop3A_606 : i32
        %parallel_loop3A_608 = arith.constant 2 : i32
        %parallel_loop3A_609 = arith.addi %parallel_loop3A_607, %parallel_loop3A_608 : i32
        %parallel_loop3A_610 = arith.index_cast %parallel_loop3A_609 : i32 to index
        %parallel_loop3A_611 = arith.index_cast %parallel_loop3A_493 : i32 to index
        %parallel_loop3A_612 = tpu.vector_load %arg9[%parallel_loop3A_610, %parallel_loop3A_611] {strides = array<i32>} : memref<32x1024xi32, #tpu.memory_space<vmem>>, vector<16xi32>,
        %parallel_loop3A_613 = arith.constant 65535 : i32
        %parallel_loop3A_614 = vector.broadcast %parallel_loop3A_613 : i32 to vector<16xi32>
        %parallel_loop3A_615 = arith.andi %parallel_loop3A_612, %parallel_loop3A_614 : vector<16xi32>
        %parallel_loop3A_616 = arith.constant 16 : i32
        %parallel_loop3A_617 = vector.broadcast %parallel_loop3A_616 : i32 to vector<16xi32>
        %parallel_loop3A_618 = arith.shrui %parallel_loop3A_612, %parallel_loop3A_617 : vector<16xi32>
        %parallel_loop3A_619 = arith.addi %broadcast_in_dim3A_1, %parallel_loop3A_615 : vector<16xi32>
        %parallel_loop3A_620 = tpu.vector_load_idx %arg6[%parallel_loop3A_619] : memref<20000xi32, #tpu.memory_space<vmem>>[vector<16xi32>], vector<16xi32>,
        %parallel_loop3A_621 = vector.bitcast %parallel_loop3A_620 : vector<16xi32> to vector<32xbf16>
        %parallel_loop3A_622 = arith.addi %broadcast_in_dim3A_1, %parallel_loop3A_618 : vector<16xi32>
        %parallel_loop3A_623 = tpu.vector_load_idx %arg7[%parallel_loop3A_622] : memref<20000xi32, #tpu.memory_space<vmem>>[vector<16xi32>], vector<16xi32>,
        %parallel_loop3A_624 = vector.bitcast %parallel_loop3A_623 : vector<16xi32> to vector<32xbf16>
        %parallel_loop3A_625 = arith.addf %parallel_loop3A_621, %parallel_loop3A_624 : vector<32xbf16>
        %parallel_loop3A_626 = arith.maximumf %parallel_loop3A_568, %parallel_loop3A_625 : vector<32xbf16>
        %parallel_loop3A_627 = arith.addi %broadcast_in_dim3A_3, %parallel_loop3A_615 : vector<16xi32>
        %parallel_loop3A_628 = tpu.vector_load_idx %arg6[%parallel_loop3A_627] : memref<20000xi32, #tpu.memory_space<vmem>>[vector<16xi32>], vector<16xi32>,
        %parallel_loop3A_629 = vector.bitcast %parallel_loop3A_628 : vector<16xi32> to vector<32xbf16>
        %parallel_loop3A_630 = arith.addi %broadcast_in_dim3A_3, %parallel_loop3A_618 : vector<16xi32>
        %parallel_loop3A_631 = tpu.vector_load_idx %arg7[%parallel_loop3A_630] : memref<20000xi32, #tpu.memory_space<vmem>>[vector<16xi32>], vector<16xi32>,
        %parallel_loop3A_632 = vector.bitcast %parallel_loop3A_631 : vector<16xi32> to vector<32xbf16>
        %parallel_loop3A_633 = arith.addf %parallel_loop3A_629, %parallel_loop3A_632 : vector<32xbf16>
        %parallel_loop3A_634 = arith.maximumf %parallel_loop3A_576, %parallel_loop3A_633 : vector<32xbf16>
        %parallel_loop3A_635 = arith.constant 8 : i32
        %parallel_loop3A_636 = arith.muli %scan3A, %parallel_loop3A_635 : i32
        %parallel_loop3A_637 = arith.constant 3 : i32
        %parallel_loop3A_638 = arith.addi %parallel_loop3A_636, %parallel_loop3A_637 : i32
        %parallel_loop3A_639 = arith.index_cast %parallel_loop3A_638 : i32 to index
        %parallel_loop3A_640 = arith.index_cast %parallel_loop3A_493 : i32 to index
        %parallel_loop3A_641 = tpu.vector_load %arg9[%parallel_loop3A_639, %parallel_loop3A_640] {strides = array<i32>} : memref<32x1024xi32, #tpu.memory_space<vmem>>, vector<16xi32>,
        %parallel_loop3A_642 = arith.constant 65535 : i32
        %parallel_loop3A_643 = vector.broadcast %parallel_loop3A_642 : i32 to vector<16xi32>
        %parallel_loop3A_644 = arith.andi %parallel_loop3A_641, %parallel_loop3A_643 : vector<16xi32>
        %parallel_loop3A_645 = arith.constant 16 : i32
        %parallel_loop3A_646 = vector.broadcast %parallel_loop3A_645 : i32 to vector<16xi32>
        %parallel_loop3A_647 = arith.shrui %parallel_loop3A_641, %parallel_loop3A_646 : vector<16xi32>
        %parallel_loop3A_648 = arith.addi %broadcast_in_dim3A_1, %parallel_loop3A_644 : vector<16xi32>
        %parallel_loop3A_649 = tpu.vector_load_idx %arg6[%parallel_loop3A_648] : memref<20000xi32, #tpu.memory_space<vmem>>[vector<16xi32>], vector<16xi32>,
        %parallel_loop3A_650 = vector.bitcast %parallel_loop3A_649 : vector<16xi32> to vector<32xbf16>
        %parallel_loop3A_651 = arith.addi %broadcast_in_dim3A_1, %parallel_loop3A_647 : vector<16xi32>
        %parallel_loop3A_652 = tpu.vector_load_idx %arg7[%parallel_loop3A_651] : memref<20000xi32, #tpu.memory_space<vmem>>[vector<16xi32>], vector<16xi32>,
        %parallel_loop3A_653 = vector.bitcast %parallel_loop3A_652 : vector<16xi32> to vector<32xbf16>
        %parallel_loop3A_654 = arith.addf %parallel_loop3A_650, %parallel_loop3A_653 : vector<32xbf16>
        %parallel_loop3A_655 = arith.maximumf %parallel_loop3A_597, %parallel_loop3A_654 : vector<32xbf16>
        %parallel_loop3A_656 = arith.addi %broadcast_in_dim3A_3, %parallel_loop3A_644 : vector<16xi32>
        %parallel_loop3A_657 = tpu.vector_load_idx %arg6[%parallel_loop3A_656] : memref<20000xi32, #tpu.memory_space<vmem>>[vector<16xi32>], vector<16xi32>,
        %parallel_loop3A_658 = vector.bitcast %parallel_loop3A_657 : vector<16xi32> to vector<32xbf16>
        %parallel_loop3A_659 = arith.addi %broadcast_in_dim3A_3, %parallel_loop3A_647 : vector<16xi32>
        %parallel_loop3A_660 = tpu.vector_load_idx %arg7[%parallel_loop3A_659] : memref<20000xi32, #tpu.memory_space<vmem>>[vector<16xi32>], vector<16xi32>,
        %parallel_loop3A_661 = vector.bitcast %parallel_loop3A_660 : vector<16xi32> to vector<32xbf16>
        %parallel_loop3A_662 = arith.addf %parallel_loop3A_658, %parallel_loop3A_661 : vector<32xbf16>
        %parallel_loop3A_663 = arith.maximumf %parallel_loop3A_605, %parallel_loop3A_662 : vector<32xbf16>
        %parallel_loop3A_664 = arith.constant 8 : i32
        %parallel_loop3A_665 = arith.muli %scan3A, %parallel_loop3A_664 : i32
        %parallel_loop3A_666 = arith.constant 4 : i32
        %parallel_loop3A_667 = arith.addi %parallel_loop3A_665, %parallel_loop3A_666 : i32
        %parallel_loop3A_668 = arith.index_cast %parallel_loop3A_667 : i32 to index
        %parallel_loop3A_669 = arith.index_cast %parallel_loop3A_493 : i32 to index
        %parallel_loop3A_670 = tpu.vector_load %arg9[%parallel_loop3A_668, %parallel_loop3A_669] {strides = array<i32>} : memref<32x1024xi32, #tpu.memory_space<vmem>>, vector<16xi32>,
        %parallel_loop3A_671 = arith.constant 65535 : i32
        %parallel_loop3A_672 = vector.broadcast %parallel_loop3A_671 : i32 to vector<16xi32>
        %parallel_loop3A_673 = arith.andi %parallel_loop3A_670, %parallel_loop3A_672 : vector<16xi32>
        %parallel_loop3A_674 = arith.constant 16 : i32
        %parallel_loop3A_675 = vector.broadcast %parallel_loop3A_674 : i32 to vector<16xi32>
        %parallel_loop3A_676 = arith.shrui %parallel_loop3A_670, %parallel_loop3A_675 : vector<16xi32>
        %parallel_loop3A_677 = arith.addi %broadcast_in_dim3A_1, %parallel_loop3A_673 : vector<16xi32>
        %parallel_loop3A_678 = tpu.vector_load_idx %arg6[%parallel_loop3A_677] : memref<20000xi32, #tpu.memory_space<vmem>>[vector<16xi32>], vector<16xi32>,
        %parallel_loop3A_679 = vector.bitcast %parallel_loop3A_678 : vector<16xi32> to vector<32xbf16>
        %parallel_loop3A_680 = arith.addi %broadcast_in_dim3A_1, %parallel_loop3A_676 : vector<16xi32>
        %parallel_loop3A_681 = tpu.vector_load_idx %arg7[%parallel_loop3A_680] : memref<20000xi32, #tpu.memory_space<vmem>>[vector<16xi32>], vector<16xi32>,
        %parallel_loop3A_682 = vector.bitcast %parallel_loop3A_681 : vector<16xi32> to vector<32xbf16>
        %parallel_loop3A_683 = arith.addf %parallel_loop3A_679, %parallel_loop3A_682 : vector<32xbf16>
        %parallel_loop3A_684 = arith.maximumf %parallel_loop3A_626, %parallel_loop3A_683 : vector<32xbf16>
        %parallel_loop3A_685 = arith.addi %broadcast_in_dim3A_3, %parallel_loop3A_673 : vector<16xi32>
        %parallel_loop3A_686 = tpu.vector_load_idx %arg6[%parallel_loop3A_685] : memref<20000xi32, #tpu.memory_space<vmem>>[vector<16xi32>], vector<16xi32>,
        %parallel_loop3A_687 = vector.bitcast %parallel_loop3A_686 : vector<16xi32> to vector<32xbf16>
        %parallel_loop3A_688 = arith.addi %broadcast_in_dim3A_3, %parallel_loop3A_676 : vector<16xi32>
        %parallel_loop3A_689 = tpu.vector_load_idx %arg7[%parallel_loop3A_688] : memref<20000xi32, #tpu.memory_space<vmem>>[vector<16xi32>], vector<16xi32>,
        %parallel_loop3A_690 = vector.bitcast %parallel_loop3A_689 : vector<16xi32> to vector<32xbf16>
        %parallel_loop3A_691 = arith.addf %parallel_loop3A_687, %parallel_loop3A_690 : vector<32xbf16>
        %parallel_loop3A_692 = arith.maximumf %parallel_loop3A_634, %parallel_loop3A_691 : vector<32xbf16>
        %parallel_loop3A_693 = arith.constant 8 : i32
        %parallel_loop3A_694 = arith.muli %scan3A, %parallel_loop3A_693 : i32
        %parallel_loop3A_695 = arith.constant 5 : i32
        %parallel_loop3A_696 = arith.addi %parallel_loop3A_694, %parallel_loop3A_695 : i32
        %parallel_loop3A_697 = arith.index_cast %parallel_loop3A_696 : i32 to index
        %parallel_loop3A_698 = arith.index_cast %parallel_loop3A_493 : i32 to index
        %parallel_loop3A_699 = tpu.vector_load %arg9[%parallel_loop3A_697, %parallel_loop3A_698] {strides = array<i32>} : memref<32x1024xi32, #tpu.memory_space<vmem>>, vector<16xi32>,
        %parallel_loop3A_700 = arith.constant 65535 : i32
        %parallel_loop3A_701 = vector.broadcast %parallel_loop3A_700 : i32 to vector<16xi32>
        %parallel_loop3A_702 = arith.andi %parallel_loop3A_699, %parallel_loop3A_701 : vector<16xi32>
        %parallel_loop3A_703 = arith.constant 16 : i32
        %parallel_loop3A_704 = vector.broadcast %parallel_loop3A_703 : i32 to vector<16xi32>
        %parallel_loop3A_705 = arith.shrui %parallel_loop3A_699, %parallel_loop3A_704 : vector<16xi32>
        %parallel_loop3A_706 = arith.addi %broadcast_in_dim3A_1, %parallel_loop3A_702 : vector<16xi32>
        %parallel_loop3A_707 = tpu.vector_load_idx %arg6[%parallel_loop3A_706] : memref<20000xi32, #tpu.memory_space<vmem>>[vector<16xi32>], vector<16xi32>,
        %parallel_loop3A_708 = vector.bitcast %parallel_loop3A_707 : vector<16xi32> to vector<32xbf16>
        %parallel_loop3A_709 = arith.addi %broadcast_in_dim3A_1, %parallel_loop3A_705 : vector<16xi32>
        %parallel_loop3A_710 = tpu.vector_load_idx %arg7[%parallel_loop3A_709] : memref<20000xi32, #tpu.memory_space<vmem>>[vector<16xi32>], vector<16xi32>,
        %parallel_loop3A_711 = vector.bitcast %parallel_loop3A_710 : vector<16xi32> to vector<32xbf16>
        %parallel_loop3A_712 = arith.addf %parallel_loop3A_708, %parallel_loop3A_711 : vector<32xbf16>
        %parallel_loop3A_713 = arith.maximumf %parallel_loop3A_655, %parallel_loop3A_712 : vector<32xbf16>
        %parallel_loop3A_714 = arith.addi %broadcast_in_dim3A_3, %parallel_loop3A_702 : vector<16xi32>
        %parallel_loop3A_715 = tpu.vector_load_idx %arg6[%parallel_loop3A_714] : memref<20000xi32, #tpu.memory_space<vmem>>[vector<16xi32>], vector<16xi32>,
        %parallel_loop3A_716 = vector.bitcast %parallel_loop3A_715 : vector<16xi32> to vector<32xbf16>
        %parallel_loop3A_717 = arith.addi %broadcast_in_dim3A_3, %parallel_loop3A_705 : vector<16xi32>
        %parallel_loop3A_718 = tpu.vector_load_idx %arg7[%parallel_loop3A_717] : memref<20000xi32, #tpu.memory_space<vmem>>[vector<16xi32>], vector<16xi32>,
        %parallel_loop3A_719 = vector.bitcast %parallel_loop3A_718 : vector<16xi32> to vector<32xbf16>
        %parallel_loop3A_720 = arith.addf %parallel_loop3A_716, %parallel_loop3A_719 : vector<32xbf16>
        %parallel_loop3A_721 = arith.maximumf %parallel_loop3A_663, %parallel_loop3A_720 : vector<32xbf16>
        %parallel_loop3A_722 = arith.constant 8 : i32
        %parallel_loop3A_723 = arith.muli %scan3A, %parallel_loop3A_722 : i32
        %parallel_loop3A_724 = arith.constant 6 : i32
        %parallel_loop3A_725 = arith.addi %parallel_loop3A_723, %parallel_loop3A_724 : i32
        %parallel_loop3A_726 = arith.index_cast %parallel_loop3A_725 : i32 to index
        %parallel_loop3A_727 = arith.index_cast %parallel_loop3A_493 : i32 to index
        %parallel_loop3A_728 = tpu.vector_load %arg9[%parallel_loop3A_726, %parallel_loop3A_727] {strides = array<i32>} : memref<32x1024xi32, #tpu.memory_space<vmem>>, vector<16xi32>,
        %parallel_loop3A_729 = arith.constant 65535 : i32
        %parallel_loop3A_730 = vector.broadcast %parallel_loop3A_729 : i32 to vector<16xi32>
        %parallel_loop3A_731 = arith.andi %parallel_loop3A_728, %parallel_loop3A_730 : vector<16xi32>
        %parallel_loop3A_732 = arith.constant 16 : i32
        %parallel_loop3A_733 = vector.broadcast %parallel_loop3A_732 : i32 to vector<16xi32>
        %parallel_loop3A_734 = arith.shrui %parallel_loop3A_728, %parallel_loop3A_733 : vector<16xi32>
        %parallel_loop3A_735 = arith.addi %broadcast_in_dim3A_1, %parallel_loop3A_731 : vector<16xi32>
        %parallel_loop3A_736 = tpu.vector_load_idx %arg6[%parallel_loop3A_735] : memref<20000xi32, #tpu.memory_space<vmem>>[vector<16xi32>], vector<16xi32>,
        %parallel_loop3A_737 = vector.bitcast %parallel_loop3A_736 : vector<16xi32> to vector<32xbf16>
        %parallel_loop3A_738 = arith.addi %broadcast_in_dim3A_1, %parallel_loop3A_734 : vector<16xi32>
        %parallel_loop3A_739 = tpu.vector_load_idx %arg7[%parallel_loop3A_738] : memref<20000xi32, #tpu.memory_space<vmem>>[vector<16xi32>], vector<16xi32>,
        %parallel_loop3A_740 = vector.bitcast %parallel_loop3A_739 : vector<16xi32> to vector<32xbf16>
        %parallel_loop3A_741 = arith.addf %parallel_loop3A_737, %parallel_loop3A_740 : vector<32xbf16>
        %parallel_loop3A_742 = arith.maximumf %parallel_loop3A_684, %parallel_loop3A_741 : vector<32xbf16>
        %parallel_loop3A_743 = arith.addi %broadcast_in_dim3A_3, %parallel_loop3A_731 : vector<16xi32>
        %parallel_loop3A_744 = tpu.vector_load_idx %arg6[%parallel_loop3A_743] : memref<20000xi32, #tpu.memory_space<vmem>>[vector<16xi32>], vector<16xi32>,
        %parallel_loop3A_745 = vector.bitcast %parallel_loop3A_744 : vector<16xi32> to vector<32xbf16>
        %parallel_loop3A_746 = arith.addi %broadcast_in_dim3A_3, %parallel_loop3A_734 : vector<16xi32>
        %parallel_loop3A_747 = tpu.vector_load_idx %arg7[%parallel_loop3A_746] : memref<20000xi32, #tpu.memory_space<vmem>>[vector<16xi32>], vector<16xi32>,
        %parallel_loop3A_748 = vector.bitcast %parallel_loop3A_747 : vector<16xi32> to vector<32xbf16>
        %parallel_loop3A_749 = arith.addf %parallel_loop3A_745, %parallel_loop3A_748 : vector<32xbf16>
        %parallel_loop3A_750 = arith.maximumf %parallel_loop3A_692, %parallel_loop3A_749 : vector<32xbf16>
        %parallel_loop3A_751 = arith.constant 8 : i32
        %parallel_loop3A_752 = arith.muli %scan3A, %parallel_loop3A_751 : i32
        %parallel_loop3A_753 = arith.constant 7 : i32
        %parallel_loop3A_754 = arith.addi %parallel_loop3A_752, %parallel_loop3A_753 : i32
        %parallel_loop3A_755 = arith.index_cast %parallel_loop3A_754 : i32 to index
        %parallel_loop3A_756 = arith.index_cast %parallel_loop3A_493 : i32 to index
        %parallel_loop3A_757 = tpu.vector_load %arg9[%parallel_loop3A_755, %parallel_loop3A_756] {strides = array<i32>} : memref<32x1024xi32, #tpu.memory_space<vmem>>, vector<16xi32>,
        %parallel_loop3A_758 = arith.constant 65535 : i32
        %parallel_loop3A_759 = vector.broadcast %parallel_loop3A_758 : i32 to vector<16xi32>
        %parallel_loop3A_760 = arith.andi %parallel_loop3A_757, %parallel_loop3A_759 : vector<16xi32>
        %parallel_loop3A_761 = arith.constant 16 : i32
        %parallel_loop3A_762 = vector.broadcast %parallel_loop3A_761 : i32 to vector<16xi32>
        %parallel_loop3A_763 = arith.shrui %parallel_loop3A_757, %parallel_loop3A_762 : vector<16xi32>
        %parallel_loop3A_764 = arith.addi %broadcast_in_dim3A_1, %parallel_loop3A_760 : vector<16xi32>
        %parallel_loop3A_765 = tpu.vector_load_idx %arg6[%parallel_loop3A_764] : memref<20000xi32, #tpu.memory_space<vmem>>[vector<16xi32>], vector<16xi32>,
        %parallel_loop3A_766 = vector.bitcast %parallel_loop3A_765 : vector<16xi32> to vector<32xbf16>
        %parallel_loop3A_767 = arith.addi %broadcast_in_dim3A_1, %parallel_loop3A_763 : vector<16xi32>
        %parallel_loop3A_768 = tpu.vector_load_idx %arg7[%parallel_loop3A_767] : memref<20000xi32, #tpu.memory_space<vmem>>[vector<16xi32>], vector<16xi32>,
        %parallel_loop3A_769 = vector.bitcast %parallel_loop3A_768 : vector<16xi32> to vector<32xbf16>
        %parallel_loop3A_770 = arith.addf %parallel_loop3A_766, %parallel_loop3A_769 : vector<32xbf16>
        %parallel_loop3A_771 = arith.maximumf %parallel_loop3A_713, %parallel_loop3A_770 : vector<32xbf16>
        %parallel_loop3A_772 = arith.addi %broadcast_in_dim3A_3, %parallel_loop3A_760 : vector<16xi32>
        %parallel_loop3A_773 = tpu.vector_load_idx %arg6[%parallel_loop3A_772] : memref<20000xi32, #tpu.memory_space<vmem>>[vector<16xi32>], vector<16xi32>,
        %parallel_loop3A_774 = vector.bitcast %parallel_loop3A_773 : vector<16xi32> to vector<32xbf16>
        %parallel_loop3A_775 = arith.addi %broadcast_in_dim3A_3, %parallel_loop3A_763 : vector<16xi32>
        %parallel_loop3A_776 = tpu.vector_load_idx %arg7[%parallel_loop3A_775] : memref<20000xi32, #tpu.memory_space<vmem>>[vector<16xi32>], vector<16xi32>,
        %parallel_loop3A_777 = vector.bitcast %parallel_loop3A_776 : vector<16xi32> to vector<32xbf16>
        %parallel_loop3A_778 = arith.addf %parallel_loop3A_774, %parallel_loop3A_777 : vector<32xbf16>
        %parallel_loop3A_779 = arith.maximumf %parallel_loop3A_721, %parallel_loop3A_778 : vector<32xbf16>
        scf.yield %parallel_loop3A_742, %parallel_loop3A_771, %parallel_loop3A_750, %parallel_loop3A_779 : vector<32xbf16>, vector<32xbf16>, vector<32xbf16>, vector<32xbf16>
      }
      %parallel_loop3A_507 = arith.constant 4 : i32
      %parallel_loop3A_508 = arith.maximumf %parallel_loop3A_506#0, %parallel_loop3A_506#1 : vector<32xbf16>
      %parallel_loop3A_509 = vector.bitcast %parallel_loop3A_508 : vector<32xbf16> to vector<16xi32>
      %parallel_loop3A_510 = arith.constant 16 : i32
      %parallel_loop3A_511 = vector.broadcast %parallel_loop3A_510 : i32 to vector<16xi32>
      %parallel_loop3A_512 = arith.shli %parallel_loop3A_509, %parallel_loop3A_511 : vector<16xi32>
      %parallel_loop3A_513 = vector.bitcast %parallel_loop3A_512 : vector<16xi32> to vector<16xf32>
      %parallel_loop3A_514 = arith.constant 0 : i32
      %parallel_loop3A_515 = arith.index_cast %parallel_loop3A_514 : i32 to index
      %parallel_loop3A_516 = arith.index_cast %parallel_loop3A_493 : i32 to index
      %parallel_loop3A_517 = tpu.vector_load %arg11[%parallel_loop3A_515, %parallel_loop3A_516] {strides = array<i32>} : memref<4x1024xf32, #tpu.memory_space<vmem>>, vector<16xf32>,
      tpu.vector_store %arg11[%parallel_loop3A_515, %parallel_loop3A_516], %parallel_loop3A_513 {strides = array<i32>} : memref<4x1024xf32, #tpu.memory_space<vmem>>, vector<16xf32>,
      %parallel_loop3A_518 = arith.constant -65536 : i32
      %parallel_loop3A_519 = vector.broadcast %parallel_loop3A_518 : i32 to vector<16xi32>
      %parallel_loop3A_520 = arith.andi %parallel_loop3A_509, %parallel_loop3A_519 : vector<16xi32>
      %parallel_loop3A_521 = vector.bitcast %parallel_loop3A_520 : vector<16xi32> to vector<16xf32>
      %parallel_loop3A_522 = arith.constant 1 : i32
      %parallel_loop3A_523 = arith.index_cast %parallel_loop3A_522 : i32 to index
      %parallel_loop3A_524 = arith.index_cast %parallel_loop3A_493 : i32 to index
      %parallel_loop3A_525 = tpu.vector_load %arg11[%parallel_loop3A_523, %parallel_loop3A_524] {strides = array<i32>} : memref<4x1024xf32, #tpu.memory_space<vmem>>, vector<16xf32>,
      tpu.vector_store %arg11[%parallel_loop3A_523, %parallel_loop3A_524], %parallel_loop3A_521 {strides = array<i32>} : memref<4x1024xf32, #tpu.memory_space<vmem>>, vector<16xf32>,
      %parallel_loop3A_526 = arith.maximumf %parallel_loop3A_506#2, %parallel_loop3A_506#3 : vector<32xbf16>
      %parallel_loop3A_527 = vector.bitcast %parallel_loop3A_526 : vector<32xbf16> to vector<16xi32>
      %parallel_loop3A_528 = arith.constant 16 : i32
      %parallel_loop3A_529 = vector.broadcast %parallel_loop3A_528 : i32 to vector<16xi32>
      %parallel_loop3A_530 = arith.shli %parallel_loop3A_527, %parallel_loop3A_529 : vector<16xi32>
      %parallel_loop3A_531 = vector.bitcast %parallel_loop3A_530 : vector<16xi32> to vector<16xf32>
      %parallel_loop3A_532 = arith.constant 2 : i32
      %parallel_loop3A_533 = arith.index_cast %parallel_loop3A_532 : i32 to index
      %parallel_loop3A_534 = arith.index_cast %parallel_loop3A_493 : i32 to index
      %parallel_loop3A_535 = tpu.vector_load %arg11[%parallel_loop3A_533, %parallel_loop3A_534] {strides = array<i32>} : memref<4x1024xf32, #tpu.memory_space<vmem>>, vector<16xf32>,
      tpu.vector_store %arg11[%parallel_loop3A_533, %parallel_loop3A_534], %parallel_loop3A_531 {strides = array<i32>} : memref<4x1024xf32, #tpu.memory_space<vmem>>, vector<16xf32>,
      %parallel_loop3A_536 = arith.constant -65536 : i32
      %parallel_loop3A_537 = vector.broadcast %parallel_loop3A_536 : i32 to vector<16xi32>
      %parallel_loop3A_538 = arith.andi %parallel_loop3A_527, %parallel_loop3A_537 : vector<16xi32>
      %parallel_loop3A_539 = vector.bitcast %parallel_loop3A_538 : vector<16xi32> to vector<16xf32>
      %parallel_loop3A_540 = arith.constant 3 : i32
      %parallel_loop3A_541 = arith.index_cast %parallel_loop3A_540 : i32 to index
      %parallel_loop3A_542 = arith.index_cast %parallel_loop3A_493 : i32 to index
      %parallel_loop3A_543 = tpu.vector_load %arg11[%parallel_loop3A_541, %parallel_loop3A_542] {strides = array<i32>} : memref<4x1024xf32, #tpu.memory_space<vmem>>, vector<16xf32>,
      tpu.vector_store %arg11[%parallel_loop3A_541, %parallel_loop3A_542], %parallel_loop3A_539 {strides = array<i32>} : memref<4x1024xf32, #tpu.memory_space<vmem>>, vector<16xf32>,
    } {sc.loop_unroll_factor = 1 : i64, sc.parallel_access}
    %mul3A_275 = arith.constant 4 : i32
    %mul3A_276 = arith.muli %add3A, %mul3A_275 : i32
    %dma_start3A_277 = arith.constant 0 : i32
    %dma_start3A_278 = arith.constant 0 : i32
    %dma_start3A_279 = tpu.memref_slice %arg11[%dma_start3A_277, %dma_start3A_278] : memref<4x1024xf32, #tpu.memory_space<vmem>> -> memref<4x1024xf32, #tpu.memory_space<vmem>>
    %dma_start3A_280 = arith.constant 5120 : i32
    %dma_start3A_281 = tpu.memref_slice %arg5[%mul3A_276, %dma_start3A_280] : memref<128x10000xf32, #tpu.memory_space<hbm>> -> memref<4x1024xf32, #tpu.memory_space<hbm>>
    %dma_start3A_282 = arith.constant 5120 : i32
    %dma_start3A_283 = tpu.memref_slice %arg5[%mul3A_276, %dma_start3A_282] : memref<128x10000xf32, #tpu.memory_space<hbm>> -> memref<4x1024xf32, #tpu.memory_space<hbm>>
    %dma_start3A_284 = arith.constant 0 : i32
    %dma_start3A_285 = arith.constant 0 : i32
    %dma_start3A_286 = tpu.memref_slice %arg11[%dma_start3A_284, %dma_start3A_285] : memref<4x1024xf32, #tpu.memory_space<vmem>> -> memref<4x1024xf32, #tpu.memory_space<vmem>>
    tpu.enqueue_dma source(%dma_start3A_286 : memref<4x1024xf32, #tpu.memory_space<vmem>>) target(%dma_start3A_283 : memref<4x1024xf32, #tpu.memory_space<hbm>>) target_semaphore(%arg15 : memref<!tpu.dma_semaphore, #tpu.memory_space<semaphore_mem>>)
    %dma_start3A_287 = arith.constant 0 : i32
    %dma_start3A_288 = arith.constant 0 : i32
    %dma_start3A_289 = tpu.memref_slice %arg9[%dma_start3A_287, %dma_start3A_288] : memref<32x1024xi32, #tpu.memory_space<vmem>> -> memref<32x1024xi32, #tpu.memory_space<vmem>>
    %dma_start3A_290 = arith.constant 0 : i32
    %dma_start3A_291 = arith.constant 7168 : i32
    %dma_start3A_292 = tpu.memref_slice %arg4[%dma_start3A_290, %dma_start3A_291] : memref<32x10000xi32, #tpu.memory_space<hbm>> -> memref<32x1024xi32, #tpu.memory_space<hbm>>
    %dma_start3A_293 = arith.constant 0 : i32
    %dma_start3A_294 = arith.constant 0 : i32
    %dma_start3A_295 = tpu.memref_slice %arg9[%dma_start3A_293, %dma_start3A_294] : memref<32x1024xi32, #tpu.memory_space<vmem>> -> memref<32x1024xi32, #tpu.memory_space<vmem>>
    %dma_start3A_296 = arith.constant 0 : i32
    %dma_start3A_297 = arith.constant 7168 : i32
    %dma_start3A_298 = tpu.memref_slice %arg4[%dma_start3A_296, %dma_start3A_297] : memref<32x10000xi32, #tpu.memory_space<hbm>> -> memref<32x1024xi32, #tpu.memory_space<hbm>>
    tpu.enqueue_dma source(%dma_start3A_298 : memref<32x1024xi32, #tpu.memory_space<hbm>>) target(%dma_start3A_295 : memref<32x1024xi32, #tpu.memory_space<vmem>>) target_semaphore(%arg13 : memref<!tpu.dma_semaphore, #tpu.memory_space<semaphore_mem>>)
    %dma_wait3A_299 = arith.constant 0 : i32
    %dma_wait3A_300 = arith.constant 0 : i32
    %dma_wait3A_301 = tpu.memref_slice %arg8[%dma_wait3A_299, %dma_wait3A_300] : memref<32x1024xi32, #tpu.memory_space<vmem>> -> memref<32x1024xi32, #tpu.memory_space<vmem>>
    %dma_wait3A_302 = arith.constant 0 : i32
    %dma_wait3A_303 = arith.constant 6144 : i32
    %dma_wait3A_304 = tpu.memref_slice %arg4[%dma_wait3A_302, %dma_wait3A_303] : memref<32x10000xi32, #tpu.memory_space<hbm>> -> memref<32x1024xi32, #tpu.memory_space<hbm>>
    %dma_wait3A_305 = arith.constant 0 : i32
    %dma_wait3A_306 = arith.constant 0 : i32
    %dma_wait3A_307 = tpu.memref_slice %arg8[%dma_wait3A_305, %dma_wait3A_306] : memref<32x1024xi32, #tpu.memory_space<vmem>> -> memref<32x1024xi32, #tpu.memory_space<vmem>>
    %dma_wait3A_308 = arith.constant 0 : i32
    %dma_wait3A_309 = arith.constant 6144 : i32
    %dma_wait3A_310 = tpu.memref_slice %arg4[%dma_wait3A_308, %dma_wait3A_309] : memref<32x10000xi32, #tpu.memory_space<hbm>> -> memref<32x1024xi32, #tpu.memory_space<hbm>>
    tpu.wait_dma2 semaphore(%arg12 : memref<!tpu.dma_semaphore, #tpu.memory_space<semaphore_mem>>) src(%dma_wait3A_310 : memref<32x1024xi32, #tpu.memory_space<hbm>>) dst(%dma_wait3A_307 : memref<32x1024xi32, #tpu.memory_space<vmem>>)
    %dma_wait3A_311 = arith.constant 0 : i32
    %dma_wait3A_312 = arith.constant 0 : i32
    %dma_wait3A_313 = tpu.memref_slice %arg10[%dma_wait3A_311, %dma_wait3A_312] : memref<4x1024xf32, #tpu.memory_space<vmem>> -> memref<4x1024xf32, #tpu.memory_space<vmem>>
    %dma_wait3A_314 = arith.constant 4096 : i32
    %dma_wait3A_315 = tpu.memref_slice %arg5[%mul3A_227, %dma_wait3A_314] : memref<128x10000xf32, #tpu.memory_space<hbm>> -> memref<4x1024xf32, #tpu.memory_space<hbm>>
    %dma_wait3A_316 = arith.constant 4096 : i32
    %dma_wait3A_317 = tpu.memref_slice %arg5[%mul3A_227, %dma_wait3A_316] : memref<128x10000xf32, #tpu.memory_space<hbm>> -> memref<4x1024xf32, #tpu.memory_space<hbm>>
    %dma_wait3A_318 = arith.constant 0 : i32
    %dma_wait3A_319 = arith.constant 0 : i32
    %dma_wait3A_320 = tpu.memref_slice %arg10[%dma_wait3A_318, %dma_wait3A_319] : memref<4x1024xf32, #tpu.memory_space<vmem>> -> memref<4x1024xf32, #tpu.memory_space<vmem>>
    tpu.wait_dma2 semaphore(%arg14 : memref<!tpu.dma_semaphore, #tpu.memory_space<semaphore_mem>>) src(%dma_wait3A_320 : memref<4x1024xf32, #tpu.memory_space<vmem>>) dst(%dma_wait3A_317 : memref<4x1024xf32, #tpu.memory_space<hbm>>)
    %parallel_loop3A_321 = arith.constant 0 : i32
    %parallel_loop3A_322 = arith.constant 64 : i32
    %parallel_loop3A_323 = arith.constant 1 : i32
    scf.for %parallel_loop3A_491 = %parallel_loop3A_321 to %parallel_loop3A_322 step %parallel_loop3A_323  : i32 {
      %parallel_loop3A_492 = arith.constant 16 : i32
      %parallel_loop3A_493 = arith.muli %parallel_loop3A_491, %parallel_loop3A_492 : i32
      %parallel_loop3A_494 = arith.constant 0.000000e+00 : bf16
      %parallel_loop3A_495 = vector.broadcast %parallel_loop3A_494 : bf16 to vector<32xbf16>
      %parallel_loop3A_496 = arith.constant 0.000000e+00 : bf16
      %parallel_loop3A_497 = vector.broadcast %parallel_loop3A_496 : bf16 to vector<32xbf16>
      %parallel_loop3A_498 = arith.constant 0.000000e+00 : bf16
      %parallel_loop3A_499 = vector.broadcast %parallel_loop3A_498 : bf16 to vector<32xbf16>
      %parallel_loop3A_500 = arith.constant 0.000000e+00 : bf16
      %parallel_loop3A_501 = vector.broadcast %parallel_loop3A_500 : bf16 to vector<32xbf16>
      %parallel_loop3A_502 = arith.constant 0 : i32
      %parallel_loop3A_503 = arith.constant 4 : i32
      %parallel_loop3A_504 = arith.addi %parallel_loop3A_502, %parallel_loop3A_503 : i32
      %parallel_loop3A_505 = arith.constant 1 : i32
      %parallel_loop3A_506:4 = scf.for %scan3A = %parallel_loop3A_502 to %parallel_loop3A_504 step %parallel_loop3A_505 iter_args(%scan3A_544 = %parallel_loop3A_495, %scan3A_545 = %parallel_loop3A_497, %scan3A_546 = %parallel_loop3A_499, %scan3A_547 = %parallel_loop3A_501) -> (vector<32xbf16>, vector<32xbf16>, vector<32xbf16>, vector<32xbf16>)  : i32 {
        %parallel_loop3A_548 = arith.constant 8 : i32
        %parallel_loop3A_549 = arith.muli %scan3A, %parallel_loop3A_548 : i32
        %parallel_loop3A_550 = arith.constant 0 : i32
        %parallel_loop3A_551 = arith.addi %parallel_loop3A_549, %parallel_loop3A_550 : i32
        %parallel_loop3A_552 = arith.index_cast %parallel_loop3A_551 : i32 to index
        %parallel_loop3A_553 = arith.index_cast %parallel_loop3A_493 : i32 to index
        %parallel_loop3A_554 = tpu.vector_load %arg8[%parallel_loop3A_552, %parallel_loop3A_553] {strides = array<i32>} : memref<32x1024xi32, #tpu.memory_space<vmem>>, vector<16xi32>,
        %parallel_loop3A_555 = arith.constant 65535 : i32
        %parallel_loop3A_556 = vector.broadcast %parallel_loop3A_555 : i32 to vector<16xi32>
        %parallel_loop3A_557 = arith.andi %parallel_loop3A_554, %parallel_loop3A_556 : vector<16xi32>
        %parallel_loop3A_558 = arith.constant 16 : i32
        %parallel_loop3A_559 = vector.broadcast %parallel_loop3A_558 : i32 to vector<16xi32>
        %parallel_loop3A_560 = arith.shrui %parallel_loop3A_554, %parallel_loop3A_559 : vector<16xi32>
        %parallel_loop3A_561 = arith.addi %broadcast_in_dim3A_1, %parallel_loop3A_557 : vector<16xi32>
        %parallel_loop3A_562 = tpu.vector_load_idx %arg6[%parallel_loop3A_561] : memref<20000xi32, #tpu.memory_space<vmem>>[vector<16xi32>], vector<16xi32>,
        %parallel_loop3A_563 = vector.bitcast %parallel_loop3A_562 : vector<16xi32> to vector<32xbf16>
        %parallel_loop3A_564 = arith.addi %broadcast_in_dim3A_1, %parallel_loop3A_560 : vector<16xi32>
        %parallel_loop3A_565 = tpu.vector_load_idx %arg7[%parallel_loop3A_564] : memref<20000xi32, #tpu.memory_space<vmem>>[vector<16xi32>], vector<16xi32>,
        %parallel_loop3A_566 = vector.bitcast %parallel_loop3A_565 : vector<16xi32> to vector<32xbf16>
        %parallel_loop3A_567 = arith.addf %parallel_loop3A_563, %parallel_loop3A_566 : vector<32xbf16>
        %parallel_loop3A_568 = arith.maximumf %scan3A_544, %parallel_loop3A_567 : vector<32xbf16>
        %parallel_loop3A_569 = arith.addi %broadcast_in_dim3A_3, %parallel_loop3A_557 : vector<16xi32>
        %parallel_loop3A_570 = tpu.vector_load_idx %arg6[%parallel_loop3A_569] : memref<20000xi32, #tpu.memory_space<vmem>>[vector<16xi32>], vector<16xi32>,
        %parallel_loop3A_571 = vector.bitcast %parallel_loop3A_570 : vector<16xi32> to vector<32xbf16>
        %parallel_loop3A_572 = arith.addi %broadcast_in_dim3A_3, %parallel_loop3A_560 : vector<16xi32>
        %parallel_loop3A_573 = tpu.vector_load_idx %arg7[%parallel_loop3A_572] : memref<20000xi32, #tpu.memory_space<vmem>>[vector<16xi32>], vector<16xi32>,
        %parallel_loop3A_574 = vector.bitcast %parallel_loop3A_573 : vector<16xi32> to vector<32xbf16>
        %parallel_loop3A_575 = arith.addf %parallel_loop3A_571, %parallel_loop3A_574 : vector<32xbf16>
        %parallel_loop3A_576 = arith.maximumf %scan3A_546, %parallel_loop3A_575 : vector<32xbf16>
        %parallel_loop3A_577 = arith.constant 8 : i32
        %parallel_loop3A_578 = arith.muli %scan3A, %parallel_loop3A_577 : i32
        %parallel_loop3A_579 = arith.constant 1 : i32
        %parallel_loop3A_580 = arith.addi %parallel_loop3A_578, %parallel_loop3A_579 : i32
        %parallel_loop3A_581 = arith.index_cast %parallel_loop3A_580 : i32 to index
        %parallel_loop3A_582 = arith.index_cast %parallel_loop3A_493 : i32 to index
        %parallel_loop3A_583 = tpu.vector_load %arg8[%parallel_loop3A_581, %parallel_loop3A_582] {strides = array<i32>} : memref<32x1024xi32, #tpu.memory_space<vmem>>, vector<16xi32>,
        %parallel_loop3A_584 = arith.constant 65535 : i32
        %parallel_loop3A_585 = vector.broadcast %parallel_loop3A_584 : i32 to vector<16xi32>
        %parallel_loop3A_586 = arith.andi %parallel_loop3A_583, %parallel_loop3A_585 : vector<16xi32>
        %parallel_loop3A_587 = arith.constant 16 : i32
        %parallel_loop3A_588 = vector.broadcast %parallel_loop3A_587 : i32 to vector<16xi32>
        %parallel_loop3A_589 = arith.shrui %parallel_loop3A_583, %parallel_loop3A_588 : vector<16xi32>
        %parallel_loop3A_590 = arith.addi %broadcast_in_dim3A_1, %parallel_loop3A_586 : vector<16xi32>
        %parallel_loop3A_591 = tpu.vector_load_idx %arg6[%parallel_loop3A_590] : memref<20000xi32, #tpu.memory_space<vmem>>[vector<16xi32>], vector<16xi32>,
        %parallel_loop3A_592 = vector.bitcast %parallel_loop3A_591 : vector<16xi32> to vector<32xbf16>
        %parallel_loop3A_593 = arith.addi %broadcast_in_dim3A_1, %parallel_loop3A_589 : vector<16xi32>
        %parallel_loop3A_594 = tpu.vector_load_idx %arg7[%parallel_loop3A_593] : memref<20000xi32, #tpu.memory_space<vmem>>[vector<16xi32>], vector<16xi32>,
        %parallel_loop3A_595 = vector.bitcast %parallel_loop3A_594 : vector<16xi32> to vector<32xbf16>
        %parallel_loop3A_596 = arith.addf %parallel_loop3A_592, %parallel_loop3A_595 : vector<32xbf16>
        %parallel_loop3A_597 = arith.maximumf %scan3A_545, %parallel_loop3A_596 : vector<32xbf16>
        %parallel_loop3A_598 = arith.addi %broadcast_in_dim3A_3, %parallel_loop3A_586 : vector<16xi32>
        %parallel_loop3A_599 = tpu.vector_load_idx %arg6[%parallel_loop3A_598] : memref<20000xi32, #tpu.memory_space<vmem>>[vector<16xi32>], vector<16xi32>,
        %parallel_loop3A_600 = vector.bitcast %parallel_loop3A_599 : vector<16xi32> to vector<32xbf16>
        %parallel_loop3A_601 = arith.addi %broadcast_in_dim3A_3, %parallel_loop3A_589 : vector<16xi32>
        %parallel_loop3A_602 = tpu.vector_load_idx %arg7[%parallel_loop3A_601] : memref<20000xi32, #tpu.memory_space<vmem>>[vector<16xi32>], vector<16xi32>,
        %parallel_loop3A_603 = vector.bitcast %parallel_loop3A_602 : vector<16xi32> to vector<32xbf16>
        %parallel_loop3A_604 = arith.addf %parallel_loop3A_600, %parallel_loop3A_603 : vector<32xbf16>
        %parallel_loop3A_605 = arith.maximumf %scan3A_547, %parallel_loop3A_604 : vector<32xbf16>
        %parallel_loop3A_606 = arith.constant 8 : i32
        %parallel_loop3A_607 = arith.muli %scan3A, %parallel_loop3A_606 : i32
        %parallel_loop3A_608 = arith.constant 2 : i32
        %parallel_loop3A_609 = arith.addi %parallel_loop3A_607, %parallel_loop3A_608 : i32
        %parallel_loop3A_610 = arith.index_cast %parallel_loop3A_609 : i32 to index
        %parallel_loop3A_611 = arith.index_cast %parallel_loop3A_493 : i32 to index
        %parallel_loop3A_612 = tpu.vector_load %arg8[%parallel_loop3A_610, %parallel_loop3A_611] {strides = array<i32>} : memref<32x1024xi32, #tpu.memory_space<vmem>>, vector<16xi32>,
        %parallel_loop3A_613 = arith.constant 65535 : i32
        %parallel_loop3A_614 = vector.broadcast %parallel_loop3A_613 : i32 to vector<16xi32>
        %parallel_loop3A_615 = arith.andi %parallel_loop3A_612, %parallel_loop3A_614 : vector<16xi32>
        %parallel_loop3A_616 = arith.constant 16 : i32
        %parallel_loop3A_617 = vector.broadcast %parallel_loop3A_616 : i32 to vector<16xi32>
        %parallel_loop3A_618 = arith.shrui %parallel_loop3A_612, %parallel_loop3A_617 : vector<16xi32>
        %parallel_loop3A_619 = arith.addi %broadcast_in_dim3A_1, %parallel_loop3A_615 : vector<16xi32>
        %parallel_loop3A_620 = tpu.vector_load_idx %arg6[%parallel_loop3A_619] : memref<20000xi32, #tpu.memory_space<vmem>>[vector<16xi32>], vector<16xi32>,
        %parallel_loop3A_621 = vector.bitcast %parallel_loop3A_620 : vector<16xi32> to vector<32xbf16>
        %parallel_loop3A_622 = arith.addi %broadcast_in_dim3A_1, %parallel_loop3A_618 : vector<16xi32>
        %parallel_loop3A_623 = tpu.vector_load_idx %arg7[%parallel_loop3A_622] : memref<20000xi32, #tpu.memory_space<vmem>>[vector<16xi32>], vector<16xi32>,
        %parallel_loop3A_624 = vector.bitcast %parallel_loop3A_623 : vector<16xi32> to vector<32xbf16>
        %parallel_loop3A_625 = arith.addf %parallel_loop3A_621, %parallel_loop3A_624 : vector<32xbf16>
        %parallel_loop3A_626 = arith.maximumf %parallel_loop3A_568, %parallel_loop3A_625 : vector<32xbf16>
        %parallel_loop3A_627 = arith.addi %broadcast_in_dim3A_3, %parallel_loop3A_615 : vector<16xi32>
        %parallel_loop3A_628 = tpu.vector_load_idx %arg6[%parallel_loop3A_627] : memref<20000xi32, #tpu.memory_space<vmem>>[vector<16xi32>], vector<16xi32>,
        %parallel_loop3A_629 = vector.bitcast %parallel_loop3A_628 : vector<16xi32> to vector<32xbf16>
        %parallel_loop3A_630 = arith.addi %broadcast_in_dim3A_3, %parallel_loop3A_618 : vector<16xi32>
        %parallel_loop3A_631 = tpu.vector_load_idx %arg7[%parallel_loop3A_630] : memref<20000xi32, #tpu.memory_space<vmem>>[vector<16xi32>], vector<16xi32>,
        %parallel_loop3A_632 = vector.bitcast %parallel_loop3A_631 : vector<16xi32> to vector<32xbf16>
        %parallel_loop3A_633 = arith.addf %parallel_loop3A_629, %parallel_loop3A_632 : vector<32xbf16>
        %parallel_loop3A_634 = arith.maximumf %parallel_loop3A_576, %parallel_loop3A_633 : vector<32xbf16>
        %parallel_loop3A_635 = arith.constant 8 : i32
        %parallel_loop3A_636 = arith.muli %scan3A, %parallel_loop3A_635 : i32
        %parallel_loop3A_637 = arith.constant 3 : i32
        %parallel_loop3A_638 = arith.addi %parallel_loop3A_636, %parallel_loop3A_637 : i32
        %parallel_loop3A_639 = arith.index_cast %parallel_loop3A_638 : i32 to index
        %parallel_loop3A_640 = arith.index_cast %parallel_loop3A_493 : i32 to index
        %parallel_loop3A_641 = tpu.vector_load %arg8[%parallel_loop3A_639, %parallel_loop3A_640] {strides = array<i32>} : memref<32x1024xi32, #tpu.memory_space<vmem>>, vector<16xi32>,
        %parallel_loop3A_642 = arith.constant 65535 : i32
        %parallel_loop3A_643 = vector.broadcast %parallel_loop3A_642 : i32 to vector<16xi32>
        %parallel_loop3A_644 = arith.andi %parallel_loop3A_641, %parallel_loop3A_643 : vector<16xi32>
        %parallel_loop3A_645 = arith.constant 16 : i32
        %parallel_loop3A_646 = vector.broadcast %parallel_loop3A_645 : i32 to vector<16xi32>
        %parallel_loop3A_647 = arith.shrui %parallel_loop3A_641, %parallel_loop3A_646 : vector<16xi32>
        %parallel_loop3A_648 = arith.addi %broadcast_in_dim3A_1, %parallel_loop3A_644 : vector<16xi32>
        %parallel_loop3A_649 = tpu.vector_load_idx %arg6[%parallel_loop3A_648] : memref<20000xi32, #tpu.memory_space<vmem>>[vector<16xi32>], vector<16xi32>,
        %parallel_loop3A_650 = vector.bitcast %parallel_loop3A_649 : vector<16xi32> to vector<32xbf16>
        %parallel_loop3A_651 = arith.addi %broadcast_in_dim3A_1, %parallel_loop3A_647 : vector<16xi32>
        %parallel_loop3A_652 = tpu.vector_load_idx %arg7[%parallel_loop3A_651] : memref<20000xi32, #tpu.memory_space<vmem>>[vector<16xi32>], vector<16xi32>,
        %parallel_loop3A_653 = vector.bitcast %parallel_loop3A_652 : vector<16xi32> to vector<32xbf16>
        %parallel_loop3A_654 = arith.addf %parallel_loop3A_650, %parallel_loop3A_653 : vector<32xbf16>
        %parallel_loop3A_655 = arith.maximumf %parallel_loop3A_597, %parallel_loop3A_654 : vector<32xbf16>
        %parallel_loop3A_656 = arith.addi %broadcast_in_dim3A_3, %parallel_loop3A_644 : vector<16xi32>
        %parallel_loop3A_657 = tpu.vector_load_idx %arg6[%parallel_loop3A_656] : memref<20000xi32, #tpu.memory_space<vmem>>[vector<16xi32>], vector<16xi32>,
        %parallel_loop3A_658 = vector.bitcast %parallel_loop3A_657 : vector<16xi32> to vector<32xbf16>
        %parallel_loop3A_659 = arith.addi %broadcast_in_dim3A_3, %parallel_loop3A_647 : vector<16xi32>
        %parallel_loop3A_660 = tpu.vector_load_idx %arg7[%parallel_loop3A_659] : memref<20000xi32, #tpu.memory_space<vmem>>[vector<16xi32>], vector<16xi32>,
        %parallel_loop3A_661 = vector.bitcast %parallel_loop3A_660 : vector<16xi32> to vector<32xbf16>
        %parallel_loop3A_662 = arith.addf %parallel_loop3A_658, %parallel_loop3A_661 : vector<32xbf16>
        %parallel_loop3A_663 = arith.maximumf %parallel_loop3A_605, %parallel_loop3A_662 : vector<32xbf16>
        %parallel_loop3A_664 = arith.constant 8 : i32
        %parallel_loop3A_665 = arith.muli %scan3A, %parallel_loop3A_664 : i32
        %parallel_loop3A_666 = arith.constant 4 : i32
        %parallel_loop3A_667 = arith.addi %parallel_loop3A_665, %parallel_loop3A_666 : i32
        %parallel_loop3A_668 = arith.index_cast %parallel_loop3A_667 : i32 to index
        %parallel_loop3A_669 = arith.index_cast %parallel_loop3A_493 : i32 to index
        %parallel_loop3A_670 = tpu.vector_load %arg8[%parallel_loop3A_668, %parallel_loop3A_669] {strides = array<i32>} : memref<32x1024xi32, #tpu.memory_space<vmem>>, vector<16xi32>,
        %parallel_loop3A_671 = arith.constant 65535 : i32
        %parallel_loop3A_672 = vector.broadcast %parallel_loop3A_671 : i32 to vector<16xi32>
        %parallel_loop3A_673 = arith.andi %parallel_loop3A_670, %parallel_loop3A_672 : vector<16xi32>
        %parallel_loop3A_674 = arith.constant 16 : i32
        %parallel_loop3A_675 = vector.broadcast %parallel_loop3A_674 : i32 to vector<16xi32>
        %parallel_loop3A_676 = arith.shrui %parallel_loop3A_670, %parallel_loop3A_675 : vector<16xi32>
        %parallel_loop3A_677 = arith.addi %broadcast_in_dim3A_1, %parallel_loop3A_673 : vector<16xi32>
        %parallel_loop3A_678 = tpu.vector_load_idx %arg6[%parallel_loop3A_677] : memref<20000xi32, #tpu.memory_space<vmem>>[vector<16xi32>], vector<16xi32>,
        %parallel_loop3A_679 = vector.bitcast %parallel_loop3A_678 : vector<16xi32> to vector<32xbf16>
        %parallel_loop3A_680 = arith.addi %broadcast_in_dim3A_1, %parallel_loop3A_676 : vector<16xi32>
        %parallel_loop3A_681 = tpu.vector_load_idx %arg7[%parallel_loop3A_680] : memref<20000xi32, #tpu.memory_space<vmem>>[vector<16xi32>], vector<16xi32>,
        %parallel_loop3A_682 = vector.bitcast %parallel_loop3A_681 : vector<16xi32> to vector<32xbf16>
        %parallel_loop3A_683 = arith.addf %parallel_loop3A_679, %parallel_loop3A_682 : vector<32xbf16>
        %parallel_loop3A_684 = arith.maximumf %parallel_loop3A_626, %parallel_loop3A_683 : vector<32xbf16>
        %parallel_loop3A_685 = arith.addi %broadcast_in_dim3A_3, %parallel_loop3A_673 : vector<16xi32>
        %parallel_loop3A_686 = tpu.vector_load_idx %arg6[%parallel_loop3A_685] : memref<20000xi32, #tpu.memory_space<vmem>>[vector<16xi32>], vector<16xi32>,
        %parallel_loop3A_687 = vector.bitcast %parallel_loop3A_686 : vector<16xi32> to vector<32xbf16>
        %parallel_loop3A_688 = arith.addi %broadcast_in_dim3A_3, %parallel_loop3A_676 : vector<16xi32>
        %parallel_loop3A_689 = tpu.vector_load_idx %arg7[%parallel_loop3A_688] : memref<20000xi32, #tpu.memory_space<vmem>>[vector<16xi32>], vector<16xi32>,
        %parallel_loop3A_690 = vector.bitcast %parallel_loop3A_689 : vector<16xi32> to vector<32xbf16>
        %parallel_loop3A_691 = arith.addf %parallel_loop3A_687, %parallel_loop3A_690 : vector<32xbf16>
        %parallel_loop3A_692 = arith.maximumf %parallel_loop3A_634, %parallel_loop3A_691 : vector<32xbf16>
        %parallel_loop3A_693 = arith.constant 8 : i32
        %parallel_loop3A_694 = arith.muli %scan3A, %parallel_loop3A_693 : i32
        %parallel_loop3A_695 = arith.constant 5 : i32
        %parallel_loop3A_696 = arith.addi %parallel_loop3A_694, %parallel_loop3A_695 : i32
        %parallel_loop3A_697 = arith.index_cast %parallel_loop3A_696 : i32 to index
        %parallel_loop3A_698 = arith.index_cast %parallel_loop3A_493 : i32 to index
        %parallel_loop3A_699 = tpu.vector_load %arg8[%parallel_loop3A_697, %parallel_loop3A_698] {strides = array<i32>} : memref<32x1024xi32, #tpu.memory_space<vmem>>, vector<16xi32>,
        %parallel_loop3A_700 = arith.constant 65535 : i32
        %parallel_loop3A_701 = vector.broadcast %parallel_loop3A_700 : i32 to vector<16xi32>
        %parallel_loop3A_702 = arith.andi %parallel_loop3A_699, %parallel_loop3A_701 : vector<16xi32>
        %parallel_loop3A_703 = arith.constant 16 : i32
        %parallel_loop3A_704 = vector.broadcast %parallel_loop3A_703 : i32 to vector<16xi32>
        %parallel_loop3A_705 = arith.shrui %parallel_loop3A_699, %parallel_loop3A_704 : vector<16xi32>
        %parallel_loop3A_706 = arith.addi %broadcast_in_dim3A_1, %parallel_loop3A_702 : vector<16xi32>
        %parallel_loop3A_707 = tpu.vector_load_idx %arg6[%parallel_loop3A_706] : memref<20000xi32, #tpu.memory_space<vmem>>[vector<16xi32>], vector<16xi32>,
        %parallel_loop3A_708 = vector.bitcast %parallel_loop3A_707 : vector<16xi32> to vector<32xbf16>
        %parallel_loop3A_709 = arith.addi %broadcast_in_dim3A_1, %parallel_loop3A_705 : vector<16xi32>
        %parallel_loop3A_710 = tpu.vector_load_idx %arg7[%parallel_loop3A_709] : memref<20000xi32, #tpu.memory_space<vmem>>[vector<16xi32>], vector<16xi32>,
        %parallel_loop3A_711 = vector.bitcast %parallel_loop3A_710 : vector<16xi32> to vector<32xbf16>
        %parallel_loop3A_712 = arith.addf %parallel_loop3A_708, %parallel_loop3A_711 : vector<32xbf16>
        %parallel_loop3A_713 = arith.maximumf %parallel_loop3A_655, %parallel_loop3A_712 : vector<32xbf16>
        %parallel_loop3A_714 = arith.addi %broadcast_in_dim3A_3, %parallel_loop3A_702 : vector<16xi32>
        %parallel_loop3A_715 = tpu.vector_load_idx %arg6[%parallel_loop3A_714] : memref<20000xi32, #tpu.memory_space<vmem>>[vector<16xi32>], vector<16xi32>,
        %parallel_loop3A_716 = vector.bitcast %parallel_loop3A_715 : vector<16xi32> to vector<32xbf16>
        %parallel_loop3A_717 = arith.addi %broadcast_in_dim3A_3, %parallel_loop3A_705 : vector<16xi32>
        %parallel_loop3A_718 = tpu.vector_load_idx %arg7[%parallel_loop3A_717] : memref<20000xi32, #tpu.memory_space<vmem>>[vector<16xi32>], vector<16xi32>,
        %parallel_loop3A_719 = vector.bitcast %parallel_loop3A_718 : vector<16xi32> to vector<32xbf16>
        %parallel_loop3A_720 = arith.addf %parallel_loop3A_716, %parallel_loop3A_719 : vector<32xbf16>
        %parallel_loop3A_721 = arith.maximumf %parallel_loop3A_663, %parallel_loop3A_720 : vector<32xbf16>
        %parallel_loop3A_722 = arith.constant 8 : i32
        %parallel_loop3A_723 = arith.muli %scan3A, %parallel_loop3A_722 : i32
        %parallel_loop3A_724 = arith.constant 6 : i32
        %parallel_loop3A_725 = arith.addi %parallel_loop3A_723, %parallel_loop3A_724 : i32
        %parallel_loop3A_726 = arith.index_cast %parallel_loop3A_725 : i32 to index
        %parallel_loop3A_727 = arith.index_cast %parallel_loop3A_493 : i32 to index
        %parallel_loop3A_728 = tpu.vector_load %arg8[%parallel_loop3A_726, %parallel_loop3A_727] {strides = array<i32>} : memref<32x1024xi32, #tpu.memory_space<vmem>>, vector<16xi32>,
        %parallel_loop3A_729 = arith.constant 65535 : i32
        %parallel_loop3A_730 = vector.broadcast %parallel_loop3A_729 : i32 to vector<16xi32>
        %parallel_loop3A_731 = arith.andi %parallel_loop3A_728, %parallel_loop3A_730 : vector<16xi32>
        %parallel_loop3A_732 = arith.constant 16 : i32
        %parallel_loop3A_733 = vector.broadcast %parallel_loop3A_732 : i32 to vector<16xi32>
        %parallel_loop3A_734 = arith.shrui %parallel_loop3A_728, %parallel_loop3A_733 : vector<16xi32>
        %parallel_loop3A_735 = arith.addi %broadcast_in_dim3A_1, %parallel_loop3A_731 : vector<16xi32>
        %parallel_loop3A_736 = tpu.vector_load_idx %arg6[%parallel_loop3A_735] : memref<20000xi32, #tpu.memory_space<vmem>>[vector<16xi32>], vector<16xi32>,
        %parallel_loop3A_737 = vector.bitcast %parallel_loop3A_736 : vector<16xi32> to vector<32xbf16>
        %parallel_loop3A_738 = arith.addi %broadcast_in_dim3A_1, %parallel_loop3A_734 : vector<16xi32>
        %parallel_loop3A_739 = tpu.vector_load_idx %arg7[%parallel_loop3A_738] : memref<20000xi32, #tpu.memory_space<vmem>>[vector<16xi32>], vector<16xi32>,
        %parallel_loop3A_740 = vector.bitcast %parallel_loop3A_739 : vector<16xi32> to vector<32xbf16>
        %parallel_loop3A_741 = arith.addf %parallel_loop3A_737, %parallel_loop3A_740 : vector<32xbf16>
        %parallel_loop3A_742 = arith.maximumf %parallel_loop3A_684, %parallel_loop3A_741 : vector<32xbf16>
        %parallel_loop3A_743 = arith.addi %broadcast_in_dim3A_3, %parallel_loop3A_731 : vector<16xi32>
        %parallel_loop3A_744 = tpu.vector_load_idx %arg6[%parallel_loop3A_743] : memref<20000xi32, #tpu.memory_space<vmem>>[vector<16xi32>], vector<16xi32>,
        %parallel_loop3A_745 = vector.bitcast %parallel_loop3A_744 : vector<16xi32> to vector<32xbf16>
        %parallel_loop3A_746 = arith.addi %broadcast_in_dim3A_3, %parallel_loop3A_734 : vector<16xi32>
        %parallel_loop3A_747 = tpu.vector_load_idx %arg7[%parallel_loop3A_746] : memref<20000xi32, #tpu.memory_space<vmem>>[vector<16xi32>], vector<16xi32>,
        %parallel_loop3A_748 = vector.bitcast %parallel_loop3A_747 : vector<16xi32> to vector<32xbf16>
        %parallel_loop3A_749 = arith.addf %parallel_loop3A_745, %parallel_loop3A_748 : vector<32xbf16>
        %parallel_loop3A_750 = arith.maximumf %parallel_loop3A_692, %parallel_loop3A_749 : vector<32xbf16>
        %parallel_loop3A_751 = arith.constant 8 : i32
        %parallel_loop3A_752 = arith.muli %scan3A, %parallel_loop3A_751 : i32
        %parallel_loop3A_753 = arith.constant 7 : i32
        %parallel_loop3A_754 = arith.addi %parallel_loop3A_752, %parallel_loop3A_753 : i32
        %parallel_loop3A_755 = arith.index_cast %parallel_loop3A_754 : i32 to index
        %parallel_loop3A_756 = arith.index_cast %parallel_loop3A_493 : i32 to index
        %parallel_loop3A_757 = tpu.vector_load %arg8[%parallel_loop3A_755, %parallel_loop3A_756] {strides = array<i32>} : memref<32x1024xi32, #tpu.memory_space<vmem>>, vector<16xi32>,
        %parallel_loop3A_758 = arith.constant 65535 : i32
        %parallel_loop3A_759 = vector.broadcast %parallel_loop3A_758 : i32 to vector<16xi32>
        %parallel_loop3A_760 = arith.andi %parallel_loop3A_757, %parallel_loop3A_759 : vector<16xi32>
        %parallel_loop3A_761 = arith.constant 16 : i32
        %parallel_loop3A_762 = vector.broadcast %parallel_loop3A_761 : i32 to vector<16xi32>
        %parallel_loop3A_763 = arith.shrui %parallel_loop3A_757, %parallel_loop3A_762 : vector<16xi32>
        %parallel_loop3A_764 = arith.addi %broadcast_in_dim3A_1, %parallel_loop3A_760 : vector<16xi32>
        %parallel_loop3A_765 = tpu.vector_load_idx %arg6[%parallel_loop3A_764] : memref<20000xi32, #tpu.memory_space<vmem>>[vector<16xi32>], vector<16xi32>,
        %parallel_loop3A_766 = vector.bitcast %parallel_loop3A_765 : vector<16xi32> to vector<32xbf16>
        %parallel_loop3A_767 = arith.addi %broadcast_in_dim3A_1, %parallel_loop3A_763 : vector<16xi32>
        %parallel_loop3A_768 = tpu.vector_load_idx %arg7[%parallel_loop3A_767] : memref<20000xi32, #tpu.memory_space<vmem>>[vector<16xi32>], vector<16xi32>,
        %parallel_loop3A_769 = vector.bitcast %parallel_loop3A_768 : vector<16xi32> to vector<32xbf16>
        %parallel_loop3A_770 = arith.addf %parallel_loop3A_766, %parallel_loop3A_769 : vector<32xbf16>
        %parallel_loop3A_771 = arith.maximumf %parallel_loop3A_713, %parallel_loop3A_770 : vector<32xbf16>
        %parallel_loop3A_772 = arith.addi %broadcast_in_dim3A_3, %parallel_loop3A_760 : vector<16xi32>
        %parallel_loop3A_773 = tpu.vector_load_idx %arg6[%parallel_loop3A_772] : memref<20000xi32, #tpu.memory_space<vmem>>[vector<16xi32>], vector<16xi32>,
        %parallel_loop3A_774 = vector.bitcast %parallel_loop3A_773 : vector<16xi32> to vector<32xbf16>
        %parallel_loop3A_775 = arith.addi %broadcast_in_dim3A_3, %parallel_loop3A_763 : vector<16xi32>
        %parallel_loop3A_776 = tpu.vector_load_idx %arg7[%parallel_loop3A_775] : memref<20000xi32, #tpu.memory_space<vmem>>[vector<16xi32>], vector<16xi32>,
        %parallel_loop3A_777 = vector.bitcast %parallel_loop3A_776 : vector<16xi32> to vector<32xbf16>
        %parallel_loop3A_778 = arith.addf %parallel_loop3A_774, %parallel_loop3A_777 : vector<32xbf16>
        %parallel_loop3A_779 = arith.maximumf %parallel_loop3A_721, %parallel_loop3A_778 : vector<32xbf16>
        scf.yield %parallel_loop3A_742, %parallel_loop3A_771, %parallel_loop3A_750, %parallel_loop3A_779 : vector<32xbf16>, vector<32xbf16>, vector<32xbf16>, vector<32xbf16>
      }
      %parallel_loop3A_507 = arith.constant 4 : i32
      %parallel_loop3A_508 = arith.maximumf %parallel_loop3A_506#0, %parallel_loop3A_506#1 : vector<32xbf16>
      %parallel_loop3A_509 = vector.bitcast %parallel_loop3A_508 : vector<32xbf16> to vector<16xi32>
      %parallel_loop3A_510 = arith.constant 16 : i32
      %parallel_loop3A_511 = vector.broadcast %parallel_loop3A_510 : i32 to vector<16xi32>
      %parallel_loop3A_512 = arith.shli %parallel_loop3A_509, %parallel_loop3A_511 : vector<16xi32>
      %parallel_loop3A_513 = vector.bitcast %parallel_loop3A_512 : vector<16xi32> to vector<16xf32>
      %parallel_loop3A_514 = arith.constant 0 : i32
      %parallel_loop3A_515 = arith.index_cast %parallel_loop3A_514 : i32 to index
      %parallel_loop3A_516 = arith.index_cast %parallel_loop3A_493 : i32 to index
      %parallel_loop3A_517 = tpu.vector_load %arg10[%parallel_loop3A_515, %parallel_loop3A_516] {strides = array<i32>} : memref<4x1024xf32, #tpu.memory_space<vmem>>, vector<16xf32>,
      tpu.vector_store %arg10[%parallel_loop3A_515, %parallel_loop3A_516], %parallel_loop3A_513 {strides = array<i32>} : memref<4x1024xf32, #tpu.memory_space<vmem>>, vector<16xf32>,
      %parallel_loop3A_518 = arith.constant -65536 : i32
      %parallel_loop3A_519 = vector.broadcast %parallel_loop3A_518 : i32 to vector<16xi32>
      %parallel_loop3A_520 = arith.andi %parallel_loop3A_509, %parallel_loop3A_519 : vector<16xi32>
      %parallel_loop3A_521 = vector.bitcast %parallel_loop3A_520 : vector<16xi32> to vector<16xf32>
      %parallel_loop3A_522 = arith.constant 1 : i32
      %parallel_loop3A_523 = arith.index_cast %parallel_loop3A_522 : i32 to index
      %parallel_loop3A_524 = arith.index_cast %parallel_loop3A_493 : i32 to index
      %parallel_loop3A_525 = tpu.vector_load %arg10[%parallel_loop3A_523, %parallel_loop3A_524] {strides = array<i32>} : memref<4x1024xf32, #tpu.memory_space<vmem>>, vector<16xf32>,
      tpu.vector_store %arg10[%parallel_loop3A_523, %parallel_loop3A_524], %parallel_loop3A_521 {strides = array<i32>} : memref<4x1024xf32, #tpu.memory_space<vmem>>, vector<16xf32>,
      %parallel_loop3A_526 = arith.maximumf %parallel_loop3A_506#2, %parallel_loop3A_506#3 : vector<32xbf16>
      %parallel_loop3A_527 = vector.bitcast %parallel_loop3A_526 : vector<32xbf16> to vector<16xi32>
      %parallel_loop3A_528 = arith.constant 16 : i32
      %parallel_loop3A_529 = vector.broadcast %parallel_loop3A_528 : i32 to vector<16xi32>
      %parallel_loop3A_530 = arith.shli %parallel_loop3A_527, %parallel_loop3A_529 : vector<16xi32>
      %parallel_loop3A_531 = vector.bitcast %parallel_loop3A_530 : vector<16xi32> to vector<16xf32>
      %parallel_loop3A_532 = arith.constant 2 : i32
      %parallel_loop3A_533 = arith.index_cast %parallel_loop3A_532 : i32 to index
      %parallel_loop3A_534 = arith.index_cast %parallel_loop3A_493 : i32 to index
      %parallel_loop3A_535 = tpu.vector_load %arg10[%parallel_loop3A_533, %parallel_loop3A_534] {strides = array<i32>} : memref<4x1024xf32, #tpu.memory_space<vmem>>, vector<16xf32>,
      tpu.vector_store %arg10[%parallel_loop3A_533, %parallel_loop3A_534], %parallel_loop3A_531 {strides = array<i32>} : memref<4x1024xf32, #tpu.memory_space<vmem>>, vector<16xf32>,
      %parallel_loop3A_536 = arith.constant -65536 : i32
      %parallel_loop3A_537 = vector.broadcast %parallel_loop3A_536 : i32 to vector<16xi32>
      %parallel_loop3A_538 = arith.andi %parallel_loop3A_527, %parallel_loop3A_537 : vector<16xi32>
      %parallel_loop3A_539 = vector.bitcast %parallel_loop3A_538 : vector<16xi32> to vector<16xf32>
      %parallel_loop3A_540 = arith.constant 3 : i32
      %parallel_loop3A_541 = arith.index_cast %parallel_loop3A_540 : i32 to index
      %parallel_loop3A_542 = arith.index_cast %parallel_loop3A_493 : i32 to index
      %parallel_loop3A_543 = tpu.vector_load %arg10[%parallel_loop3A_541, %parallel_loop3A_542] {strides = array<i32>} : memref<4x1024xf32, #tpu.memory_space<vmem>>, vector<16xf32>,
      tpu.vector_store %arg10[%parallel_loop3A_541, %parallel_loop3A_542], %parallel_loop3A_539 {strides = array<i32>} : memref<4x1024xf32, #tpu.memory_space<vmem>>, vector<16xf32>,
    } {sc.loop_unroll_factor = 1 : i64, sc.parallel_access}
    %mul3A_324 = arith.constant 4 : i32
    %mul3A_325 = arith.muli %add3A, %mul3A_324 : i32
    %dma_start3A_326 = arith.constant 0 : i32
    %dma_start3A_327 = arith.constant 0 : i32
    %dma_start3A_328 = tpu.memref_slice %arg10[%dma_start3A_326, %dma_start3A_327] : memref<4x1024xf32, #tpu.memory_space<vmem>> -> memref<4x1024xf32, #tpu.memory_space<vmem>>
    %dma_start3A_329 = arith.constant 6144 : i32
    %dma_start3A_330 = tpu.memref_slice %arg5[%mul3A_325, %dma_start3A_329] : memref<128x10000xf32, #tpu.memory_space<hbm>> -> memref<4x1024xf32, #tpu.memory_space<hbm>>
    %dma_start3A_331 = arith.constant 6144 : i32
    %dma_start3A_332 = tpu.memref_slice %arg5[%mul3A_325, %dma_start3A_331] : memref<128x10000xf32, #tpu.memory_space<hbm>> -> memref<4x1024xf32, #tpu.memory_space<hbm>>
    %dma_start3A_333 = arith.constant 0 : i32
    %dma_start3A_334 = arith.constant 0 : i32
    %dma_start3A_335 = tpu.memref_slice %arg10[%dma_start3A_333, %dma_start3A_334] : memref<4x1024xf32, #tpu.memory_space<vmem>> -> memref<4x1024xf32, #tpu.memory_space<vmem>>
    tpu.enqueue_dma source(%dma_start3A_335 : memref<4x1024xf32, #tpu.memory_space<vmem>>) target(%dma_start3A_332 : memref<4x1024xf32, #tpu.memory_space<hbm>>) target_semaphore(%arg14 : memref<!tpu.dma_semaphore, #tpu.memory_space<semaphore_mem>>)
    %dma_start3A_336 = arith.constant 0 : i32
    %dma_start3A_337 = arith.constant 0 : i32
    %dma_start3A_338 = tpu.memref_slice %arg8[%dma_start3A_336, %dma_start3A_337] : memref<32x1024xi32, #tpu.memory_space<vmem>> -> memref<32x1024xi32, #tpu.memory_space<vmem>>
    %dma_start3A_339 = arith.constant 0 : i32
    %dma_start3A_340 = arith.constant 8192 : i32
    %dma_start3A_341 = tpu.memref_slice %arg4[%dma_start3A_339, %dma_start3A_340] : memref<32x10000xi32, #tpu.memory_space<hbm>> -> memref<32x1024xi32, #tpu.memory_space<hbm>>
    %dma_start3A_342 = arith.constant 0 : i32
    %dma_start3A_343 = arith.constant 0 : i32
    %dma_start3A_344 = tpu.memref_slice %arg8[%dma_start3A_342, %dma_start3A_343] : memref<32x1024xi32, #tpu.memory_space<vmem>> -> memref<32x1024xi32, #tpu.memory_space<vmem>>
    %dma_start3A_345 = arith.constant 0 : i32
    %dma_start3A_346 = arith.constant 8192 : i32
    %dma_start3A_347 = tpu.memref_slice %arg4[%dma_start3A_345, %dma_start3A_346] : memref<32x10000xi32, #tpu.memory_space<hbm>> -> memref<32x1024xi32, #tpu.memory_space<hbm>>
    tpu.enqueue_dma source(%dma_start3A_347 : memref<32x1024xi32, #tpu.memory_space<hbm>>) target(%dma_start3A_344 : memref<32x1024xi32, #tpu.memory_space<vmem>>) target_semaphore(%arg12 : memref<!tpu.dma_semaphore, #tpu.memory_space<semaphore_mem>>)
    %dma_wait3A_348 = arith.constant 0 : i32
    %dma_wait3A_349 = arith.constant 0 : i32
    %dma_wait3A_350 = tpu.memref_slice %arg9[%dma_wait3A_348, %dma_wait3A_349] : memref<32x1024xi32, #tpu.memory_space<vmem>> -> memref<32x1024xi32, #tpu.memory_space<vmem>>
    %dma_wait3A_351 = arith.constant 0 : i32
    %dma_wait3A_352 = arith.constant 7168 : i32
    %dma_wait3A_353 = tpu.memref_slice %arg4[%dma_wait3A_351, %dma_wait3A_352] : memref<32x10000xi32, #tpu.memory_space<hbm>> -> memref<32x1024xi32, #tpu.memory_space<hbm>>
    %dma_wait3A_354 = arith.constant 0 : i32
    %dma_wait3A_355 = arith.constant 0 : i32
    %dma_wait3A_356 = tpu.memref_slice %arg9[%dma_wait3A_354, %dma_wait3A_355] : memref<32x1024xi32, #tpu.memory_space<vmem>> -> memref<32x1024xi32, #tpu.memory_space<vmem>>
    %dma_wait3A_357 = arith.constant 0 : i32
    %dma_wait3A_358 = arith.constant 7168 : i32
    %dma_wait3A_359 = tpu.memref_slice %arg4[%dma_wait3A_357, %dma_wait3A_358] : memref<32x10000xi32, #tpu.memory_space<hbm>> -> memref<32x1024xi32, #tpu.memory_space<hbm>>
    tpu.wait_dma2 semaphore(%arg13 : memref<!tpu.dma_semaphore, #tpu.memory_space<semaphore_mem>>) src(%dma_wait3A_359 : memref<32x1024xi32, #tpu.memory_space<hbm>>) dst(%dma_wait3A_356 : memref<32x1024xi32, #tpu.memory_space<vmem>>)
    %dma_wait3A_360 = arith.constant 0 : i32
    %dma_wait3A_361 = arith.constant 0 : i32
    %dma_wait3A_362 = tpu.memref_slice %arg11[%dma_wait3A_360, %dma_wait3A_361] : memref<4x1024xf32, #tpu.memory_space<vmem>> -> memref<4x1024xf32, #tpu.memory_space<vmem>>
    %dma_wait3A_363 = arith.constant 5120 : i32
    %dma_wait3A_364 = tpu.memref_slice %arg5[%mul3A_276, %dma_wait3A_363] : memref<128x10000xf32, #tpu.memory_space<hbm>> -> memref<4x1024xf32, #tpu.memory_space<hbm>>
    %dma_wait3A_365 = arith.constant 5120 : i32
    %dma_wait3A_366 = tpu.memref_slice %arg5[%mul3A_276, %dma_wait3A_365] : memref<128x10000xf32, #tpu.memory_space<hbm>> -> memref<4x1024xf32, #tpu.memory_space<hbm>>
    %dma_wait3A_367 = arith.constant 0 : i32
    %dma_wait3A_368 = arith.constant 0 : i32
    %dma_wait3A_369 = tpu.memref_slice %arg11[%dma_wait3A_367, %dma_wait3A_368] : memref<4x1024xf32, #tpu.memory_space<vmem>> -> memref<4x1024xf32, #tpu.memory_space<vmem>>
    tpu.wait_dma2 semaphore(%arg15 : memref<!tpu.dma_semaphore, #tpu.memory_space<semaphore_mem>>) src(%dma_wait3A_369 : memref<4x1024xf32, #tpu.memory_space<vmem>>) dst(%dma_wait3A_366 : memref<4x1024xf32, #tpu.memory_space<hbm>>)
    %parallel_loop3A_370 = arith.constant 0 : i32
    %parallel_loop3A_371 = arith.constant 64 : i32
    %parallel_loop3A_372 = arith.constant 1 : i32
    scf.for %parallel_loop3A_491 = %parallel_loop3A_370 to %parallel_loop3A_371 step %parallel_loop3A_372  : i32 {
      %parallel_loop3A_492 = arith.constant 16 : i32
      %parallel_loop3A_493 = arith.muli %parallel_loop3A_491, %parallel_loop3A_492 : i32
      %parallel_loop3A_494 = arith.constant 0.000000e+00 : bf16
      %parallel_loop3A_495 = vector.broadcast %parallel_loop3A_494 : bf16 to vector<32xbf16>
      %parallel_loop3A_496 = arith.constant 0.000000e+00 : bf16
      %parallel_loop3A_497 = vector.broadcast %parallel_loop3A_496 : bf16 to vector<32xbf16>
      %parallel_loop3A_498 = arith.constant 0.000000e+00 : bf16
      %parallel_loop3A_499 = vector.broadcast %parallel_loop3A_498 : bf16 to vector<32xbf16>
      %parallel_loop3A_500 = arith.constant 0.000000e+00 : bf16
      %parallel_loop3A_501 = vector.broadcast %parallel_loop3A_500 : bf16 to vector<32xbf16>
      %parallel_loop3A_502 = arith.constant 0 : i32
      %parallel_loop3A_503 = arith.constant 4 : i32
      %parallel_loop3A_504 = arith.addi %parallel_loop3A_502, %parallel_loop3A_503 : i32
      %parallel_loop3A_505 = arith.constant 1 : i32
      %parallel_loop3A_506:4 = scf.for %scan3A = %parallel_loop3A_502 to %parallel_loop3A_504 step %parallel_loop3A_505 iter_args(%scan3A_544 = %parallel_loop3A_495, %scan3A_545 = %parallel_loop3A_497, %scan3A_546 = %parallel_loop3A_499, %scan3A_547 = %parallel_loop3A_501) -> (vector<32xbf16>, vector<32xbf16>, vector<32xbf16>, vector<32xbf16>)  : i32 {
        %parallel_loop3A_548 = arith.constant 8 : i32
        %parallel_loop3A_549 = arith.muli %scan3A, %parallel_loop3A_548 : i32
        %parallel_loop3A_550 = arith.constant 0 : i32
        %parallel_loop3A_551 = arith.addi %parallel_loop3A_549, %parallel_loop3A_550 : i32
        %parallel_loop3A_552 = arith.index_cast %parallel_loop3A_551 : i32 to index
        %parallel_loop3A_553 = arith.index_cast %parallel_loop3A_493 : i32 to index
        %parallel_loop3A_554 = tpu.vector_load %arg9[%parallel_loop3A_552, %parallel_loop3A_553] {strides = array<i32>} : memref<32x1024xi32, #tpu.memory_space<vmem>>, vector<16xi32>,
        %parallel_loop3A_555 = arith.constant 65535 : i32
        %parallel_loop3A_556 = vector.broadcast %parallel_loop3A_555 : i32 to vector<16xi32>
        %parallel_loop3A_557 = arith.andi %parallel_loop3A_554, %parallel_loop3A_556 : vector<16xi32>
        %parallel_loop3A_558 = arith.constant 16 : i32
        %parallel_loop3A_559 = vector.broadcast %parallel_loop3A_558 : i32 to vector<16xi32>
        %parallel_loop3A_560 = arith.shrui %parallel_loop3A_554, %parallel_loop3A_559 : vector<16xi32>
        %parallel_loop3A_561 = arith.addi %broadcast_in_dim3A_1, %parallel_loop3A_557 : vector<16xi32>
        %parallel_loop3A_562 = tpu.vector_load_idx %arg6[%parallel_loop3A_561] : memref<20000xi32, #tpu.memory_space<vmem>>[vector<16xi32>], vector<16xi32>,
        %parallel_loop3A_563 = vector.bitcast %parallel_loop3A_562 : vector<16xi32> to vector<32xbf16>
        %parallel_loop3A_564 = arith.addi %broadcast_in_dim3A_1, %parallel_loop3A_560 : vector<16xi32>
        %parallel_loop3A_565 = tpu.vector_load_idx %arg7[%parallel_loop3A_564] : memref<20000xi32, #tpu.memory_space<vmem>>[vector<16xi32>], vector<16xi32>,
        %parallel_loop3A_566 = vector.bitcast %parallel_loop3A_565 : vector<16xi32> to vector<32xbf16>
        %parallel_loop3A_567 = arith.addf %parallel_loop3A_563, %parallel_loop3A_566 : vector<32xbf16>
        %parallel_loop3A_568 = arith.maximumf %scan3A_544, %parallel_loop3A_567 : vector<32xbf16>
        %parallel_loop3A_569 = arith.addi %broadcast_in_dim3A_3, %parallel_loop3A_557 : vector<16xi32>
        %parallel_loop3A_570 = tpu.vector_load_idx %arg6[%parallel_loop3A_569] : memref<20000xi32, #tpu.memory_space<vmem>>[vector<16xi32>], vector<16xi32>,
        %parallel_loop3A_571 = vector.bitcast %parallel_loop3A_570 : vector<16xi32> to vector<32xbf16>
        %parallel_loop3A_572 = arith.addi %broadcast_in_dim3A_3, %parallel_loop3A_560 : vector<16xi32>
        %parallel_loop3A_573 = tpu.vector_load_idx %arg7[%parallel_loop3A_572] : memref<20000xi32, #tpu.memory_space<vmem>>[vector<16xi32>], vector<16xi32>,
        %parallel_loop3A_574 = vector.bitcast %parallel_loop3A_573 : vector<16xi32> to vector<32xbf16>
        %parallel_loop3A_575 = arith.addf %parallel_loop3A_571, %parallel_loop3A_574 : vector<32xbf16>
        %parallel_loop3A_576 = arith.maximumf %scan3A_546, %parallel_loop3A_575 : vector<32xbf16>
        %parallel_loop3A_577 = arith.constant 8 : i32
        %parallel_loop3A_578 = arith.muli %scan3A, %parallel_loop3A_577 : i32
        %parallel_loop3A_579 = arith.constant 1 : i32
        %parallel_loop3A_580 = arith.addi %parallel_loop3A_578, %parallel_loop3A_579 : i32
        %parallel_loop3A_581 = arith.index_cast %parallel_loop3A_580 : i32 to index
        %parallel_loop3A_582 = arith.index_cast %parallel_loop3A_493 : i32 to index
        %parallel_loop3A_583 = tpu.vector_load %arg9[%parallel_loop3A_581, %parallel_loop3A_582] {strides = array<i32>} : memref<32x1024xi32, #tpu.memory_space<vmem>>, vector<16xi32>,
        %parallel_loop3A_584 = arith.constant 65535 : i32
        %parallel_loop3A_585 = vector.broadcast %parallel_loop3A_584 : i32 to vector<16xi32>
        %parallel_loop3A_586 = arith.andi %parallel_loop3A_583, %parallel_loop3A_585 : vector<16xi32>
        %parallel_loop3A_587 = arith.constant 16 : i32
        %parallel_loop3A_588 = vector.broadcast %parallel_loop3A_587 : i32 to vector<16xi32>
        %parallel_loop3A_589 = arith.shrui %parallel_loop3A_583, %parallel_loop3A_588 : vector<16xi32>
        %parallel_loop3A_590 = arith.addi %broadcast_in_dim3A_1, %parallel_loop3A_586 : vector<16xi32>
        %parallel_loop3A_591 = tpu.vector_load_idx %arg6[%parallel_loop3A_590] : memref<20000xi32, #tpu.memory_space<vmem>>[vector<16xi32>], vector<16xi32>,
        %parallel_loop3A_592 = vector.bitcast %parallel_loop3A_591 : vector<16xi32> to vector<32xbf16>
        %parallel_loop3A_593 = arith.addi %broadcast_in_dim3A_1, %parallel_loop3A_589 : vector<16xi32>
        %parallel_loop3A_594 = tpu.vector_load_idx %arg7[%parallel_loop3A_593] : memref<20000xi32, #tpu.memory_space<vmem>>[vector<16xi32>], vector<16xi32>,
        %parallel_loop3A_595 = vector.bitcast %parallel_loop3A_594 : vector<16xi32> to vector<32xbf16>
        %parallel_loop3A_596 = arith.addf %parallel_loop3A_592, %parallel_loop3A_595 : vector<32xbf16>
        %parallel_loop3A_597 = arith.maximumf %scan3A_545, %parallel_loop3A_596 : vector<32xbf16>
        %parallel_loop3A_598 = arith.addi %broadcast_in_dim3A_3, %parallel_loop3A_586 : vector<16xi32>
        %parallel_loop3A_599 = tpu.vector_load_idx %arg6[%parallel_loop3A_598] : memref<20000xi32, #tpu.memory_space<vmem>>[vector<16xi32>], vector<16xi32>,
        %parallel_loop3A_600 = vector.bitcast %parallel_loop3A_599 : vector<16xi32> to vector<32xbf16>
        %parallel_loop3A_601 = arith.addi %broadcast_in_dim3A_3, %parallel_loop3A_589 : vector<16xi32>
        %parallel_loop3A_602 = tpu.vector_load_idx %arg7[%parallel_loop3A_601] : memref<20000xi32, #tpu.memory_space<vmem>>[vector<16xi32>], vector<16xi32>,
        %parallel_loop3A_603 = vector.bitcast %parallel_loop3A_602 : vector<16xi32> to vector<32xbf16>
        %parallel_loop3A_604 = arith.addf %parallel_loop3A_600, %parallel_loop3A_603 : vector<32xbf16>
        %parallel_loop3A_605 = arith.maximumf %scan3A_547, %parallel_loop3A_604 : vector<32xbf16>
        %parallel_loop3A_606 = arith.constant 8 : i32
        %parallel_loop3A_607 = arith.muli %scan3A, %parallel_loop3A_606 : i32
        %parallel_loop3A_608 = arith.constant 2 : i32
        %parallel_loop3A_609 = arith.addi %parallel_loop3A_607, %parallel_loop3A_608 : i32
        %parallel_loop3A_610 = arith.index_cast %parallel_loop3A_609 : i32 to index
        %parallel_loop3A_611 = arith.index_cast %parallel_loop3A_493 : i32 to index
        %parallel_loop3A_612 = tpu.vector_load %arg9[%parallel_loop3A_610, %parallel_loop3A_611] {strides = array<i32>} : memref<32x1024xi32, #tpu.memory_space<vmem>>, vector<16xi32>,
        %parallel_loop3A_613 = arith.constant 65535 : i32
        %parallel_loop3A_614 = vector.broadcast %parallel_loop3A_613 : i32 to vector<16xi32>
        %parallel_loop3A_615 = arith.andi %parallel_loop3A_612, %parallel_loop3A_614 : vector<16xi32>
        %parallel_loop3A_616 = arith.constant 16 : i32
        %parallel_loop3A_617 = vector.broadcast %parallel_loop3A_616 : i32 to vector<16xi32>
        %parallel_loop3A_618 = arith.shrui %parallel_loop3A_612, %parallel_loop3A_617 : vector<16xi32>
        %parallel_loop3A_619 = arith.addi %broadcast_in_dim3A_1, %parallel_loop3A_615 : vector<16xi32>
        %parallel_loop3A_620 = tpu.vector_load_idx %arg6[%parallel_loop3A_619] : memref<20000xi32, #tpu.memory_space<vmem>>[vector<16xi32>], vector<16xi32>,
        %parallel_loop3A_621 = vector.bitcast %parallel_loop3A_620 : vector<16xi32> to vector<32xbf16>
        %parallel_loop3A_622 = arith.addi %broadcast_in_dim3A_1, %parallel_loop3A_618 : vector<16xi32>
        %parallel_loop3A_623 = tpu.vector_load_idx %arg7[%parallel_loop3A_622] : memref<20000xi32, #tpu.memory_space<vmem>>[vector<16xi32>], vector<16xi32>,
        %parallel_loop3A_624 = vector.bitcast %parallel_loop3A_623 : vector<16xi32> to vector<32xbf16>
        %parallel_loop3A_625 = arith.addf %parallel_loop3A_621, %parallel_loop3A_624 : vector<32xbf16>
        %parallel_loop3A_626 = arith.maximumf %parallel_loop3A_568, %parallel_loop3A_625 : vector<32xbf16>
        %parallel_loop3A_627 = arith.addi %broadcast_in_dim3A_3, %parallel_loop3A_615 : vector<16xi32>
        %parallel_loop3A_628 = tpu.vector_load_idx %arg6[%parallel_loop3A_627] : memref<20000xi32, #tpu.memory_space<vmem>>[vector<16xi32>], vector<16xi32>,
        %parallel_loop3A_629 = vector.bitcast %parallel_loop3A_628 : vector<16xi32> to vector<32xbf16>
        %parallel_loop3A_630 = arith.addi %broadcast_in_dim3A_3, %parallel_loop3A_618 : vector<16xi32>
        %parallel_loop3A_631 = tpu.vector_load_idx %arg7[%parallel_loop3A_630] : memref<20000xi32, #tpu.memory_space<vmem>>[vector<16xi32>], vector<16xi32>,
        %parallel_loop3A_632 = vector.bitcast %parallel_loop3A_631 : vector<16xi32> to vector<32xbf16>
        %parallel_loop3A_633 = arith.addf %parallel_loop3A_629, %parallel_loop3A_632 : vector<32xbf16>
        %parallel_loop3A_634 = arith.maximumf %parallel_loop3A_576, %parallel_loop3A_633 : vector<32xbf16>
        %parallel_loop3A_635 = arith.constant 8 : i32
        %parallel_loop3A_636 = arith.muli %scan3A, %parallel_loop3A_635 : i32
        %parallel_loop3A_637 = arith.constant 3 : i32
        %parallel_loop3A_638 = arith.addi %parallel_loop3A_636, %parallel_loop3A_637 : i32
        %parallel_loop3A_639 = arith.index_cast %parallel_loop3A_638 : i32 to index
        %parallel_loop3A_640 = arith.index_cast %parallel_loop3A_493 : i32 to index
        %parallel_loop3A_641 = tpu.vector_load %arg9[%parallel_loop3A_639, %parallel_loop3A_640] {strides = array<i32>} : memref<32x1024xi32, #tpu.memory_space<vmem>>, vector<16xi32>,
        %parallel_loop3A_642 = arith.constant 65535 : i32
        %parallel_loop3A_643 = vector.broadcast %parallel_loop3A_642 : i32 to vector<16xi32>
        %parallel_loop3A_644 = arith.andi %parallel_loop3A_641, %parallel_loop3A_643 : vector<16xi32>
        %parallel_loop3A_645 = arith.constant 16 : i32
        %parallel_loop3A_646 = vector.broadcast %parallel_loop3A_645 : i32 to vector<16xi32>
        %parallel_loop3A_647 = arith.shrui %parallel_loop3A_641, %parallel_loop3A_646 : vector<16xi32>
        %parallel_loop3A_648 = arith.addi %broadcast_in_dim3A_1, %parallel_loop3A_644 : vector<16xi32>
        %parallel_loop3A_649 = tpu.vector_load_idx %arg6[%parallel_loop3A_648] : memref<20000xi32, #tpu.memory_space<vmem>>[vector<16xi32>], vector<16xi32>,
        %parallel_loop3A_650 = vector.bitcast %parallel_loop3A_649 : vector<16xi32> to vector<32xbf16>
        %parallel_loop3A_651 = arith.addi %broadcast_in_dim3A_1, %parallel_loop3A_647 : vector<16xi32>
        %parallel_loop3A_652 = tpu.vector_load_idx %arg7[%parallel_loop3A_651] : memref<20000xi32, #tpu.memory_space<vmem>>[vector<16xi32>], vector<16xi32>,
        %parallel_loop3A_653 = vector.bitcast %parallel_loop3A_652 : vector<16xi32> to vector<32xbf16>
        %parallel_loop3A_654 = arith.addf %parallel_loop3A_650, %parallel_loop3A_653 : vector<32xbf16>
        %parallel_loop3A_655 = arith.maximumf %parallel_loop3A_597, %parallel_loop3A_654 : vector<32xbf16>
        %parallel_loop3A_656 = arith.addi %broadcast_in_dim3A_3, %parallel_loop3A_644 : vector<16xi32>
        %parallel_loop3A_657 = tpu.vector_load_idx %arg6[%parallel_loop3A_656] : memref<20000xi32, #tpu.memory_space<vmem>>[vector<16xi32>], vector<16xi32>,
        %parallel_loop3A_658 = vector.bitcast %parallel_loop3A_657 : vector<16xi32> to vector<32xbf16>
        %parallel_loop3A_659 = arith.addi %broadcast_in_dim3A_3, %parallel_loop3A_647 : vector<16xi32>
        %parallel_loop3A_660 = tpu.vector_load_idx %arg7[%parallel_loop3A_659] : memref<20000xi32, #tpu.memory_space<vmem>>[vector<16xi32>], vector<16xi32>,
        %parallel_loop3A_661 = vector.bitcast %parallel_loop3A_660 : vector<16xi32> to vector<32xbf16>
        %parallel_loop3A_662 = arith.addf %parallel_loop3A_658, %parallel_loop3A_661 : vector<32xbf16>
        %parallel_loop3A_663 = arith.maximumf %parallel_loop3A_605, %parallel_loop3A_662 : vector<32xbf16>
        %parallel_loop3A_664 = arith.constant 8 : i32
        %parallel_loop3A_665 = arith.muli %scan3A, %parallel_loop3A_664 : i32
        %parallel_loop3A_666 = arith.constant 4 : i32
        %parallel_loop3A_667 = arith.addi %parallel_loop3A_665, %parallel_loop3A_666 : i32
        %parallel_loop3A_668 = arith.index_cast %parallel_loop3A_667 : i32 to index
        %parallel_loop3A_669 = arith.index_cast %parallel_loop3A_493 : i32 to index
        %parallel_loop3A_670 = tpu.vector_load %arg9[%parallel_loop3A_668, %parallel_loop3A_669] {strides = array<i32>} : memref<32x1024xi32, #tpu.memory_space<vmem>>, vector<16xi32>,
        %parallel_loop3A_671 = arith.constant 65535 : i32
        %parallel_loop3A_672 = vector.broadcast %parallel_loop3A_671 : i32 to vector<16xi32>
        %parallel_loop3A_673 = arith.andi %parallel_loop3A_670, %parallel_loop3A_672 : vector<16xi32>
        %parallel_loop3A_674 = arith.constant 16 : i32
        %parallel_loop3A_675 = vector.broadcast %parallel_loop3A_674 : i32 to vector<16xi32>
        %parallel_loop3A_676 = arith.shrui %parallel_loop3A_670, %parallel_loop3A_675 : vector<16xi32>
        %parallel_loop3A_677 = arith.addi %broadcast_in_dim3A_1, %parallel_loop3A_673 : vector<16xi32>
        %parallel_loop3A_678 = tpu.vector_load_idx %arg6[%parallel_loop3A_677] : memref<20000xi32, #tpu.memory_space<vmem>>[vector<16xi32>], vector<16xi32>,
        %parallel_loop3A_679 = vector.bitcast %parallel_loop3A_678 : vector<16xi32> to vector<32xbf16>
        %parallel_loop3A_680 = arith.addi %broadcast_in_dim3A_1, %parallel_loop3A_676 : vector<16xi32>
        %parallel_loop3A_681 = tpu.vector_load_idx %arg7[%parallel_loop3A_680] : memref<20000xi32, #tpu.memory_space<vmem>>[vector<16xi32>], vector<16xi32>,
        %parallel_loop3A_682 = vector.bitcast %parallel_loop3A_681 : vector<16xi32> to vector<32xbf16>
        %parallel_loop3A_683 = arith.addf %parallel_loop3A_679, %parallel_loop3A_682 : vector<32xbf16>
        %parallel_loop3A_684 = arith.maximumf %parallel_loop3A_626, %parallel_loop3A_683 : vector<32xbf16>
        %parallel_loop3A_685 = arith.addi %broadcast_in_dim3A_3, %parallel_loop3A_673 : vector<16xi32>
        %parallel_loop3A_686 = tpu.vector_load_idx %arg6[%parallel_loop3A_685] : memref<20000xi32, #tpu.memory_space<vmem>>[vector<16xi32>], vector<16xi32>,
        %parallel_loop3A_687 = vector.bitcast %parallel_loop3A_686 : vector<16xi32> to vector<32xbf16>
        %parallel_loop3A_688 = arith.addi %broadcast_in_dim3A_3, %parallel_loop3A_676 : vector<16xi32>
        %parallel_loop3A_689 = tpu.vector_load_idx %arg7[%parallel_loop3A_688] : memref<20000xi32, #tpu.memory_space<vmem>>[vector<16xi32>], vector<16xi32>,
        %parallel_loop3A_690 = vector.bitcast %parallel_loop3A_689 : vector<16xi32> to vector<32xbf16>
        %parallel_loop3A_691 = arith.addf %parallel_loop3A_687, %parallel_loop3A_690 : vector<32xbf16>
        %parallel_loop3A_692 = arith.maximumf %parallel_loop3A_634, %parallel_loop3A_691 : vector<32xbf16>
        %parallel_loop3A_693 = arith.constant 8 : i32
        %parallel_loop3A_694 = arith.muli %scan3A, %parallel_loop3A_693 : i32
        %parallel_loop3A_695 = arith.constant 5 : i32
        %parallel_loop3A_696 = arith.addi %parallel_loop3A_694, %parallel_loop3A_695 : i32
        %parallel_loop3A_697 = arith.index_cast %parallel_loop3A_696 : i32 to index
        %parallel_loop3A_698 = arith.index_cast %parallel_loop3A_493 : i32 to index
        %parallel_loop3A_699 = tpu.vector_load %arg9[%parallel_loop3A_697, %parallel_loop3A_698] {strides = array<i32>} : memref<32x1024xi32, #tpu.memory_space<vmem>>, vector<16xi32>,
        %parallel_loop3A_700 = arith.constant 65535 : i32
        %parallel_loop3A_701 = vector.broadcast %parallel_loop3A_700 : i32 to vector<16xi32>
        %parallel_loop3A_702 = arith.andi %parallel_loop3A_699, %parallel_loop3A_701 : vector<16xi32>
        %parallel_loop3A_703 = arith.constant 16 : i32
        %parallel_loop3A_704 = vector.broadcast %parallel_loop3A_703 : i32 to vector<16xi32>
        %parallel_loop3A_705 = arith.shrui %parallel_loop3A_699, %parallel_loop3A_704 : vector<16xi32>
        %parallel_loop3A_706 = arith.addi %broadcast_in_dim3A_1, %parallel_loop3A_702 : vector<16xi32>
        %parallel_loop3A_707 = tpu.vector_load_idx %arg6[%parallel_loop3A_706] : memref<20000xi32, #tpu.memory_space<vmem>>[vector<16xi32>], vector<16xi32>,
        %parallel_loop3A_708 = vector.bitcast %parallel_loop3A_707 : vector<16xi32> to vector<32xbf16>
        %parallel_loop3A_709 = arith.addi %broadcast_in_dim3A_1, %parallel_loop3A_705 : vector<16xi32>
        %parallel_loop3A_710 = tpu.vector_load_idx %arg7[%parallel_loop3A_709] : memref<20000xi32, #tpu.memory_space<vmem>>[vector<16xi32>], vector<16xi32>,
        %parallel_loop3A_711 = vector.bitcast %parallel_loop3A_710 : vector<16xi32> to vector<32xbf16>
        %parallel_loop3A_712 = arith.addf %parallel_loop3A_708, %parallel_loop3A_711 : vector<32xbf16>
        %parallel_loop3A_713 = arith.maximumf %parallel_loop3A_655, %parallel_loop3A_712 : vector<32xbf16>
        %parallel_loop3A_714 = arith.addi %broadcast_in_dim3A_3, %parallel_loop3A_702 : vector<16xi32>
        %parallel_loop3A_715 = tpu.vector_load_idx %arg6[%parallel_loop3A_714] : memref<20000xi32, #tpu.memory_space<vmem>>[vector<16xi32>], vector<16xi32>,
        %parallel_loop3A_716 = vector.bitcast %parallel_loop3A_715 : vector<16xi32> to vector<32xbf16>
        %parallel_loop3A_717 = arith.addi %broadcast_in_dim3A_3, %parallel_loop3A_705 : vector<16xi32>
        %parallel_loop3A_718 = tpu.vector_load_idx %arg7[%parallel_loop3A_717] : memref<20000xi32, #tpu.memory_space<vmem>>[vector<16xi32>], vector<16xi32>,
        %parallel_loop3A_719 = vector.bitcast %parallel_loop3A_718 : vector<16xi32> to vector<32xbf16>
        %parallel_loop3A_720 = arith.addf %parallel_loop3A_716, %parallel_loop3A_719 : vector<32xbf16>
        %parallel_loop3A_721 = arith.maximumf %parallel_loop3A_663, %parallel_loop3A_720 : vector<32xbf16>
        %parallel_loop3A_722 = arith.constant 8 : i32
        %parallel_loop3A_723 = arith.muli %scan3A, %parallel_loop3A_722 : i32
        %parallel_loop3A_724 = arith.constant 6 : i32
        %parallel_loop3A_725 = arith.addi %parallel_loop3A_723, %parallel_loop3A_724 : i32
        %parallel_loop3A_726 = arith.index_cast %parallel_loop3A_725 : i32 to index
        %parallel_loop3A_727 = arith.index_cast %parallel_loop3A_493 : i32 to index
        %parallel_loop3A_728 = tpu.vector_load %arg9[%parallel_loop3A_726, %parallel_loop3A_727] {strides = array<i32>} : memref<32x1024xi32, #tpu.memory_space<vmem>>, vector<16xi32>,
        %parallel_loop3A_729 = arith.constant 65535 : i32
        %parallel_loop3A_730 = vector.broadcast %parallel_loop3A_729 : i32 to vector<16xi32>
        %parallel_loop3A_731 = arith.andi %parallel_loop3A_728, %parallel_loop3A_730 : vector<16xi32>
        %parallel_loop3A_732 = arith.constant 16 : i32
        %parallel_loop3A_733 = vector.broadcast %parallel_loop3A_732 : i32 to vector<16xi32>
        %parallel_loop3A_734 = arith.shrui %parallel_loop3A_728, %parallel_loop3A_733 : vector<16xi32>
        %parallel_loop3A_735 = arith.addi %broadcast_in_dim3A_1, %parallel_loop3A_731 : vector<16xi32>
        %parallel_loop3A_736 = tpu.vector_load_idx %arg6[%parallel_loop3A_735] : memref<20000xi32, #tpu.memory_space<vmem>>[vector<16xi32>], vector<16xi32>,
        %parallel_loop3A_737 = vector.bitcast %parallel_loop3A_736 : vector<16xi32> to vector<32xbf16>
        %parallel_loop3A_738 = arith.addi %broadcast_in_dim3A_1, %parallel_loop3A_734 : vector<16xi32>
        %parallel_loop3A_739 = tpu.vector_load_idx %arg7[%parallel_loop3A_738] : memref<20000xi32, #tpu.memory_space<vmem>>[vector<16xi32>], vector<16xi32>,
        %parallel_loop3A_740 = vector.bitcast %parallel_loop3A_739 : vector<16xi32> to vector<32xbf16>
        %parallel_loop3A_741 = arith.addf %parallel_loop3A_737, %parallel_loop3A_740 : vector<32xbf16>
        %parallel_loop3A_742 = arith.maximumf %parallel_loop3A_684, %parallel_loop3A_741 : vector<32xbf16>
        %parallel_loop3A_743 = arith.addi %broadcast_in_dim3A_3, %parallel_loop3A_731 : vector<16xi32>
        %parallel_loop3A_744 = tpu.vector_load_idx %arg6[%parallel_loop3A_743] : memref<20000xi32, #tpu.memory_space<vmem>>[vector<16xi32>], vector<16xi32>,
        %parallel_loop3A_745 = vector.bitcast %parallel_loop3A_744 : vector<16xi32> to vector<32xbf16>
        %parallel_loop3A_746 = arith.addi %broadcast_in_dim3A_3, %parallel_loop3A_734 : vector<16xi32>
        %parallel_loop3A_747 = tpu.vector_load_idx %arg7[%parallel_loop3A_746] : memref<20000xi32, #tpu.memory_space<vmem>>[vector<16xi32>], vector<16xi32>,
        %parallel_loop3A_748 = vector.bitcast %parallel_loop3A_747 : vector<16xi32> to vector<32xbf16>
        %parallel_loop3A_749 = arith.addf %parallel_loop3A_745, %parallel_loop3A_748 : vector<32xbf16>
        %parallel_loop3A_750 = arith.maximumf %parallel_loop3A_692, %parallel_loop3A_749 : vector<32xbf16>
        %parallel_loop3A_751 = arith.constant 8 : i32
        %parallel_loop3A_752 = arith.muli %scan3A, %parallel_loop3A_751 : i32
        %parallel_loop3A_753 = arith.constant 7 : i32
        %parallel_loop3A_754 = arith.addi %parallel_loop3A_752, %parallel_loop3A_753 : i32
        %parallel_loop3A_755 = arith.index_cast %parallel_loop3A_754 : i32 to index
        %parallel_loop3A_756 = arith.index_cast %parallel_loop3A_493 : i32 to index
        %parallel_loop3A_757 = tpu.vector_load %arg9[%parallel_loop3A_755, %parallel_loop3A_756] {strides = array<i32>} : memref<32x1024xi32, #tpu.memory_space<vmem>>, vector<16xi32>,
        %parallel_loop3A_758 = arith.constant 65535 : i32
        %parallel_loop3A_759 = vector.broadcast %parallel_loop3A_758 : i32 to vector<16xi32>
        %parallel_loop3A_760 = arith.andi %parallel_loop3A_757, %parallel_loop3A_759 : vector<16xi32>
        %parallel_loop3A_761 = arith.constant 16 : i32
        %parallel_loop3A_762 = vector.broadcast %parallel_loop3A_761 : i32 to vector<16xi32>
        %parallel_loop3A_763 = arith.shrui %parallel_loop3A_757, %parallel_loop3A_762 : vector<16xi32>
        %parallel_loop3A_764 = arith.addi %broadcast_in_dim3A_1, %parallel_loop3A_760 : vector<16xi32>
        %parallel_loop3A_765 = tpu.vector_load_idx %arg6[%parallel_loop3A_764] : memref<20000xi32, #tpu.memory_space<vmem>>[vector<16xi32>], vector<16xi32>,
        %parallel_loop3A_766 = vector.bitcast %parallel_loop3A_765 : vector<16xi32> to vector<32xbf16>
        %parallel_loop3A_767 = arith.addi %broadcast_in_dim3A_1, %parallel_loop3A_763 : vector<16xi32>
        %parallel_loop3A_768 = tpu.vector_load_idx %arg7[%parallel_loop3A_767] : memref<20000xi32, #tpu.memory_space<vmem>>[vector<16xi32>], vector<16xi32>,
        %parallel_loop3A_769 = vector.bitcast %parallel_loop3A_768 : vector<16xi32> to vector<32xbf16>
        %parallel_loop3A_770 = arith.addf %parallel_loop3A_766, %parallel_loop3A_769 : vector<32xbf16>
        %parallel_loop3A_771 = arith.maximumf %parallel_loop3A_713, %parallel_loop3A_770 : vector<32xbf16>
        %parallel_loop3A_772 = arith.addi %broadcast_in_dim3A_3, %parallel_loop3A_760 : vector<16xi32>
        %parallel_loop3A_773 = tpu.vector_load_idx %arg6[%parallel_loop3A_772] : memref<20000xi32, #tpu.memory_space<vmem>>[vector<16xi32>], vector<16xi32>,
        %parallel_loop3A_774 = vector.bitcast %parallel_loop3A_773 : vector<16xi32> to vector<32xbf16>
        %parallel_loop3A_775 = arith.addi %broadcast_in_dim3A_3, %parallel_loop3A_763 : vector<16xi32>
        %parallel_loop3A_776 = tpu.vector_load_idx %arg7[%parallel_loop3A_775] : memref<20000xi32, #tpu.memory_space<vmem>>[vector<16xi32>], vector<16xi32>,
        %parallel_loop3A_777 = vector.bitcast %parallel_loop3A_776 : vector<16xi32> to vector<32xbf16>
        %parallel_loop3A_778 = arith.addf %parallel_loop3A_774, %parallel_loop3A_777 : vector<32xbf16>
        %parallel_loop3A_779 = arith.maximumf %parallel_loop3A_721, %parallel_loop3A_778 : vector<32xbf16>
        scf.yield %parallel_loop3A_742, %parallel_loop3A_771, %parallel_loop3A_750, %parallel_loop3A_779 : vector<32xbf16>, vector<32xbf16>, vector<32xbf16>, vector<32xbf16>
      }
      %parallel_loop3A_507 = arith.constant 4 : i32
      %parallel_loop3A_508 = arith.maximumf %parallel_loop3A_506#0, %parallel_loop3A_506#1 : vector<32xbf16>
      %parallel_loop3A_509 = vector.bitcast %parallel_loop3A_508 : vector<32xbf16> to vector<16xi32>
      %parallel_loop3A_510 = arith.constant 16 : i32
      %parallel_loop3A_511 = vector.broadcast %parallel_loop3A_510 : i32 to vector<16xi32>
      %parallel_loop3A_512 = arith.shli %parallel_loop3A_509, %parallel_loop3A_511 : vector<16xi32>
      %parallel_loop3A_513 = vector.bitcast %parallel_loop3A_512 : vector<16xi32> to vector<16xf32>
      %parallel_loop3A_514 = arith.constant 0 : i32
      %parallel_loop3A_515 = arith.index_cast %parallel_loop3A_514 : i32 to index
      %parallel_loop3A_516 = arith.index_cast %parallel_loop3A_493 : i32 to index
      %parallel_loop3A_517 = tpu.vector_load %arg11[%parallel_loop3A_515, %parallel_loop3A_516] {strides = array<i32>} : memref<4x1024xf32, #tpu.memory_space<vmem>>, vector<16xf32>,
      tpu.vector_store %arg11[%parallel_loop3A_515, %parallel_loop3A_516], %parallel_loop3A_513 {strides = array<i32>} : memref<4x1024xf32, #tpu.memory_space<vmem>>, vector<16xf32>,
      %parallel_loop3A_518 = arith.constant -65536 : i32
      %parallel_loop3A_519 = vector.broadcast %parallel_loop3A_518 : i32 to vector<16xi32>
      %parallel_loop3A_520 = arith.andi %parallel_loop3A_509, %parallel_loop3A_519 : vector<16xi32>
      %parallel_loop3A_521 = vector.bitcast %parallel_loop3A_520 : vector<16xi32> to vector<16xf32>
      %parallel_loop3A_522 = arith.constant 1 : i32
      %parallel_loop3A_523 = arith.index_cast %parallel_loop3A_522 : i32 to index
      %parallel_loop3A_524 = arith.index_cast %parallel_loop3A_493 : i32 to index
      %parallel_loop3A_525 = tpu.vector_load %arg11[%parallel_loop3A_523, %parallel_loop3A_524] {strides = array<i32>} : memref<4x1024xf32, #tpu.memory_space<vmem>>, vector<16xf32>,
      tpu.vector_store %arg11[%parallel_loop3A_523, %parallel_loop3A_524], %parallel_loop3A_521 {strides = array<i32>} : memref<4x1024xf32, #tpu.memory_space<vmem>>, vector<16xf32>,
      %parallel_loop3A_526 = arith.maximumf %parallel_loop3A_506#2, %parallel_loop3A_506#3 : vector<32xbf16>
      %parallel_loop3A_527 = vector.bitcast %parallel_loop3A_526 : vector<32xbf16> to vector<16xi32>
      %parallel_loop3A_528 = arith.constant 16 : i32
      %parallel_loop3A_529 = vector.broadcast %parallel_loop3A_528 : i32 to vector<16xi32>
      %parallel_loop3A_530 = arith.shli %parallel_loop3A_527, %parallel_loop3A_529 : vector<16xi32>
      %parallel_loop3A_531 = vector.bitcast %parallel_loop3A_530 : vector<16xi32> to vector<16xf32>
      %parallel_loop3A_532 = arith.constant 2 : i32
      %parallel_loop3A_533 = arith.index_cast %parallel_loop3A_532 : i32 to index
      %parallel_loop3A_534 = arith.index_cast %parallel_loop3A_493 : i32 to index
      %parallel_loop3A_535 = tpu.vector_load %arg11[%parallel_loop3A_533, %parallel_loop3A_534] {strides = array<i32>} : memref<4x1024xf32, #tpu.memory_space<vmem>>, vector<16xf32>,
      tpu.vector_store %arg11[%parallel_loop3A_533, %parallel_loop3A_534], %parallel_loop3A_531 {strides = array<i32>} : memref<4x1024xf32, #tpu.memory_space<vmem>>, vector<16xf32>,
      %parallel_loop3A_536 = arith.constant -65536 : i32
      %parallel_loop3A_537 = vector.broadcast %parallel_loop3A_536 : i32 to vector<16xi32>
      %parallel_loop3A_538 = arith.andi %parallel_loop3A_527, %parallel_loop3A_537 : vector<16xi32>
      %parallel_loop3A_539 = vector.bitcast %parallel_loop3A_538 : vector<16xi32> to vector<16xf32>
      %parallel_loop3A_540 = arith.constant 3 : i32
      %parallel_loop3A_541 = arith.index_cast %parallel_loop3A_540 : i32 to index
      %parallel_loop3A_542 = arith.index_cast %parallel_loop3A_493 : i32 to index
      %parallel_loop3A_543 = tpu.vector_load %arg11[%parallel_loop3A_541, %parallel_loop3A_542] {strides = array<i32>} : memref<4x1024xf32, #tpu.memory_space<vmem>>, vector<16xf32>,
      tpu.vector_store %arg11[%parallel_loop3A_541, %parallel_loop3A_542], %parallel_loop3A_539 {strides = array<i32>} : memref<4x1024xf32, #tpu.memory_space<vmem>>, vector<16xf32>,
    } {sc.loop_unroll_factor = 1 : i64, sc.parallel_access}
    %mul3A_373 = arith.constant 4 : i32
    %mul3A_374 = arith.muli %add3A, %mul3A_373 : i32
    %dma_start3A_375 = arith.constant 0 : i32
    %dma_start3A_376 = arith.constant 0 : i32
    %dma_start3A_377 = tpu.memref_slice %arg11[%dma_start3A_375, %dma_start3A_376] : memref<4x1024xf32, #tpu.memory_space<vmem>> -> memref<4x1024xf32, #tpu.memory_space<vmem>>
    %dma_start3A_378 = arith.constant 7168 : i32
    %dma_start3A_379 = tpu.memref_slice %arg5[%mul3A_374, %dma_start3A_378] : memref<128x10000xf32, #tpu.memory_space<hbm>> -> memref<4x1024xf32, #tpu.memory_space<hbm>>
    %dma_start3A_380 = arith.constant 7168 : i32
    %dma_start3A_381 = tpu.memref_slice %arg5[%mul3A_374, %dma_start3A_380] : memref<128x10000xf32, #tpu.memory_space<hbm>> -> memref<4x1024xf32, #tpu.memory_space<hbm>>
    %dma_start3A_382 = arith.constant 0 : i32
    %dma_start3A_383 = arith.constant 0 : i32
    %dma_start3A_384 = tpu.memref_slice %arg11[%dma_start3A_382, %dma_start3A_383] : memref<4x1024xf32, #tpu.memory_space<vmem>> -> memref<4x1024xf32, #tpu.memory_space<vmem>>
    tpu.enqueue_dma source(%dma_start3A_384 : memref<4x1024xf32, #tpu.memory_space<vmem>>) target(%dma_start3A_381 : memref<4x1024xf32, #tpu.memory_space<hbm>>) target_semaphore(%arg15 : memref<!tpu.dma_semaphore, #tpu.memory_space<semaphore_mem>>)
    %dma_start3A_385 = arith.constant 0 : i32
    %dma_start3A_386 = arith.constant 0 : i32
    %dma_start3A_387 = tpu.memref_slice %arg9[%dma_start3A_385, %dma_start3A_386] : memref<32x1024xi32, #tpu.memory_space<vmem>> -> memref<32x784xi32, #tpu.memory_space<vmem>>
    %dma_start3A_388 = arith.constant 0 : i32
    %dma_start3A_389 = arith.constant 9216 : i32
    %dma_start3A_390 = tpu.memref_slice %arg4[%dma_start3A_388, %dma_start3A_389] : memref<32x10000xi32, #tpu.memory_space<hbm>> -> memref<32x784xi32, #tpu.memory_space<hbm>>
    %dma_start3A_391 = arith.constant 0 : i32
    %dma_start3A_392 = arith.constant 0 : i32
    %dma_start3A_393 = tpu.memref_slice %arg9[%dma_start3A_391, %dma_start3A_392] : memref<32x1024xi32, #tpu.memory_space<vmem>> -> memref<32x784xi32, #tpu.memory_space<vmem>>
    %dma_start3A_394 = arith.constant 0 : i32
    %dma_start3A_395 = arith.constant 9216 : i32
    %dma_start3A_396 = tpu.memref_slice %arg4[%dma_start3A_394, %dma_start3A_395] : memref<32x10000xi32, #tpu.memory_space<hbm>> -> memref<32x784xi32, #tpu.memory_space<hbm>>
    tpu.enqueue_dma source(%dma_start3A_396 : memref<32x784xi32, #tpu.memory_space<hbm>>) target(%dma_start3A_393 : memref<32x784xi32, #tpu.memory_space<vmem>>) target_semaphore(%arg13 : memref<!tpu.dma_semaphore, #tpu.memory_space<semaphore_mem>>)
    %dma_wait3A_397 = arith.constant 0 : i32
    %dma_wait3A_398 = arith.constant 0 : i32
    %dma_wait3A_399 = tpu.memref_slice %arg8[%dma_wait3A_397, %dma_wait3A_398] : memref<32x1024xi32, #tpu.memory_space<vmem>> -> memref<32x1024xi32, #tpu.memory_space<vmem>>
    %dma_wait3A_400 = arith.constant 0 : i32
    %dma_wait3A_401 = arith.constant 8192 : i32
    %dma_wait3A_402 = tpu.memref_slice %arg4[%dma_wait3A_400, %dma_wait3A_401] : memref<32x10000xi32, #tpu.memory_space<hbm>> -> memref<32x1024xi32, #tpu.memory_space<hbm>>
    %dma_wait3A_403 = arith.constant 0 : i32
    %dma_wait3A_404 = arith.constant 0 : i32
    %dma_wait3A_405 = tpu.memref_slice %arg8[%dma_wait3A_403, %dma_wait3A_404] : memref<32x1024xi32, #tpu.memory_space<vmem>> -> memref<32x1024xi32, #tpu.memory_space<vmem>>
    %dma_wait3A_406 = arith.constant 0 : i32
    %dma_wait3A_407 = arith.constant 8192 : i32
    %dma_wait3A_408 = tpu.memref_slice %arg4[%dma_wait3A_406, %dma_wait3A_407] : memref<32x10000xi32, #tpu.memory_space<hbm>> -> memref<32x1024xi32, #tpu.memory_space<hbm>>
    tpu.wait_dma2 semaphore(%arg12 : memref<!tpu.dma_semaphore, #tpu.memory_space<semaphore_mem>>) src(%dma_wait3A_408 : memref<32x1024xi32, #tpu.memory_space<hbm>>) dst(%dma_wait3A_405 : memref<32x1024xi32, #tpu.memory_space<vmem>>)
    %dma_wait3A_409 = arith.constant 0 : i32
    %dma_wait3A_410 = arith.constant 0 : i32
    %dma_wait3A_411 = tpu.memref_slice %arg10[%dma_wait3A_409, %dma_wait3A_410] : memref<4x1024xf32, #tpu.memory_space<vmem>> -> memref<4x1024xf32, #tpu.memory_space<vmem>>
    %dma_wait3A_412 = arith.constant 6144 : i32
    %dma_wait3A_413 = tpu.memref_slice %arg5[%mul3A_325, %dma_wait3A_412] : memref<128x10000xf32, #tpu.memory_space<hbm>> -> memref<4x1024xf32, #tpu.memory_space<hbm>>
    %dma_wait3A_414 = arith.constant 6144 : i32
    %dma_wait3A_415 = tpu.memref_slice %arg5[%mul3A_325, %dma_wait3A_414] : memref<128x10000xf32, #tpu.memory_space<hbm>> -> memref<4x1024xf32, #tpu.memory_space<hbm>>
    %dma_wait3A_416 = arith.constant 0 : i32
    %dma_wait3A_417 = arith.constant 0 : i32
    %dma_wait3A_418 = tpu.memref_slice %arg10[%dma_wait3A_416, %dma_wait3A_417] : memref<4x1024xf32, #tpu.memory_space<vmem>> -> memref<4x1024xf32, #tpu.memory_space<vmem>>
    tpu.wait_dma2 semaphore(%arg14 : memref<!tpu.dma_semaphore, #tpu.memory_space<semaphore_mem>>) src(%dma_wait3A_418 : memref<4x1024xf32, #tpu.memory_space<vmem>>) dst(%dma_wait3A_415 : memref<4x1024xf32, #tpu.memory_space<hbm>>)
    %parallel_loop3A_419 = arith.constant 0 : i32
    %parallel_loop3A_420 = arith.constant 64 : i32
    %parallel_loop3A_421 = arith.constant 1 : i32
    scf.for %parallel_loop3A_491 = %parallel_loop3A_419 to %parallel_loop3A_420 step %parallel_loop3A_421  : i32 {
      %parallel_loop3A_492 = arith.constant 16 : i32
      %parallel_loop3A_493 = arith.muli %parallel_loop3A_491, %parallel_loop3A_492 : i32
      %parallel_loop3A_494 = arith.constant 0.000000e+00 : bf16
      %parallel_loop3A_495 = vector.broadcast %parallel_loop3A_494 : bf16 to vector<32xbf16>
      %parallel_loop3A_496 = arith.constant 0.000000e+00 : bf16
      %parallel_loop3A_497 = vector.broadcast %parallel_loop3A_496 : bf16 to vector<32xbf16>
      %parallel_loop3A_498 = arith.constant 0.000000e+00 : bf16
      %parallel_loop3A_499 = vector.broadcast %parallel_loop3A_498 : bf16 to vector<32xbf16>
      %parallel_loop3A_500 = arith.constant 0.000000e+00 : bf16
      %parallel_loop3A_501 = vector.broadcast %parallel_loop3A_500 : bf16 to vector<32xbf16>
      %parallel_loop3A_502 = arith.constant 0 : i32
      %parallel_loop3A_503 = arith.constant 4 : i32
      %parallel_loop3A_504 = arith.addi %parallel_loop3A_502, %parallel_loop3A_503 : i32
      %parallel_loop3A_505 = arith.constant 1 : i32
      %parallel_loop3A_506:4 = scf.for %scan3A = %parallel_loop3A_502 to %parallel_loop3A_504 step %parallel_loop3A_505 iter_args(%scan3A_544 = %parallel_loop3A_495, %scan3A_545 = %parallel_loop3A_497, %scan3A_546 = %parallel_loop3A_499, %scan3A_547 = %parallel_loop3A_501) -> (vector<32xbf16>, vector<32xbf16>, vector<32xbf16>, vector<32xbf16>)  : i32 {
        %parallel_loop3A_548 = arith.constant 8 : i32
        %parallel_loop3A_549 = arith.muli %scan3A, %parallel_loop3A_548 : i32
        %parallel_loop3A_550 = arith.constant 0 : i32
        %parallel_loop3A_551 = arith.addi %parallel_loop3A_549, %parallel_loop3A_550 : i32
        %parallel_loop3A_552 = arith.index_cast %parallel_loop3A_551 : i32 to index
        %parallel_loop3A_553 = arith.index_cast %parallel_loop3A_493 : i32 to index
        %parallel_loop3A_554 = tpu.vector_load %arg8[%parallel_loop3A_552, %parallel_loop3A_553] {strides = array<i32>} : memref<32x1024xi32, #tpu.memory_space<vmem>>, vector<16xi32>,
        %parallel_loop3A_555 = arith.constant 65535 : i32
        %parallel_loop3A_556 = vector.broadcast %parallel_loop3A_555 : i32 to vector<16xi32>
        %parallel_loop3A_557 = arith.andi %parallel_loop3A_554, %parallel_loop3A_556 : vector<16xi32>
        %parallel_loop3A_558 = arith.constant 16 : i32
        %parallel_loop3A_559 = vector.broadcast %parallel_loop3A_558 : i32 to vector<16xi32>
        %parallel_loop3A_560 = arith.shrui %parallel_loop3A_554, %parallel_loop3A_559 : vector<16xi32>
        %parallel_loop3A_561 = arith.addi %broadcast_in_dim3A_1, %parallel_loop3A_557 : vector<16xi32>
        %parallel_loop3A_562 = tpu.vector_load_idx %arg6[%parallel_loop3A_561] : memref<20000xi32, #tpu.memory_space<vmem>>[vector<16xi32>], vector<16xi32>,
        %parallel_loop3A_563 = vector.bitcast %parallel_loop3A_562 : vector<16xi32> to vector<32xbf16>
        %parallel_loop3A_564 = arith.addi %broadcast_in_dim3A_1, %parallel_loop3A_560 : vector<16xi32>
        %parallel_loop3A_565 = tpu.vector_load_idx %arg7[%parallel_loop3A_564] : memref<20000xi32, #tpu.memory_space<vmem>>[vector<16xi32>], vector<16xi32>,
        %parallel_loop3A_566 = vector.bitcast %parallel_loop3A_565 : vector<16xi32> to vector<32xbf16>
        %parallel_loop3A_567 = arith.addf %parallel_loop3A_563, %parallel_loop3A_566 : vector<32xbf16>
        %parallel_loop3A_568 = arith.maximumf %scan3A_544, %parallel_loop3A_567 : vector<32xbf16>
        %parallel_loop3A_569 = arith.addi %broadcast_in_dim3A_3, %parallel_loop3A_557 : vector<16xi32>
        %parallel_loop3A_570 = tpu.vector_load_idx %arg6[%parallel_loop3A_569] : memref<20000xi32, #tpu.memory_space<vmem>>[vector<16xi32>], vector<16xi32>,
        %parallel_loop3A_571 = vector.bitcast %parallel_loop3A_570 : vector<16xi32> to vector<32xbf16>
        %parallel_loop3A_572 = arith.addi %broadcast_in_dim3A_3, %parallel_loop3A_560 : vector<16xi32>
        %parallel_loop3A_573 = tpu.vector_load_idx %arg7[%parallel_loop3A_572] : memref<20000xi32, #tpu.memory_space<vmem>>[vector<16xi32>], vector<16xi32>,
        %parallel_loop3A_574 = vector.bitcast %parallel_loop3A_573 : vector<16xi32> to vector<32xbf16>
        %parallel_loop3A_575 = arith.addf %parallel_loop3A_571, %parallel_loop3A_574 : vector<32xbf16>
        %parallel_loop3A_576 = arith.maximumf %scan3A_546, %parallel_loop3A_575 : vector<32xbf16>
        %parallel_loop3A_577 = arith.constant 8 : i32
        %parallel_loop3A_578 = arith.muli %scan3A, %parallel_loop3A_577 : i32
        %parallel_loop3A_579 = arith.constant 1 : i32
        %parallel_loop3A_580 = arith.addi %parallel_loop3A_578, %parallel_loop3A_579 : i32
        %parallel_loop3A_581 = arith.index_cast %parallel_loop3A_580 : i32 to index
        %parallel_loop3A_582 = arith.index_cast %parallel_loop3A_493 : i32 to index
        %parallel_loop3A_583 = tpu.vector_load %arg8[%parallel_loop3A_581, %parallel_loop3A_582] {strides = array<i32>} : memref<32x1024xi32, #tpu.memory_space<vmem>>, vector<16xi32>,
        %parallel_loop3A_584 = arith.constant 65535 : i32
        %parallel_loop3A_585 = vector.broadcast %parallel_loop3A_584 : i32 to vector<16xi32>
        %parallel_loop3A_586 = arith.andi %parallel_loop3A_583, %parallel_loop3A_585 : vector<16xi32>
        %parallel_loop3A_587 = arith.constant 16 : i32
        %parallel_loop3A_588 = vector.broadcast %parallel_loop3A_587 : i32 to vector<16xi32>
        %parallel_loop3A_589 = arith.shrui %parallel_loop3A_583, %parallel_loop3A_588 : vector<16xi32>
        %parallel_loop3A_590 = arith.addi %broadcast_in_dim3A_1, %parallel_loop3A_586 : vector<16xi32>
        %parallel_loop3A_591 = tpu.vector_load_idx %arg6[%parallel_loop3A_590] : memref<20000xi32, #tpu.memory_space<vmem>>[vector<16xi32>], vector<16xi32>,
        %parallel_loop3A_592 = vector.bitcast %parallel_loop3A_591 : vector<16xi32> to vector<32xbf16>
        %parallel_loop3A_593 = arith.addi %broadcast_in_dim3A_1, %parallel_loop3A_589 : vector<16xi32>
        %parallel_loop3A_594 = tpu.vector_load_idx %arg7[%parallel_loop3A_593] : memref<20000xi32, #tpu.memory_space<vmem>>[vector<16xi32>], vector<16xi32>,
        %parallel_loop3A_595 = vector.bitcast %parallel_loop3A_594 : vector<16xi32> to vector<32xbf16>
        %parallel_loop3A_596 = arith.addf %parallel_loop3A_592, %parallel_loop3A_595 : vector<32xbf16>
        %parallel_loop3A_597 = arith.maximumf %scan3A_545, %parallel_loop3A_596 : vector<32xbf16>
        %parallel_loop3A_598 = arith.addi %broadcast_in_dim3A_3, %parallel_loop3A_586 : vector<16xi32>
        %parallel_loop3A_599 = tpu.vector_load_idx %arg6[%parallel_loop3A_598] : memref<20000xi32, #tpu.memory_space<vmem>>[vector<16xi32>], vector<16xi32>,
        %parallel_loop3A_600 = vector.bitcast %parallel_loop3A_599 : vector<16xi32> to vector<32xbf16>
        %parallel_loop3A_601 = arith.addi %broadcast_in_dim3A_3, %parallel_loop3A_589 : vector<16xi32>
        %parallel_loop3A_602 = tpu.vector_load_idx %arg7[%parallel_loop3A_601] : memref<20000xi32, #tpu.memory_space<vmem>>[vector<16xi32>], vector<16xi32>,
        %parallel_loop3A_603 = vector.bitcast %parallel_loop3A_602 : vector<16xi32> to vector<32xbf16>
        %parallel_loop3A_604 = arith.addf %parallel_loop3A_600, %parallel_loop3A_603 : vector<32xbf16>
        %parallel_loop3A_605 = arith.maximumf %scan3A_547, %parallel_loop3A_604 : vector<32xbf16>
        %parallel_loop3A_606 = arith.constant 8 : i32
        %parallel_loop3A_607 = arith.muli %scan3A, %parallel_loop3A_606 : i32
        %parallel_loop3A_608 = arith.constant 2 : i32
        %parallel_loop3A_609 = arith.addi %parallel_loop3A_607, %parallel_loop3A_608 : i32
        %parallel_loop3A_610 = arith.index_cast %parallel_loop3A_609 : i32 to index
        %parallel_loop3A_611 = arith.index_cast %parallel_loop3A_493 : i32 to index
        %parallel_loop3A_612 = tpu.vector_load %arg8[%parallel_loop3A_610, %parallel_loop3A_611] {strides = array<i32>} : memref<32x1024xi32, #tpu.memory_space<vmem>>, vector<16xi32>,
        %parallel_loop3A_613 = arith.constant 65535 : i32
        %parallel_loop3A_614 = vector.broadcast %parallel_loop3A_613 : i32 to vector<16xi32>
        %parallel_loop3A_615 = arith.andi %parallel_loop3A_612, %parallel_loop3A_614 : vector<16xi32>
        %parallel_loop3A_616 = arith.constant 16 : i32
        %parallel_loop3A_617 = vector.broadcast %parallel_loop3A_616 : i32 to vector<16xi32>
        %parallel_loop3A_618 = arith.shrui %parallel_loop3A_612, %parallel_loop3A_617 : vector<16xi32>
        %parallel_loop3A_619 = arith.addi %broadcast_in_dim3A_1, %parallel_loop3A_615 : vector<16xi32>
        %parallel_loop3A_620 = tpu.vector_load_idx %arg6[%parallel_loop3A_619] : memref<20000xi32, #tpu.memory_space<vmem>>[vector<16xi32>], vector<16xi32>,
        %parallel_loop3A_621 = vector.bitcast %parallel_loop3A_620 : vector<16xi32> to vector<32xbf16>
        %parallel_loop3A_622 = arith.addi %broadcast_in_dim3A_1, %parallel_loop3A_618 : vector<16xi32>
        %parallel_loop3A_623 = tpu.vector_load_idx %arg7[%parallel_loop3A_622] : memref<20000xi32, #tpu.memory_space<vmem>>[vector<16xi32>], vector<16xi32>,
        %parallel_loop3A_624 = vector.bitcast %parallel_loop3A_623 : vector<16xi32> to vector<32xbf16>
        %parallel_loop3A_625 = arith.addf %parallel_loop3A_621, %parallel_loop3A_624 : vector<32xbf16>
        %parallel_loop3A_626 = arith.maximumf %parallel_loop3A_568, %parallel_loop3A_625 : vector<32xbf16>
        %parallel_loop3A_627 = arith.addi %broadcast_in_dim3A_3, %parallel_loop3A_615 : vector<16xi32>
        %parallel_loop3A_628 = tpu.vector_load_idx %arg6[%parallel_loop3A_627] : memref<20000xi32, #tpu.memory_space<vmem>>[vector<16xi32>], vector<16xi32>,
        %parallel_loop3A_629 = vector.bitcast %parallel_loop3A_628 : vector<16xi32> to vector<32xbf16>
        %parallel_loop3A_630 = arith.addi %broadcast_in_dim3A_3, %parallel_loop3A_618 : vector<16xi32>
        %parallel_loop3A_631 = tpu.vector_load_idx %arg7[%parallel_loop3A_630] : memref<20000xi32, #tpu.memory_space<vmem>>[vector<16xi32>], vector<16xi32>,
        %parallel_loop3A_632 = vector.bitcast %parallel_loop3A_631 : vector<16xi32> to vector<32xbf16>
        %parallel_loop3A_633 = arith.addf %parallel_loop3A_629, %parallel_loop3A_632 : vector<32xbf16>
        %parallel_loop3A_634 = arith.maximumf %parallel_loop3A_576, %parallel_loop3A_633 : vector<32xbf16>
        %parallel_loop3A_635 = arith.constant 8 : i32
        %parallel_loop3A_636 = arith.muli %scan3A, %parallel_loop3A_635 : i32
        %parallel_loop3A_637 = arith.constant 3 : i32
        %parallel_loop3A_638 = arith.addi %parallel_loop3A_636, %parallel_loop3A_637 : i32
        %parallel_loop3A_639 = arith.index_cast %parallel_loop3A_638 : i32 to index
        %parallel_loop3A_640 = arith.index_cast %parallel_loop3A_493 : i32 to index
        %parallel_loop3A_641 = tpu.vector_load %arg8[%parallel_loop3A_639, %parallel_loop3A_640] {strides = array<i32>} : memref<32x1024xi32, #tpu.memory_space<vmem>>, vector<16xi32>,
        %parallel_loop3A_642 = arith.constant 65535 : i32
        %parallel_loop3A_643 = vector.broadcast %parallel_loop3A_642 : i32 to vector<16xi32>
        %parallel_loop3A_644 = arith.andi %parallel_loop3A_641, %parallel_loop3A_643 : vector<16xi32>
        %parallel_loop3A_645 = arith.constant 16 : i32
        %parallel_loop3A_646 = vector.broadcast %parallel_loop3A_645 : i32 to vector<16xi32>
        %parallel_loop3A_647 = arith.shrui %parallel_loop3A_641, %parallel_loop3A_646 : vector<16xi32>
        %parallel_loop3A_648 = arith.addi %broadcast_in_dim3A_1, %parallel_loop3A_644 : vector<16xi32>
        %parallel_loop3A_649 = tpu.vector_load_idx %arg6[%parallel_loop3A_648] : memref<20000xi32, #tpu.memory_space<vmem>>[vector<16xi32>], vector<16xi32>,
        %parallel_loop3A_650 = vector.bitcast %parallel_loop3A_649 : vector<16xi32> to vector<32xbf16>
        %parallel_loop3A_651 = arith.addi %broadcast_in_dim3A_1, %parallel_loop3A_647 : vector<16xi32>
        %parallel_loop3A_652 = tpu.vector_load_idx %arg7[%parallel_loop3A_651] : memref<20000xi32, #tpu.memory_space<vmem>>[vector<16xi32>], vector<16xi32>,
        %parallel_loop3A_653 = vector.bitcast %parallel_loop3A_652 : vector<16xi32> to vector<32xbf16>
        %parallel_loop3A_654 = arith.addf %parallel_loop3A_650, %parallel_loop3A_653 : vector<32xbf16>
        %parallel_loop3A_655 = arith.maximumf %parallel_loop3A_597, %parallel_loop3A_654 : vector<32xbf16>
        %parallel_loop3A_656 = arith.addi %broadcast_in_dim3A_3, %parallel_loop3A_644 : vector<16xi32>
        %parallel_loop3A_657 = tpu.vector_load_idx %arg6[%parallel_loop3A_656] : memref<20000xi32, #tpu.memory_space<vmem>>[vector<16xi32>], vector<16xi32>,
        %parallel_loop3A_658 = vector.bitcast %parallel_loop3A_657 : vector<16xi32> to vector<32xbf16>
        %parallel_loop3A_659 = arith.addi %broadcast_in_dim3A_3, %parallel_loop3A_647 : vector<16xi32>
        %parallel_loop3A_660 = tpu.vector_load_idx %arg7[%parallel_loop3A_659] : memref<20000xi32, #tpu.memory_space<vmem>>[vector<16xi32>], vector<16xi32>,
        %parallel_loop3A_661 = vector.bitcast %parallel_loop3A_660 : vector<16xi32> to vector<32xbf16>
        %parallel_loop3A_662 = arith.addf %parallel_loop3A_658, %parallel_loop3A_661 : vector<32xbf16>
        %parallel_loop3A_663 = arith.maximumf %parallel_loop3A_605, %parallel_loop3A_662 : vector<32xbf16>
        %parallel_loop3A_664 = arith.constant 8 : i32
        %parallel_loop3A_665 = arith.muli %scan3A, %parallel_loop3A_664 : i32
        %parallel_loop3A_666 = arith.constant 4 : i32
        %parallel_loop3A_667 = arith.addi %parallel_loop3A_665, %parallel_loop3A_666 : i32
        %parallel_loop3A_668 = arith.index_cast %parallel_loop3A_667 : i32 to index
        %parallel_loop3A_669 = arith.index_cast %parallel_loop3A_493 : i32 to index
        %parallel_loop3A_670 = tpu.vector_load %arg8[%parallel_loop3A_668, %parallel_loop3A_669] {strides = array<i32>} : memref<32x1024xi32, #tpu.memory_space<vmem>>, vector<16xi32>,
        %parallel_loop3A_671 = arith.constant 65535 : i32
        %parallel_loop3A_672 = vector.broadcast %parallel_loop3A_671 : i32 to vector<16xi32>
        %parallel_loop3A_673 = arith.andi %parallel_loop3A_670, %parallel_loop3A_672 : vector<16xi32>
        %parallel_loop3A_674 = arith.constant 16 : i32
        %parallel_loop3A_675 = vector.broadcast %parallel_loop3A_674 : i32 to vector<16xi32>
        %parallel_loop3A_676 = arith.shrui %parallel_loop3A_670, %parallel_loop3A_675 : vector<16xi32>
        %parallel_loop3A_677 = arith.addi %broadcast_in_dim3A_1, %parallel_loop3A_673 : vector<16xi32>
        %parallel_loop3A_678 = tpu.vector_load_idx %arg6[%parallel_loop3A_677] : memref<20000xi32, #tpu.memory_space<vmem>>[vector<16xi32>], vector<16xi32>,
        %parallel_loop3A_679 = vector.bitcast %parallel_loop3A_678 : vector<16xi32> to vector<32xbf16>
        %parallel_loop3A_680 = arith.addi %broadcast_in_dim3A_1, %parallel_loop3A_676 : vector<16xi32>
        %parallel_loop3A_681 = tpu.vector_load_idx %arg7[%parallel_loop3A_680] : memref<20000xi32, #tpu.memory_space<vmem>>[vector<16xi32>], vector<16xi32>,
        %parallel_loop3A_682 = vector.bitcast %parallel_loop3A_681 : vector<16xi32> to vector<32xbf16>
        %parallel_loop3A_683 = arith.addf %parallel_loop3A_679, %parallel_loop3A_682 : vector<32xbf16>
        %parallel_loop3A_684 = arith.maximumf %parallel_loop3A_626, %parallel_loop3A_683 : vector<32xbf16>
        %parallel_loop3A_685 = arith.addi %broadcast_in_dim3A_3, %parallel_loop3A_673 : vector<16xi32>
        %parallel_loop3A_686 = tpu.vector_load_idx %arg6[%parallel_loop3A_685] : memref<20000xi32, #tpu.memory_space<vmem>>[vector<16xi32>], vector<16xi32>,
        %parallel_loop3A_687 = vector.bitcast %parallel_loop3A_686 : vector<16xi32> to vector<32xbf16>
        %parallel_loop3A_688 = arith.addi %broadcast_in_dim3A_3, %parallel_loop3A_676 : vector<16xi32>
        %parallel_loop3A_689 = tpu.vector_load_idx %arg7[%parallel_loop3A_688] : memref<20000xi32, #tpu.memory_space<vmem>>[vector<16xi32>], vector<16xi32>,
        %parallel_loop3A_690 = vector.bitcast %parallel_loop3A_689 : vector<16xi32> to vector<32xbf16>
        %parallel_loop3A_691 = arith.addf %parallel_loop3A_687, %parallel_loop3A_690 : vector<32xbf16>
        %parallel_loop3A_692 = arith.maximumf %parallel_loop3A_634, %parallel_loop3A_691 : vector<32xbf16>
        %parallel_loop3A_693 = arith.constant 8 : i32
        %parallel_loop3A_694 = arith.muli %scan3A, %parallel_loop3A_693 : i32
        %parallel_loop3A_695 = arith.constant 5 : i32
        %parallel_loop3A_696 = arith.addi %parallel_loop3A_694, %parallel_loop3A_695 : i32
        %parallel_loop3A_697 = arith.index_cast %parallel_loop3A_696 : i32 to index
        %parallel_loop3A_698 = arith.index_cast %parallel_loop3A_493 : i32 to index
        %parallel_loop3A_699 = tpu.vector_load %arg8[%parallel_loop3A_697, %parallel_loop3A_698] {strides = array<i32>} : memref<32x1024xi32, #tpu.memory_space<vmem>>, vector<16xi32>,
        %parallel_loop3A_700 = arith.constant 65535 : i32
        %parallel_loop3A_701 = vector.broadcast %parallel_loop3A_700 : i32 to vector<16xi32>
        %parallel_loop3A_702 = arith.andi %parallel_loop3A_699, %parallel_loop3A_701 : vector<16xi32>
        %parallel_loop3A_703 = arith.constant 16 : i32
        %parallel_loop3A_704 = vector.broadcast %parallel_loop3A_703 : i32 to vector<16xi32>
        %parallel_loop3A_705 = arith.shrui %parallel_loop3A_699, %parallel_loop3A_704 : vector<16xi32>
        %parallel_loop3A_706 = arith.addi %broadcast_in_dim3A_1, %parallel_loop3A_702 : vector<16xi32>
        %parallel_loop3A_707 = tpu.vector_load_idx %arg6[%parallel_loop3A_706] : memref<20000xi32, #tpu.memory_space<vmem>>[vector<16xi32>], vector<16xi32>,
        %parallel_loop3A_708 = vector.bitcast %parallel_loop3A_707 : vector<16xi32> to vector<32xbf16>
        %parallel_loop3A_709 = arith.addi %broadcast_in_dim3A_1, %parallel_loop3A_705 : vector<16xi32>
        %parallel_loop3A_710 = tpu.vector_load_idx %arg7[%parallel_loop3A_709] : memref<20000xi32, #tpu.memory_space<vmem>>[vector<16xi32>], vector<16xi32>,
        %parallel_loop3A_711 = vector.bitcast %parallel_loop3A_710 : vector<16xi32> to vector<32xbf16>
        %parallel_loop3A_712 = arith.addf %parallel_loop3A_708, %parallel_loop3A_711 : vector<32xbf16>
        %parallel_loop3A_713 = arith.maximumf %parallel_loop3A_655, %parallel_loop3A_712 : vector<32xbf16>
        %parallel_loop3A_714 = arith.addi %broadcast_in_dim3A_3, %parallel_loop3A_702 : vector<16xi32>
        %parallel_loop3A_715 = tpu.vector_load_idx %arg6[%parallel_loop3A_714] : memref<20000xi32, #tpu.memory_space<vmem>>[vector<16xi32>], vector<16xi32>,
        %parallel_loop3A_716 = vector.bitcast %parallel_loop3A_715 : vector<16xi32> to vector<32xbf16>
        %parallel_loop3A_717 = arith.addi %broadcast_in_dim3A_3, %parallel_loop3A_705 : vector<16xi32>
        %parallel_loop3A_718 = tpu.vector_load_idx %arg7[%parallel_loop3A_717] : memref<20000xi32, #tpu.memory_space<vmem>>[vector<16xi32>], vector<16xi32>,
        %parallel_loop3A_719 = vector.bitcast %parallel_loop3A_718 : vector<16xi32> to vector<32xbf16>
        %parallel_loop3A_720 = arith.addf %parallel_loop3A_716, %parallel_loop3A_719 : vector<32xbf16>
        %parallel_loop3A_721 = arith.maximumf %parallel_loop3A_663, %parallel_loop3A_720 : vector<32xbf16>
        %parallel_loop3A_722 = arith.constant 8 : i32
        %parallel_loop3A_723 = arith.muli %scan3A, %parallel_loop3A_722 : i32
        %parallel_loop3A_724 = arith.constant 6 : i32
        %parallel_loop3A_725 = arith.addi %parallel_loop3A_723, %parallel_loop3A_724 : i32
        %parallel_loop3A_726 = arith.index_cast %parallel_loop3A_725 : i32 to index
        %parallel_loop3A_727 = arith.index_cast %parallel_loop3A_493 : i32 to index
        %parallel_loop3A_728 = tpu.vector_load %arg8[%parallel_loop3A_726, %parallel_loop3A_727] {strides = array<i32>} : memref<32x1024xi32, #tpu.memory_space<vmem>>, vector<16xi32>,
        %parallel_loop3A_729 = arith.constant 65535 : i32
        %parallel_loop3A_730 = vector.broadcast %parallel_loop3A_729 : i32 to vector<16xi32>
        %parallel_loop3A_731 = arith.andi %parallel_loop3A_728, %parallel_loop3A_730 : vector<16xi32>
        %parallel_loop3A_732 = arith.constant 16 : i32
        %parallel_loop3A_733 = vector.broadcast %parallel_loop3A_732 : i32 to vector<16xi32>
        %parallel_loop3A_734 = arith.shrui %parallel_loop3A_728, %parallel_loop3A_733 : vector<16xi32>
        %parallel_loop3A_735 = arith.addi %broadcast_in_dim3A_1, %parallel_loop3A_731 : vector<16xi32>
        %parallel_loop3A_736 = tpu.vector_load_idx %arg6[%parallel_loop3A_735] : memref<20000xi32, #tpu.memory_space<vmem>>[vector<16xi32>], vector<16xi32>,
        %parallel_loop3A_737 = vector.bitcast %parallel_loop3A_736 : vector<16xi32> to vector<32xbf16>
        %parallel_loop3A_738 = arith.addi %broadcast_in_dim3A_1, %parallel_loop3A_734 : vector<16xi32>
        %parallel_loop3A_739 = tpu.vector_load_idx %arg7[%parallel_loop3A_738] : memref<20000xi32, #tpu.memory_space<vmem>>[vector<16xi32>], vector<16xi32>,
        %parallel_loop3A_740 = vector.bitcast %parallel_loop3A_739 : vector<16xi32> to vector<32xbf16>
        %parallel_loop3A_741 = arith.addf %parallel_loop3A_737, %parallel_loop3A_740 : vector<32xbf16>
        %parallel_loop3A_742 = arith.maximumf %parallel_loop3A_684, %parallel_loop3A_741 : vector<32xbf16>
        %parallel_loop3A_743 = arith.addi %broadcast_in_dim3A_3, %parallel_loop3A_731 : vector<16xi32>
        %parallel_loop3A_744 = tpu.vector_load_idx %arg6[%parallel_loop3A_743] : memref<20000xi32, #tpu.memory_space<vmem>>[vector<16xi32>], vector<16xi32>,
        %parallel_loop3A_745 = vector.bitcast %parallel_loop3A_744 : vector<16xi32> to vector<32xbf16>
        %parallel_loop3A_746 = arith.addi %broadcast_in_dim3A_3, %parallel_loop3A_734 : vector<16xi32>
        %parallel_loop3A_747 = tpu.vector_load_idx %arg7[%parallel_loop3A_746] : memref<20000xi32, #tpu.memory_space<vmem>>[vector<16xi32>], vector<16xi32>,
        %parallel_loop3A_748 = vector.bitcast %parallel_loop3A_747 : vector<16xi32> to vector<32xbf16>
        %parallel_loop3A_749 = arith.addf %parallel_loop3A_745, %parallel_loop3A_748 : vector<32xbf16>
        %parallel_loop3A_750 = arith.maximumf %parallel_loop3A_692, %parallel_loop3A_749 : vector<32xbf16>
        %parallel_loop3A_751 = arith.constant 8 : i32
        %parallel_loop3A_752 = arith.muli %scan3A, %parallel_loop3A_751 : i32
        %parallel_loop3A_753 = arith.constant 7 : i32
        %parallel_loop3A_754 = arith.addi %parallel_loop3A_752, %parallel_loop3A_753 : i32
        %parallel_loop3A_755 = arith.index_cast %parallel_loop3A_754 : i32 to index
        %parallel_loop3A_756 = arith.index_cast %parallel_loop3A_493 : i32 to index
        %parallel_loop3A_757 = tpu.vector_load %arg8[%parallel_loop3A_755, %parallel_loop3A_756] {strides = array<i32>} : memref<32x1024xi32, #tpu.memory_space<vmem>>, vector<16xi32>,
        %parallel_loop3A_758 = arith.constant 65535 : i32
        %parallel_loop3A_759 = vector.broadcast %parallel_loop3A_758 : i32 to vector<16xi32>
        %parallel_loop3A_760 = arith.andi %parallel_loop3A_757, %parallel_loop3A_759 : vector<16xi32>
        %parallel_loop3A_761 = arith.constant 16 : i32
        %parallel_loop3A_762 = vector.broadcast %parallel_loop3A_761 : i32 to vector<16xi32>
        %parallel_loop3A_763 = arith.shrui %parallel_loop3A_757, %parallel_loop3A_762 : vector<16xi32>
        %parallel_loop3A_764 = arith.addi %broadcast_in_dim3A_1, %parallel_loop3A_760 : vector<16xi32>
        %parallel_loop3A_765 = tpu.vector_load_idx %arg6[%parallel_loop3A_764] : memref<20000xi32, #tpu.memory_space<vmem>>[vector<16xi32>], vector<16xi32>,
        %parallel_loop3A_766 = vector.bitcast %parallel_loop3A_765 : vector<16xi32> to vector<32xbf16>
        %parallel_loop3A_767 = arith.addi %broadcast_in_dim3A_1, %parallel_loop3A_763 : vector<16xi32>
        %parallel_loop3A_768 = tpu.vector_load_idx %arg7[%parallel_loop3A_767] : memref<20000xi32, #tpu.memory_space<vmem>>[vector<16xi32>], vector<16xi32>,
        %parallel_loop3A_769 = vector.bitcast %parallel_loop3A_768 : vector<16xi32> to vector<32xbf16>
        %parallel_loop3A_770 = arith.addf %parallel_loop3A_766, %parallel_loop3A_769 : vector<32xbf16>
        %parallel_loop3A_771 = arith.maximumf %parallel_loop3A_713, %parallel_loop3A_770 : vector<32xbf16>
        %parallel_loop3A_772 = arith.addi %broadcast_in_dim3A_3, %parallel_loop3A_760 : vector<16xi32>
        %parallel_loop3A_773 = tpu.vector_load_idx %arg6[%parallel_loop3A_772] : memref<20000xi32, #tpu.memory_space<vmem>>[vector<16xi32>], vector<16xi32>,
        %parallel_loop3A_774 = vector.bitcast %parallel_loop3A_773 : vector<16xi32> to vector<32xbf16>
        %parallel_loop3A_775 = arith.addi %broadcast_in_dim3A_3, %parallel_loop3A_763 : vector<16xi32>
        %parallel_loop3A_776 = tpu.vector_load_idx %arg7[%parallel_loop3A_775] : memref<20000xi32, #tpu.memory_space<vmem>>[vector<16xi32>], vector<16xi32>,
        %parallel_loop3A_777 = vector.bitcast %parallel_loop3A_776 : vector<16xi32> to vector<32xbf16>
        %parallel_loop3A_778 = arith.addf %parallel_loop3A_774, %parallel_loop3A_777 : vector<32xbf16>
        %parallel_loop3A_779 = arith.maximumf %parallel_loop3A_721, %parallel_loop3A_778 : vector<32xbf16>
        scf.yield %parallel_loop3A_742, %parallel_loop3A_771, %parallel_loop3A_750, %parallel_loop3A_779 : vector<32xbf16>, vector<32xbf16>, vector<32xbf16>, vector<32xbf16>
      }
      %parallel_loop3A_507 = arith.constant 4 : i32
      %parallel_loop3A_508 = arith.maximumf %parallel_loop3A_506#0, %parallel_loop3A_506#1 : vector<32xbf16>
      %parallel_loop3A_509 = vector.bitcast %parallel_loop3A_508 : vector<32xbf16> to vector<16xi32>
      %parallel_loop3A_510 = arith.constant 16 : i32
      %parallel_loop3A_511 = vector.broadcast %parallel_loop3A_510 : i32 to vector<16xi32>
      %parallel_loop3A_512 = arith.shli %parallel_loop3A_509, %parallel_loop3A_511 : vector<16xi32>
      %parallel_loop3A_513 = vector.bitcast %parallel_loop3A_512 : vector<16xi32> to vector<16xf32>
      %parallel_loop3A_514 = arith.constant 0 : i32
      %parallel_loop3A_515 = arith.index_cast %parallel_loop3A_514 : i32 to index
      %parallel_loop3A_516 = arith.index_cast %parallel_loop3A_493 : i32 to index
      %parallel_loop3A_517 = tpu.vector_load %arg10[%parallel_loop3A_515, %parallel_loop3A_516] {strides = array<i32>} : memref<4x1024xf32, #tpu.memory_space<vmem>>, vector<16xf32>,
      tpu.vector_store %arg10[%parallel_loop3A_515, %parallel_loop3A_516], %parallel_loop3A_513 {strides = array<i32>} : memref<4x1024xf32, #tpu.memory_space<vmem>>, vector<16xf32>,
      %parallel_loop3A_518 = arith.constant -65536 : i32
      %parallel_loop3A_519 = vector.broadcast %parallel_loop3A_518 : i32 to vector<16xi32>
      %parallel_loop3A_520 = arith.andi %parallel_loop3A_509, %parallel_loop3A_519 : vector<16xi32>
      %parallel_loop3A_521 = vector.bitcast %parallel_loop3A_520 : vector<16xi32> to vector<16xf32>
      %parallel_loop3A_522 = arith.constant 1 : i32
      %parallel_loop3A_523 = arith.index_cast %parallel_loop3A_522 : i32 to index
      %parallel_loop3A_524 = arith.index_cast %parallel_loop3A_493 : i32 to index
      %parallel_loop3A_525 = tpu.vector_load %arg10[%parallel_loop3A_523, %parallel_loop3A_524] {strides = array<i32>} : memref<4x1024xf32, #tpu.memory_space<vmem>>, vector<16xf32>,
      tpu.vector_store %arg10[%parallel_loop3A_523, %parallel_loop3A_524], %parallel_loop3A_521 {strides = array<i32>} : memref<4x1024xf32, #tpu.memory_space<vmem>>, vector<16xf32>,
      %parallel_loop3A_526 = arith.maximumf %parallel_loop3A_506#2, %parallel_loop3A_506#3 : vector<32xbf16>
      %parallel_loop3A_527 = vector.bitcast %parallel_loop3A_526 : vector<32xbf16> to vector<16xi32>
      %parallel_loop3A_528 = arith.constant 16 : i32
      %parallel_loop3A_529 = vector.broadcast %parallel_loop3A_528 : i32 to vector<16xi32>
      %parallel_loop3A_530 = arith.shli %parallel_loop3A_527, %parallel_loop3A_529 : vector<16xi32>
      %parallel_loop3A_531 = vector.bitcast %parallel_loop3A_530 : vector<16xi32> to vector<16xf32>
      %parallel_loop3A_532 = arith.constant 2 : i32
      %parallel_loop3A_533 = arith.index_cast %parallel_loop3A_532 : i32 to index
      %parallel_loop3A_534 = arith.index_cast %parallel_loop3A_493 : i32 to index
      %parallel_loop3A_535 = tpu.vector_load %arg10[%parallel_loop3A_533, %parallel_loop3A_534] {strides = array<i32>} : memref<4x1024xf32, #tpu.memory_space<vmem>>, vector<16xf32>,
      tpu.vector_store %arg10[%parallel_loop3A_533, %parallel_loop3A_534], %parallel_loop3A_531 {strides = array<i32>} : memref<4x1024xf32, #tpu.memory_space<vmem>>, vector<16xf32>,
      %parallel_loop3A_536 = arith.constant -65536 : i32
      %parallel_loop3A_537 = vector.broadcast %parallel_loop3A_536 : i32 to vector<16xi32>
      %parallel_loop3A_538 = arith.andi %parallel_loop3A_527, %parallel_loop3A_537 : vector<16xi32>
      %parallel_loop3A_539 = vector.bitcast %parallel_loop3A_538 : vector<16xi32> to vector<16xf32>
      %parallel_loop3A_540 = arith.constant 3 : i32
      %parallel_loop3A_541 = arith.index_cast %parallel_loop3A_540 : i32 to index
      %parallel_loop3A_542 = arith.index_cast %parallel_loop3A_493 : i32 to index
      %parallel_loop3A_543 = tpu.vector_load %arg10[%parallel_loop3A_541, %parallel_loop3A_542] {strides = array<i32>} : memref<4x1024xf32, #tpu.memory_space<vmem>>, vector<16xf32>,
      tpu.vector_store %arg10[%parallel_loop3A_541, %parallel_loop3A_542], %parallel_loop3A_539 {strides = array<i32>} : memref<4x1024xf32, #tpu.memory_space<vmem>>, vector<16xf32>,
    } {sc.loop_unroll_factor = 1 : i64, sc.parallel_access}
    %mul3A_422 = arith.constant 4 : i32
    %mul3A_423 = arith.muli %add3A, %mul3A_422 : i32
    %dma_start3A_424 = arith.constant 0 : i32
    %dma_start3A_425 = arith.constant 0 : i32
    %dma_start3A_426 = tpu.memref_slice %arg10[%dma_start3A_424, %dma_start3A_425] : memref<4x1024xf32, #tpu.memory_space<vmem>> -> memref<4x1024xf32, #tpu.memory_space<vmem>>
    %dma_start3A_427 = arith.constant 8192 : i32
    %dma_start3A_428 = tpu.memref_slice %arg5[%mul3A_423, %dma_start3A_427] : memref<128x10000xf32, #tpu.memory_space<hbm>> -> memref<4x1024xf32, #tpu.memory_space<hbm>>
    %dma_start3A_429 = arith.constant 8192 : i32
    %dma_start3A_430 = tpu.memref_slice %arg5[%mul3A_423, %dma_start3A_429] : memref<128x10000xf32, #tpu.memory_space<hbm>> -> memref<4x1024xf32, #tpu.memory_space<hbm>>
    %dma_start3A_431 = arith.constant 0 : i32
    %dma_start3A_432 = arith.constant 0 : i32
    %dma_start3A_433 = tpu.memref_slice %arg10[%dma_start3A_431, %dma_start3A_432] : memref<4x1024xf32, #tpu.memory_space<vmem>> -> memref<4x1024xf32, #tpu.memory_space<vmem>>
    tpu.enqueue_dma source(%dma_start3A_433 : memref<4x1024xf32, #tpu.memory_space<vmem>>) target(%dma_start3A_430 : memref<4x1024xf32, #tpu.memory_space<hbm>>) target_semaphore(%arg14 : memref<!tpu.dma_semaphore, #tpu.memory_space<semaphore_mem>>)
    %dma_wait3A_434 = arith.constant 0 : i32
    %dma_wait3A_435 = arith.constant 0 : i32
    %dma_wait3A_436 = tpu.memref_slice %arg9[%dma_wait3A_434, %dma_wait3A_435] : memref<32x1024xi32, #tpu.memory_space<vmem>> -> memref<32x784xi32, #tpu.memory_space<vmem>>
    %dma_wait3A_437 = arith.constant 0 : i32
    %dma_wait3A_438 = arith.constant 9216 : i32
    %dma_wait3A_439 = tpu.memref_slice %arg4[%dma_wait3A_437, %dma_wait3A_438] : memref<32x10000xi32, #tpu.memory_space<hbm>> -> memref<32x784xi32, #tpu.memory_space<hbm>>
    %dma_wait3A_440 = arith.constant 0 : i32
    %dma_wait3A_441 = arith.constant 0 : i32
    %dma_wait3A_442 = tpu.memref_slice %arg9[%dma_wait3A_440, %dma_wait3A_441] : memref<32x1024xi32, #tpu.memory_space<vmem>> -> memref<32x784xi32, #tpu.memory_space<vmem>>
    %dma_wait3A_443 = arith.constant 0 : i32
    %dma_wait3A_444 = arith.constant 9216 : i32
    %dma_wait3A_445 = tpu.memref_slice %arg4[%dma_wait3A_443, %dma_wait3A_444] : memref<32x10000xi32, #tpu.memory_space<hbm>> -> memref<32x784xi32, #tpu.memory_space<hbm>>
    tpu.wait_dma2 semaphore(%arg13 : memref<!tpu.dma_semaphore, #tpu.memory_space<semaphore_mem>>) src(%dma_wait3A_445 : memref<32x784xi32, #tpu.memory_space<hbm>>) dst(%dma_wait3A_442 : memref<32x784xi32, #tpu.memory_space<vmem>>)
    %dma_wait3A_446 = arith.constant 0 : i32
    %dma_wait3A_447 = arith.constant 0 : i32
    %dma_wait3A_448 = tpu.memref_slice %arg11[%dma_wait3A_446, %dma_wait3A_447] : memref<4x1024xf32, #tpu.memory_space<vmem>> -> memref<4x1024xf32, #tpu.memory_space<vmem>>
    %dma_wait3A_449 = arith.constant 7168 : i32
    %dma_wait3A_450 = tpu.memref_slice %arg5[%mul3A_374, %dma_wait3A_449] : memref<128x10000xf32, #tpu.memory_space<hbm>> -> memref<4x1024xf32, #tpu.memory_space<hbm>>
    %dma_wait3A_451 = arith.constant 7168 : i32
    %dma_wait3A_452 = tpu.memref_slice %arg5[%mul3A_374, %dma_wait3A_451] : memref<128x10000xf32, #tpu.memory_space<hbm>> -> memref<4x1024xf32, #tpu.memory_space<hbm>>
    %dma_wait3A_453 = arith.constant 0 : i32
    %dma_wait3A_454 = arith.constant 0 : i32
    %dma_wait3A_455 = tpu.memref_slice %arg11[%dma_wait3A_453, %dma_wait3A_454] : memref<4x1024xf32, #tpu.memory_space<vmem>> -> memref<4x1024xf32, #tpu.memory_space<vmem>>
    tpu.wait_dma2 semaphore(%arg15 : memref<!tpu.dma_semaphore, #tpu.memory_space<semaphore_mem>>) src(%dma_wait3A_455 : memref<4x1024xf32, #tpu.memory_space<vmem>>) dst(%dma_wait3A_452 : memref<4x1024xf32, #tpu.memory_space<hbm>>)
    %parallel_loop3A_456 = arith.constant 0 : i32
    %parallel_loop3A_457 = arith.constant 49 : i32
    %parallel_loop3A_458 = arith.constant 1 : i32
    scf.for %parallel_loop3A_491 = %parallel_loop3A_456 to %parallel_loop3A_457 step %parallel_loop3A_458  : i32 {
      %parallel_loop3A_492 = arith.constant 16 : i32
      %parallel_loop3A_493 = arith.muli %parallel_loop3A_491, %parallel_loop3A_492 : i32
      %parallel_loop3A_494 = arith.constant 0.000000e+00 : bf16
      %parallel_loop3A_495 = vector.broadcast %parallel_loop3A_494 : bf16 to vector<32xbf16>
      %parallel_loop3A_496 = arith.constant 0.000000e+00 : bf16
      %parallel_loop3A_497 = vector.broadcast %parallel_loop3A_496 : bf16 to vector<32xbf16>
      %parallel_loop3A_498 = arith.constant 0.000000e+00 : bf16
      %parallel_loop3A_499 = vector.broadcast %parallel_loop3A_498 : bf16 to vector<32xbf16>
      %parallel_loop3A_500 = arith.constant 0.000000e+00 : bf16
      %parallel_loop3A_501 = vector.broadcast %parallel_loop3A_500 : bf16 to vector<32xbf16>
      %parallel_loop3A_502 = arith.constant 0 : i32
      %parallel_loop3A_503 = arith.constant 4 : i32
      %parallel_loop3A_504 = arith.addi %parallel_loop3A_502, %parallel_loop3A_503 : i32
      %parallel_loop3A_505 = arith.constant 1 : i32
      %parallel_loop3A_506:4 = scf.for %scan3A = %parallel_loop3A_502 to %parallel_loop3A_504 step %parallel_loop3A_505 iter_args(%scan3A_544 = %parallel_loop3A_495, %scan3A_545 = %parallel_loop3A_497, %scan3A_546 = %parallel_loop3A_499, %scan3A_547 = %parallel_loop3A_501) -> (vector<32xbf16>, vector<32xbf16>, vector<32xbf16>, vector<32xbf16>)  : i32 {
        %parallel_loop3A_548 = arith.constant 8 : i32
        %parallel_loop3A_549 = arith.muli %scan3A, %parallel_loop3A_548 : i32
        %parallel_loop3A_550 = arith.constant 0 : i32
        %parallel_loop3A_551 = arith.addi %parallel_loop3A_549, %parallel_loop3A_550 : i32
        %parallel_loop3A_552 = arith.index_cast %parallel_loop3A_551 : i32 to index
        %parallel_loop3A_553 = arith.index_cast %parallel_loop3A_493 : i32 to index
        %parallel_loop3A_554 = tpu.vector_load %arg9[%parallel_loop3A_552, %parallel_loop3A_553] {strides = array<i32>} : memref<32x1024xi32, #tpu.memory_space<vmem>>, vector<16xi32>,
        %parallel_loop3A_555 = arith.constant 65535 : i32
        %parallel_loop3A_556 = vector.broadcast %parallel_loop3A_555 : i32 to vector<16xi32>
        %parallel_loop3A_557 = arith.andi %parallel_loop3A_554, %parallel_loop3A_556 : vector<16xi32>
        %parallel_loop3A_558 = arith.constant 16 : i32
        %parallel_loop3A_559 = vector.broadcast %parallel_loop3A_558 : i32 to vector<16xi32>
        %parallel_loop3A_560 = arith.shrui %parallel_loop3A_554, %parallel_loop3A_559 : vector<16xi32>
        %parallel_loop3A_561 = arith.addi %broadcast_in_dim3A_1, %parallel_loop3A_557 : vector<16xi32>
        %parallel_loop3A_562 = tpu.vector_load_idx %arg6[%parallel_loop3A_561] : memref<20000xi32, #tpu.memory_space<vmem>>[vector<16xi32>], vector<16xi32>,
        %parallel_loop3A_563 = vector.bitcast %parallel_loop3A_562 : vector<16xi32> to vector<32xbf16>
        %parallel_loop3A_564 = arith.addi %broadcast_in_dim3A_1, %parallel_loop3A_560 : vector<16xi32>
        %parallel_loop3A_565 = tpu.vector_load_idx %arg7[%parallel_loop3A_564] : memref<20000xi32, #tpu.memory_space<vmem>>[vector<16xi32>], vector<16xi32>,
        %parallel_loop3A_566 = vector.bitcast %parallel_loop3A_565 : vector<16xi32> to vector<32xbf16>
        %parallel_loop3A_567 = arith.addf %parallel_loop3A_563, %parallel_loop3A_566 : vector<32xbf16>
        %parallel_loop3A_568 = arith.maximumf %scan3A_544, %parallel_loop3A_567 : vector<32xbf16>
        %parallel_loop3A_569 = arith.addi %broadcast_in_dim3A_3, %parallel_loop3A_557 : vector<16xi32>
        %parallel_loop3A_570 = tpu.vector_load_idx %arg6[%parallel_loop3A_569] : memref<20000xi32, #tpu.memory_space<vmem>>[vector<16xi32>], vector<16xi32>,
        %parallel_loop3A_571 = vector.bitcast %parallel_loop3A_570 : vector<16xi32> to vector<32xbf16>
        %parallel_loop3A_572 = arith.addi %broadcast_in_dim3A_3, %parallel_loop3A_560 : vector<16xi32>
        %parallel_loop3A_573 = tpu.vector_load_idx %arg7[%parallel_loop3A_572] : memref<20000xi32, #tpu.memory_space<vmem>>[vector<16xi32>], vector<16xi32>,
        %parallel_loop3A_574 = vector.bitcast %parallel_loop3A_573 : vector<16xi32> to vector<32xbf16>
        %parallel_loop3A_575 = arith.addf %parallel_loop3A_571, %parallel_loop3A_574 : vector<32xbf16>
        %parallel_loop3A_576 = arith.maximumf %scan3A_546, %parallel_loop3A_575 : vector<32xbf16>
        %parallel_loop3A_577 = arith.constant 8 : i32
        %parallel_loop3A_578 = arith.muli %scan3A, %parallel_loop3A_577 : i32
        %parallel_loop3A_579 = arith.constant 1 : i32
        %parallel_loop3A_580 = arith.addi %parallel_loop3A_578, %parallel_loop3A_579 : i32
        %parallel_loop3A_581 = arith.index_cast %parallel_loop3A_580 : i32 to index
        %parallel_loop3A_582 = arith.index_cast %parallel_loop3A_493 : i32 to index
        %parallel_loop3A_583 = tpu.vector_load %arg9[%parallel_loop3A_581, %parallel_loop3A_582] {strides = array<i32>} : memref<32x1024xi32, #tpu.memory_space<vmem>>, vector<16xi32>,
        %parallel_loop3A_584 = arith.constant 65535 : i32
        %parallel_loop3A_585 = vector.broadcast %parallel_loop3A_584 : i32 to vector<16xi32>
        %parallel_loop3A_586 = arith.andi %parallel_loop3A_583, %parallel_loop3A_585 : vector<16xi32>
        %parallel_loop3A_587 = arith.constant 16 : i32
        %parallel_loop3A_588 = vector.broadcast %parallel_loop3A_587 : i32 to vector<16xi32>
        %parallel_loop3A_589 = arith.shrui %parallel_loop3A_583, %parallel_loop3A_588 : vector<16xi32>
        %parallel_loop3A_590 = arith.addi %broadcast_in_dim3A_1, %parallel_loop3A_586 : vector<16xi32>
        %parallel_loop3A_591 = tpu.vector_load_idx %arg6[%parallel_loop3A_590] : memref<20000xi32, #tpu.memory_space<vmem>>[vector<16xi32>], vector<16xi32>,
        %parallel_loop3A_592 = vector.bitcast %parallel_loop3A_591 : vector<16xi32> to vector<32xbf16>
        %parallel_loop3A_593 = arith.addi %broadcast_in_dim3A_1, %parallel_loop3A_589 : vector<16xi32>
        %parallel_loop3A_594 = tpu.vector_load_idx %arg7[%parallel_loop3A_593] : memref<20000xi32, #tpu.memory_space<vmem>>[vector<16xi32>], vector<16xi32>,
        %parallel_loop3A_595 = vector.bitcast %parallel_loop3A_594 : vector<16xi32> to vector<32xbf16>
        %parallel_loop3A_596 = arith.addf %parallel_loop3A_592, %parallel_loop3A_595 : vector<32xbf16>
        %parallel_loop3A_597 = arith.maximumf %scan3A_545, %parallel_loop3A_596 : vector<32xbf16>
        %parallel_loop3A_598 = arith.addi %broadcast_in_dim3A_3, %parallel_loop3A_586 : vector<16xi32>
        %parallel_loop3A_599 = tpu.vector_load_idx %arg6[%parallel_loop3A_598] : memref<20000xi32, #tpu.memory_space<vmem>>[vector<16xi32>], vector<16xi32>,
        %parallel_loop3A_600 = vector.bitcast %parallel_loop3A_599 : vector<16xi32> to vector<32xbf16>
        %parallel_loop3A_601 = arith.addi %broadcast_in_dim3A_3, %parallel_loop3A_589 : vector<16xi32>
        %parallel_loop3A_602 = tpu.vector_load_idx %arg7[%parallel_loop3A_601] : memref<20000xi32, #tpu.memory_space<vmem>>[vector<16xi32>], vector<16xi32>,
        %parallel_loop3A_603 = vector.bitcast %parallel_loop3A_602 : vector<16xi32> to vector<32xbf16>
        %parallel_loop3A_604 = arith.addf %parallel_loop3A_600, %parallel_loop3A_603 : vector<32xbf16>
        %parallel_loop3A_605 = arith.maximumf %scan3A_547, %parallel_loop3A_604 : vector<32xbf16>
        %parallel_loop3A_606 = arith.constant 8 : i32
        %parallel_loop3A_607 = arith.muli %scan3A, %parallel_loop3A_606 : i32
        %parallel_loop3A_608 = arith.constant 2 : i32
        %parallel_loop3A_609 = arith.addi %parallel_loop3A_607, %parallel_loop3A_608 : i32
        %parallel_loop3A_610 = arith.index_cast %parallel_loop3A_609 : i32 to index
        %parallel_loop3A_611 = arith.index_cast %parallel_loop3A_493 : i32 to index
        %parallel_loop3A_612 = tpu.vector_load %arg9[%parallel_loop3A_610, %parallel_loop3A_611] {strides = array<i32>} : memref<32x1024xi32, #tpu.memory_space<vmem>>, vector<16xi32>,
        %parallel_loop3A_613 = arith.constant 65535 : i32
        %parallel_loop3A_614 = vector.broadcast %parallel_loop3A_613 : i32 to vector<16xi32>
        %parallel_loop3A_615 = arith.andi %parallel_loop3A_612, %parallel_loop3A_614 : vector<16xi32>
        %parallel_loop3A_616 = arith.constant 16 : i32
        %parallel_loop3A_617 = vector.broadcast %parallel_loop3A_616 : i32 to vector<16xi32>
        %parallel_loop3A_618 = arith.shrui %parallel_loop3A_612, %parallel_loop3A_617 : vector<16xi32>
        %parallel_loop3A_619 = arith.addi %broadcast_in_dim3A_1, %parallel_loop3A_615 : vector<16xi32>
        %parallel_loop3A_620 = tpu.vector_load_idx %arg6[%parallel_loop3A_619] : memref<20000xi32, #tpu.memory_space<vmem>>[vector<16xi32>], vector<16xi32>,
        %parallel_loop3A_621 = vector.bitcast %parallel_loop3A_620 : vector<16xi32> to vector<32xbf16>
        %parallel_loop3A_622 = arith.addi %broadcast_in_dim3A_1, %parallel_loop3A_618 : vector<16xi32>
        %parallel_loop3A_623 = tpu.vector_load_idx %arg7[%parallel_loop3A_622] : memref<20000xi32, #tpu.memory_space<vmem>>[vector<16xi32>], vector<16xi32>,
        %parallel_loop3A_624 = vector.bitcast %parallel_loop3A_623 : vector<16xi32> to vector<32xbf16>
        %parallel_loop3A_625 = arith.addf %parallel_loop3A_621, %parallel_loop3A_624 : vector<32xbf16>
        %parallel_loop3A_626 = arith.maximumf %parallel_loop3A_568, %parallel_loop3A_625 : vector<32xbf16>
        %parallel_loop3A_627 = arith.addi %broadcast_in_dim3A_3, %parallel_loop3A_615 : vector<16xi32>
        %parallel_loop3A_628 = tpu.vector_load_idx %arg6[%parallel_loop3A_627] : memref<20000xi32, #tpu.memory_space<vmem>>[vector<16xi32>], vector<16xi32>,
        %parallel_loop3A_629 = vector.bitcast %parallel_loop3A_628 : vector<16xi32> to vector<32xbf16>
        %parallel_loop3A_630 = arith.addi %broadcast_in_dim3A_3, %parallel_loop3A_618 : vector<16xi32>
        %parallel_loop3A_631 = tpu.vector_load_idx %arg7[%parallel_loop3A_630] : memref<20000xi32, #tpu.memory_space<vmem>>[vector<16xi32>], vector<16xi32>,
        %parallel_loop3A_632 = vector.bitcast %parallel_loop3A_631 : vector<16xi32> to vector<32xbf16>
        %parallel_loop3A_633 = arith.addf %parallel_loop3A_629, %parallel_loop3A_632 : vector<32xbf16>
        %parallel_loop3A_634 = arith.maximumf %parallel_loop3A_576, %parallel_loop3A_633 : vector<32xbf16>
        %parallel_loop3A_635 = arith.constant 8 : i32
        %parallel_loop3A_636 = arith.muli %scan3A, %parallel_loop3A_635 : i32
        %parallel_loop3A_637 = arith.constant 3 : i32
        %parallel_loop3A_638 = arith.addi %parallel_loop3A_636, %parallel_loop3A_637 : i32
        %parallel_loop3A_639 = arith.index_cast %parallel_loop3A_638 : i32 to index
        %parallel_loop3A_640 = arith.index_cast %parallel_loop3A_493 : i32 to index
        %parallel_loop3A_641 = tpu.vector_load %arg9[%parallel_loop3A_639, %parallel_loop3A_640] {strides = array<i32>} : memref<32x1024xi32, #tpu.memory_space<vmem>>, vector<16xi32>,
        %parallel_loop3A_642 = arith.constant 65535 : i32
        %parallel_loop3A_643 = vector.broadcast %parallel_loop3A_642 : i32 to vector<16xi32>
        %parallel_loop3A_644 = arith.andi %parallel_loop3A_641, %parallel_loop3A_643 : vector<16xi32>
        %parallel_loop3A_645 = arith.constant 16 : i32
        %parallel_loop3A_646 = vector.broadcast %parallel_loop3A_645 : i32 to vector<16xi32>
        %parallel_loop3A_647 = arith.shrui %parallel_loop3A_641, %parallel_loop3A_646 : vector<16xi32>
        %parallel_loop3A_648 = arith.addi %broadcast_in_dim3A_1, %parallel_loop3A_644 : vector<16xi32>
        %parallel_loop3A_649 = tpu.vector_load_idx %arg6[%parallel_loop3A_648] : memref<20000xi32, #tpu.memory_space<vmem>>[vector<16xi32>], vector<16xi32>,
        %parallel_loop3A_650 = vector.bitcast %parallel_loop3A_649 : vector<16xi32> to vector<32xbf16>
        %parallel_loop3A_651 = arith.addi %broadcast_in_dim3A_1, %parallel_loop3A_647 : vector<16xi32>
        %parallel_loop3A_652 = tpu.vector_load_idx %arg7[%parallel_loop3A_651] : memref<20000xi32, #tpu.memory_space<vmem>>[vector<16xi32>], vector<16xi32>,
        %parallel_loop3A_653 = vector.bitcast %parallel_loop3A_652 : vector<16xi32> to vector<32xbf16>
        %parallel_loop3A_654 = arith.addf %parallel_loop3A_650, %parallel_loop3A_653 : vector<32xbf16>
        %parallel_loop3A_655 = arith.maximumf %parallel_loop3A_597, %parallel_loop3A_654 : vector<32xbf16>
        %parallel_loop3A_656 = arith.addi %broadcast_in_dim3A_3, %parallel_loop3A_644 : vector<16xi32>
        %parallel_loop3A_657 = tpu.vector_load_idx %arg6[%parallel_loop3A_656] : memref<20000xi32, #tpu.memory_space<vmem>>[vector<16xi32>], vector<16xi32>,
        %parallel_loop3A_658 = vector.bitcast %parallel_loop3A_657 : vector<16xi32> to vector<32xbf16>
        %parallel_loop3A_659 = arith.addi %broadcast_in_dim3A_3, %parallel_loop3A_647 : vector<16xi32>
        %parallel_loop3A_660 = tpu.vector_load_idx %arg7[%parallel_loop3A_659] : memref<20000xi32, #tpu.memory_space<vmem>>[vector<16xi32>], vector<16xi32>,
        %parallel_loop3A_661 = vector.bitcast %parallel_loop3A_660 : vector<16xi32> to vector<32xbf16>
        %parallel_loop3A_662 = arith.addf %parallel_loop3A_658, %parallel_loop3A_661 : vector<32xbf16>
        %parallel_loop3A_663 = arith.maximumf %parallel_loop3A_605, %parallel_loop3A_662 : vector<32xbf16>
        %parallel_loop3A_664 = arith.constant 8 : i32
        %parallel_loop3A_665 = arith.muli %scan3A, %parallel_loop3A_664 : i32
        %parallel_loop3A_666 = arith.constant 4 : i32
        %parallel_loop3A_667 = arith.addi %parallel_loop3A_665, %parallel_loop3A_666 : i32
        %parallel_loop3A_668 = arith.index_cast %parallel_loop3A_667 : i32 to index
        %parallel_loop3A_669 = arith.index_cast %parallel_loop3A_493 : i32 to index
        %parallel_loop3A_670 = tpu.vector_load %arg9[%parallel_loop3A_668, %parallel_loop3A_669] {strides = array<i32>} : memref<32x1024xi32, #tpu.memory_space<vmem>>, vector<16xi32>,
        %parallel_loop3A_671 = arith.constant 65535 : i32
        %parallel_loop3A_672 = vector.broadcast %parallel_loop3A_671 : i32 to vector<16xi32>
        %parallel_loop3A_673 = arith.andi %parallel_loop3A_670, %parallel_loop3A_672 : vector<16xi32>
        %parallel_loop3A_674 = arith.constant 16 : i32
        %parallel_loop3A_675 = vector.broadcast %parallel_loop3A_674 : i32 to vector<16xi32>
        %parallel_loop3A_676 = arith.shrui %parallel_loop3A_670, %parallel_loop3A_675 : vector<16xi32>
        %parallel_loop3A_677 = arith.addi %broadcast_in_dim3A_1, %parallel_loop3A_673 : vector<16xi32>
        %parallel_loop3A_678 = tpu.vector_load_idx %arg6[%parallel_loop3A_677] : memref<20000xi32, #tpu.memory_space<vmem>>[vector<16xi32>], vector<16xi32>,
        %parallel_loop3A_679 = vector.bitcast %parallel_loop3A_678 : vector<16xi32> to vector<32xbf16>
        %parallel_loop3A_680 = arith.addi %broadcast_in_dim3A_1, %parallel_loop3A_676 : vector<16xi32>
        %parallel_loop3A_681 = tpu.vector_load_idx %arg7[%parallel_loop3A_680] : memref<20000xi32, #tpu.memory_space<vmem>>[vector<16xi32>], vector<16xi32>,
        %parallel_loop3A_682 = vector.bitcast %parallel_loop3A_681 : vector<16xi32> to vector<32xbf16>
        %parallel_loop3A_683 = arith.addf %parallel_loop3A_679, %parallel_loop3A_682 : vector<32xbf16>
        %parallel_loop3A_684 = arith.maximumf %parallel_loop3A_626, %parallel_loop3A_683 : vector<32xbf16>
        %parallel_loop3A_685 = arith.addi %broadcast_in_dim3A_3, %parallel_loop3A_673 : vector<16xi32>
        %parallel_loop3A_686 = tpu.vector_load_idx %arg6[%parallel_loop3A_685] : memref<20000xi32, #tpu.memory_space<vmem>>[vector<16xi32>], vector<16xi32>,
        %parallel_loop3A_687 = vector.bitcast %parallel_loop3A_686 : vector<16xi32> to vector<32xbf16>
        %parallel_loop3A_688 = arith.addi %broadcast_in_dim3A_3, %parallel_loop3A_676 : vector<16xi32>
        %parallel_loop3A_689 = tpu.vector_load_idx %arg7[%parallel_loop3A_688] : memref<20000xi32, #tpu.memory_space<vmem>>[vector<16xi32>], vector<16xi32>,
        %parallel_loop3A_690 = vector.bitcast %parallel_loop3A_689 : vector<16xi32> to vector<32xbf16>
        %parallel_loop3A_691 = arith.addf %parallel_loop3A_687, %parallel_loop3A_690 : vector<32xbf16>
        %parallel_loop3A_692 = arith.maximumf %parallel_loop3A_634, %parallel_loop3A_691 : vector<32xbf16>
        %parallel_loop3A_693 = arith.constant 8 : i32
        %parallel_loop3A_694 = arith.muli %scan3A, %parallel_loop3A_693 : i32
        %parallel_loop3A_695 = arith.constant 5 : i32
        %parallel_loop3A_696 = arith.addi %parallel_loop3A_694, %parallel_loop3A_695 : i32
        %parallel_loop3A_697 = arith.index_cast %parallel_loop3A_696 : i32 to index
        %parallel_loop3A_698 = arith.index_cast %parallel_loop3A_493 : i32 to index
        %parallel_loop3A_699 = tpu.vector_load %arg9[%parallel_loop3A_697, %parallel_loop3A_698] {strides = array<i32>} : memref<32x1024xi32, #tpu.memory_space<vmem>>, vector<16xi32>,
        %parallel_loop3A_700 = arith.constant 65535 : i32
        %parallel_loop3A_701 = vector.broadcast %parallel_loop3A_700 : i32 to vector<16xi32>
        %parallel_loop3A_702 = arith.andi %parallel_loop3A_699, %parallel_loop3A_701 : vector<16xi32>
        %parallel_loop3A_703 = arith.constant 16 : i32
        %parallel_loop3A_704 = vector.broadcast %parallel_loop3A_703 : i32 to vector<16xi32>
        %parallel_loop3A_705 = arith.shrui %parallel_loop3A_699, %parallel_loop3A_704 : vector<16xi32>
        %parallel_loop3A_706 = arith.addi %broadcast_in_dim3A_1, %parallel_loop3A_702 : vector<16xi32>
        %parallel_loop3A_707 = tpu.vector_load_idx %arg6[%parallel_loop3A_706] : memref<20000xi32, #tpu.memory_space<vmem>>[vector<16xi32>], vector<16xi32>,
        %parallel_loop3A_708 = vector.bitcast %parallel_loop3A_707 : vector<16xi32> to vector<32xbf16>
        %parallel_loop3A_709 = arith.addi %broadcast_in_dim3A_1, %parallel_loop3A_705 : vector<16xi32>
        %parallel_loop3A_710 = tpu.vector_load_idx %arg7[%parallel_loop3A_709] : memref<20000xi32, #tpu.memory_space<vmem>>[vector<16xi32>], vector<16xi32>,
        %parallel_loop3A_711 = vector.bitcast %parallel_loop3A_710 : vector<16xi32> to vector<32xbf16>
        %parallel_loop3A_712 = arith.addf %parallel_loop3A_708, %parallel_loop3A_711 : vector<32xbf16>
        %parallel_loop3A_713 = arith.maximumf %parallel_loop3A_655, %parallel_loop3A_712 : vector<32xbf16>
        %parallel_loop3A_714 = arith.addi %broadcast_in_dim3A_3, %parallel_loop3A_702 : vector<16xi32>
        %parallel_loop3A_715 = tpu.vector_load_idx %arg6[%parallel_loop3A_714] : memref<20000xi32, #tpu.memory_space<vmem>>[vector<16xi32>], vector<16xi32>,
        %parallel_loop3A_716 = vector.bitcast %parallel_loop3A_715 : vector<16xi32> to vector<32xbf16>
        %parallel_loop3A_717 = arith.addi %broadcast_in_dim3A_3, %parallel_loop3A_705 : vector<16xi32>
        %parallel_loop3A_718 = tpu.vector_load_idx %arg7[%parallel_loop3A_717] : memref<20000xi32, #tpu.memory_space<vmem>>[vector<16xi32>], vector<16xi32>,
        %parallel_loop3A_719 = vector.bitcast %parallel_loop3A_718 : vector<16xi32> to vector<32xbf16>
        %parallel_loop3A_720 = arith.addf %parallel_loop3A_716, %parallel_loop3A_719 : vector<32xbf16>
        %parallel_loop3A_721 = arith.maximumf %parallel_loop3A_663, %parallel_loop3A_720 : vector<32xbf16>
        %parallel_loop3A_722 = arith.constant 8 : i32
        %parallel_loop3A_723 = arith.muli %scan3A, %parallel_loop3A_722 : i32
        %parallel_loop3A_724 = arith.constant 6 : i32
        %parallel_loop3A_725 = arith.addi %parallel_loop3A_723, %parallel_loop3A_724 : i32
        %parallel_loop3A_726 = arith.index_cast %parallel_loop3A_725 : i32 to index
        %parallel_loop3A_727 = arith.index_cast %parallel_loop3A_493 : i32 to index
        %parallel_loop3A_728 = tpu.vector_load %arg9[%parallel_loop3A_726, %parallel_loop3A_727] {strides = array<i32>} : memref<32x1024xi32, #tpu.memory_space<vmem>>, vector<16xi32>,
        %parallel_loop3A_729 = arith.constant 65535 : i32
        %parallel_loop3A_730 = vector.broadcast %parallel_loop3A_729 : i32 to vector<16xi32>
        %parallel_loop3A_731 = arith.andi %parallel_loop3A_728, %parallel_loop3A_730 : vector<16xi32>
        %parallel_loop3A_732 = arith.constant 16 : i32
        %parallel_loop3A_733 = vector.broadcast %parallel_loop3A_732 : i32 to vector<16xi32>
        %parallel_loop3A_734 = arith.shrui %parallel_loop3A_728, %parallel_loop3A_733 : vector<16xi32>
        %parallel_loop3A_735 = arith.addi %broadcast_in_dim3A_1, %parallel_loop3A_731 : vector<16xi32>
        %parallel_loop3A_736 = tpu.vector_load_idx %arg6[%parallel_loop3A_735] : memref<20000xi32, #tpu.memory_space<vmem>>[vector<16xi32>], vector<16xi32>,
        %parallel_loop3A_737 = vector.bitcast %parallel_loop3A_736 : vector<16xi32> to vector<32xbf16>
        %parallel_loop3A_738 = arith.addi %broadcast_in_dim3A_1, %parallel_loop3A_734 : vector<16xi32>
        %parallel_loop3A_739 = tpu.vector_load_idx %arg7[%parallel_loop3A_738] : memref<20000xi32, #tpu.memory_space<vmem>>[vector<16xi32>], vector<16xi32>,
        %parallel_loop3A_740 = vector.bitcast %parallel_loop3A_739 : vector<16xi32> to vector<32xbf16>
        %parallel_loop3A_741 = arith.addf %parallel_loop3A_737, %parallel_loop3A_740 : vector<32xbf16>
        %parallel_loop3A_742 = arith.maximumf %parallel_loop3A_684, %parallel_loop3A_741 : vector<32xbf16>
        %parallel_loop3A_743 = arith.addi %broadcast_in_dim3A_3, %parallel_loop3A_731 : vector<16xi32>
        %parallel_loop3A_744 = tpu.vector_load_idx %arg6[%parallel_loop3A_743] : memref<20000xi32, #tpu.memory_space<vmem>>[vector<16xi32>], vector<16xi32>,
        %parallel_loop3A_745 = vector.bitcast %parallel_loop3A_744 : vector<16xi32> to vector<32xbf16>
        %parallel_loop3A_746 = arith.addi %broadcast_in_dim3A_3, %parallel_loop3A_734 : vector<16xi32>
        %parallel_loop3A_747 = tpu.vector_load_idx %arg7[%parallel_loop3A_746] : memref<20000xi32, #tpu.memory_space<vmem>>[vector<16xi32>], vector<16xi32>,
        %parallel_loop3A_748 = vector.bitcast %parallel_loop3A_747 : vector<16xi32> to vector<32xbf16>
        %parallel_loop3A_749 = arith.addf %parallel_loop3A_745, %parallel_loop3A_748 : vector<32xbf16>
        %parallel_loop3A_750 = arith.maximumf %parallel_loop3A_692, %parallel_loop3A_749 : vector<32xbf16>
        %parallel_loop3A_751 = arith.constant 8 : i32
        %parallel_loop3A_752 = arith.muli %scan3A, %parallel_loop3A_751 : i32
        %parallel_loop3A_753 = arith.constant 7 : i32
        %parallel_loop3A_754 = arith.addi %parallel_loop3A_752, %parallel_loop3A_753 : i32
        %parallel_loop3A_755 = arith.index_cast %parallel_loop3A_754 : i32 to index
        %parallel_loop3A_756 = arith.index_cast %parallel_loop3A_493 : i32 to index
        %parallel_loop3A_757 = tpu.vector_load %arg9[%parallel_loop3A_755, %parallel_loop3A_756] {strides = array<i32>} : memref<32x1024xi32, #tpu.memory_space<vmem>>, vector<16xi32>,
        %parallel_loop3A_758 = arith.constant 65535 : i32
        %parallel_loop3A_759 = vector.broadcast %parallel_loop3A_758 : i32 to vector<16xi32>
        %parallel_loop3A_760 = arith.andi %parallel_loop3A_757, %parallel_loop3A_759 : vector<16xi32>
        %parallel_loop3A_761 = arith.constant 16 : i32
        %parallel_loop3A_762 = vector.broadcast %parallel_loop3A_761 : i32 to vector<16xi32>
        %parallel_loop3A_763 = arith.shrui %parallel_loop3A_757, %parallel_loop3A_762 : vector<16xi32>
        %parallel_loop3A_764 = arith.addi %broadcast_in_dim3A_1, %parallel_loop3A_760 : vector<16xi32>
        %parallel_loop3A_765 = tpu.vector_load_idx %arg6[%parallel_loop3A_764] : memref<20000xi32, #tpu.memory_space<vmem>>[vector<16xi32>], vector<16xi32>,
        %parallel_loop3A_766 = vector.bitcast %parallel_loop3A_765 : vector<16xi32> to vector<32xbf16>
        %parallel_loop3A_767 = arith.addi %broadcast_in_dim3A_1, %parallel_loop3A_763 : vector<16xi32>
        %parallel_loop3A_768 = tpu.vector_load_idx %arg7[%parallel_loop3A_767] : memref<20000xi32, #tpu.memory_space<vmem>>[vector<16xi32>], vector<16xi32>,
        %parallel_loop3A_769 = vector.bitcast %parallel_loop3A_768 : vector<16xi32> to vector<32xbf16>
        %parallel_loop3A_770 = arith.addf %parallel_loop3A_766, %parallel_loop3A_769 : vector<32xbf16>
        %parallel_loop3A_771 = arith.maximumf %parallel_loop3A_713, %parallel_loop3A_770 : vector<32xbf16>
        %parallel_loop3A_772 = arith.addi %broadcast_in_dim3A_3, %parallel_loop3A_760 : vector<16xi32>
        %parallel_loop3A_773 = tpu.vector_load_idx %arg6[%parallel_loop3A_772] : memref<20000xi32, #tpu.memory_space<vmem>>[vector<16xi32>], vector<16xi32>,
        %parallel_loop3A_774 = vector.bitcast %parallel_loop3A_773 : vector<16xi32> to vector<32xbf16>
        %parallel_loop3A_775 = arith.addi %broadcast_in_dim3A_3, %parallel_loop3A_763 : vector<16xi32>
        %parallel_loop3A_776 = tpu.vector_load_idx %arg7[%parallel_loop3A_775] : memref<20000xi32, #tpu.memory_space<vmem>>[vector<16xi32>], vector<16xi32>,
        %parallel_loop3A_777 = vector.bitcast %parallel_loop3A_776 : vector<16xi32> to vector<32xbf16>
        %parallel_loop3A_778 = arith.addf %parallel_loop3A_774, %parallel_loop3A_777 : vector<32xbf16>
        %parallel_loop3A_779 = arith.maximumf %parallel_loop3A_721, %parallel_loop3A_778 : vector<32xbf16>
        scf.yield %parallel_loop3A_742, %parallel_loop3A_771, %parallel_loop3A_750, %parallel_loop3A_779 : vector<32xbf16>, vector<32xbf16>, vector<32xbf16>, vector<32xbf16>
      }
      %parallel_loop3A_507 = arith.constant 4 : i32
      %parallel_loop3A_508 = arith.maximumf %parallel_loop3A_506#0, %parallel_loop3A_506#1 : vector<32xbf16>
      %parallel_loop3A_509 = vector.bitcast %parallel_loop3A_508 : vector<32xbf16> to vector<16xi32>
      %parallel_loop3A_510 = arith.constant 16 : i32
      %parallel_loop3A_511 = vector.broadcast %parallel_loop3A_510 : i32 to vector<16xi32>
      %parallel_loop3A_512 = arith.shli %parallel_loop3A_509, %parallel_loop3A_511 : vector<16xi32>
      %parallel_loop3A_513 = vector.bitcast %parallel_loop3A_512 : vector<16xi32> to vector<16xf32>
      %parallel_loop3A_514 = arith.constant 0 : i32
      %parallel_loop3A_515 = arith.index_cast %parallel_loop3A_514 : i32 to index
      %parallel_loop3A_516 = arith.index_cast %parallel_loop3A_493 : i32 to index
      %parallel_loop3A_517 = tpu.vector_load %arg11[%parallel_loop3A_515, %parallel_loop3A_516] {strides = array<i32>} : memref<4x1024xf32, #tpu.memory_space<vmem>>, vector<16xf32>,
      tpu.vector_store %arg11[%parallel_loop3A_515, %parallel_loop3A_516], %parallel_loop3A_513 {strides = array<i32>} : memref<4x1024xf32, #tpu.memory_space<vmem>>, vector<16xf32>,
      %parallel_loop3A_518 = arith.constant -65536 : i32
      %parallel_loop3A_519 = vector.broadcast %parallel_loop3A_518 : i32 to vector<16xi32>
      %parallel_loop3A_520 = arith.andi %parallel_loop3A_509, %parallel_loop3A_519 : vector<16xi32>
      %parallel_loop3A_521 = vector.bitcast %parallel_loop3A_520 : vector<16xi32> to vector<16xf32>
      %parallel_loop3A_522 = arith.constant 1 : i32
      %parallel_loop3A_523 = arith.index_cast %parallel_loop3A_522 : i32 to index
      %parallel_loop3A_524 = arith.index_cast %parallel_loop3A_493 : i32 to index
      %parallel_loop3A_525 = tpu.vector_load %arg11[%parallel_loop3A_523, %parallel_loop3A_524] {strides = array<i32>} : memref<4x1024xf32, #tpu.memory_space<vmem>>, vector<16xf32>,
      tpu.vector_store %arg11[%parallel_loop3A_523, %parallel_loop3A_524], %parallel_loop3A_521 {strides = array<i32>} : memref<4x1024xf32, #tpu.memory_space<vmem>>, vector<16xf32>,
      %parallel_loop3A_526 = arith.maximumf %parallel_loop3A_506#2, %parallel_loop3A_506#3 : vector<32xbf16>
      %parallel_loop3A_527 = vector.bitcast %parallel_loop3A_526 : vector<32xbf16> to vector<16xi32>
      %parallel_loop3A_528 = arith.constant 16 : i32
      %parallel_loop3A_529 = vector.broadcast %parallel_loop3A_528 : i32 to vector<16xi32>
      %parallel_loop3A_530 = arith.shli %parallel_loop3A_527, %parallel_loop3A_529 : vector<16xi32>
      %parallel_loop3A_531 = vector.bitcast %parallel_loop3A_530 : vector<16xi32> to vector<16xf32>
      %parallel_loop3A_532 = arith.constant 2 : i32
      %parallel_loop3A_533 = arith.index_cast %parallel_loop3A_532 : i32 to index
      %parallel_loop3A_534 = arith.index_cast %parallel_loop3A_493 : i32 to index
      %parallel_loop3A_535 = tpu.vector_load %arg11[%parallel_loop3A_533, %parallel_loop3A_534] {strides = array<i32>} : memref<4x1024xf32, #tpu.memory_space<vmem>>, vector<16xf32>,
      tpu.vector_store %arg11[%parallel_loop3A_533, %parallel_loop3A_534], %parallel_loop3A_531 {strides = array<i32>} : memref<4x1024xf32, #tpu.memory_space<vmem>>, vector<16xf32>,
      %parallel_loop3A_536 = arith.constant -65536 : i32
      %parallel_loop3A_537 = vector.broadcast %parallel_loop3A_536 : i32 to vector<16xi32>
      %parallel_loop3A_538 = arith.andi %parallel_loop3A_527, %parallel_loop3A_537 : vector<16xi32>
      %parallel_loop3A_539 = vector.bitcast %parallel_loop3A_538 : vector<16xi32> to vector<16xf32>
      %parallel_loop3A_540 = arith.constant 3 : i32
      %parallel_loop3A_541 = arith.index_cast %parallel_loop3A_540 : i32 to index
      %parallel_loop3A_542 = arith.index_cast %parallel_loop3A_493 : i32 to index
      %parallel_loop3A_543 = tpu.vector_load %arg11[%parallel_loop3A_541, %parallel_loop3A_542] {strides = array<i32>} : memref<4x1024xf32, #tpu.memory_space<vmem>>, vector<16xf32>,
      tpu.vector_store %arg11[%parallel_loop3A_541, %parallel_loop3A_542], %parallel_loop3A_539 {strides = array<i32>} : memref<4x1024xf32, #tpu.memory_space<vmem>>, vector<16xf32>,
    } {sc.loop_unroll_factor = 1 : i64, sc.parallel_access}
    %mul3A_459 = arith.constant 4 : i32
    %mul3A_460 = arith.muli %add3A, %mul3A_459 : i32
    %dma_start3A_461 = arith.constant 0 : i32
    %dma_start3A_462 = arith.constant 0 : i32
    %dma_start3A_463 = tpu.memref_slice %arg11[%dma_start3A_461, %dma_start3A_462] : memref<4x1024xf32, #tpu.memory_space<vmem>> -> memref<4x784xf32, #tpu.memory_space<vmem>>
    %dma_start3A_464 = arith.constant 9216 : i32
    %dma_start3A_465 = tpu.memref_slice %arg5[%mul3A_460, %dma_start3A_464] : memref<128x10000xf32, #tpu.memory_space<hbm>> -> memref<4x784xf32, #tpu.memory_space<hbm>>
    %dma_start3A_466 = arith.constant 9216 : i32
    %dma_start3A_467 = tpu.memref_slice %arg5[%mul3A_460, %dma_start3A_466] : memref<128x10000xf32, #tpu.memory_space<hbm>> -> memref<4x784xf32, #tpu.memory_space<hbm>>
    %dma_start3A_468 = arith.constant 0 : i32
    %dma_start3A_469 = arith.constant 0 : i32
    %dma_start3A_470 = tpu.memref_slice %arg11[%dma_start3A_468, %dma_start3A_469] : memref<4x1024xf32, #tpu.memory_space<vmem>> -> memref<4x784xf32, #tpu.memory_space<vmem>>
    tpu.enqueue_dma source(%dma_start3A_470 : memref<4x784xf32, #tpu.memory_space<vmem>>) target(%dma_start3A_467 : memref<4x784xf32, #tpu.memory_space<hbm>>) target_semaphore(%arg15 : memref<!tpu.dma_semaphore, #tpu.memory_space<semaphore_mem>>)
    %dma_wait3A_471 = arith.constant 0 : i32
    %dma_wait3A_472 = arith.constant 0 : i32
    %dma_wait3A_473 = tpu.memref_slice %arg10[%dma_wait3A_471, %dma_wait3A_472] : memref<4x1024xf32, #tpu.memory_space<vmem>> -> memref<4x1024xf32, #tpu.memory_space<vmem>>
    %dma_wait3A_474 = arith.constant 8192 : i32
    %dma_wait3A_475 = tpu.memref_slice %arg5[%mul3A_423, %dma_wait3A_474] : memref<128x10000xf32, #tpu.memory_space<hbm>> -> memref<4x1024xf32, #tpu.memory_space<hbm>>
    %dma_wait3A_476 = arith.constant 8192 : i32
    %dma_wait3A_477 = tpu.memref_slice %arg5[%mul3A_423, %dma_wait3A_476] : memref<128x10000xf32, #tpu.memory_space<hbm>> -> memref<4x1024xf32, #tpu.memory_space<hbm>>
    %dma_wait3A_478 = arith.constant 0 : i32
    %dma_wait3A_479 = arith.constant 0 : i32
    %dma_wait3A_480 = tpu.memref_slice %arg10[%dma_wait3A_478, %dma_wait3A_479] : memref<4x1024xf32, #tpu.memory_space<vmem>> -> memref<4x1024xf32, #tpu.memory_space<vmem>>
    tpu.wait_dma2 semaphore(%arg14 : memref<!tpu.dma_semaphore, #tpu.memory_space<semaphore_mem>>) src(%dma_wait3A_480 : memref<4x1024xf32, #tpu.memory_space<vmem>>) dst(%dma_wait3A_477 : memref<4x1024xf32, #tpu.memory_space<hbm>>)
    %dma_wait3A_481 = arith.constant 0 : i32
    %dma_wait3A_482 = arith.constant 0 : i32
    %dma_wait3A_483 = tpu.memref_slice %arg11[%dma_wait3A_481, %dma_wait3A_482] : memref<4x1024xf32, #tpu.memory_space<vmem>> -> memref<4x784xf32, #tpu.memory_space<vmem>>
    %dma_wait3A_484 = arith.constant 9216 : i32
    %dma_wait3A_485 = tpu.memref_slice %arg5[%mul3A_460, %dma_wait3A_484] : memref<128x10000xf32, #tpu.memory_space<hbm>> -> memref<4x784xf32, #tpu.memory_space<hbm>>
    %dma_wait3A_486 = arith.constant 9216 : i32
    %dma_wait3A_487 = tpu.memref_slice %arg5[%mul3A_460, %dma_wait3A_486] : memref<128x10000xf32, #tpu.memory_space<hbm>> -> memref<4x784xf32, #tpu.memory_space<hbm>>
    %dma_wait3A_488 = arith.constant 0 : i32
    %dma_wait3A_489 = arith.constant 0 : i32
    %dma_wait3A_490 = tpu.memref_slice %arg11[%dma_wait3A_488, %dma_wait3A_489] : memref<4x1024xf32, #tpu.memory_space<vmem>> -> memref<4x784xf32, #tpu.memory_space<vmem>>
    tpu.wait_dma2 semaphore(%arg15 : memref<!tpu.dma_semaphore, #tpu.memory_space<semaphore_mem>>) src(%dma_wait3A_490 : memref<4x784xf32, #tpu.memory_space<vmem>>) dst(%dma_wait3A_487 : memref<4x784xf32, #tpu.memory_space<hbm>>)
    return
  }
}

module attributes {stable_mosaic.version = 14 : i64} {
  func.func @_tc_tables(%arg0: i32, %arg1: memref<10000x128xf32, #tpu.memory_space<vmem>>, %arg2: memref<64x128xf32, #tpu.memory_space<vmem>>, %arg3: memref<64x128xf32, #tpu.memory_space<vmem>>, %arg4: memref<64x128xf32, #tpu.memory_space<vmem>>, %arg5: memref<64x128xf32, #tpu.memory_space<vmem>>, %arg6: memref<64x1xf32, #tpu.memory_space<vmem>>, %arg7: memref<64x1xf32, #tpu.memory_space<vmem>>, %arg8: memref<64x10000xi32, #tpu.memory_space<vmem>>, %arg9: memref<64x10000xi32, #tpu.memory_space<vmem>>) attributes {dimension_semantics = [#tpu.dimension_semantics<arbitrary>], iteration_bounds = array<i64: 1>, scalar_prefetch = 0 : i64, scratch_operands = 0 : i64, tpu.core_type = #tpu.core_type<tc>, window_params = [{transform_indices = @transform_0, window_bounds = array<i64: 10000, 128>}, {pipeline_mode = #tpu.pipeline_mode<synchronous>, transform_indices = @transform_1, window_bounds = array<i64: 64, 128>}, {pipeline_mode = #tpu.pipeline_mode<synchronous>, transform_indices = @transform_2, window_bounds = array<i64: 64, 128>}, {pipeline_mode = #tpu.pipeline_mode<synchronous>, transform_indices = @transform_3, window_bounds = array<i64: 64, 128>}, {pipeline_mode = #tpu.pipeline_mode<synchronous>, transform_indices = @transform_4, window_bounds = array<i64: 64, 128>}, {pipeline_mode = #tpu.pipeline_mode<synchronous>, transform_indices = @transform_5, window_bounds = array<i64: 64, 1>}, {pipeline_mode = #tpu.pipeline_mode<synchronous>, transform_indices = @transform_6, window_bounds = array<i64: 64, 1>}, {transform_indices = @transform_7, window_bounds = array<i64: 64, 10000>}, {transform_indices = @transform_8, window_bounds = array<i64: 64, 10000>}]} {
    %get3A = arith.constant 0 : index
    %get3A_0 = arith.constant 0 : index
    %get3A_1 = vector.load %arg1[%get3A, %get3A_0] : memref<10000x128xf32, #tpu.memory_space<vmem>>, vector<10000x128xf32>
    %get3A_2 = arith.constant 0 : index
    %get3A_3 = arith.constant 0 : index
    %get3A_4 = vector.load %arg2[%get3A_2, %get3A_3] : memref<64x128xf32, #tpu.memory_space<vmem>>, vector<64x128xf32>
    %dot_general3A = arith.constant dense<0.000000e+00> : vector<64x10000xf32>
    %dot_general3A_5 = tpu.matmul %get3A_4, %get3A_1, %dot_general3A {dimension_numbers = #tpu.dot_dimension_numbers<[1], [1], [0], [0], [0, 0, 1, 0], [], []>, transpose_lhs_hint = false} : vector<64x128xf32>, vector<10000x128xf32>, vector<64x10000xf32> -> vector<64x10000xf32>
    %get3A_6 = arith.constant 0 : index
    %get3A_7 = arith.constant 0 : index
    %get3A_8 = vector.load %arg6[%get3A_6, %get3A_7] : memref<64x1xf32, #tpu.memory_space<vmem>>, vector<64x1xf32>
    %add3A = vector.broadcast %get3A_8 : vector<64x1xf32> to vector<64x10000xf32>
    %add3A_9 = arith.addf %dot_general3A_5, %add3A : vector<64x10000xf32>
    %get3A_10 = arith.constant 0 : index
    %get3A_11 = arith.constant 0 : index
    %get3A_12 = vector.load %arg3[%get3A_10, %get3A_11] : memref<64x128xf32, #tpu.memory_space<vmem>>, vector<64x128xf32>
    %dot_general3A_13 = arith.constant dense<0.000000e+00> : vector<64x10000xf32>
    %dot_general3A_14 = tpu.matmul %get3A_12, %get3A_1, %dot_general3A_13 {dimension_numbers = #tpu.dot_dimension_numbers<[1], [1], [0], [0], [0, 0, 1, 0], [], []>, transpose_lhs_hint = false} : vector<64x128xf32>, vector<10000x128xf32>, vector<64x10000xf32> -> vector<64x10000xf32>
    %get3A_15 = arith.constant 0 : index
    %get3A_16 = arith.constant 0 : index
    %get3A_17 = vector.load %arg7[%get3A_15, %get3A_16] : memref<64x1xf32, #tpu.memory_space<vmem>>, vector<64x1xf32>
    %add3A_18 = vector.broadcast %get3A_17 : vector<64x1xf32> to vector<64x10000xf32>
    %add3A_19 = arith.addf %dot_general3A_14, %add3A_18 : vector<64x10000xf32>
    %get3A_20 = arith.constant 0 : index
    %get3A_21 = arith.constant 0 : index
    %get3A_22 = vector.load %arg4[%get3A_20, %get3A_21] : memref<64x128xf32, #tpu.memory_space<vmem>>, vector<64x128xf32>
    %dot_general3A_23 = arith.constant dense<0.000000e+00> : vector<64x10000xf32>
    %dot_general3A_24 = tpu.matmul %get3A_22, %get3A_1, %dot_general3A_23 {dimension_numbers = #tpu.dot_dimension_numbers<[1], [1], [0], [0], [0, 0, 1, 0], [], []>, transpose_lhs_hint = false} : vector<64x128xf32>, vector<10000x128xf32>, vector<64x10000xf32> -> vector<64x10000xf32>
    %get3A_25 = arith.constant 0 : index
    %get3A_26 = arith.constant 0 : index
    %get3A_27 = vector.load %arg5[%get3A_25, %get3A_26] : memref<64x128xf32, #tpu.memory_space<vmem>>, vector<64x128xf32>
    %dot_general3A_28 = arith.constant dense<0.000000e+00> : vector<64x10000xf32>
    %dot_general3A_29 = tpu.matmul %get3A_27, %get3A_1, %dot_general3A_28 {dimension_numbers = #tpu.dot_dimension_numbers<[1], [1], [0], [0], [0, 0, 1, 0], [], []>, transpose_lhs_hint = false} : vector<64x128xf32>, vector<10000x128xf32>, vector<64x10000xf32> -> vector<64x10000xf32>
    %convert_element_type3A = arith.truncf %add3A_9 : vector<64x10000xf32> to vector<64x10000xbf16>
    %bitcast_convert_type3A = tpu.bitcast %convert_element_type3A : vector<64x10000xbf16> -> vector<64x10000xi16>
    %convert_element_type3A_30 = arith.truncf %add3A_19 : vector<64x10000xf32> to vector<64x10000xbf16>
    %bitcast_convert_type3A_31 = tpu.bitcast %convert_element_type3A_30 : vector<64x10000xbf16> -> vector<64x10000xi16>
    %convert_element_type3A_32 = arith.extui %bitcast_convert_type3A : vector<64x10000xi16> to vector<64x10000xi32>
    %convert_element_type3A_33 = arith.extui %bitcast_convert_type3A_31 : vector<64x10000xi16> to vector<64x10000xi32>
    %shift_left3A = arith.constant 16 : i32
    %shift_left3A_34 = vector.broadcast %shift_left3A : i32 to vector<64x10000xi32>
    %shift_left3A_35 = arith.shli %convert_element_type3A_33, %shift_left3A_34 : vector<64x10000xi32>
    %or3A = arith.ori %convert_element_type3A_32, %shift_left3A_35 : vector<64x10000xi32>
    %swap3A = arith.constant 0 : index
    %swap3A_36 = arith.constant 0 : index
    %swap3A_37 = vector.load %arg8[%swap3A, %swap3A_36] : memref<64x10000xi32, #tpu.memory_space<vmem>>, vector<64x10000xi32>
    tpu.vector_store %arg8[%swap3A, %swap3A_36], %or3A {strides = array<i32>} : memref<64x10000xi32, #tpu.memory_space<vmem>>, vector<64x10000xi32>,
    %convert_element_type3A_38 = arith.truncf %dot_general3A_24 : vector<64x10000xf32> to vector<64x10000xbf16>
    %bitcast_convert_type3A_39 = tpu.bitcast %convert_element_type3A_38 : vector<64x10000xbf16> -> vector<64x10000xi16>
    %convert_element_type3A_40 = arith.truncf %dot_general3A_29 : vector<64x10000xf32> to vector<64x10000xbf16>
    %bitcast_convert_type3A_41 = tpu.bitcast %convert_element_type3A_40 : vector<64x10000xbf16> -> vector<64x10000xi16>
    %convert_element_type3A_42 = arith.extui %bitcast_convert_type3A_39 : vector<64x10000xi16> to vector<64x10000xi32>
    %convert_element_type3A_43 = arith.extui %bitcast_convert_type3A_41 : vector<64x10000xi16> to vector<64x10000xi32>
    %shift_left3A_44 = arith.constant 16 : i32
    %shift_left3A_45 = vector.broadcast %shift_left3A_44 : i32 to vector<64x10000xi32>
    %shift_left3A_46 = arith.shli %convert_element_type3A_43, %shift_left3A_45 : vector<64x10000xi32>
    %or3A_47 = arith.ori %convert_element_type3A_42, %shift_left3A_46 : vector<64x10000xi32>
    %swap3A_48 = arith.constant 0 : index
    %swap3A_49 = arith.constant 0 : index
    %swap3A_50 = vector.load %arg9[%swap3A_48, %swap3A_49] : memref<64x10000xi32, #tpu.memory_space<vmem>>, vector<64x10000xi32>
    tpu.vector_store %arg9[%swap3A_48, %swap3A_49], %or3A_47 {strides = array<i32>} : memref<64x10000xi32, #tpu.memory_space<vmem>>, vector<64x10000xi32>,
    return
  }
  func.func @transform_0(%arg0: i32) -> (i32, i32) {
    %c0_i32 = arith.constant 0 : i32
    %c0_i32_0 = arith.constant 0 : i32
    return %arg0, %c0_i32 : i32, i32
  }
  func.func @transform_1(%arg0: i32) -> (i32, i32) {
    %c0_i32 = arith.constant 0 : i32
    %c0_i32_0 = arith.constant 0 : i32
    %c0_i32_1 = arith.constant 0 : i32
    return %c0_i32, %c0_i32_0 : i32, i32
  }
  func.func @transform_2(%arg0: i32) -> (i32, i32) {
    %c0_i32 = arith.constant 0 : i32
    %c0_i32_0 = arith.constant 0 : i32
    %c0_i32_1 = arith.constant 0 : i32
    return %c0_i32, %c0_i32_0 : i32, i32
  }
  func.func @transform_3(%arg0: i32) -> (i32, i32) {
    %c0_i32 = arith.constant 0 : i32
    %c0_i32_0 = arith.constant 0 : i32
    %c0_i32_1 = arith.constant 0 : i32
    return %c0_i32, %c0_i32_0 : i32, i32
  }
  func.func @transform_4(%arg0: i32) -> (i32, i32) {
    %c0_i32 = arith.constant 0 : i32
    %c0_i32_0 = arith.constant 0 : i32
    %c0_i32_1 = arith.constant 0 : i32
    return %c0_i32, %c0_i32_0 : i32, i32
  }
  func.func @transform_5(%arg0: i32) -> (i32, i32) {
    %c0_i32 = arith.constant 0 : i32
    %c0_i32_0 = arith.constant 0 : i32
    %c0_i32_1 = arith.constant 0 : i32
    return %c0_i32, %c0_i32_0 : i32, i32
  }
  func.func @transform_6(%arg0: i32) -> (i32, i32) {
    %c0_i32 = arith.constant 0 : i32
    %c0_i32_0 = arith.constant 0 : i32
    %c0_i32_1 = arith.constant 0 : i32
    return %c0_i32, %c0_i32_0 : i32, i32
  }
  func.func @transform_7(%arg0: i32) -> (i32, i32) {
    %c0_i32 = arith.constant 0 : i32
    %c0_i32_0 = arith.constant 0 : i32
    return %c0_i32, %arg0 : i32, i32
  }
  func.func @transform_8(%arg0: i32) -> (i32, i32) {
    %c0_i32 = arith.constant 0 : i32
    %c0_i32_0 = arith.constant 0 : i32
    return %c0_i32, %arg0 : i32, i32
  }
}

</mosaic_0001>

<sc_bundles>
// kernel: kernel.4.cloned.1.call-start
scs
__scs_entry_jumppad:
0x0: {  	(pc) =	sbr.rel $0x88, $3  }
0x1: {  	(tag) =	ssettag $0x0;
	lr =	simm.s32 $0x1  }
0x2: {  	[smem:$0x3F9D] =	sst lr;
	_ =	strace $0xD0000000  }
0x3: {  	_ = 	snop  }
0x4: {  	_ = 	snop  }
0x5: {  	_ = 	snop  }
0x6: {  	_ = 	snop  }
0x7: {  	_ = 	snop  }
__scs_overlays_trampoline_lowered:
0x8: {  	[smem:$0x3FAC] =	sst s0  }
0x9: {  	[smem:$0x3FAD] =	sst s1  }
0xa: {  	[smem:$0x3FAE] =	sst s2  }
0xb: {  	[smem:$0x3FAF] =	sst s3  }
0xc: {  	[smem:$0x3FB0] =	sst s4  }
0xd: {  	[smem:$0x3FB1] =	sst s5  }
0xe: {  	[smem:$0x3FB2] =	sst s6  }
0xf: {  	[smem:$0x3FB3] =	sst s7  }
0x10: {  	[smem:$0x3FB4] =	sst s8  }
0x11: {  	[smem:$0x3FB5] =	sst s9;
	s0 =	simm.s32 @!p0 $0x0  }
0x12: {  	s1 =	sld [smem:$0x3F9B];
	s0 =	simm.s32 @p0 $0x1  }
0x13: {  	[smem:$0x3FB6] =	sst s0;
	s0 =	simm.s32 @!p1 $0x0  }
0x14: {  	s2 =	sld [smem:$0x3F9A];
	s0 =	simm.s32 @p1 $0x1  }
0x15: {  	[smem:$0x3FB7] =	sst s0;
	s0 =	simm.s32 @!p2 $0x0  }
0x16: {  	s3 =	sld [smem:$0x3FDB];
	s0 =	simm.s32 @p2 $0x1  }
0x17: {  	s4 =	simm.s32 $0x1BF5;
	[smem:$0x3FB9] =	sst s0  }
0x18: {  	s0 =	sld [smem:$0x3F9C];
	_ =	swait.ge [sflag:s4], $0x0  }
0x19: {  	s7 =	sld [smem:$0x3F9D]  }
0x1a: {  	s8 =	sadd.s32 $0xFFFFE003, lr  }
0x1b: {  	s9 =	sadd.s32 $0xFFFFFEF7, lr;
	s5 =	simm.s32 $0xFFFFFFFF;
	p2 =	slt.u32 s8, $0xFFFFF086  }
0x1c: {  	p1 =	slt.u32 s9, $0xF7A;
	s5 =	simm.s32 @!p2 $0x0  }
0x1d: {  	s5 =	simm.s32 @p1 $0x1;
	p0 =	seq.s32 s7, s2  }
0x1e: {  	s7 =	smul.u32 @!p0 $0xF7A, s2;
	p2 =	seq.s32 @!p0 s5, $0x0  }
0x1f: {  	s9 =	smul.u32 $0xF7A, s1;
	s8 =	simm.s32 @!p0 $0x1BF5;
	p2 =	por !p2, p0  }
0x20: {  	[sflag:s8] =	ssyncset.s32 @!p0 $0xFFFFF086;
	s6 =	sadd.s32 @!p0 s3, s7;
	s7 =	simm.s32 @!p0 $0x108  }
0x21: {  	s3 =	sadd.s32 s3, s9;
	s6 =	sadd.s32 @!p0 $0x88, s6;
	s7 =	simm.s32 @p2 $0x1082  }
0x22: {  	[simem:s7], [sflag:s8] =	dma.local @!p0 [hbm:s6], $0xF7A  }
0x23: {  	s9 =	sor.u32 $0xD0000000, s2;
	s6 =	simm.s32 $0x108;
	_ =	swait.ge @!p0 [sflag:s8], $0x0  }
0x24: {  	s3 =	sadd.s32 $0x88, s3;
	s6 =	simm.s32 @!p1 $0x1082;
	[sflag:s4] =	ssyncset.s32 $0xFFFFF086  }
0x25: {  	[simem:s6], [sflag:s4] =	dma.local [hbm:s3], $0xF7A  }
0x26: {  	[smem:$0x3F9D] =	sst s1;
	(tag) =	ssettag s2;
	_ =	strace s9  }
0x27: {  	s1 =	sld [smem:$0x3FAD]  }
0x28: {  	s2 =	sld [smem:$0x3FAE]  }
0x29: {  	s4 =	sld [smem:$0x3FB0]  }
0x2a: {  	p0 =	seq.s32 s5, $0x0;
	s5 =	sld [smem:$0x3FB1]  }
0x2b: {  	s6 =	sld [smem:$0x3FB2]  }
0x2c: {  	s7 =	sld [smem:$0x3FB3]  }
0x2d: {  	s3 =	simm.s32 $0x108;
	s8 =	sld [smem:$0x3FB4]  }
0x2e: {  	s3 =	simm.s32 @!p0 $0x1082;
	s9 =	sld [smem:$0x3FB5]  }
0x2f: {  	lr =	sadd.s32 s0, s3;
	s0 =	sld [smem:$0x3FAC]  }
0x30: {  	s3 =	sld [smem:$0x3FAF]  }
0x31: {  	[smem:$0x3FB8] =	sst s10  }
0x32: {  	s10 =	sld [smem:$0x3FB6];
	_ =	sdelay $0x3  }
0x33: {  	p0 =	seq.s32 s10, $0x1;
	s10 =	sld [smem:$0x3FB8];
	_ =	sdelay $0x3  }
0x34: {  	[smem:$0x3FB8] =	sst s10  }
0x35: {  	s10 =	sld [smem:$0x3FB7];
	_ =	sdelay $0x3  }
0x36: {  	p1 =	seq.s32 s10, $0x1;
	s10 =	sld [smem:$0x3FB8];
	_ =	sdelay $0x3  }
0x37: {  	[smem:$0x3FB8] =	sst s10  }
0x38: {  	s10 =	sld [smem:$0x3FB9]  }
0x39: {  	_ = 	snop;
	(pc) =	sbr.ind lr, $3  }
0x3a: {  	_ = 	snop  }
0x3b: {  	_ = 	snop  }
0x3c: {  	p2 =	seq.s32 s10, $0x1;
	s10 =	sld [smem:$0x3FB8]  }
0x3d: {  	_ =	shalt  }
0x3e: {  	_ =	shalt  }
0x3f: {  	_ =	shalt  }
0x40: {  	_ =	shalt  }
0x41: {  	_ =	shalt  }
0x42: {  	_ =	shalt  }
0x43: {  	_ =	shalt  }
0x44: {  	_ =	shalt  }
0x45: {  	_ =	shalt  }
0x46: {  	_ =	shalt  }
0x47: {  	_ =	shalt  }
0x48: {  	_ =	shalt  }
0x49: {  	_ =	shalt  }
0x4a: {  	_ =	shalt  }
0x4b: {  	_ =	shalt  }
0x4c: {  	_ =	shalt  }
0x4d: {  	_ =	shalt  }
0x4e: {  	_ =	shalt  }
0x4f: {  	_ =	shalt  }
0x50: {  	_ =	shalt  }
0x51: {  	_ =	shalt  }
0x52: {  	_ =	shalt  }
0x53: {  	_ =	shalt  }
0x54: {  	_ =	shalt  }
0x55: {  	_ =	shalt  }
0x56: {  	_ =	shalt  }
0x57: {  	_ =	shalt  }
0x58: {  	_ =	shalt  }
0x59: {  	_ =	shalt  }
0x5a: {  	_ =	shalt  }
0x5b: {  	_ =	shalt  }
0x5c: {  	_ =	shalt  }
0x5d: {  	_ =	shalt  }
0x5e: {  	_ =	shalt  }
0x5f: {  	_ =	shalt  }
0x60: {  	_ =	shalt  }
0x61: {  	_ =	shalt  }
0x62: {  	_ =	shalt  }
0x63: {  	_ =	shalt  }
0x64: {  	_ =	shalt  }
0x65: {  	_ =	shalt  }
0x66: {  	_ =	shalt  }
0x67: {  	_ =	shalt  }
0x68: {  	_ =	shalt  }
0x69: {  	_ =	shalt  }
0x6a: {  	_ =	shalt  }
0x6b: {  	_ =	shalt  }
0x6c: {  	_ =	shalt  }
0x6d: {  	_ =	shalt  }
0x6e: {  	_ =	shalt  }
0x6f: {  	_ =	shalt  }
0x70: {  	_ =	shalt  }
0x71: {  	_ =	shalt  }
0x72: {  	_ =	shalt  }
0x73: {  	_ =	shalt  }
0x74: {  	_ =	shalt  }
0x75: {  	_ =	shalt  }
0x76: {  	_ =	shalt  }
0x77: {  	_ =	shalt  }
0x78: {  	_ =	shalt  }
0x79: {  	_ =	shalt  }
0x7a: {  	_ =	shalt  }
0x7b: {  	_ =	shalt  }
0x7c: {  	_ =	shalt  }
0x7d: {  	_ =	shalt  }
0x7e: {  	_ =	shalt  }
0x7f: {  	_ =	shalt  }
0x80: {  	_ =	shalt  }
0x81: {  	_ =	shalt  }
0x82: {  	_ =	shalt  }
0x83: {  	_ =	shalt  }
0x84: {  	_ =	shalt  }
0x85: {  	_ =	shalt  }
0x86: {  	_ =	shalt  }
0x87: {  	_ =	shalt  }
.Lfunc_end0:
.L_simem_size_0:
called_computation_lowered:
.L_overlay_start_0:
0x88: {  	s2 =	sld [smem:$0x3FD9]  }
0x89: {  	s3 =	sld [smem:$0x3FFE];
	_ =	sdelay $0x1  }
0x8a: {  	s1 =	srdreg.scid  }
0x8b: {  	s0 =	sand.u32 $0x1, s1  }
0x8c: {  	s17 =	sshll.u32 s0, $0xA;
	s2 =	sadd.s32 s3, s2  }
0x8d: {  	s2 =	sadd.s32 s2, s17  }
0x8e: {  	[smem:$0x3FC4] =	sst s2  }
0x8f: {  	_ = 	snop  }
0x90: {  	s2 =	sld [smem:$0x3FD0];
	(tm) =	ssettm $0x1  }
0x91: {  	s18 =	sld [smem:$0x3FFB];
	_ =	sdelay $0x3  }
0x92: {  	_ =	strace s18  }
0x93: {  	s3 =	sld [smem:$0x3FFC];
	_ =	sdelay $0x3  }
0x94: {  	_ =	strace s3  }
0x95: {  	s3 =	sld [smem:$0x3FFD];
	_ =	sdelay $0x3  }
0x96: {  	_ =	strace s3  }
0x97: {  	_ =	strace $0x8FFFFFFF  }
0x98: {  	s19 =	sld [smem:$0x3FDB];
	_ =	sdelay $0x1  }
0x99: {  	s4 =	simm.s32 $_scs_section_size  }
0x9a: {  	s5 =	simm.s32 $_size__tile_overlayer_lowered;
	s6 =	simm.s32 $_tile_overlayer_lowered  }
0x9b: {  	s22 =	simm.s32 $0x1BFF;
	s21 =	sshll.u32 s6, $0x1;
	s3 =	sadd.s32 s4, s19  }
0x9c: {  	s7 =	simm.s32 $0x0;
	s20 =	sshll.u32 s5, $0x1;
	s5 =	sadd.s32 s21, s3  }
0x9d: {  	[timem:s7], [sflag:s22] =	dma.local [hbm:s5], s20  }
0x9e: {  	_ =	swait.ge [sflag:s22], s20  }
0x9f: {  	s4 =	ssub.s32 $0x0, s20;
	[sflag:s22] =	ssyncset.done $0x0  }
0xa0: {  	[sflag:s22] =	ssyncadd.s32 s4;
	_ =	sdelay $0x1  }
0xa1: {  	s23 =	simm.s32 $0x1B8B  }
0xa2: {  	_ =	swait.ge [sflag:s23], $0x1  }
0xa3: {  	[sflag:s23] =	ssyncset.done $0x0  }
0xa4: {  	s25 =	simm.s32 $0x1B8E;
	s24 =	sld [smem:$0x3FFE];
	[sflag:s23] =	ssyncadd.s32 $0xFFFFFFFF  }
0xa5: {  	s26 =	simm.s32 $execute0_lowered;
	[smem:$0x3FD2] =	sst s25  }
0xa6: {  	s5 =	sshll.u32 s26, $0x1;
	_ =	strace $0x80000046;
	[dreg:$0x1] =	wrdreg $0xFFFFFFFF  }
0xa7: {  	s28 =	simm.s32 $_size_execute0_lowered;
	s3 =	sadd.s32 s3, s5;
	[dreg:$0x0] =	wrdreg $0x0  }
0xa8: {  	s5 =	sshll.u32 s28, $0x1;
	[dreg:$0x2] =	wrdreg s3  }
0xa9: {  	[dreg:$0x3] =	wrdreg s5  }
0xaa: {  	[dreg:$0x4] =	wrdreg $0xC0  }
0xab: {  	_ =	task [dreg:s7], $0x5FFFF  }
0xac: {  	[dreg:$0x1] =	wrdreg $0xFFFFFFFF  }
0xad: {  	[dreg:$0x0] =	wrdreg $0x60  }
0xae: {  	[dreg:$0x2] =	wrdreg s24  }
0xaf: {  	[dreg:$0x3] =	wrdreg s2  }
0xb0: {  	[dreg:$0x4] =	wrdreg $0x9  }
0xb1: {  	_ =	task.clear_ibuf [dreg:s7], $0x5FFFF;
	_ =	strace $0x90000046  }
0xb2: {  	s29 =	simm.s32 $0x9;
	_ =	strace $0x80000048  }
0xb3: {  	_ =	swait.ge [sflag:s29], $0x1  }
0xb4: {  	[sflag:s29] =	ssyncadd.s32 $0xFFFFFFFF  }
0xb5: {  	_ =	strace $0x90000048  }
0xb6: {  	_ =	sfence  }
0xb7: {  	s30 =	sld [smem:$0x0];
	_ =	sdelay $0x2  }
0xb8: {  	s31 =	sshll.u32 s1, $0xD;
	s1 =	sshrl.u32 s1, $0x2  }
0xb9: {  	s3 =	sand.u32 $0x4000, s31;
	s1 =	sadd.s32 s1, s30  }
0xba: {  	s0 =	sor.u32 s3, s0;
	s1 =	sshll.u32 s1, $0x11  }
0xbb: {  	s0 =	sor.u32 s1, s0  }
0xbc: {  	s0 =	sadd.s32 $0x8F2B, s0  }
0xbd: {  	[sflag:s0] =	ssyncadd.remote.s32 $0x1  }
0xbe: {  	_ =	sfence.sel $0xFFFF  }
0xbf: {  	[dreg:$0x0] =	wrdreg $0xFFFFFFFF;
	(pc) =	sbr.abs _section_cstart, $3  }
0xc0: {  	[dreg:$0x1] =	wrdreg $0xFFFFFFFF  }
0xc1: {  	_ =	task.clear_ibuf [dreg:s7], $0x2FFFF;
	_ =	strace $0x9FFFFFFF  }
0xc2: {  	(tm) =	ssettm $0x7FFFFFFF  }
0xc3: {  	_ =	shalt  }
tec
execute0_lowered:
.L_overlay_start_1:
0x0: {  	(tag) =	ssettag $0x1  }
0x1: {  	s0 =	srdreg.scid;
	s1 =	rddreg [dreg:$0x0]  }
0x2: {  	s3 =	rddreg [dreg:$0x1];
	s5 =	stileid.u32  }
0x3: {  	s2 =	simm.s32 $0x0;
	s28 =	simm.s32 $0x4E20;
	s29 =	simm.s32 $0x400  }
0x4: {  	s30 =	simm.s32 $0x2710;
	s31 =	simm.s32 $0x9C40;
	s8 =	simm.s32 $0x4  }
0x5: {  	s9 =	simm.s32 $0x0;
	[smem:$0x7FF] =	sst s2;
	s7 =	sadd.s32 $0xA00, s1  }
0x6: {  	s19 =	sadd.s32 $0xA80, s1;
	_ =	strace $0x80000047;
	[dreg:$0x3] =	wrdreg s7  }
0x7: {  	s0 =	sand.u32 $0x1, s0;
	s20 =	sadd.s32 $0xB00, s1;
	[dreg:$0x6] =	wrdreg s19  }
0x8: {  	s22 =	sadd.s32 $0xB80, s1;
	s24 =	sadd.s32 $0xC00, s1;
	[dreg:$0x7] =	wrdreg s20  }
0x9: {  	s26 =	sadd.s32 $0xC80, s1;
	s4 =	sshll.u32 s0, $0x4;
	[dreg:$0x9] =	wrdreg s22  }
0xa: {  	s16 =	sadd.s32 $0xD00, s1;
	[dreg:$0xb] =	wrdreg s24;
	s4 =	sor.u32 s5, s4  }
0xb: {  	s0 =	ssub.s32 $0x2, s0;
	[dreg:$0xd] =	wrdreg s26;
	s5 =	smul.u32 $0x9C4, s4  }
0xc: {  	s20 =	sadd.s32 $0xE00, s1;
	s6 =	sshrl.u32 s0, $0x1;
	s4 =	smul.u32 $0x9C40, s4  }
0xd: {  	s22 =	sadd.s32 $0xE80, s1;
	s26 =	simm.s32 $0x5;
	s0 =	ssub.s32 s0, s6  }
0xe: {  	s6 =	simm.s32 $0x3;
	s5 =	sadd.s32 s5, s1;
	s4 =	sshrl.u32 s4, $0x3  }
0xf: {  	s18 =	sadd.s32 $0xA800, s5;
	s5 =	sadd.s32 $0x1E200, s5;
	s7 =	sadd.s32 s3, s4  }
0x10: {  	s3 =	simm.s32 $0x19C40;
	s4 =	simm.s32 $0x2;
	[dreg:$0x4] =	wrdreg s18  }
0x11: {  	[dreg:$0x5] =	wrdreg s5;
	s21 =	sadd.s32 $0x80, s7;
	s23 =	sadd.s32 $0x100, s7  }
0x12: {  	s25 =	sadd.s32 $0x180, s7;
	s15 =	sadd.s32 $0x200, s7;
	s17 =	sadd.s32 $0x280, s7  }
0x13: {  	s18 =	sadd.s32 $0xD80, s1;
	s19 =	sadd.s32 $0x300, s7;
	[dreg:$0x8] =	wrdreg s21  }
0x14: {  	s24 =	sadd.s32 $0x480, s7;
	s1 =	simm.s32 $0x1;
	[dreg:$0xa] =	wrdreg s23  }
0x15: {  	s5 =	simm.s32 $0x1AC40;
	[dreg:$0xc] =	wrdreg s25;
	s21 =	sadd.s32 $0x380, s7  }
0x16: {  	s23 =	sadd.s32 $0x400, s7;
	s25 =	smax.u32 s0, $0x1;
	s0 =	simm.s32 $0x11C40  }
.LBB2_1:
0x17: {  	s10 =	rddreg [dreg:$0x4]  }
0x18: {  	[tilespmem:s2], [sflag:$0x5] =	stream.linear.gather [hbm4b:s10+s2], $0x4E20, $0x38;
	[tilespmem:$0x1BC40] =	vst v63  }
0x19: {  	_ =	swait.ge [sflag:s26], $0x4E20  }
0x1a: {  	[sflag:s26] =	ssyncset.done $0x0  }
0x1b: {  	s12 =	rddreg [dreg:$0x5];
	[sflag:s26] =	ssyncadd.s32 $0xFFFFB1E0  }
0x1c: {  	[tilespmem:s28], [sflag:$0x5] =	stream.linear.gather [hbm4b:s12+s2], $0x4E20, $0x38;
	[tilespmem:$0x1BC40] =	vst v63  }
0x1d: {  	_ =	swait.ge [sflag:s26], $0x4E20  }
0x1e: {  	[sflag:s26] =	ssyncset.done $0x0  }
0x1f: {  	s13 =	rddreg [dreg:$0x3];
	[sflag:s26] =	ssyncadd.s32 $0xFFFFB1E0  }
0x20: {  	[tilespmem:s31], [sflag:$0x1] =	stream.strided.gather [hbm4b:s13+s29], $0x8000, s30, s29, $0x38;
	[tilespmem:$0x1BC40] =	vst v63  }
0x21: {  	s14 =	rddreg [dreg:$0x6]  }
0x22: {  	[tilespmem:s0], [sflag:$0x2] =	stream.strided.gather [hbm4b:s14+s29], $0x8000, s30, s29, $0x38;
	[tilespmem:$0x1BC40] =	vst v63  }
0x23: {  	_ =	swait.ge [sflag:s1], $0x8000  }
0x24: {  	[sflag:s1] =	ssyncset.done $0x0  }
0x25: {  	s11 =	simm.s32 $0x0;
	s10 =	simm.s32 $0xAC40;
	[sflag:s1] =	ssyncadd.s32 $0xFFFF8000  }
.LBB2_2:
0x26: {  	v0 =	vmov s10;
	_ =	sdelay $0x3  }
0x27: {  	s12 =	simm.s32 $0x0  }
0x28: {  	v1 =	vld.idx.msk [tilespmem:v0+s12+$0xFFFFF000 ss:$0x1], $0xffff;
	_ =	sdelay $0x1  }
0x29: {  	v2 =	vld.idx.msk [tilespmem:v0+s12+$0xFFFFF400 ss:$0x1], $0xffff;
	_ =	sdelay $0x1  }
0x2a: {  	v3 =	vld.idx.msk [tilespmem:v0+s12+$0xFFFFFC00 ss:$0x1], $0xffff  }
0x2b: {  	v7 =	vld.idx.msk [tilespmem:v0+s12+$0x400 ss:$0x1], $0xffff;
	v5 =	vand.u32 $0xFFFF, v1  }
0x2c: {  	v4 =	vld.idx.msk [tilespmem:v0+s12+$0xFFFFF800 ss:$0x1], $0xffff;
	v6 =	vshrl.u32 v1, $0x10  }
0x2d: {  	v8 =	vld.idx.msk [tilespmem:v0+s12+$0x0 ss:$0x1], $0xffff;
	v9 =	vshrl.u32 v2, $0x10  }
0x2e: {  	v10 =	vld.idx.msk [tilespmem:v0+s12+$0x800 ss:$0x1], $0xffff;
	v1 =	vand.u32 $0xFFFF, v2  }
0x2f: {  	v12 =	vld.idx.msk [tilespmem:v0+s12+$0xC00 ss:$0x1], $0xffff;
	v11 =	vshrl.u32 v3, $0x10  }
0x30: {  	v15 =	vshrl.u32 v7, $0x10;
	v13 =	vld.idx.msk [tilespmem:v5+s2+$0x0], $0xffff  }
0x31: {  	v16 =	vshrl.u32 v4, $0x10;
	v17 =	vld.idx.msk [tilespmem:v6+s28+$0x0], $0xffff  }
0x32: {  	v19 =	vand.u32 $0xFFFF, v8;
	v18 =	vld.idx.msk [tilespmem:v9+s28+$0x0], $0xffff  }
0x33: {  	v21 =	vand.u32 $0xFFFF, v10;
	v10 =	vshrl.u32 v10, $0x10;
	v20 =	vld.idx.msk [tilespmem:v1+s2+$0x0], $0xffff  }
0x34: {  	v3 =	vand.u32 $0xFFFF, v3;
	v22 =	vld.idx.msk [tilespmem:v11+s28+$0x0], $0xffff  }
0x35: {  	v14 =	vadd.s32 $0x2710, v1;
	v1 =	vld.idx.msk [tilespmem:v15+s28+$0x0], $0xffff  }
0x36: {  	v8 =	vshrl.u32 v8, $0x10;
	v24 =	vld.idx.msk [tilespmem:v16+s28+$0x0], $0xffff  }
0x37: {  	v25 =	vld.idx.msk [tilespmem:v19+s2+$0x0], $0xffff  }
0x38: {  	v2 =	vand.u32 $0xFFFF, v4;
	v62 =	vshrl.u32 v12, $0x10;
	v23 =	vadd.s32 $0x2710, v6;
	v31 =	vld.idx.msk [tilespmem:v10+s28+$0x0], $0xffff  }
0x39: {  	v26 =	vand.u32 $0x7, v9;
	v27 =	vand.u32 $0x7, v11;
	v19 =	vadd.s32 $0x2710, v19;
	v32 =	vld.idx.msk [tilespmem:v3+s2+$0x0], $0xffff  }
0x3a: {  	v28 =	vadd.s32 $0x2710, v16;
	v23 =	vand.u32 $0x1FFF8, v23;
	v4 =	vld.idx.msk [tilespmem:v14+s2+$0x0], $0xffff;
	v14 =	vadd.s32 $0x2710, v21  }
0x3b: {  	v5 =	vadd.s32 $0x2710, v5;
	v9 =	vadd.s32 $0x2710, v9;
	v6 =	vand.u32 $0x7, v6;
	v63 =	vld.idx.msk [tilespmem:v8+s28+$0x0], $0xffff  }
0x3c: {  	v30 =	vadd.s32 $0x2710, v15;
	v21 =	vld.idx.msk [tilespmem:v21+s2+$0x0], $0xffff;
	v6 =	vor.u32 v6, v23;
	v9 =	vand.u32 $0x1FFF8, v9  }
0x3d: {  	v28 =	vand.u32 $0x1FFF8, v28;
	v16 =	vand.u32 $0x7, v16;
	v23 =	vld.idx.msk [tilespmem:v2+s2+$0x0], $0xffff;
	v26 =	vor.u32 v26, v9  }
0x3e: {  	v11 =	vadd.s32 $0x2710, v11;
	v15 =	vand.u32 $0x7, v15;
	v16 =	vor.u32 v16, v28;
	v9 =	vld.idx.msk [tilespmem:v19+s2+$0x0], $0xffff  }
0x3f: {  	v3 =	vadd.s32 $0x2710, v3;
	v19 =	vand.u32 $0x1FFF8, v30;
	v29 =	vld.idx.msk [tilespmem:v14+s2+$0x0], $0xffff;
	v14 =	vadd.s32 $0x2710, v10  }
0x40: {  	v61 =	vld.idx.msk [tilespmem:v5+s2+$0x0], $0xffff;
	v10 =	vand.u32 $0x7, v10;
	v5 =	vand.u32 $0x1FFF8, v14;
	v14 =	vor.u32 v15, v19  }
0x41: {  	v19 =	vld.idx.msk [tilespmem:v6+s28+$0x0], $0xffff;
	v6 =	vand.u32 $0x1FFF8, v11;
	v10 =	vor.u32 v10, v5;
	v5 =	vadd.s32 $0x2710, v62  }
0x42: {  	v26 =	vld.idx.msk [tilespmem:v26+s28+$0x0], $0xffff;
	v15 =	vor.u32 v27, v6;
	v6 =	vand.u32 $0x7, v62;
	v5 =	vand.u32 $0x1FFF8, v5  }
0x43: {  	v33 =	vor.u32 v6, v5;
	v6 =	vadd.s32 $0x2710, v8;
	v5 =	vld.idx.msk [tilespmem:v16+s28+$0x0], $0xffff;
	v8 =	vand.u32 $0x7, v8  }
0x44: {  	v16 =	vand.u32 $0xFFFF, v12;
	v12 =	vadd.bf16 v17, v13;
	v13 =	vld.idx.msk [tilespmem:v62+s28+$0x0], $0xffff;
	v11 =	vand.u32 $0x1FFF8, v6  }
0x45: {  	v6 =	vld.idx.msk [tilespmem:v14+s28+$0x0], $0xffff;
	v34 =	vor.u32 v8, v11;
	v11 =	vimm.bf16 $0.0e+00  }
0x46: {  	v8 =	vadd.bf16 v18, v20;
	v20 =	vadd.s32 $0x2710, v16;
	v14 =	vadd.bf16 v24, v23;
	v10 =	vld.idx.msk [tilespmem:v10+s28+$0x0], $0xffff  }
0x47: {  	v22 =	vadd.bf16 v22, v32;
	v15 =	vld.idx.msk [tilespmem:v15+s28+$0x0], $0xffff;
	v18 =	vmax.bf16 v11, v12  }
0x48: {  	v23 =	vadd.bf16 v63, v25;
	v12 =	vadd.bf16 v19, v61;
	v19 =	vmax.bf16 v18, v14;
	v18 =	vld.idx.msk [tilespmem:v3+s2+$0x0], $0xffff  }
0x49: {  	v7 =	vand.u32 $0xFFFF, v7;
	v21 =	vadd.bf16 v31, v21;
	v8 =	vmax.bf16 v11, v8;
	v17 =	vld.idx.msk [tilespmem:v33+s28+$0x0], $0xffff  }
0x4a: {  	v14 =	vadd.bf16 v26, v4;
	v8 =	vmax.bf16 v8, v22;
	v3 =	vmax.bf16 v19, v23;
	v19 =	vld.idx.msk [tilespmem:v34+s28+$0x0], $0xffff  }
0x4b: {  	s13 =	simm.s32 $0x8000;
	s12 =	sshll.u32 s11, $0x4;
	v3 =	vmax.bf16 v3, v21;
	v20 =	vld.idx.msk [tilespmem:v20+s2+$0x0], $0xffff;
	v4 =	vadd.bf16 v10, v29;
	v10 =	vimm.bf16 $0.0e+00  }
.LBB2_3:
0x4c: {  	s14 =	sshra.s32 s13, $0x2;
	p0 =	sne.s32 s13, $0x18000;
	s13 =	sadd.s32 $0x8000, s13;
	v16 =	vld.idx.msk [tilespmem:v16+s2+$0x0], $0xffff  }
0x4d: {  	v21 =	vld.idx.msk [tilespmem:v0+s14+$0xFFFFF000 ss:$0x1], $0xffff  }
0x4e: {  	v22 =	vld.idx.msk [tilespmem:v0+s14+$0xFFFFF400 ss:$0x1], $0xffff  }
0x4f: {  	v15 =	vadd.bf16 v15, v18;
	v23 =	vld.idx.msk [tilespmem:v0+s14+$0xFFFFF800 ss:$0x1], $0xffff  }
0x50: {  	v24 =	vadd.s32 $0x2710, v2;
	v19 =	vadd.bf16 v19, v9;
	v18 =	vld.idx.msk [tilespmem:v0+s14+$0xFFFFFC00 ss:$0x1], $0xffff  }
0x51: {  	v25 =	vadd.s32 $0x2710, v7;
	v17 =	vadd.bf16 v17, v20;
	v9 =	vld.idx.msk [tilespmem:v0+s14+$0x0 ss:$0x1], $0xffff  }
0x52: {  	v11 =	vmax.bf16 v11, v12;
	v2 =	vmax.bf16 v10, v14;
	v12 =	vadd.bf16 v13, v16;
	v20 =	vld.idx.msk [tilespmem:v0+s14+$0x400 ss:$0x1], $0xffff  }
0x53: {  	v15 =	vmax.bf16 v2, v15;
	v10 =	vshrl.u32 v21, $0x10;
	v13 =	vand.u32 $0xFFFF, v21;
	v14 =	vld.idx.msk [tilespmem:v0+s14+$0x800 ss:$0x1], $0xffff  }
0x54: {  	v16 =	vadd.s32 $0x2710, v13;
	v2 =	vadd.s32 $0x2710, v10;
	v21 =	vshrl.u32 v22, $0x10;
	v26 =	vld.idx.msk [tilespmem:v0+s14+$0xC00 ss:$0x1], $0xffff  }
0x55: {  	v22 =	vand.u32 $0xFFFF, v22;
	v27 =	vand.u32 $0x1FFF8, v2;
	v2 =	vand.u32 $0xFFFF, v23;
	v24 =	vld.idx.msk [tilespmem:v24+s2+$0x0], $0xffff  }
0x56: {  	v28 =	vand.u32 $0x7, v21;
	v29 =	vadd.s32 $0x2710, v21;
	v30 =	vshrl.u32 v18, $0x10;
	v25 =	vld.idx.msk [tilespmem:v25+s2+$0x0], $0xffff  }
0x57: {  	v23 =	vshrl.u32 v23, $0x10;
	v31 =	vand.u32 $0x7, v30;
	v32 =	vand.u32 $0xFFFF, v9;
	v7 =	vld.idx.msk [tilespmem:v7+s2+$0x0], $0xffff  }
0x58: {  	v33 =	vadd.s32 $0x2710, v22;
	v34 =	vadd.s32 $0x2710, v30;
	v35 =	vshrl.u32 v20, $0x10;
	v13 =	vld.idx.msk [tilespmem:v13+s2+$0x0], $0xffff  }
0x59: {  	v36 =	vand.u32 $0x7, v10;
	v38 =	vshrl.u32 v14, $0x10;
	v37 =	vld.idx.msk [tilespmem:v10+s28+$0x0], $0xffff;
	v10 =	vand.u32 $0xFFFF, v14  }
0x5a: {  	v18 =	vand.u32 $0xFFFF, v18;
	v39 =	vadd.s32 $0x2710, v38;
	v14 =	vld.idx.msk [tilespmem:v21+s28+$0x0], $0xffff;
	v21 =	vadd.s32 $0x2710, v23  }
0x5b: {  	v40 =	vadd.s32 $0x2710, v10;
	v39 =	vand.u32 $0x1FFF8, v39;
	v5 =	vadd.bf16 v5, v24;
	v22 =	vld.idx.msk [tilespmem:v22+s2+$0x0], $0xffff  }
0x5c: {  	v41 =	vand.u32 $0x7, v38;
	v6 =	vadd.bf16 v6, v25;
	v24 =	vld.idx.msk [tilespmem:v30+s28+$0x0], $0xffff;
	v30 =	vadd.s32 $0x2710, v35  }
0x5d: {  	v7 =	vadd.bf16 v1, v7;
	v25 =	vld.idx.msk [tilespmem:v33+s2+$0x0], $0xffff;
	v33 =	vand.u32 $0x7, v35;
	v30 =	vand.u32 $0x1FFF8, v30  }
0x5e: {  	v42 =	vand.u32 $0x7, v23;
	v34 =	vand.u32 $0x1FFF8, v34;
	v1 =	vld.idx.msk [tilespmem:v35+s28+$0x0], $0xffff;
	v30 =	vor.u32 v33, v30  }
0x5f: {  	v21 =	vand.u32 $0x1FFF8, v21;
	v6 =	vmax.bf16 v15, v6;
	v33 =	vor.u32 v41, v39;
	v23 =	vld.idx.msk [tilespmem:v23+s28+$0x0], $0xffff  }
0x60: {  	v15 =	vor.u32 v31, v34;
	v35 =	vadd.s32 $0x2710, v18;
	v31 =	vld.idx.msk [tilespmem:v32+s2+$0x0], $0xffff;
	v32 =	vadd.s32 $0x2710, v32  }
0x61: {  	v27 =	vor.u32 v36, v27;
	v21 =	vor.u32 v42, v21;
	v8 =	vmax.bf16 v8, v7;
	v34 =	vld.idx.msk [tilespmem:v10+s2+$0x0], $0xffff  }
0x62: {  	v29 =	vand.u32 $0x1FFF8, v29;
	v39 =	vshrl.u32 v26, $0x10;
	v10 =	vmax.bf16 v6, v17;
	v36 =	vld.idx.msk [tilespmem:v2+s2+$0x0], $0xffff  }
0x63: {  	v7 =	vand.u32 $0xFFFF, v20;
	v8 =	vmax.bf16 v8, v12;
	v14 =	vadd.bf16 v14, v22;
	v20 =	vld.idx.msk [tilespmem:v40+s2+$0x0], $0xffff  }
0x64: {  	v17 =	vadd.bf16 v37, v13;
	v6 =	vor.u32 v28, v29;
	v13 =	vand.u32 $0x7, v39;
	v12 =	vld.idx.msk [tilespmem:v38+s28+$0x0], $0xffff  }
0x65: {  	v5 =	vmax.bf16 v11, v5;
	v22 =	vshrl.u32 v9, $0x10;
	v28 =	vadd.s32 $0x2710, v39;
	v9 =	vld.idx.msk [tilespmem:v32+s2+$0x0], $0xffff  }
0x66: {  	v5 =	vmax.bf16 v5, v19;
	v29 =	vand.u32 $0x7, v22;
	v11 =	vadd.s32 $0x2710, v22;
	v16 =	vld.idx.msk [tilespmem:v16+s2+$0x0], $0xffff  }
0x67: {  	v28 =	vand.u32 $0x1FFF8, v28;
	v19 =	vld.idx.msk [tilespmem:v27+s28+$0x0], $0xffff;
	v27 =	vand.u32 $0x1FFF8, v11;
	v11 =	vmax.bf16 v5, v4  }
0x68: {  	v4 =	vadd.bf16 v23, v36;
	v18 =	vld.idx.msk [tilespmem:v18+s2+$0x0], $0xffff;
	v23 =	vor.u32 v29, v27;
	v27 =	vor.u32 v13, v28  }
0x69: {  	v13 =	vld.idx.msk [tilespmem:v6+s28+$0x0], $0xffff  }
0x6a: {  	v22 =	vld.idx.msk [tilespmem:v22+s28+$0x0], $0xffff  }
0x6b: {  	v5 =	vld.idx.msk [tilespmem:v21+s28+$0x0], $0xffff;
	v21 =	vadd.bf16 v12, v34  }
0x6c: {  	v6 =	vld.idx.msk [tilespmem:v30+s28+$0x0], $0xffff  }
0x6d: {  	v12 =	vadd.bf16 v19, v16;
	v16 =	vand.u32 $0xFFFF, v26;
	v28 =	vld.idx.msk [tilespmem:v33+s28+$0x0], $0xffff  }
0x6e: {  	v8 =	vmax.bf16 v8, v14;
	v18 =	vadd.bf16 v24, v18;
	v24 =	vadd.s32 $0x2710, v16;
	v15 =	vld.idx.msk [tilespmem:v15+s28+$0x0], $0xffff  }
.Ltmp0:
0x6f: {  	v14 =	vadd.bf16 v13, v25;
	v13 =	vld.idx.msk [tilespmem:v39+s28+$0x0], $0xffff;
	(pc) =	sbr.rel @p0 .LBB2_3-.Ltmp0, $4  }
0x70: {  	v3 =	vmax.bf16 v3, v17;
	v8 =	vmax.bf16 v8, v18;
	v19 =	vadd.bf16 v22, v31;
	v17 =	vld.idx.msk [tilespmem:v27+s28+$0x0], $0xffff  }
0x71: {  	v3 =	vmax.bf16 v3, v4;
	v18 =	vld.idx.msk [tilespmem:v35+s2+$0x0], $0xffff  }
0x72: {  	v3 =	vmax.bf16 v3, v19;
	v19 =	vld.idx.msk [tilespmem:v23+s28+$0x0], $0xffff  }
0x73: {  	v3 =	vmax.bf16 v3, v21;
	v4 =	vadd.bf16 v28, v20;
	v20 =	vld.idx.msk [tilespmem:v24+s2+$0x0], $0xffff  }
0x74: {  	_ = 	snop  }
0x75: {  	v0 =	vadd.s32 $0x2710, v2  }
0x76: {  	v58 =	vadd.s32 $0x2710, v7;
	_ =	sdelay $0x1  }
0x77: {  	v16 =	vld.idx.msk [tilespmem:v16+s2+$0x0], $0xffff  }
0x78: {  	v59 =	vld.idx.msk [tilespmem:v7+s2+$0x0], $0xffff  }
0x79: {  	v0 =	vld.idx.msk [tilespmem:v0+s2+$0x0], $0xffff  }
0x7a: {  	v2 =	vld.idx.msk [tilespmem:v58+s2+$0x0], $0xffff;
	_ =	sdelay $0x1  }
0x7b: {  	v15 =	vadd.bf16 v15, v18  }
0x7c: {  	v60 =	vmax.bf16 v11, v12;
	v9 =	vadd.bf16 v19, v9;
	v1 =	vadd.bf16 v1, v59  }
0x7d: {  	v62 =	vmax.bf16 v10, v14;
	v61 =	vadd.bf16 v13, v16;
	v0 =	vadd.bf16 v5, v0  }
0x7e: {  	v17 =	vadd.bf16 v17, v20;
	v1 =	vmax.bf16 v8, v1;
	v2 =	vadd.bf16 v6, v2  }
0x7f: {  	s11 =	sadd.s32 $0x1, s11;
	v1 =	vmax.bf16 v1, v61;
	v5 =	vmax.bf16 v62, v15;
	v0 =	vmax.bf16 v60, v0  }
0x80: {  	p0 =	sne.s32 s11, $0x40;
	v1 =	vmax.bf16 v3, v1;
	v2 =	vmax.bf16 v5, v2;
	v0 =	vmax.bf16 v0, v9  }
.Ltmp1:
0x81: {  	v3 =	vshll.u32 v1, $0x10;
	v2 =	vmax.bf16 v2, v17;
	v0 =	vmax.bf16 v0, v4;
	(pc) =	sbr.rel @p0 .LBB2_2-.Ltmp1, $4  }
0x82: {  	v1 =	vand.u32 $0xFFFF0000, v1;
	[tilespmem:s12+$0x19C40] =	vst v3;
	v0 =	vmax.bf16 v0, v2  }
0x83: {  	[tilespmem:s12+$0x1A040] =	vst v1;
	v63 =	vshll.u32 v0, $0x10  }
0x84: {  	v0 =	vand.u32 $0xFFFF0000, v0;
	[tilespmem:s12+$0x1A440] =	vst v63  }
0x85: {  	s10 =	sadd.s32 $0x10, s10;
	[tilespmem:s12+$0x1A840] =	vst v0  }
0x86: {  	[hbm4b:s7+s29] =	stream.strided.scatter [tilespmem:s3], [sflag:$0x3], $0x1000, s30, s29, $0x38;
	[tilespmem:$0x1BC40] =	vst v63  }
0x87: {  	s10 =	rddreg [dreg:$0x7]  }
0x88: {  	[tilespmem:s31], [sflag:$0x1] =	stream.strided.gather [hbm4b:s10+s29], $0x8000, s30, s29, $0x38;
	[tilespmem:$0x1BC40] =	vst v63  }
0x89: {  	_ =	swait.ge [sflag:s4], $0x8000  }
0x8a: {  	[sflag:s4] =	ssyncset.done $0x0  }
0x8b: {  	s11 =	simm.s32 $0x12C40;
	s10 =	simm.s32 $0x0;
	[sflag:s4] =	ssyncadd.s32 $0xFFFF8000  }
.LBB2_6:
0x8c: {  	v0 =	vmov s11;
	_ =	sdelay $0x3  }
0x8d: {  	s12 =	simm.s32 $0x0  }
0x8e: {  	v1 =	vld.idx.msk [tilespmem:v0+s12+$0xFFFFF000 ss:$0x1], $0xffff;
	_ =	sdelay $0x1  }
0x8f: {  	v2 =	vld.idx.msk [tilespmem:v0+s12+$0xFFFFF400 ss:$0x1], $0xffff;
	_ =	sdelay $0x1  }
0x90: {  	v3 =	vld.idx.msk [tilespmem:v0+s12+$0xFFFFFC00 ss:$0x1], $0xffff  }
0x91: {  	v7 =	vld.idx.msk [tilespmem:v0+s12+$0x400 ss:$0x1], $0xffff;
	v5 =	vand.u32 $0xFFFF, v1  }
0x92: {  	v4 =	vld.idx.msk [tilespmem:v0+s12+$0xFFFFF800 ss:$0x1], $0xffff;
	v6 =	vshrl.u32 v1, $0x10  }
0x93: {  	v8 =	vld.idx.msk [tilespmem:v0+s12+$0x0 ss:$0x1], $0xffff;
	v9 =	vshrl.u32 v2, $0x10  }
0x94: {  	v10 =	vld.idx.msk [tilespmem:v0+s12+$0x800 ss:$0x1], $0xffff;
	v1 =	vand.u32 $0xFFFF, v2  }
0x95: {  	v12 =	vld.idx.msk [tilespmem:v0+s12+$0xC00 ss:$0x1], $0xffff;
	v11 =	vshrl.u32 v3, $0x10  }
0x96: {  	v15 =	vshrl.u32 v7, $0x10;
	v13 =	vld.idx.msk [tilespmem:v5+s2+$0x0], $0xffff  }
0x97: {  	v16 =	vshrl.u32 v4, $0x10;
	v17 =	vld.idx.msk [tilespmem:v6+s28+$0x0], $0xffff  }
0x98: {  	v19 =	vand.u32 $0xFFFF, v8;
	v18 =	vld.idx.msk [tilespmem:v9+s28+$0x0], $0xffff  }
0x99: {  	v21 =	vand.u32 $0xFFFF, v10;
	v10 =	vshrl.u32 v10, $0x10;
	v20 =	vld.idx.msk [tilespmem:v1+s2+$0x0], $0xffff  }
0x9a: {  	v3 =	vand.u32 $0xFFFF, v3;
	v22 =	vld.idx.msk [tilespmem:v11+s28+$0x0], $0xffff  }
0x9b: {  	v14 =	vadd.s32 $0x2710, v1;
	v1 =	vld.idx.msk [tilespmem:v15+s28+$0x0], $0xffff  }
0x9c: {  	v8 =	vshrl.u32 v8, $0x10;
	v24 =	vld.idx.msk [tilespmem:v16+s28+$0x0], $0xffff  }
0x9d: {  	v25 =	vld.idx.msk [tilespmem:v19+s2+$0x0], $0xffff  }
0x9e: {  	v2 =	vand.u32 $0xFFFF, v4;
	v62 =	vshrl.u32 v12, $0x10;
	v23 =	vadd.s32 $0x2710, v6;
	v31 =	vld.idx.msk [tilespmem:v10+s28+$0x0], $0xffff  }
0x9f: {  	v26 =	vand.u32 $0x7, v9;
	v27 =	vand.u32 $0x7, v11;
	v19 =	vadd.s32 $0x2710, v19;
	v32 =	vld.idx.msk [tilespmem:v3+s2+$0x0], $0xffff  }
0xa0: {  	v28 =	vadd.s32 $0x2710, v16;
	v23 =	vand.u32 $0x1FFF8, v23;
	v4 =	vld.idx.msk [tilespmem:v14+s2+$0x0], $0xffff;
	v14 =	vadd.s32 $0x2710, v21  }
0xa1: {  	v5 =	vadd.s32 $0x2710, v5;
	v9 =	vadd.s32 $0x2710, v9;
	v6 =	vand.u32 $0x7, v6;
	v63 =	vld.idx.msk [tilespmem:v8+s28+$0x0], $0xffff  }
0xa2: {  	v30 =	vadd.s32 $0x2710, v15;
	v21 =	vld.idx.msk [tilespmem:v21+s2+$0x0], $0xffff;
	v6 =	vor.u32 v6, v23;
	v9 =	vand.u32 $0x1FFF8, v9  }
0xa3: {  	v28 =	vand.u32 $0x1FFF8, v28;
	v16 =	vand.u32 $0x7, v16;
	v23 =	vld.idx.msk [tilespmem:v2+s2+$0x0], $0xffff;
	v26 =	vor.u32 v26, v9  }
0xa4: {  	v11 =	vadd.s32 $0x2710, v11;
	v15 =	vand.u32 $0x7, v15;
	v16 =	vor.u32 v16, v28;
	v9 =	vld.idx.msk [tilespmem:v19+s2+$0x0], $0xffff  }
0xa5: {  	v3 =	vadd.s32 $0x2710, v3;
	v19 =	vand.u32 $0x1FFF8, v30;
	v29 =	vld.idx.msk [tilespmem:v14+s2+$0x0], $0xffff;
	v14 =	vadd.s32 $0x2710, v10  }
0xa6: {  	v61 =	vld.idx.msk [tilespmem:v5+s2+$0x0], $0xffff;
	v10 =	vand.u32 $0x7, v10;
	v5 =	vand.u32 $0x1FFF8, v14;
	v14 =	vor.u32 v15, v19  }
0xa7: {  	v19 =	vld.idx.msk [tilespmem:v6+s28+$0x0], $0xffff;
	v6 =	vand.u32 $0x1FFF8, v11;
	v10 =	vor.u32 v10, v5;
	v5 =	vadd.s32 $0x2710, v62  }
0xa8: {  	v26 =	vld.idx.msk [tilespmem:v26+s28+$0x0], $0xffff;
	v15 =	vor.u32 v27, v6;
	v6 =	vand.u32 $0x7, v62;
	v5 =	vand.u32 $0x1FFF8, v5  }
0xa9: {  	v33 =	vor.u32 v6, v5;
	v6 =	vadd.s32 $0x2710, v8;
	v5 =	vld.idx.msk [tilespmem:v16+s28+$0x0], $0xffff;
	v8 =	vand.u32 $0x7, v8  }
0xaa: {  	v16 =	vand.u32 $0xFFFF, v12;
	v12 =	vadd.bf16 v17, v13;
	v13 =	vld.idx.msk [tilespmem:v62+s28+$0x0], $0xffff;
	v11 =	vand.u32 $0x1FFF8, v6  }
0xab: {  	v6 =	vld.idx.msk [tilespmem:v14+s28+$0x0], $0xffff;
	v34 =	vor.u32 v8, v11;
	v11 =	vimm.bf16 $0.0e+00  }
0xac: {  	v8 =	vadd.bf16 v18, v20;
	v20 =	vadd.s32 $0x2710, v16;
	v14 =	vadd.bf16 v24, v23;
	v10 =	vld.idx.msk [tilespmem:v10+s28+$0x0], $0xffff  }
0xad: {  	v22 =	vadd.bf16 v22, v32;
	v15 =	vld.idx.msk [tilespmem:v15+s28+$0x0], $0xffff;
	v18 =	vmax.bf16 v11, v12  }
0xae: {  	v23 =	vadd.bf16 v63, v25;
	v12 =	vadd.bf16 v19, v61;
	v19 =	vmax.bf16 v18, v14;
	v18 =	vld.idx.msk [tilespmem:v3+s2+$0x0], $0xffff  }
0xaf: {  	v7 =	vand.u32 $0xFFFF, v7;
	v21 =	vadd.bf16 v31, v21;
	v8 =	vmax.bf16 v11, v8;
	v17 =	vld.idx.msk [tilespmem:v33+s28+$0x0], $0xffff  }
0xb0: {  	v14 =	vadd.bf16 v26, v4;
	v8 =	vmax.bf16 v8, v22;
	v3 =	vmax.bf16 v19, v23;
	v19 =	vld.idx.msk [tilespmem:v34+s28+$0x0], $0xffff  }
0xb1: {  	s13 =	simm.s32 $0x8000;
	s12 =	sshll.u32 s10, $0x4;
	v3 =	vmax.bf16 v3, v21;
	v20 =	vld.idx.msk [tilespmem:v20+s2+$0x0], $0xffff;
	v4 =	vadd.bf16 v10, v29;
	v10 =	vimm.bf16 $0.0e+00  }
.LBB2_7:
0xb2: {  	s14 =	sshra.s32 s13, $0x2;
	p0 =	sne.s32 s13, $0x18000;
	s13 =	sadd.s32 $0x8000, s13;
	v16 =	vld.idx.msk [tilespmem:v16+s2+$0x0], $0xffff  }
0xb3: {  	v21 =	vld.idx.msk [tilespmem:v0+s14+$0xFFFFF000 ss:$0x1], $0xffff  }
0xb4: {  	v22 =	vld.idx.msk [tilespmem:v0+s14+$0xFFFFF400 ss:$0x1], $0xffff  }
0xb5: {  	v15 =	vadd.bf16 v15, v18;
	v23 =	vld.idx.msk [tilespmem:v0+s14+$0xFFFFF800 ss:$0x1], $0xffff  }
0xb6: {  	v24 =	vadd.s32 $0x2710, v2;
	v19 =	vadd.bf16 v19, v9;
	v18 =	vld.idx.msk [tilespmem:v0+s14+$0xFFFFFC00 ss:$0x1], $0xffff  }
0xb7: {  	v25 =	vadd.s32 $0x2710, v7;
	v17 =	vadd.bf16 v17, v20;
	v9 =	vld.idx.msk [tilespmem:v0+s14+$0x0 ss:$0x1], $0xffff  }
0xb8: {  	v11 =	vmax.bf16 v11, v12;
	v2 =	vmax.bf16 v10, v14;
	v12 =	vadd.bf16 v13, v16;
	v20 =	vld.idx.msk [tilespmem:v0+s14+$0x400 ss:$0x1], $0xffff  }
0xb9: {  	v15 =	vmax.bf16 v2, v15;
	v10 =	vshrl.u32 v21, $0x10;
	v13 =	vand.u32 $0xFFFF, v21;
	v14 =	vld.idx.msk [tilespmem:v0+s14+$0x800 ss:$0x1], $0xffff  }
0xba: {  	v16 =	vadd.s32 $0x2710, v13;
	v2 =	vadd.s32 $0x2710, v10;
	v21 =	vshrl.u32 v22, $0x10;
	v26 =	vld.idx.msk [tilespmem:v0+s14+$0xC00 ss:$0x1], $0xffff  }
0xbb: {  	v22 =	vand.u32 $0xFFFF, v22;
	v27 =	vand.u32 $0x1FFF8, v2;
	v2 =	vand.u32 $0xFFFF, v23;
	v24 =	vld.idx.msk [tilespmem:v24+s2+$0x0], $0xffff  }
0xbc: {  	v28 =	vand.u32 $0x7, v21;
	v29 =	vadd.s32 $0x2710, v21;
	v30 =	vshrl.u32 v18, $0x10;
	v25 =	vld.idx.msk [tilespmem:v25+s2+$0x0], $0xffff  }
0xbd: {  	v23 =	vshrl.u32 v23, $0x10;
	v31 =	vand.u32 $0x7, v30;
	v32 =	vand.u32 $0xFFFF, v9;
	v7 =	vld.idx.msk [tilespmem:v7+s2+$0x0], $0xffff  }
0xbe: {  	v33 =	vadd.s32 $0x2710, v22;
	v34 =	vadd.s32 $0x2710, v30;
	v35 =	vshrl.u32 v20, $0x10;
	v13 =	vld.idx.msk [tilespmem:v13+s2+$0x0], $0xffff  }
0xbf: {  	v36 =	vand.u32 $0x7, v10;
	v38 =	vshrl.u32 v14, $0x10;
	v37 =	vld.idx.msk [tilespmem:v10+s28+$0x0], $0xffff;
	v10 =	vand.u32 $0xFFFF, v14  }
0xc0: {  	v18 =	vand.u32 $0xFFFF, v18;
	v39 =	vadd.s32 $0x2710, v38;
	v14 =	vld.idx.msk [tilespmem:v21+s28+$0x0], $0xffff;
	v21 =	vadd.s32 $0x2710, v23  }
0xc1: {  	v40 =	vadd.s32 $0x2710, v10;
	v39 =	vand.u32 $0x1FFF8, v39;
	v5 =	vadd.bf16 v5, v24;
	v22 =	vld.idx.msk [tilespmem:v22+s2+$0x0], $0xffff  }
0xc2: {  	v41 =	vand.u32 $0x7, v38;
	v6 =	vadd.bf16 v6, v25;
	v24 =	vld.idx.msk [tilespmem:v30+s28+$0x0], $0xffff;
	v30 =	vadd.s32 $0x2710, v35  }
0xc3: {  	v7 =	vadd.bf16 v1, v7;
	v25 =	vld.idx.msk [tilespmem:v33+s2+$0x0], $0xffff;
	v33 =	vand.u32 $0x7, v35;
	v30 =	vand.u32 $0x1FFF8, v30  }
0xc4: {  	v42 =	vand.u32 $0x7, v23;
	v34 =	vand.u32 $0x1FFF8, v34;
	v1 =	vld.idx.msk [tilespmem:v35+s28+$0x0], $0xffff;
	v30 =	vor.u32 v33, v30  }
0xc5: {  	v21 =	vand.u32 $0x1FFF8, v21;
	v6 =	vmax.bf16 v15, v6;
	v33 =	vor.u32 v41, v39;
	v23 =	vld.idx.msk [tilespmem:v23+s28+$0x0], $0xffff  }
0xc6: {  	v15 =	vor.u32 v31, v34;
	v35 =	vadd.s32 $0x2710, v18;
	v31 =	vld.idx.msk [tilespmem:v32+s2+$0x0], $0xffff;
	v32 =	vadd.s32 $0x2710, v32  }
0xc7: {  	v27 =	vor.u32 v36, v27;
	v21 =	vor.u32 v42, v21;
	v8 =	vmax.bf16 v8, v7;
	v34 =	vld.idx.msk [tilespmem:v10+s2+$0x0], $0xffff  }
0xc8: {  	v29 =	vand.u32 $0x1FFF8, v29;
	v39 =	vshrl.u32 v26, $0x10;
	v10 =	vmax.bf16 v6, v17;
	v36 =	vld.idx.msk [tilespmem:v2+s2+$0x0], $0xffff  }
0xc9: {  	v7 =	vand.u32 $0xFFFF, v20;
	v8 =	vmax.bf16 v8, v12;
	v14 =	vadd.bf16 v14, v22;
	v20 =	vld.idx.msk [tilespmem:v40+s2+$0x0], $0xffff  }
0xca: {  	v17 =	vadd.bf16 v37, v13;
	v6 =	vor.u32 v28, v29;
	v13 =	vand.u32 $0x7, v39;
	v12 =	vld.idx.msk [tilespmem:v38+s28+$0x0], $0xffff  }
0xcb: {  	v5 =	vmax.bf16 v11, v5;
	v22 =	vshrl.u32 v9, $0x10;
	v28 =	vadd.s32 $0x2710, v39;
	v9 =	vld.idx.msk [tilespmem:v32+s2+$0x0], $0xffff  }
0xcc: {  	v5 =	vmax.bf16 v5, v19;
	v29 =	vand.u32 $0x7, v22;
	v11 =	vadd.s32 $0x2710, v22;
	v16 =	vld.idx.msk [tilespmem:v16+s2+$0x0], $0xffff  }
0xcd: {  	v28 =	vand.u32 $0x1FFF8, v28;
	v19 =	vld.idx.msk [tilespmem:v27+s28+$0x0], $0xffff;
	v27 =	vand.u32 $0x1FFF8, v11;
	v11 =	vmax.bf16 v5, v4  }
0xce: {  	v4 =	vadd.bf16 v23, v36;
	v18 =	vld.idx.msk [tilespmem:v18+s2+$0x0], $0xffff;
	v23 =	vor.u32 v29, v27;
	v27 =	vor.u32 v13, v28  }
0xcf: {  	v13 =	vld.idx.msk [tilespmem:v6+s28+$0x0], $0xffff  }
0xd0: {  	v22 =	vld.idx.msk [tilespmem:v22+s28+$0x0], $0xffff  }
0xd1: {  	v5 =	vld.idx.msk [tilespmem:v21+s28+$0x0], $0xffff;
	v21 =	vadd.bf16 v12, v34  }
0xd2: {  	v6 =	vld.idx.msk [tilespmem:v30+s28+$0x0], $0xffff  }
0xd3: {  	v12 =	vadd.bf16 v19, v16;
	v16 =	vand.u32 $0xFFFF, v26;
	v28 =	vld.idx.msk [tilespmem:v33+s28+$0x0], $0xffff  }
0xd4: {  	v8 =	vmax.bf16 v8, v14;
	v18 =	vadd.bf16 v24, v18;
	v24 =	vadd.s32 $0x2710, v16;
	v15 =	vld.idx.msk [tilespmem:v15+s28+$0x0], $0xffff  }
.Ltmp2:
0xd5: {  	v14 =	vadd.bf16 v13, v25;
	v13 =	vld.idx.msk [tilespmem:v39+s28+$0x0], $0xffff;
	(pc) =	sbr.rel @p0 .LBB2_7-.Ltmp2, $4  }
0xd6: {  	v3 =	vmax.bf16 v3, v17;
	v8 =	vmax.bf16 v8, v18;
	v19 =	vadd.bf16 v22, v31;
	v17 =	vld.idx.msk [tilespmem:v27+s28+$0x0], $0xffff  }
0xd7: {  	v3 =	vmax.bf16 v3, v4;
	v18 =	vld.idx.msk [tilespmem:v35+s2+$0x0], $0xffff  }
0xd8: {  	v3 =	vmax.bf16 v3, v19;
	v19 =	vld.idx.msk [tilespmem:v23+s28+$0x0], $0xffff  }
0xd9: {  	v3 =	vmax.bf16 v3, v21;
	v4 =	vadd.bf16 v28, v20;
	v20 =	vld.idx.msk [tilespmem:v24+s2+$0x0], $0xffff  }
0xda: {  	_ = 	snop  }
0xdb: {  	v0 =	vadd.s32 $0x2710, v2  }
0xdc: {  	v58 =	vadd.s32 $0x2710, v7;
	_ =	sdelay $0x1  }
0xdd: {  	v16 =	vld.idx.msk [tilespmem:v16+s2+$0x0], $0xffff  }
0xde: {  	v59 =	vld.idx.msk [tilespmem:v7+s2+$0x0], $0xffff  }
0xdf: {  	v0 =	vld.idx.msk [tilespmem:v0+s2+$0x0], $0xffff  }
0xe0: {  	v2 =	vld.idx.msk [tilespmem:v58+s2+$0x0], $0xffff;
	_ =	sdelay $0x1  }
0xe1: {  	v15 =	vadd.bf16 v15, v18  }
0xe2: {  	v60 =	vmax.bf16 v11, v12;
	v9 =	vadd.bf16 v19, v9;
	v1 =	vadd.bf16 v1, v59  }
0xe3: {  	v62 =	vmax.bf16 v10, v14;
	v61 =	vadd.bf16 v13, v16;
	v0 =	vadd.bf16 v5, v0  }
0xe4: {  	v17 =	vadd.bf16 v17, v20;
	v1 =	vmax.bf16 v8, v1;
	v2 =	vadd.bf16 v6, v2  }
0xe5: {  	s10 =	sadd.s32 $0x1, s10;
	v1 =	vmax.bf16 v1, v61;
	v5 =	vmax.bf16 v62, v15;
	v0 =	vmax.bf16 v60, v0  }
0xe6: {  	p0 =	sne.s32 s10, $0x40;
	v1 =	vmax.bf16 v3, v1;
	v2 =	vmax.bf16 v5, v2;
	v0 =	vmax.bf16 v0, v9  }
.Ltmp3:
0xe7: {  	v3 =	vshll.u32 v1, $0x10;
	v2 =	vmax.bf16 v2, v17;
	v0 =	vmax.bf16 v0, v4;
	(pc) =	sbr.rel @p0 .LBB2_6-.Ltmp3, $4  }
0xe8: {  	v1 =	vand.u32 $0xFFFF0000, v1;
	[tilespmem:s12+$0x1AC40] =	vst v3;
	v0 =	vmax.bf16 v0, v2  }
0xe9: {  	[tilespmem:s12+$0x1B040] =	vst v1;
	v63 =	vshll.u32 v0, $0x10  }
0xea: {  	v0 =	vand.u32 $0xFFFF0000, v0;
	[tilespmem:s12+$0x1B440] =	vst v63  }
0xeb: {  	s11 =	sadd.s32 $0x10, s11;
	[tilespmem:s12+$0x1B840] =	vst v0  }
0xec: {  	s10 =	rddreg [dreg:$0x8]  }
0xed: {  	[hbm4b:s10+s29] =	stream.strided.scatter [tilespmem:s5], [sflag:$0x4], $0x1000, s30, s29, $0x38;
	[tilespmem:$0x1BC40] =	vst v63  }
0xee: {  	s14 =	rddreg [dreg:$0x9]  }
0xef: {  	[tilespmem:s0], [sflag:$0x2] =	stream.strided.gather [hbm4b:s14+s29], $0x8000, s30, s29, $0x38;
	[tilespmem:$0x1BC40] =	vst v63  }
0xf0: {  	_ =	swait.ge [sflag:s1], $0x8000  }
0xf1: {  	[sflag:s1] =	ssyncset.done $0x0  }
0xf2: {  	[sflag:s1] =	ssyncadd.s32 $0xFFFF8000  }
0xf3: {  	_ =	swait.ge [sflag:s6], $0x1000  }
0xf4: {  	[sflag:s6] =	ssyncset.done $0x0  }
0xf5: {  	s11 =	simm.s32 $0xAC40;
	s10 =	simm.s32 $0x0;
	[sflag:s6] =	ssyncadd.s32 $0xFFFFF000  }
.LBB2_10:
0xf6: {  	v0 =	vmov s11;
	_ =	sdelay $0x3  }
0xf7: {  	s12 =	simm.s32 $0x0  }
0xf8: {  	v1 =	vld.idx.msk [tilespmem:v0+s12+$0xFFFFF000 ss:$0x1], $0xffff;
	_ =	sdelay $0x1  }
0xf9: {  	v2 =	vld.idx.msk [tilespmem:v0+s12+$0xFFFFF400 ss:$0x1], $0xffff;
	_ =	sdelay $0x1  }
0xfa: {  	v3 =	vld.idx.msk [tilespmem:v0+s12+$0xFFFFFC00 ss:$0x1], $0xffff  }
0xfb: {  	v7 =	vld.idx.msk [tilespmem:v0+s12+$0x400 ss:$0x1], $0xffff;
	v5 =	vand.u32 $0xFFFF, v1  }
0xfc: {  	v4 =	vld.idx.msk [tilespmem:v0+s12+$0xFFFFF800 ss:$0x1], $0xffff;
	v6 =	vshrl.u32 v1, $0x10  }
0xfd: {  	v8 =	vld.idx.msk [tilespmem:v0+s12+$0x0 ss:$0x1], $0xffff;
	v9 =	vshrl.u32 v2, $0x10  }
0xfe: {  	v10 =	vld.idx.msk [tilespmem:v0+s12+$0x800 ss:$0x1], $0xffff;
	v1 =	vand.u32 $0xFFFF, v2  }
0xff: {  	v12 =	vld.idx.msk [tilespmem:v0+s12+$0xC00 ss:$0x1], $0xffff;
	v11 =	vshrl.u32 v3, $0x10  }
0x100: {  	v15 =	vshrl.u32 v7, $0x10;
	v13 =	vld.idx.msk [tilespmem:v5+s2+$0x0], $0xffff  }
0x101: {  	v16 =	vshrl.u32 v4, $0x10;
	v17 =	vld.idx.msk [tilespmem:v6+s28+$0x0], $0xffff  }
0x102: {  	v19 =	vand.u32 $0xFFFF, v8;
	v18 =	vld.idx.msk [tilespmem:v9+s28+$0x0], $0xffff  }
0x103: {  	v21 =	vand.u32 $0xFFFF, v10;
	v10 =	vshrl.u32 v10, $0x10;
	v20 =	vld.idx.msk [tilespmem:v1+s2+$0x0], $0xffff  }
0x104: {  	v3 =	vand.u32 $0xFFFF, v3;
	v22 =	vld.idx.msk [tilespmem:v11+s28+$0x0], $0xffff  }
0x105: {  	v14 =	vadd.s32 $0x2710, v1;
	v1 =	vld.idx.msk [tilespmem:v15+s28+$0x0], $0xffff  }
0x106: {  	v8 =	vshrl.u32 v8, $0x10;
	v24 =	vld.idx.msk [tilespmem:v16+s28+$0x0], $0xffff  }
0x107: {  	v25 =	vld.idx.msk [tilespmem:v19+s2+$0x0], $0xffff  }
0x108: {  	v2 =	vand.u32 $0xFFFF, v4;
	v62 =	vshrl.u32 v12, $0x10;
	v23 =	vadd.s32 $0x2710, v6;
	v31 =	vld.idx.msk [tilespmem:v10+s28+$0x0], $0xffff  }
0x109: {  	v26 =	vand.u32 $0x7, v9;
	v27 =	vand.u32 $0x7, v11;
	v19 =	vadd.s32 $0x2710, v19;
	v32 =	vld.idx.msk [tilespmem:v3+s2+$0x0], $0xffff  }
0x10a: {  	v28 =	vadd.s32 $0x2710, v16;
	v23 =	vand.u32 $0x1FFF8, v23;
	v4 =	vld.idx.msk [tilespmem:v14+s2+$0x0], $0xffff;
	v14 =	vadd.s32 $0x2710, v21  }
0x10b: {  	v5 =	vadd.s32 $0x2710, v5;
	v9 =	vadd.s32 $0x2710, v9;
	v6 =	vand.u32 $0x7, v6;
	v63 =	vld.idx.msk [tilespmem:v8+s28+$0x0], $0xffff  }
0x10c: {  	v30 =	vadd.s32 $0x2710, v15;
	v21 =	vld.idx.msk [tilespmem:v21+s2+$0x0], $0xffff;
	v6 =	vor.u32 v6, v23;
	v9 =	vand.u32 $0x1FFF8, v9  }
0x10d: {  	v28 =	vand.u32 $0x1FFF8, v28;
	v16 =	vand.u32 $0x7, v16;
	v23 =	vld.idx.msk [tilespmem:v2+s2+$0x0], $0xffff;
	v26 =	vor.u32 v26, v9  }
0x10e: {  	v11 =	vadd.s32 $0x2710, v11;
	v15 =	vand.u32 $0x7, v15;
	v16 =	vor.u32 v16, v28;
	v9 =	vld.idx.msk [tilespmem:v19+s2+$0x0], $0xffff  }
0x10f: {  	v3 =	vadd.s32 $0x2710, v3;
	v19 =	vand.u32 $0x1FFF8, v30;
	v29 =	vld.idx.msk [tilespmem:v14+s2+$0x0], $0xffff;
	v14 =	vadd.s32 $0x2710, v10  }
0x110: {  	v61 =	vld.idx.msk [tilespmem:v5+s2+$0x0], $0xffff;
	v10 =	vand.u32 $0x7, v10;
	v5 =	vand.u32 $0x1FFF8, v14;
	v14 =	vor.u32 v15, v19  }
0x111: {  	v19 =	vld.idx.msk [tilespmem:v6+s28+$0x0], $0xffff;
	v6 =	vand.u32 $0x1FFF8, v11;
	v10 =	vor.u32 v10, v5;
	v5 =	vadd.s32 $0x2710, v62  }
0x112: {  	v26 =	vld.idx.msk [tilespmem:v26+s28+$0x0], $0xffff;
	v15 =	vor.u32 v27, v6;
	v6 =	vand.u32 $0x7, v62;
	v5 =	vand.u32 $0x1FFF8, v5  }
0x113: {  	v33 =	vor.u32 v6, v5;
	v6 =	vadd.s32 $0x2710, v8;
	v5 =	vld.idx.msk [tilespmem:v16+s28+$0x0], $0xffff;
	v8 =	vand.u32 $0x7, v8  }
0x114: {  	v16 =	vand.u32 $0xFFFF, v12;
	v12 =	vadd.bf16 v17, v13;
	v13 =	vld.idx.msk [tilespmem:v62+s28+$0x0], $0xffff;
	v11 =	vand.u32 $0x1FFF8, v6  }
0x115: {  	v6 =	vld.idx.msk [tilespmem:v14+s28+$0x0], $0xffff;
	v34 =	vor.u32 v8, v11;
	v11 =	vimm.bf16 $0.0e+00  }
0x116: {  	v8 =	vadd.bf16 v18, v20;
	v20 =	vadd.s32 $0x2710, v16;
	v14 =	vadd.bf16 v24, v23;
	v10 =	vld.idx.msk [tilespmem:v10+s28+$0x0], $0xffff  }
0x117: {  	v22 =	vadd.bf16 v22, v32;
	v15 =	vld.idx.msk [tilespmem:v15+s28+$0x0], $0xffff;
	v18 =	vmax.bf16 v11, v12  }
0x118: {  	v23 =	vadd.bf16 v63, v25;
	v12 =	vadd.bf16 v19, v61;
	v19 =	vmax.bf16 v18, v14;
	v18 =	vld.idx.msk [tilespmem:v3+s2+$0x0], $0xffff  }
0x119: {  	v7 =	vand.u32 $0xFFFF, v7;
	v21 =	vadd.bf16 v31, v21;
	v8 =	vmax.bf16 v11, v8;
	v17 =	vld.idx.msk [tilespmem:v33+s28+$0x0], $0xffff  }
0x11a: {  	v14 =	vadd.bf16 v26, v4;
	v8 =	vmax.bf16 v8, v22;
	v3 =	vmax.bf16 v19, v23;
	v19 =	vld.idx.msk [tilespmem:v34+s28+$0x0], $0xffff  }
0x11b: {  	s13 =	simm.s32 $0x8000;
	s12 =	sshll.u32 s10, $0x4;
	v3 =	vmax.bf16 v3, v21;
	v20 =	vld.idx.msk [tilespmem:v20+s2+$0x0], $0xffff;
	v4 =	vadd.bf16 v10, v29;
	v10 =	vimm.bf16 $0.0e+00  }
.LBB2_11:
0x11c: {  	s14 =	sshra.s32 s13, $0x2;
	p0 =	sne.s32 s13, $0x18000;
	s13 =	sadd.s32 $0x8000, s13;
	v16 =	vld.idx.msk [tilespmem:v16+s2+$0x0], $0xffff  }
0x11d: {  	v21 =	vld.idx.msk [tilespmem:v0+s14+$0xFFFFF000 ss:$0x1], $0xffff  }
0x11e: {  	v22 =	vld.idx.msk [tilespmem:v0+s14+$0xFFFFF400 ss:$0x1], $0xffff  }
0x11f: {  	v15 =	vadd.bf16 v15, v18;
	v23 =	vld.idx.msk [tilespmem:v0+s14+$0xFFFFF800 ss:$0x1], $0xffff  }
0x120: {  	v24 =	vadd.s32 $0x2710, v2;
	v19 =	vadd.bf16 v19, v9;
	v18 =	vld.idx.msk [tilespmem:v0+s14+$0xFFFFFC00 ss:$0x1], $0xffff  }
0x121: {  	v25 =	vadd.s32 $0x2710, v7;
	v17 =	vadd.bf16 v17, v20;
	v9 =	vld.idx.msk [tilespmem:v0+s14+$0x0 ss:$0x1], $0xffff  }
0x122: {  	v11 =	vmax.bf16 v11, v12;
	v2 =	vmax.bf16 v10, v14;
	v12 =	vadd.bf16 v13, v16;
	v20 =	vld.idx.msk [tilespmem:v0+s14+$0x400 ss:$0x1], $0xffff  }
0x123: {  	v15 =	vmax.bf16 v2, v15;
	v10 =	vshrl.u32 v21, $0x10;
	v13 =	vand.u32 $0xFFFF, v21;
	v14 =	vld.idx.msk [tilespmem:v0+s14+$0x800 ss:$0x1], $0xffff  }
0x124: {  	v16 =	vadd.s32 $0x2710, v13;
	v2 =	vadd.s32 $0x2710, v10;
	v21 =	vshrl.u32 v22, $0x10;
	v26 =	vld.idx.msk [tilespmem:v0+s14+$0xC00 ss:$0x1], $0xffff  }
0x125: {  	v22 =	vand.u32 $0xFFFF, v22;
	v27 =	vand.u32 $0x1FFF8, v2;
	v2 =	vand.u32 $0xFFFF, v23;
	v24 =	vld.idx.msk [tilespmem:v24+s2+$0x0], $0xffff  }
0x126: {  	v28 =	vand.u32 $0x7, v21;
	v29 =	vadd.s32 $0x2710, v21;
	v30 =	vshrl.u32 v18, $0x10;
	v25 =	vld.idx.msk [tilespmem:v25+s2+$0x0], $0xffff  }
0x127: {  	v23 =	vshrl.u32 v23, $0x10;
	v31 =	vand.u32 $0x7, v30;
	v32 =	vand.u32 $0xFFFF, v9;
	v7 =	vld.idx.msk [tilespmem:v7+s2+$0x0], $0xffff  }
0x128: {  	v33 =	vadd.s32 $0x2710, v22;
	v34 =	vadd.s32 $0x2710, v30;
	v35 =	vshrl.u32 v20, $0x10;
	v13 =	vld.idx.msk [tilespmem:v13+s2+$0x0], $0xffff  }
0x129: {  	v36 =	vand.u32 $0x7, v10;
	v38 =	vshrl.u32 v14, $0x10;
	v37 =	vld.idx.msk [tilespmem:v10+s28+$0x0], $0xffff;
	v10 =	vand.u32 $0xFFFF, v14  }
0x12a: {  	v18 =	vand.u32 $0xFFFF, v18;
	v39 =	vadd.s32 $0x2710, v38;
	v14 =	vld.idx.msk [tilespmem:v21+s28+$0x0], $0xffff;
	v21 =	vadd.s32 $0x2710, v23  }
0x12b: {  	v40 =	vadd.s32 $0x2710, v10;
	v39 =	vand.u32 $0x1FFF8, v39;
	v5 =	vadd.bf16 v5, v24;
	v22 =	vld.idx.msk [tilespmem:v22+s2+$0x0], $0xffff  }
0x12c: {  	v41 =	vand.u32 $0x7, v38;
	v6 =	vadd.bf16 v6, v25;
	v24 =	vld.idx.msk [tilespmem:v30+s28+$0x0], $0xffff;
	v30 =	vadd.s32 $0x2710, v35  }
0x12d: {  	v7 =	vadd.bf16 v1, v7;
	v25 =	vld.idx.msk [tilespmem:v33+s2+$0x0], $0xffff;
	v33 =	vand.u32 $0x7, v35;
	v30 =	vand.u32 $0x1FFF8, v30  }
0x12e: {  	v42 =	vand.u32 $0x7, v23;
	v34 =	vand.u32 $0x1FFF8, v34;
	v1 =	vld.idx.msk [tilespmem:v35+s28+$0x0], $0xffff;
	v30 =	vor.u32 v33, v30  }
0x12f: {  	v21 =	vand.u32 $0x1FFF8, v21;
	v6 =	vmax.bf16 v15, v6;
	v33 =	vor.u32 v41, v39;
	v23 =	vld.idx.msk [tilespmem:v23+s28+$0x0], $0xffff  }
0x130: {  	v15 =	vor.u32 v31, v34;
	v35 =	vadd.s32 $0x2710, v18;
	v31 =	vld.idx.msk [tilespmem:v32+s2+$0x0], $0xffff;
	v32 =	vadd.s32 $0x2710, v32  }
0x131: {  	v27 =	vor.u32 v36, v27;
	v21 =	vor.u32 v42, v21;
	v8 =	vmax.bf16 v8, v7;
	v34 =	vld.idx.msk [tilespmem:v10+s2+$0x0], $0xffff  }
0x132: {  	v29 =	vand.u32 $0x1FFF8, v29;
	v39 =	vshrl.u32 v26, $0x10;
	v10 =	vmax.bf16 v6, v17;
	v36 =	vld.idx.msk [tilespmem:v2+s2+$0x0], $0xffff  }
0x133: {  	v7 =	vand.u32 $0xFFFF, v20;
	v8 =	vmax.bf16 v8, v12;
	v14 =	vadd.bf16 v14, v22;
	v20 =	vld.idx.msk [tilespmem:v40+s2+$0x0], $0xffff  }
0x134: {  	v17 =	vadd.bf16 v37, v13;
	v6 =	vor.u32 v28, v29;
	v13 =	vand.u32 $0x7, v39;
	v12 =	vld.idx.msk [tilespmem:v38+s28+$0x0], $0xffff  }
0x135: {  	v5 =	vmax.bf16 v11, v5;
	v22 =	vshrl.u32 v9, $0x10;
	v28 =	vadd.s32 $0x2710, v39;
	v9 =	vld.idx.msk [tilespmem:v32+s2+$0x0], $0xffff  }
0x136: {  	v5 =	vmax.bf16 v5, v19;
	v29 =	vand.u32 $0x7, v22;
	v11 =	vadd.s32 $0x2710, v22;
	v16 =	vld.idx.msk [tilespmem:v16+s2+$0x0], $0xffff  }
0x137: {  	v28 =	vand.u32 $0x1FFF8, v28;
	v19 =	vld.idx.msk [tilespmem:v27+s28+$0x0], $0xffff;
	v27 =	vand.u32 $0x1FFF8, v11;
	v11 =	vmax.bf16 v5, v4  }
0x138: {  	v4 =	vadd.bf16 v23, v36;
	v18 =	vld.idx.msk [tilespmem:v18+s2+$0x0], $0xffff;
	v23 =	vor.u32 v29, v27;
	v27 =	vor.u32 v13, v28  }
0x139: {  	v13 =	vld.idx.msk [tilespmem:v6+s28+$0x0], $0xffff  }
0x13a: {  	v22 =	vld.idx.msk [tilespmem:v22+s28+$0x0], $0xffff  }
0x13b: {  	v5 =	vld.idx.msk [tilespmem:v21+s28+$0x0], $0xffff;
	v21 =	vadd.bf16 v12, v34  }
0x13c: {  	v6 =	vld.idx.msk [tilespmem:v30+s28+$0x0], $0xffff  }
0x13d: {  	v12 =	vadd.bf16 v19, v16;
	v16 =	vand.u32 $0xFFFF, v26;
	v28 =	vld.idx.msk [tilespmem:v33+s28+$0x0], $0xffff  }
0x13e: {  	v8 =	vmax.bf16 v8, v14;
	v18 =	vadd.bf16 v24, v18;
	v24 =	vadd.s32 $0x2710, v16;
	v15 =	vld.idx.msk [tilespmem:v15+s28+$0x0], $0xffff  }
.Ltmp4:
0x13f: {  	v14 =	vadd.bf16 v13, v25;
	v13 =	vld.idx.msk [tilespmem:v39+s28+$0x0], $0xffff;
	(pc) =	sbr.rel @p0 .LBB2_11-.Ltmp4, $4  }
0x140: {  	v3 =	vmax.bf16 v3, v17;
	v8 =	vmax.bf16 v8, v18;
	v19 =	vadd.bf16 v22, v31;
	v17 =	vld.idx.msk [tilespmem:v27+s28+$0x0], $0xffff  }
0x141: {  	v3 =	vmax.bf16 v3, v4;
	v18 =	vld.idx.msk [tilespmem:v35+s2+$0x0], $0xffff  }
0x142: {  	v3 =	vmax.bf16 v3, v19;
	v19 =	vld.idx.msk [tilespmem:v23+s28+$0x0], $0xffff  }
0x143: {  	v3 =	vmax.bf16 v3, v21;
	v4 =	vadd.bf16 v28, v20;
	v20 =	vld.idx.msk [tilespmem:v24+s2+$0x0], $0xffff  }
0x144: {  	_ = 	snop  }
0x145: {  	v0 =	vadd.s32 $0x2710, v2  }
0x146: {  	v58 =	vadd.s32 $0x2710, v7;
	_ =	sdelay $0x1  }
0x147: {  	v16 =	vld.idx.msk [tilespmem:v16+s2+$0x0], $0xffff  }
0x148: {  	v59 =	vld.idx.msk [tilespmem:v7+s2+$0x0], $0xffff  }
0x149: {  	v0 =	vld.idx.msk [tilespmem:v0+s2+$0x0], $0xffff  }
0x14a: {  	v2 =	vld.idx.msk [tilespmem:v58+s2+$0x0], $0xffff;
	_ =	sdelay $0x1  }
0x14b: {  	v15 =	vadd.bf16 v15, v18  }
0x14c: {  	v60 =	vmax.bf16 v11, v12;
	v9 =	vadd.bf16 v19, v9;
	v1 =	vadd.bf16 v1, v59  }
0x14d: {  	v62 =	vmax.bf16 v10, v14;
	v61 =	vadd.bf16 v13, v16;
	v0 =	vadd.bf16 v5, v0  }
0x14e: {  	v17 =	vadd.bf16 v17, v20;
	v1 =	vmax.bf16 v8, v1;
	v2 =	vadd.bf16 v6, v2  }
0x14f: {  	s10 =	sadd.s32 $0x1, s10;
	v1 =	vmax.bf16 v1, v61;
	v5 =	vmax.bf16 v62, v15;
	v0 =	vmax.bf16 v60, v0  }
0x150: {  	p0 =	sne.s32 s10, $0x40;
	v1 =	vmax.bf16 v3, v1;
	v2 =	vmax.bf16 v5, v2;
	v0 =	vmax.bf16 v0, v9  }
.Ltmp5:
0x151: {  	v3 =	vshll.u32 v1, $0x10;
	v2 =	vmax.bf16 v2, v17;
	v0 =	vmax.bf16 v0, v4;
	(pc) =	sbr.rel @p0 .LBB2_10-.Ltmp5, $4  }
0x152: {  	v1 =	vand.u32 $0xFFFF0000, v1;
	[tilespmem:s12+$0x19C40] =	vst v3;
	v0 =	vmax.bf16 v0, v2  }
0x153: {  	[tilespmem:s12+$0x1A040] =	vst v1;
	v63 =	vshll.u32 v0, $0x10  }
0x154: {  	v0 =	vand.u32 $0xFFFF0000, v0;
	[tilespmem:s12+$0x1A440] =	vst v63  }
0x155: {  	s11 =	sadd.s32 $0x10, s11;
	[tilespmem:s12+$0x1A840] =	vst v0  }
0x156: {  	s10 =	rddreg [dreg:$0xa]  }
0x157: {  	[hbm4b:s10+s29] =	stream.strided.scatter [tilespmem:s3], [sflag:$0x3], $0x1000, s30, s29, $0x38;
	[tilespmem:$0x1BC40] =	vst v63  }
0x158: {  	s14 =	rddreg [dreg:$0xb]  }
0x159: {  	[tilespmem:s31], [sflag:$0x1] =	stream.strided.gather [hbm4b:s14+s29], $0x8000, s30, s29, $0x38;
	[tilespmem:$0x1BC40] =	vst v63  }
0x15a: {  	_ =	swait.ge [sflag:s4], $0x8000  }
0x15b: {  	[sflag:s4] =	ssyncset.done $0x0  }
0x15c: {  	[sflag:s4] =	ssyncadd.s32 $0xFFFF8000  }
0x15d: {  	_ =	swait.ge [sflag:s8], $0x1000  }
0x15e: {  	[sflag:s8] =	ssyncset.done $0x0  }
0x15f: {  	s11 =	simm.s32 $0x12C40;
	s10 =	simm.s32 $0x0;
	[sflag:s8] =	ssyncadd.s32 $0xFFFFF000  }
.LBB2_14:
0x160: {  	v0 =	vmov s11;
	_ =	sdelay $0x3  }
0x161: {  	s12 =	simm.s32 $0x0  }
0x162: {  	v1 =	vld.idx.msk [tilespmem:v0+s12+$0xFFFFF000 ss:$0x1], $0xffff;
	_ =	sdelay $0x1  }
0x163: {  	v2 =	vld.idx.msk [tilespmem:v0+s12+$0xFFFFF400 ss:$0x1], $0xffff;
	_ =	sdelay $0x1  }
0x164: {  	v3 =	vld.idx.msk [tilespmem:v0+s12+$0xFFFFFC00 ss:$0x1], $0xffff  }
0x165: {  	v7 =	vld.idx.msk [tilespmem:v0+s12+$0x400 ss:$0x1], $0xffff;
	v5 =	vand.u32 $0xFFFF, v1  }
0x166: {  	v4 =	vld.idx.msk [tilespmem:v0+s12+$0xFFFFF800 ss:$0x1], $0xffff;
	v6 =	vshrl.u32 v1, $0x10  }
0x167: {  	v8 =	vld.idx.msk [tilespmem:v0+s12+$0x0 ss:$0x1], $0xffff;
	v9 =	vshrl.u32 v2, $0x10  }
0x168: {  	v10 =	vld.idx.msk [tilespmem:v0+s12+$0x800 ss:$0x1], $0xffff;
	v1 =	vand.u32 $0xFFFF, v2  }
0x169: {  	v12 =	vld.idx.msk [tilespmem:v0+s12+$0xC00 ss:$0x1], $0xffff;
	v11 =	vshrl.u32 v3, $0x10  }
0x16a: {  	v15 =	vshrl.u32 v7, $0x10;
	v13 =	vld.idx.msk [tilespmem:v5+s2+$0x0], $0xffff  }
0x16b: {  	v16 =	vshrl.u32 v4, $0x10;
	v17 =	vld.idx.msk [tilespmem:v6+s28+$0x0], $0xffff  }
0x16c: {  	v19 =	vand.u32 $0xFFFF, v8;
	v18 =	vld.idx.msk [tilespmem:v9+s28+$0x0], $0xffff  }
0x16d: {  	v21 =	vand.u32 $0xFFFF, v10;
	v10 =	vshrl.u32 v10, $0x10;
	v20 =	vld.idx.msk [tilespmem:v1+s2+$0x0], $0xffff  }
0x16e: {  	v3 =	vand.u32 $0xFFFF, v3;
	v22 =	vld.idx.msk [tilespmem:v11+s28+$0x0], $0xffff  }
0x16f: {  	v14 =	vadd.s32 $0x2710, v1;
	v1 =	vld.idx.msk [tilespmem:v15+s28+$0x0], $0xffff  }
0x170: {  	v8 =	vshrl.u32 v8, $0x10;
	v24 =	vld.idx.msk [tilespmem:v16+s28+$0x0], $0xffff  }
0x171: {  	v25 =	vld.idx.msk [tilespmem:v19+s2+$0x0], $0xffff  }
0x172: {  	v2 =	vand.u32 $0xFFFF, v4;
	v62 =	vshrl.u32 v12, $0x10;
	v23 =	vadd.s32 $0x2710, v6;
	v31 =	vld.idx.msk [tilespmem:v10+s28+$0x0], $0xffff  }
0x173: {  	v26 =	vand.u32 $0x7, v9;
	v27 =	vand.u32 $0x7, v11;
	v19 =	vadd.s32 $0x2710, v19;
	v32 =	vld.idx.msk [tilespmem:v3+s2+$0x0], $0xffff  }
0x174: {  	v28 =	vadd.s32 $0x2710, v16;
	v23 =	vand.u32 $0x1FFF8, v23;
	v4 =	vld.idx.msk [tilespmem:v14+s2+$0x0], $0xffff;
	v14 =	vadd.s32 $0x2710, v21  }
0x175: {  	v5 =	vadd.s32 $0x2710, v5;
	v9 =	vadd.s32 $0x2710, v9;
	v6 =	vand.u32 $0x7, v6;
	v63 =	vld.idx.msk [tilespmem:v8+s28+$0x0], $0xffff  }
0x176: {  	v30 =	vadd.s32 $0x2710, v15;
	v21 =	vld.idx.msk [tilespmem:v21+s2+$0x0], $0xffff;
	v6 =	vor.u32 v6, v23;
	v9 =	vand.u32 $0x1FFF8, v9  }
0x177: {  	v28 =	vand.u32 $0x1FFF8, v28;
	v16 =	vand.u32 $0x7, v16;
	v23 =	vld.idx.msk [tilespmem:v2+s2+$0x0], $0xffff;
	v26 =	vor.u32 v26, v9  }
0x178: {  	v11 =	vadd.s32 $0x2710, v11;
	v15 =	vand.u32 $0x7, v15;
	v16 =	vor.u32 v16, v28;
	v9 =	vld.idx.msk [tilespmem:v19+s2+$0x0], $0xffff  }
0x179: {  	v3 =	vadd.s32 $0x2710, v3;
	v19 =	vand.u32 $0x1FFF8, v30;
	v29 =	vld.idx.msk [tilespmem:v14+s2+$0x0], $0xffff;
	v14 =	vadd.s32 $0x2710, v10  }
0x17a: {  	v61 =	vld.idx.msk [tilespmem:v5+s2+$0x0], $0xffff;
	v10 =	vand.u32 $0x7, v10;
	v5 =	vand.u32 $0x1FFF8, v14;
	v14 =	vor.u32 v15, v19  }
0x17b: {  	v19 =	vld.idx.msk [tilespmem:v6+s28+$0x0], $0xffff;
	v6 =	vand.u32 $0x1FFF8, v11;
	v10 =	vor.u32 v10, v5;
	v5 =	vadd.s32 $0x2710, v62  }
0x17c: {  	v26 =	vld.idx.msk [tilespmem:v26+s28+$0x0], $0xffff;
	v15 =	vor.u32 v27, v6;
	v6 =	vand.u32 $0x7, v62;
	v5 =	vand.u32 $0x1FFF8, v5  }
0x17d: {  	v33 =	vor.u32 v6, v5;
	v6 =	vadd.s32 $0x2710, v8;
	v5 =	vld.idx.msk [tilespmem:v16+s28+$0x0], $0xffff;
	v8 =	vand.u32 $0x7, v8  }
0x17e: {  	v16 =	vand.u32 $0xFFFF, v12;
	v12 =	vadd.bf16 v17, v13;
	v13 =	vld.idx.msk [tilespmem:v62+s28+$0x0], $0xffff;
	v11 =	vand.u32 $0x1FFF8, v6  }
0x17f: {  	v6 =	vld.idx.msk [tilespmem:v14+s28+$0x0], $0xffff;
	v34 =	vor.u32 v8, v11;
	v11 =	vimm.bf16 $0.0e+00  }
0x180: {  	v8 =	vadd.bf16 v18, v20;
	v20 =	vadd.s32 $0x2710, v16;
	v14 =	vadd.bf16 v24, v23;
	v10 =	vld.idx.msk [tilespmem:v10+s28+$0x0], $0xffff  }
0x181: {  	v22 =	vadd.bf16 v22, v32;
	v15 =	vld.idx.msk [tilespmem:v15+s28+$0x0], $0xffff;
	v18 =	vmax.bf16 v11, v12  }
0x182: {  	v23 =	vadd.bf16 v63, v25;
	v12 =	vadd.bf16 v19, v61;
	v19 =	vmax.bf16 v18, v14;
	v18 =	vld.idx.msk [tilespmem:v3+s2+$0x0], $0xffff  }
0x183: {  	v7 =	vand.u32 $0xFFFF, v7;
	v21 =	vadd.bf16 v31, v21;
	v8 =	vmax.bf16 v11, v8;
	v17 =	vld.idx.msk [tilespmem:v33+s28+$0x0], $0xffff  }
0x184: {  	v14 =	vadd.bf16 v26, v4;
	v8 =	vmax.bf16 v8, v22;
	v3 =	vmax.bf16 v19, v23;
	v19 =	vld.idx.msk [tilespmem:v34+s28+$0x0], $0xffff  }
0x185: {  	s13 =	simm.s32 $0x8000;
	s12 =	sshll.u32 s10, $0x4;
	v3 =	vmax.bf16 v3, v21;
	v20 =	vld.idx.msk [tilespmem:v20+s2+$0x0], $0xffff;
	v4 =	vadd.bf16 v10, v29;
	v10 =	vimm.bf16 $0.0e+00  }
.LBB2_15:
0x186: {  	s14 =	sshra.s32 s13, $0x2;
	p0 =	sne.s32 s13, $0x18000;
	s13 =	sadd.s32 $0x8000, s13;
	v16 =	vld.idx.msk [tilespmem:v16+s2+$0x0], $0xffff  }
0x187: {  	v21 =	vld.idx.msk [tilespmem:v0+s14+$0xFFFFF000 ss:$0x1], $0xffff  }
0x188: {  	v22 =	vld.idx.msk [tilespmem:v0+s14+$0xFFFFF400 ss:$0x1], $0xffff  }
0x189: {  	v15 =	vadd.bf16 v15, v18;
	v23 =	vld.idx.msk [tilespmem:v0+s14+$0xFFFFF800 ss:$0x1], $0xffff  }
0x18a: {  	v24 =	vadd.s32 $0x2710, v2;
	v19 =	vadd.bf16 v19, v9;
	v18 =	vld.idx.msk [tilespmem:v0+s14+$0xFFFFFC00 ss:$0x1], $0xffff  }
0x18b: {  	v25 =	vadd.s32 $0x2710, v7;
	v17 =	vadd.bf16 v17, v20;
	v9 =	vld.idx.msk [tilespmem:v0+s14+$0x0 ss:$0x1], $0xffff  }
0x18c: {  	v11 =	vmax.bf16 v11, v12;
	v2 =	vmax.bf16 v10, v14;
	v12 =	vadd.bf16 v13, v16;
	v20 =	vld.idx.msk [tilespmem:v0+s14+$0x400 ss:$0x1], $0xffff  }
0x18d: {  	v15 =	vmax.bf16 v2, v15;
	v10 =	vshrl.u32 v21, $0x10;
	v13 =	vand.u32 $0xFFFF, v21;
	v14 =	vld.idx.msk [tilespmem:v0+s14+$0x800 ss:$0x1], $0xffff  }
0x18e: {  	v16 =	vadd.s32 $0x2710, v13;
	v2 =	vadd.s32 $0x2710, v10;
	v21 =	vshrl.u32 v22, $0x10;
	v26 =	vld.idx.msk [tilespmem:v0+s14+$0xC00 ss:$0x1], $0xffff  }
0x18f: {  	v22 =	vand.u32 $0xFFFF, v22;
	v27 =	vand.u32 $0x1FFF8, v2;
	v2 =	vand.u32 $0xFFFF, v23;
	v24 =	vld.idx.msk [tilespmem:v24+s2+$0x0], $0xffff  }
0x190: {  	v28 =	vand.u32 $0x7, v21;
	v29 =	vadd.s32 $0x2710, v21;
	v30 =	vshrl.u32 v18, $0x10;
	v25 =	vld.idx.msk [tilespmem:v25+s2+$0x0], $0xffff  }
0x191: {  	v23 =	vshrl.u32 v23, $0x10;
	v31 =	vand.u32 $0x7, v30;
	v32 =	vand.u32 $0xFFFF, v9;
	v7 =	vld.idx.msk [tilespmem:v7+s2+$0x0], $0xffff  }
0x192: {  	v33 =	vadd.s32 $0x2710, v22;
	v34 =	vadd.s32 $0x2710, v30;
	v35 =	vshrl.u32 v20, $0x10;
	v13 =	vld.idx.msk [tilespmem:v13+s2+$0x0], $0xffff  }
0x193: {  	v36 =	vand.u32 $0x7, v10;
	v38 =	vshrl.u32 v14, $0x10;
	v37 =	vld.idx.msk [tilespmem:v10+s28+$0x0], $0xffff;
	v10 =	vand.u32 $0xFFFF, v14  }
0x194: {  	v18 =	vand.u32 $0xFFFF, v18;
	v39 =	vadd.s32 $0x2710, v38;
	v14 =	vld.idx.msk [tilespmem:v21+s28+$0x0], $0xffff;
	v21 =	vadd.s32 $0x2710, v23  }
0x195: {  	v40 =	vadd.s32 $0x2710, v10;
	v39 =	vand.u32 $0x1FFF8, v39;
	v5 =	vadd.bf16 v5, v24;
	v22 =	vld.idx.msk [tilespmem:v22+s2+$0x0], $0xffff  }
0x196: {  	v41 =	vand.u32 $0x7, v38;
	v6 =	vadd.bf16 v6, v25;
	v24 =	vld.idx.msk [tilespmem:v30+s28+$0x0], $0xffff;
	v30 =	vadd.s32 $0x2710, v35  }
0x197: {  	v7 =	vadd.bf16 v1, v7;
	v25 =	vld.idx.msk [tilespmem:v33+s2+$0x0], $0xffff;
	v33 =	vand.u32 $0x7, v35;
	v30 =	vand.u32 $0x1FFF8, v30  }
0x198: {  	v42 =	vand.u32 $0x7, v23;
	v34 =	vand.u32 $0x1FFF8, v34;
	v1 =	vld.idx.msk [tilespmem:v35+s28+$0x0], $0xffff;
	v30 =	vor.u32 v33, v30  }
0x199: {  	v21 =	vand.u32 $0x1FFF8, v21;
	v6 =	vmax.bf16 v15, v6;
	v33 =	vor.u32 v41, v39;
	v23 =	vld.idx.msk [tilespmem:v23+s28+$0x0], $0xffff  }
0x19a: {  	v15 =	vor.u32 v31, v34;
	v35 =	vadd.s32 $0x2710, v18;
	v31 =	vld.idx.msk [tilespmem:v32+s2+$0x0], $0xffff;
	v32 =	vadd.s32 $0x2710, v32  }
0x19b: {  	v27 =	vor.u32 v36, v27;
	v21 =	vor.u32 v42, v21;
	v8 =	vmax.bf16 v8, v7;
	v34 =	vld.idx.msk [tilespmem:v10+s2+$0x0], $0xffff  }
0x19c: {  	v29 =	vand.u32 $0x1FFF8, v29;
	v39 =	vshrl.u32 v26, $0x10;
	v10 =	vmax.bf16 v6, v17;
	v36 =	vld.idx.msk [tilespmem:v2+s2+$0x0], $0xffff  }
0x19d: {  	v7 =	vand.u32 $0xFFFF, v20;
	v8 =	vmax.bf16 v8, v12;
	v14 =	vadd.bf16 v14, v22;
	v20 =	vld.idx.msk [tilespmem:v40+s2+$0x0], $0xffff  }
0x19e: {  	v17 =	vadd.bf16 v37, v13;
	v6 =	vor.u32 v28, v29;
	v13 =	vand.u32 $0x7, v39;
	v12 =	vld.idx.msk [tilespmem:v38+s28+$0x0], $0xffff  }
0x19f: {  	v5 =	vmax.bf16 v11, v5;
	v22 =	vshrl.u32 v9, $0x10;
	v28 =	vadd.s32 $0x2710, v39;
	v9 =	vld.idx.msk [tilespmem:v32+s2+$0x0], $0xffff  }
0x1a0: {  	v5 =	vmax.bf16 v5, v19;
	v29 =	vand.u32 $0x7, v22;
	v11 =	vadd.s32 $0x2710, v22;
	v16 =	vld.idx.msk [tilespmem:v16+s2+$0x0], $0xffff  }
0x1a1: {  	v28 =	vand.u32 $0x1FFF8, v28;
	v19 =	vld.idx.msk [tilespmem:v27+s28+$0x0], $0xffff;
	v27 =	vand.u32 $0x1FFF8, v11;
	v11 =	vmax.bf16 v5, v4  }
0x1a2: {  	v4 =	vadd.bf16 v23, v36;
	v18 =	vld.idx.msk [tilespmem:v18+s2+$0x0], $0xffff;
	v23 =	vor.u32 v29, v27;
	v27 =	vor.u32 v13, v28  }
0x1a3: {  	v13 =	vld.idx.msk [tilespmem:v6+s28+$0x0], $0xffff  }
0x1a4: {  	v22 =	vld.idx.msk [tilespmem:v22+s28+$0x0], $0xffff  }
0x1a5: {  	v5 =	vld.idx.msk [tilespmem:v21+s28+$0x0], $0xffff;
	v21 =	vadd.bf16 v12, v34  }
0x1a6: {  	v6 =	vld.idx.msk [tilespmem:v30+s28+$0x0], $0xffff  }
0x1a7: {  	v12 =	vadd.bf16 v19, v16;
	v16 =	vand.u32 $0xFFFF, v26;
	v28 =	vld.idx.msk [tilespmem:v33+s28+$0x0], $0xffff  }
0x1a8: {  	v8 =	vmax.bf16 v8, v14;
	v18 =	vadd.bf16 v24, v18;
	v24 =	vadd.s32 $0x2710, v16;
	v15 =	vld.idx.msk [tilespmem:v15+s28+$0x0], $0xffff  }
.Ltmp6:
0x1a9: {  	v14 =	vadd.bf16 v13, v25;
	v13 =	vld.idx.msk [tilespmem:v39+s28+$0x0], $0xffff;
	(pc) =	sbr.rel @p0 .LBB2_15-.Ltmp6, $4  }
0x1aa: {  	v3 =	vmax.bf16 v3, v17;
	v8 =	vmax.bf16 v8, v18;
	v19 =	vadd.bf16 v22, v31;
	v17 =	vld.idx.msk [tilespmem:v27+s28+$0x0], $0xffff  }
0x1ab: {  	v3 =	vmax.bf16 v3, v4;
	v18 =	vld.idx.msk [tilespmem:v35+s2+$0x0], $0xffff  }
0x1ac: {  	v3 =	vmax.bf16 v3, v19;
	v19 =	vld.idx.msk [tilespmem:v23+s28+$0x0], $0xffff  }
0x1ad: {  	v3 =	vmax.bf16 v3, v21;
	v4 =	vadd.bf16 v28, v20;
	v20 =	vld.idx.msk [tilespmem:v24+s2+$0x0], $0xffff  }
0x1ae: {  	_ = 	snop  }
0x1af: {  	v0 =	vadd.s32 $0x2710, v2  }
0x1b0: {  	v58 =	vadd.s32 $0x2710, v7;
	_ =	sdelay $0x1  }
0x1b1: {  	v16 =	vld.idx.msk [tilespmem:v16+s2+$0x0], $0xffff  }
0x1b2: {  	v59 =	vld.idx.msk [tilespmem:v7+s2+$0x0], $0xffff  }
0x1b3: {  	v0 =	vld.idx.msk [tilespmem:v0+s2+$0x0], $0xffff  }
0x1b4: {  	v2 =	vld.idx.msk [tilespmem:v58+s2+$0x0], $0xffff;
	_ =	sdelay $0x1  }
0x1b5: {  	v15 =	vadd.bf16 v15, v18  }
0x1b6: {  	v60 =	vmax.bf16 v11, v12;
	v9 =	vadd.bf16 v19, v9;
	v1 =	vadd.bf16 v1, v59  }
0x1b7: {  	v62 =	vmax.bf16 v10, v14;
	v61 =	vadd.bf16 v13, v16;
	v0 =	vadd.bf16 v5, v0  }
0x1b8: {  	v17 =	vadd.bf16 v17, v20;
	v1 =	vmax.bf16 v8, v1;
	v2 =	vadd.bf16 v6, v2  }
0x1b9: {  	s10 =	sadd.s32 $0x1, s10;
	v1 =	vmax.bf16 v1, v61;
	v5 =	vmax.bf16 v62, v15;
	v0 =	vmax.bf16 v60, v0  }
0x1ba: {  	p0 =	sne.s32 s10, $0x40;
	v1 =	vmax.bf16 v3, v1;
	v2 =	vmax.bf16 v5, v2;
	v0 =	vmax.bf16 v0, v9  }
.Ltmp7:
0x1bb: {  	v3 =	vshll.u32 v1, $0x10;
	v2 =	vmax.bf16 v2, v17;
	v0 =	vmax.bf16 v0, v4;
	(pc) =	sbr.rel @p0 .LBB2_14-.Ltmp7, $4  }
0x1bc: {  	v1 =	vand.u32 $0xFFFF0000, v1;
	[tilespmem:s12+$0x1AC40] =	vst v3;
	v0 =	vmax.bf16 v0, v2  }
0x1bd: {  	[tilespmem:s12+$0x1B040] =	vst v1;
	v63 =	vshll.u32 v0, $0x10  }
0x1be: {  	v0 =	vand.u32 $0xFFFF0000, v0;
	[tilespmem:s12+$0x1B440] =	vst v63  }
0x1bf: {  	s11 =	sadd.s32 $0x10, s11;
	[tilespmem:s12+$0x1B840] =	vst v0  }
0x1c0: {  	s10 =	rddreg [dreg:$0xc]  }
0x1c1: {  	[hbm4b:s10+s29] =	stream.strided.scatter [tilespmem:s5], [sflag:$0x4], $0x1000, s30, s29, $0x38;
	[tilespmem:$0x1BC40] =	vst v63  }
0x1c2: {  	s14 =	rddreg [dreg:$0xd]  }
0x1c3: {  	[tilespmem:s0], [sflag:$0x2] =	stream.strided.gather [hbm4b:s14+s29], $0x8000, s30, s29, $0x38;
	[tilespmem:$0x1BC40] =	vst v63  }
0x1c4: {  	_ =	swait.ge [sflag:s1], $0x8000  }
0x1c5: {  	[sflag:s1] =	ssyncset.done $0x0  }
0x1c6: {  	[sflag:s1] =	ssyncadd.s32 $0xFFFF8000  }
0x1c7: {  	_ =	swait.ge [sflag:s6], $0x1000  }
0x1c8: {  	[sflag:s6] =	ssyncset.done $0x0  }
0x1c9: {  	s11 =	simm.s32 $0xAC40;
	s10 =	simm.s32 $0x0;
	[sflag:s6] =	ssyncadd.s32 $0xFFFFF000  }
.LBB2_18:
0x1ca: {  	v0 =	vmov s11;
	_ =	sdelay $0x3  }
0x1cb: {  	s12 =	simm.s32 $0x0  }
0x1cc: {  	v1 =	vld.idx.msk [tilespmem:v0+s12+$0xFFFFF000 ss:$0x1], $0xffff;
	_ =	sdelay $0x1  }
0x1cd: {  	v2 =	vld.idx.msk [tilespmem:v0+s12+$0xFFFFF400 ss:$0x1], $0xffff;
	_ =	sdelay $0x1  }
0x1ce: {  	v3 =	vld.idx.msk [tilespmem:v0+s12+$0xFFFFFC00 ss:$0x1], $0xffff  }
0x1cf: {  	v7 =	vld.idx.msk [tilespmem:v0+s12+$0x400 ss:$0x1], $0xffff;
	v5 =	vand.u32 $0xFFFF, v1  }
0x1d0: {  	v4 =	vld.idx.msk [tilespmem:v0+s12+$0xFFFFF800 ss:$0x1], $0xffff;
	v6 =	vshrl.u32 v1, $0x10  }
0x1d1: {  	v8 =	vld.idx.msk [tilespmem:v0+s12+$0x0 ss:$0x1], $0xffff;
	v9 =	vshrl.u32 v2, $0x10  }
0x1d2: {  	v10 =	vld.idx.msk [tilespmem:v0+s12+$0x800 ss:$0x1], $0xffff;
	v1 =	vand.u32 $0xFFFF, v2  }
0x1d3: {  	v12 =	vld.idx.msk [tilespmem:v0+s12+$0xC00 ss:$0x1], $0xffff;
	v11 =	vshrl.u32 v3, $0x10  }
0x1d4: {  	v15 =	vshrl.u32 v7, $0x10;
	v13 =	vld.idx.msk [tilespmem:v5+s2+$0x0], $0xffff  }
0x1d5: {  	v16 =	vshrl.u32 v4, $0x10;
	v17 =	vld.idx.msk [tilespmem:v6+s28+$0x0], $0xffff  }
0x1d6: {  	v19 =	vand.u32 $0xFFFF, v8;
	v18 =	vld.idx.msk [tilespmem:v9+s28+$0x0], $0xffff  }
0x1d7: {  	v21 =	vand.u32 $0xFFFF, v10;
	v10 =	vshrl.u32 v10, $0x10;
	v20 =	vld.idx.msk [tilespmem:v1+s2+$0x0], $0xffff  }
0x1d8: {  	v3 =	vand.u32 $0xFFFF, v3;
	v22 =	vld.idx.msk [tilespmem:v11+s28+$0x0], $0xffff  }
0x1d9: {  	v14 =	vadd.s32 $0x2710, v1;
	v1 =	vld.idx.msk [tilespmem:v15+s28+$0x0], $0xffff  }
0x1da: {  	v8 =	vshrl.u32 v8, $0x10;
	v24 =	vld.idx.msk [tilespmem:v16+s28+$0x0], $0xffff  }
0x1db: {  	v25 =	vld.idx.msk [tilespmem:v19+s2+$0x0], $0xffff  }
0x1dc: {  	v2 =	vand.u32 $0xFFFF, v4;
	v62 =	vshrl.u32 v12, $0x10;
	v23 =	vadd.s32 $0x2710, v6;
	v31 =	vld.idx.msk [tilespmem:v10+s28+$0x0], $0xffff  }
0x1dd: {  	v26 =	vand.u32 $0x7, v9;
	v27 =	vand.u32 $0x7, v11;
	v19 =	vadd.s32 $0x2710, v19;
	v32 =	vld.idx.msk [tilespmem:v3+s2+$0x0], $0xffff  }
0x1de: {  	v28 =	vadd.s32 $0x2710, v16;
	v23 =	vand.u32 $0x1FFF8, v23;
	v4 =	vld.idx.msk [tilespmem:v14+s2+$0x0], $0xffff;
	v14 =	vadd.s32 $0x2710, v21  }
0x1df: {  	v5 =	vadd.s32 $0x2710, v5;
	v9 =	vadd.s32 $0x2710, v9;
	v6 =	vand.u32 $0x7, v6;
	v63 =	vld.idx.msk [tilespmem:v8+s28+$0x0], $0xffff  }
0x1e0: {  	v30 =	vadd.s32 $0x2710, v15;
	v21 =	vld.idx.msk [tilespmem:v21+s2+$0x0], $0xffff;
	v6 =	vor.u32 v6, v23;
	v9 =	vand.u32 $0x1FFF8, v9  }
0x1e1: {  	v28 =	vand.u32 $0x1FFF8, v28;
	v16 =	vand.u32 $0x7, v16;
	v23 =	vld.idx.msk [tilespmem:v2+s2+$0x0], $0xffff;
	v26 =	vor.u32 v26, v9  }
0x1e2: {  	v11 =	vadd.s32 $0x2710, v11;
	v15 =	vand.u32 $0x7, v15;
	v16 =	vor.u32 v16, v28;
	v9 =	vld.idx.msk [tilespmem:v19+s2+$0x0], $0xffff  }
0x1e3: {  	v3 =	vadd.s32 $0x2710, v3;
	v19 =	vand.u32 $0x1FFF8, v30;
	v29 =	vld.idx.msk [tilespmem:v14+s2+$0x0], $0xffff;
	v14 =	vadd.s32 $0x2710, v10  }
0x1e4: {  	v61 =	vld.idx.msk [tilespmem:v5+s2+$0x0], $0xffff;
	v10 =	vand.u32 $0x7, v10;
	v5 =	vand.u32 $0x1FFF8, v14;
	v14 =	vor.u32 v15, v19  }
0x1e5: {  	v19 =	vld.idx.msk [tilespmem:v6+s28+$0x0], $0xffff;
	v6 =	vand.u32 $0x1FFF8, v11;
	v10 =	vor.u32 v10, v5;
	v5 =	vadd.s32 $0x2710, v62  }
0x1e6: {  	v26 =	vld.idx.msk [tilespmem:v26+s28+$0x0], $0xffff;
	v15 =	vor.u32 v27, v6;
	v6 =	vand.u32 $0x7, v62;
	v5 =	vand.u32 $0x1FFF8, v5  }
0x1e7: {  	v33 =	vor.u32 v6, v5;
	v6 =	vadd.s32 $0x2710, v8;
	v5 =	vld.idx.msk [tilespmem:v16+s28+$0x0], $0xffff;
	v8 =	vand.u32 $0x7, v8  }
0x1e8: {  	v16 =	vand.u32 $0xFFFF, v12;
	v12 =	vadd.bf16 v17, v13;
	v13 =	vld.idx.msk [tilespmem:v62+s28+$0x0], $0xffff;
	v11 =	vand.u32 $0x1FFF8, v6  }
0x1e9: {  	v6 =	vld.idx.msk [tilespmem:v14+s28+$0x0], $0xffff;
	v34 =	vor.u32 v8, v11;
	v11 =	vimm.bf16 $0.0e+00  }
0x1ea: {  	v8 =	vadd.bf16 v18, v20;
	v20 =	vadd.s32 $0x2710, v16;
	v14 =	vadd.bf16 v24, v23;
	v10 =	vld.idx.msk [tilespmem:v10+s28+$0x0], $0xffff  }
0x1eb: {  	v22 =	vadd.bf16 v22, v32;
	v15 =	vld.idx.msk [tilespmem:v15+s28+$0x0], $0xffff;
	v18 =	vmax.bf16 v11, v12  }
0x1ec: {  	v23 =	vadd.bf16 v63, v25;
	v12 =	vadd.bf16 v19, v61;
	v19 =	vmax.bf16 v18, v14;
	v18 =	vld.idx.msk [tilespmem:v3+s2+$0x0], $0xffff  }
0x1ed: {  	v7 =	vand.u32 $0xFFFF, v7;
	v21 =	vadd.bf16 v31, v21;
	v8 =	vmax.bf16 v11, v8;
	v17 =	vld.idx.msk [tilespmem:v33+s28+$0x0], $0xffff  }
0x1ee: {  	v14 =	vadd.bf16 v26, v4;
	v8 =	vmax.bf16 v8, v22;
	v3 =	vmax.bf16 v19, v23;
	v19 =	vld.idx.msk [tilespmem:v34+s28+$0x0], $0xffff  }
0x1ef: {  	s13 =	simm.s32 $0x8000;
	s12 =	sshll.u32 s10, $0x4;
	v3 =	vmax.bf16 v3, v21;
	v20 =	vld.idx.msk [tilespmem:v20+s2+$0x0], $0xffff;
	v4 =	vadd.bf16 v10, v29;
	v10 =	vimm.bf16 $0.0e+00  }
.LBB2_19:
0x1f0: {  	s14 =	sshra.s32 s13, $0x2;
	p0 =	sne.s32 s13, $0x18000;
	s13 =	sadd.s32 $0x8000, s13;
	v16 =	vld.idx.msk [tilespmem:v16+s2+$0x0], $0xffff  }
0x1f1: {  	v21 =	vld.idx.msk [tilespmem:v0+s14+$0xFFFFF000 ss:$0x1], $0xffff  }
0x1f2: {  	v22 =	vld.idx.msk [tilespmem:v0+s14+$0xFFFFF400 ss:$0x1], $0xffff  }
0x1f3: {  	v15 =	vadd.bf16 v15, v18;
	v23 =	vld.idx.msk [tilespmem:v0+s14+$0xFFFFF800 ss:$0x1], $0xffff  }
0x1f4: {  	v24 =	vadd.s32 $0x2710, v2;
	v19 =	vadd.bf16 v19, v9;
	v18 =	vld.idx.msk [tilespmem:v0+s14+$0xFFFFFC00 ss:$0x1], $0xffff  }
0x1f5: {  	v25 =	vadd.s32 $0x2710, v7;
	v17 =	vadd.bf16 v17, v20;
	v9 =	vld.idx.msk [tilespmem:v0+s14+$0x0 ss:$0x1], $0xffff  }
0x1f6: {  	v11 =	vmax.bf16 v11, v12;
	v2 =	vmax.bf16 v10, v14;
	v12 =	vadd.bf16 v13, v16;
	v20 =	vld.idx.msk [tilespmem:v0+s14+$0x400 ss:$0x1], $0xffff  }
0x1f7: {  	v15 =	vmax.bf16 v2, v15;
	v10 =	vshrl.u32 v21, $0x10;
	v13 =	vand.u32 $0xFFFF, v21;
	v14 =	vld.idx.msk [tilespmem:v0+s14+$0x800 ss:$0x1], $0xffff  }
0x1f8: {  	v16 =	vadd.s32 $0x2710, v13;
	v2 =	vadd.s32 $0x2710, v10;
	v21 =	vshrl.u32 v22, $0x10;
	v26 =	vld.idx.msk [tilespmem:v0+s14+$0xC00 ss:$0x1], $0xffff  }
0x1f9: {  	v22 =	vand.u32 $0xFFFF, v22;
	v27 =	vand.u32 $0x1FFF8, v2;
	v2 =	vand.u32 $0xFFFF, v23;
	v24 =	vld.idx.msk [tilespmem:v24+s2+$0x0], $0xffff  }
0x1fa: {  	v28 =	vand.u32 $0x7, v21;
	v29 =	vadd.s32 $0x2710, v21;
	v30 =	vshrl.u32 v18, $0x10;
	v25 =	vld.idx.msk [tilespmem:v25+s2+$0x0], $0xffff  }
0x1fb: {  	v23 =	vshrl.u32 v23, $0x10;
	v31 =	vand.u32 $0x7, v30;
	v32 =	vand.u32 $0xFFFF, v9;
	v7 =	vld.idx.msk [tilespmem:v7+s2+$0x0], $0xffff  }
0x1fc: {  	v33 =	vadd.s32 $0x2710, v22;
	v34 =	vadd.s32 $0x2710, v30;
	v35 =	vshrl.u32 v20, $0x10;
	v13 =	vld.idx.msk [tilespmem:v13+s2+$0x0], $0xffff  }
0x1fd: {  	v36 =	vand.u32 $0x7, v10;
	v38 =	vshrl.u32 v14, $0x10;
	v37 =	vld.idx.msk [tilespmem:v10+s28+$0x0], $0xffff;
	v10 =	vand.u32 $0xFFFF, v14  }
0x1fe: {  	v18 =	vand.u32 $0xFFFF, v18;
	v39 =	vadd.s32 $0x2710, v38;
	v14 =	vld.idx.msk [tilespmem:v21+s28+$0x0], $0xffff;
	v21 =	vadd.s32 $0x2710, v23  }
0x1ff: {  	v40 =	vadd.s32 $0x2710, v10;
	v39 =	vand.u32 $0x1FFF8, v39;
	v5 =	vadd.bf16 v5, v24;
	v22 =	vld.idx.msk [tilespmem:v22+s2+$0x0], $0xffff  }
0x200: {  	v41 =	vand.u32 $0x7, v38;
	v6 =	vadd.bf16 v6, v25;
	v24 =	vld.idx.msk [tilespmem:v30+s28+$0x0], $0xffff;
	v30 =	vadd.s32 $0x2710, v35  }
0x201: {  	v7 =	vadd.bf16 v1, v7;
	v25 =	vld.idx.msk [tilespmem:v33+s2+$0x0], $0xffff;
	v33 =	vand.u32 $0x7, v35;
	v30 =	vand.u32 $0x1FFF8, v30  }
0x202: {  	v42 =	vand.u32 $0x7, v23;
	v34 =	vand.u32 $0x1FFF8, v34;
	v1 =	vld.idx.msk [tilespmem:v35+s28+$0x0], $0xffff;
	v30 =	vor.u32 v33, v30  }
0x203: {  	v21 =	vand.u32 $0x1FFF8, v21;
	v6 =	vmax.bf16 v15, v6;
	v33 =	vor.u32 v41, v39;
	v23 =	vld.idx.msk [tilespmem:v23+s28+$0x0], $0xffff  }
0x204: {  	v15 =	vor.u32 v31, v34;
	v35 =	vadd.s32 $0x2710, v18;
	v31 =	vld.idx.msk [tilespmem:v32+s2+$0x0], $0xffff;
	v32 =	vadd.s32 $0x2710, v32  }
0x205: {  	v27 =	vor.u32 v36, v27;
	v21 =	vor.u32 v42, v21;
	v8 =	vmax.bf16 v8, v7;
	v34 =	vld.idx.msk [tilespmem:v10+s2+$0x0], $0xffff  }
0x206: {  	v29 =	vand.u32 $0x1FFF8, v29;
	v39 =	vshrl.u32 v26, $0x10;
	v10 =	vmax.bf16 v6, v17;
	v36 =	vld.idx.msk [tilespmem:v2+s2+$0x0], $0xffff  }
0x207: {  	v7 =	vand.u32 $0xFFFF, v20;
	v8 =	vmax.bf16 v8, v12;
	v14 =	vadd.bf16 v14, v22;
	v20 =	vld.idx.msk [tilespmem:v40+s2+$0x0], $0xffff  }
0x208: {  	v17 =	vadd.bf16 v37, v13;
	v6 =	vor.u32 v28, v29;
	v13 =	vand.u32 $0x7, v39;
	v12 =	vld.idx.msk [tilespmem:v38+s28+$0x0], $0xffff  }
0x209: {  	v5 =	vmax.bf16 v11, v5;
	v22 =	vshrl.u32 v9, $0x10;
	v28 =	vadd.s32 $0x2710, v39;
	v9 =	vld.idx.msk [tilespmem:v32+s2+$0x0], $0xffff  }
0x20a: {  	v5 =	vmax.bf16 v5, v19;
	v29 =	vand.u32 $0x7, v22;
	v11 =	vadd.s32 $0x2710, v22;
	v16 =	vld.idx.msk [tilespmem:v16+s2+$0x0], $0xffff  }
0x20b: {  	v28 =	vand.u32 $0x1FFF8, v28;
	v19 =	vld.idx.msk [tilespmem:v27+s28+$0x0], $0xffff;
	v27 =	vand.u32 $0x1FFF8, v11;
	v11 =	vmax.bf16 v5, v4  }
0x20c: {  	v4 =	vadd.bf16 v23, v36;
	v18 =	vld.idx.msk [tilespmem:v18+s2+$0x0], $0xffff;
	v23 =	vor.u32 v29, v27;
	v27 =	vor.u32 v13, v28  }
0x20d: {  	v13 =	vld.idx.msk [tilespmem:v6+s28+$0x0], $0xffff  }
0x20e: {  	v22 =	vld.idx.msk [tilespmem:v22+s28+$0x0], $0xffff  }
0x20f: {  	v5 =	vld.idx.msk [tilespmem:v21+s28+$0x0], $0xffff;
	v21 =	vadd.bf16 v12, v34  }
0x210: {  	v6 =	vld.idx.msk [tilespmem:v30+s28+$0x0], $0xffff  }
0x211: {  	v12 =	vadd.bf16 v19, v16;
	v16 =	vand.u32 $0xFFFF, v26;
	v28 =	vld.idx.msk [tilespmem:v33+s28+$0x0], $0xffff  }
0x212: {  	v8 =	vmax.bf16 v8, v14;
	v18 =	vadd.bf16 v24, v18;
	v24 =	vadd.s32 $0x2710, v16;
	v15 =	vld.idx.msk [tilespmem:v15+s28+$0x0], $0xffff  }
.Ltmp8:
0x213: {  	v14 =	vadd.bf16 v13, v25;
	v13 =	vld.idx.msk [tilespmem:v39+s28+$0x0], $0xffff;
	(pc) =	sbr.rel @p0 .LBB2_19-.Ltmp8, $4  }
0x214: {  	v3 =	vmax.bf16 v3, v17;
	v8 =	vmax.bf16 v8, v18;
	v19 =	vadd.bf16 v22, v31;
	v17 =	vld.idx.msk [tilespmem:v27+s28+$0x0], $0xffff  }
0x215: {  	v3 =	vmax.bf16 v3, v4;
	v18 =	vld.idx.msk [tilespmem:v35+s2+$0x0], $0xffff  }
0x216: {  	v3 =	vmax.bf16 v3, v19;
	v19 =	vld.idx.msk [tilespmem:v23+s28+$0x0], $0xffff  }
0x217: {  	v3 =	vmax.bf16 v3, v21;
	v4 =	vadd.bf16 v28, v20;
	v20 =	vld.idx.msk [tilespmem:v24+s2+$0x0], $0xffff  }
0x218: {  	_ = 	snop  }
0x219: {  	v0 =	vadd.s32 $0x2710, v2  }
0x21a: {  	v58 =	vadd.s32 $0x2710, v7;
	_ =	sdelay $0x1  }
0x21b: {  	v16 =	vld.idx.msk [tilespmem:v16+s2+$0x0], $0xffff  }
0x21c: {  	v59 =	vld.idx.msk [tilespmem:v7+s2+$0x0], $0xffff  }
0x21d: {  	v0 =	vld.idx.msk [tilespmem:v0+s2+$0x0], $0xffff  }
0x21e: {  	v2 =	vld.idx.msk [tilespmem:v58+s2+$0x0], $0xffff;
	_ =	sdelay $0x1  }
0x21f: {  	v15 =	vadd.bf16 v15, v18  }
0x220: {  	v60 =	vmax.bf16 v11, v12;
	v9 =	vadd.bf16 v19, v9;
	v1 =	vadd.bf16 v1, v59  }
0x221: {  	v62 =	vmax.bf16 v10, v14;
	v61 =	vadd.bf16 v13, v16;
	v0 =	vadd.bf16 v5, v0  }
0x222: {  	v17 =	vadd.bf16 v17, v20;
	v1 =	vmax.bf16 v8, v1;
	v2 =	vadd.bf16 v6, v2  }
0x223: {  	s10 =	sadd.s32 $0x1, s10;
	v1 =	vmax.bf16 v1, v61;
	v5 =	vmax.bf16 v62, v15;
	v0 =	vmax.bf16 v60, v0  }
0x224: {  	p0 =	sne.s32 s10, $0x40;
	v1 =	vmax.bf16 v3, v1;
	v2 =	vmax.bf16 v5, v2;
	v0 =	vmax.bf16 v0, v9  }
.Ltmp9:
0x225: {  	v3 =	vshll.u32 v1, $0x10;
	v2 =	vmax.bf16 v2, v17;
	v0 =	vmax.bf16 v0, v4;
	(pc) =	sbr.rel @p0 .LBB2_18-.Ltmp9, $4  }
0x226: {  	v1 =	vand.u32 $0xFFFF0000, v1;
	[tilespmem:s12+$0x19C40] =	vst v3;
	v0 =	vmax.bf16 v0, v2  }
0x227: {  	[tilespmem:s12+$0x1A040] =	vst v1;
	v63 =	vshll.u32 v0, $0x10  }
0x228: {  	v0 =	vand.u32 $0xFFFF0000, v0;
	[tilespmem:s12+$0x1A440] =	vst v63  }
0x229: {  	s11 =	sadd.s32 $0x10, s11;
	[tilespmem:s12+$0x1A840] =	vst v0  }
0x22a: {  	[hbm4b:s15+s29] =	stream.strided.scatter [tilespmem:s3], [sflag:$0x3], $0x1000, s30, s29, $0x38;
	[tilespmem:$0x1BC40] =	vst v63  }
0x22b: {  	_ = 	snop  }
0x22c: {  	[tilespmem:s31], [sflag:$0x1] =	stream.strided.gather [hbm4b:s16+s29], $0x8000, s30, s29, $0x38;
	[tilespmem:$0x1BC40] =	vst v63  }
0x22d: {  	_ =	swait.ge [sflag:s4], $0x8000  }
0x22e: {  	[sflag:s4] =	ssyncset.done $0x0  }
0x22f: {  	[sflag:s4] =	ssyncadd.s32 $0xFFFF8000  }
0x230: {  	_ =	swait.ge [sflag:s8], $0x1000  }
0x231: {  	[sflag:s8] =	ssyncset.done $0x0  }
0x232: {  	s10 =	simm.s32 $0x0;
	s11 =	simm.s32 $0x12C40;
	[sflag:s8] =	ssyncadd.s32 $0xFFFFF000  }
.LBB2_22:
0x233: {  	v0 =	vmov s11;
	_ =	sdelay $0x3  }
0x234: {  	s12 =	simm.s32 $0x0  }
0x235: {  	v1 =	vld.idx.msk [tilespmem:v0+s12+$0xFFFFF000 ss:$0x1], $0xffff;
	_ =	sdelay $0x1  }
0x236: {  	v2 =	vld.idx.msk [tilespmem:v0+s12+$0xFFFFF400 ss:$0x1], $0xffff;
	_ =	sdelay $0x1  }
0x237: {  	v3 =	vld.idx.msk [tilespmem:v0+s12+$0xFFFFFC00 ss:$0x1], $0xffff  }
0x238: {  	v7 =	vld.idx.msk [tilespmem:v0+s12+$0x400 ss:$0x1], $0xffff;
	v5 =	vand.u32 $0xFFFF, v1  }
0x239: {  	v4 =	vld.idx.msk [tilespmem:v0+s12+$0xFFFFF800 ss:$0x1], $0xffff;
	v6 =	vshrl.u32 v1, $0x10  }
0x23a: {  	v8 =	vld.idx.msk [tilespmem:v0+s12+$0x0 ss:$0x1], $0xffff;
	v9 =	vshrl.u32 v2, $0x10  }
0x23b: {  	v10 =	vld.idx.msk [tilespmem:v0+s12+$0x800 ss:$0x1], $0xffff;
	v1 =	vand.u32 $0xFFFF, v2  }
0x23c: {  	v12 =	vld.idx.msk [tilespmem:v0+s12+$0xC00 ss:$0x1], $0xffff;
	v11 =	vshrl.u32 v3, $0x10  }
0x23d: {  	v15 =	vshrl.u32 v7, $0x10;
	v13 =	vld.idx.msk [tilespmem:v5+s2+$0x0], $0xffff  }
0x23e: {  	v16 =	vshrl.u32 v4, $0x10;
	v17 =	vld.idx.msk [tilespmem:v6+s28+$0x0], $0xffff  }
0x23f: {  	v19 =	vand.u32 $0xFFFF, v8;
	v18 =	vld.idx.msk [tilespmem:v9+s28+$0x0], $0xffff  }
0x240: {  	v21 =	vand.u32 $0xFFFF, v10;
	v10 =	vshrl.u32 v10, $0x10;
	v20 =	vld.idx.msk [tilespmem:v1+s2+$0x0], $0xffff  }
0x241: {  	v3 =	vand.u32 $0xFFFF, v3;
	v22 =	vld.idx.msk [tilespmem:v11+s28+$0x0], $0xffff  }
0x242: {  	v14 =	vadd.s32 $0x2710, v1;
	v1 =	vld.idx.msk [tilespmem:v15+s28+$0x0], $0xffff  }
0x243: {  	v8 =	vshrl.u32 v8, $0x10;
	v24 =	vld.idx.msk [tilespmem:v16+s28+$0x0], $0xffff  }
0x244: {  	v25 =	vld.idx.msk [tilespmem:v19+s2+$0x0], $0xffff  }
0x245: {  	v2 =	vand.u32 $0xFFFF, v4;
	v62 =	vshrl.u32 v12, $0x10;
	v23 =	vadd.s32 $0x2710, v6;
	v31 =	vld.idx.msk [tilespmem:v10+s28+$0x0], $0xffff  }
0x246: {  	v26 =	vand.u32 $0x7, v9;
	v27 =	vand.u32 $0x7, v11;
	v19 =	vadd.s32 $0x2710, v19;
	v32 =	vld.idx.msk [tilespmem:v3+s2+$0x0], $0xffff  }
0x247: {  	v28 =	vadd.s32 $0x2710, v16;
	v23 =	vand.u32 $0x1FFF8, v23;
	v4 =	vld.idx.msk [tilespmem:v14+s2+$0x0], $0xffff;
	v14 =	vadd.s32 $0x2710, v21  }
0x248: {  	v5 =	vadd.s32 $0x2710, v5;
	v9 =	vadd.s32 $0x2710, v9;
	v6 =	vand.u32 $0x7, v6;
	v63 =	vld.idx.msk [tilespmem:v8+s28+$0x0], $0xffff  }
0x249: {  	v30 =	vadd.s32 $0x2710, v15;
	v21 =	vld.idx.msk [tilespmem:v21+s2+$0x0], $0xffff;
	v6 =	vor.u32 v6, v23;
	v9 =	vand.u32 $0x1FFF8, v9  }
0x24a: {  	v28 =	vand.u32 $0x1FFF8, v28;
	v16 =	vand.u32 $0x7, v16;
	v23 =	vld.idx.msk [tilespmem:v2+s2+$0x0], $0xffff;
	v26 =	vor.u32 v26, v9  }
0x24b: {  	v11 =	vadd.s32 $0x2710, v11;
	v15 =	vand.u32 $0x7, v15;
	v16 =	vor.u32 v16, v28;
	v9 =	vld.idx.msk [tilespmem:v19+s2+$0x0], $0xffff  }
0x24c: {  	v3 =	vadd.s32 $0x2710, v3;
	v19 =	vand.u32 $0x1FFF8, v30;
	v29 =	vld.idx.msk [tilespmem:v14+s2+$0x0], $0xffff;
	v14 =	vadd.s32 $0x2710, v10  }
0x24d: {  	v61 =	vld.idx.msk [tilespmem:v5+s2+$0x0], $0xffff;
	v10 =	vand.u32 $0x7, v10;
	v5 =	vand.u32 $0x1FFF8, v14;
	v14 =	vor.u32 v15, v19  }
0x24e: {  	v19 =	vld.idx.msk [tilespmem:v6+s28+$0x0], $0xffff;
	v6 =	vand.u32 $0x1FFF8, v11;
	v10 =	vor.u32 v10, v5;
	v5 =	vadd.s32 $0x2710, v62  }
0x24f: {  	v26 =	vld.idx.msk [tilespmem:v26+s28+$0x0], $0xffff;
	v15 =	vor.u32 v27, v6;
	v6 =	vand.u32 $0x7, v62;
	v5 =	vand.u32 $0x1FFF8, v5  }
0x250: {  	v33 =	vor.u32 v6, v5;
	v6 =	vadd.s32 $0x2710, v8;
	v5 =	vld.idx.msk [tilespmem:v16+s28+$0x0], $0xffff;
	v8 =	vand.u32 $0x7, v8  }
0x251: {  	v16 =	vand.u32 $0xFFFF, v12;
	v12 =	vadd.bf16 v17, v13;
	v13 =	vld.idx.msk [tilespmem:v62+s28+$0x0], $0xffff;
	v11 =	vand.u32 $0x1FFF8, v6  }
0x252: {  	v6 =	vld.idx.msk [tilespmem:v14+s28+$0x0], $0xffff;
	v34 =	vor.u32 v8, v11;
	v11 =	vimm.bf16 $0.0e+00  }
0x253: {  	v8 =	vadd.bf16 v18, v20;
	v20 =	vadd.s32 $0x2710, v16;
	v14 =	vadd.bf16 v24, v23;
	v10 =	vld.idx.msk [tilespmem:v10+s28+$0x0], $0xffff  }
0x254: {  	v22 =	vadd.bf16 v22, v32;
	v15 =	vld.idx.msk [tilespmem:v15+s28+$0x0], $0xffff;
	v18 =	vmax.bf16 v11, v12  }
0x255: {  	v23 =	vadd.bf16 v63, v25;
	v12 =	vadd.bf16 v19, v61;
	v19 =	vmax.bf16 v18, v14;
	v18 =	vld.idx.msk [tilespmem:v3+s2+$0x0], $0xffff  }
0x256: {  	v7 =	vand.u32 $0xFFFF, v7;
	v21 =	vadd.bf16 v31, v21;
	v8 =	vmax.bf16 v11, v8;
	v17 =	vld.idx.msk [tilespmem:v33+s28+$0x0], $0xffff  }
0x257: {  	v14 =	vadd.bf16 v26, v4;
	v8 =	vmax.bf16 v8, v22;
	v3 =	vmax.bf16 v19, v23;
	v19 =	vld.idx.msk [tilespmem:v34+s28+$0x0], $0xffff  }
0x258: {  	s13 =	simm.s32 $0x8000;
	s12 =	sshll.u32 s10, $0x4;
	v3 =	vmax.bf16 v3, v21;
	v20 =	vld.idx.msk [tilespmem:v20+s2+$0x0], $0xffff;
	v4 =	vadd.bf16 v10, v29;
	v10 =	vimm.bf16 $0.0e+00  }
.LBB2_23:
0x259: {  	s14 =	sshra.s32 s13, $0x2;
	p0 =	sne.s32 s13, $0x18000;
	s13 =	sadd.s32 $0x8000, s13;
	v16 =	vld.idx.msk [tilespmem:v16+s2+$0x0], $0xffff  }
0x25a: {  	v21 =	vld.idx.msk [tilespmem:v0+s14+$0xFFFFF000 ss:$0x1], $0xffff  }
0x25b: {  	v22 =	vld.idx.msk [tilespmem:v0+s14+$0xFFFFF400 ss:$0x1], $0xffff  }
0x25c: {  	v15 =	vadd.bf16 v15, v18;
	v23 =	vld.idx.msk [tilespmem:v0+s14+$0xFFFFF800 ss:$0x1], $0xffff  }
0x25d: {  	v24 =	vadd.s32 $0x2710, v2;
	v19 =	vadd.bf16 v19, v9;
	v18 =	vld.idx.msk [tilespmem:v0+s14+$0xFFFFFC00 ss:$0x1], $0xffff  }
0x25e: {  	v25 =	vadd.s32 $0x2710, v7;
	v17 =	vadd.bf16 v17, v20;
	v9 =	vld.idx.msk [tilespmem:v0+s14+$0x0 ss:$0x1], $0xffff  }
0x25f: {  	v11 =	vmax.bf16 v11, v12;
	v2 =	vmax.bf16 v10, v14;
	v12 =	vadd.bf16 v13, v16;
	v20 =	vld.idx.msk [tilespmem:v0+s14+$0x400 ss:$0x1], $0xffff  }
0x260: {  	v15 =	vmax.bf16 v2, v15;
	v10 =	vshrl.u32 v21, $0x10;
	v13 =	vand.u32 $0xFFFF, v21;
	v14 =	vld.idx.msk [tilespmem:v0+s14+$0x800 ss:$0x1], $0xffff  }
0x261: {  	v16 =	vadd.s32 $0x2710, v13;
	v2 =	vadd.s32 $0x2710, v10;
	v21 =	vshrl.u32 v22, $0x10;
	v26 =	vld.idx.msk [tilespmem:v0+s14+$0xC00 ss:$0x1], $0xffff  }
0x262: {  	v22 =	vand.u32 $0xFFFF, v22;
	v27 =	vand.u32 $0x1FFF8, v2;
	v2 =	vand.u32 $0xFFFF, v23;
	v24 =	vld.idx.msk [tilespmem:v24+s2+$0x0], $0xffff  }
0x263: {  	v28 =	vand.u32 $0x7, v21;
	v29 =	vadd.s32 $0x2710, v21;
	v30 =	vshrl.u32 v18, $0x10;
	v25 =	vld.idx.msk [tilespmem:v25+s2+$0x0], $0xffff  }
0x264: {  	v23 =	vshrl.u32 v23, $0x10;
	v31 =	vand.u32 $0x7, v30;
	v32 =	vand.u32 $0xFFFF, v9;
	v7 =	vld.idx.msk [tilespmem:v7+s2+$0x0], $0xffff  }
0x265: {  	v33 =	vadd.s32 $0x2710, v22;
	v34 =	vadd.s32 $0x2710, v30;
	v35 =	vshrl.u32 v20, $0x10;
	v13 =	vld.idx.msk [tilespmem:v13+s2+$0x0], $0xffff  }
0x266: {  	v36 =	vand.u32 $0x7, v10;
	v38 =	vshrl.u32 v14, $0x10;
	v37 =	vld.idx.msk [tilespmem:v10+s28+$0x0], $0xffff;
	v10 =	vand.u32 $0xFFFF, v14  }
0x267: {  	v18 =	vand.u32 $0xFFFF, v18;
	v39 =	vadd.s32 $0x2710, v38;
	v14 =	vld.idx.msk [tilespmem:v21+s28+$0x0], $0xffff;
	v21 =	vadd.s32 $0x2710, v23  }
0x268: {  	v40 =	vadd.s32 $0x2710, v10;
	v39 =	vand.u32 $0x1FFF8, v39;
	v5 =	vadd.bf16 v5, v24;
	v22 =	vld.idx.msk [tilespmem:v22+s2+$0x0], $0xffff  }
0x269: {  	v41 =	vand.u32 $0x7, v38;
	v6 =	vadd.bf16 v6, v25;
	v24 =	vld.idx.msk [tilespmem:v30+s28+$0x0], $0xffff;
	v30 =	vadd.s32 $0x2710, v35  }
0x26a: {  	v7 =	vadd.bf16 v1, v7;
	v25 =	vld.idx.msk [tilespmem:v33+s2+$0x0], $0xffff;
	v33 =	vand.u32 $0x7, v35;
	v30 =	vand.u32 $0x1FFF8, v30  }
0x26b: {  	v42 =	vand.u32 $0x7, v23;
	v34 =	vand.u32 $0x1FFF8, v34;
	v1 =	vld.idx.msk [tilespmem:v35+s28+$0x0], $0xffff;
	v30 =	vor.u32 v33, v30  }
0x26c: {  	v21 =	vand.u32 $0x1FFF8, v21;
	v6 =	vmax.bf16 v15, v6;
	v33 =	vor.u32 v41, v39;
	v23 =	vld.idx.msk [tilespmem:v23+s28+$0x0], $0xffff  }
0x26d: {  	v15 =	vor.u32 v31, v34;
	v35 =	vadd.s32 $0x2710, v18;
	v31 =	vld.idx.msk [tilespmem:v32+s2+$0x0], $0xffff;
	v32 =	vadd.s32 $0x2710, v32  }
0x26e: {  	v27 =	vor.u32 v36, v27;
	v21 =	vor.u32 v42, v21;
	v8 =	vmax.bf16 v8, v7;
	v34 =	vld.idx.msk [tilespmem:v10+s2+$0x0], $0xffff  }
0x26f: {  	v29 =	vand.u32 $0x1FFF8, v29;
	v39 =	vshrl.u32 v26, $0x10;
	v10 =	vmax.bf16 v6, v17;
	v36 =	vld.idx.msk [tilespmem:v2+s2+$0x0], $0xffff  }
0x270: {  	v7 =	vand.u32 $0xFFFF, v20;
	v8 =	vmax.bf16 v8, v12;
	v14 =	vadd.bf16 v14, v22;
	v20 =	vld.idx.msk [tilespmem:v40+s2+$0x0], $0xffff  }
0x271: {  	v17 =	vadd.bf16 v37, v13;
	v6 =	vor.u32 v28, v29;
	v13 =	vand.u32 $0x7, v39;
	v12 =	vld.idx.msk [tilespmem:v38+s28+$0x0], $0xffff  }
0x272: {  	v5 =	vmax.bf16 v11, v5;
	v22 =	vshrl.u32 v9, $0x10;
	v28 =	vadd.s32 $0x2710, v39;
	v9 =	vld.idx.msk [tilespmem:v32+s2+$0x0], $0xffff  }
0x273: {  	v5 =	vmax.bf16 v5, v19;
	v29 =	vand.u32 $0x7, v22;
	v11 =	vadd.s32 $0x2710, v22;
	v16 =	vld.idx.msk [tilespmem:v16+s2+$0x0], $0xffff  }
0x274: {  	v28 =	vand.u32 $0x1FFF8, v28;
	v19 =	vld.idx.msk [tilespmem:v27+s28+$0x0], $0xffff;
	v27 =	vand.u32 $0x1FFF8, v11;
	v11 =	vmax.bf16 v5, v4  }
0x275: {  	v4 =	vadd.bf16 v23, v36;
	v18 =	vld.idx.msk [tilespmem:v18+s2+$0x0], $0xffff;
	v23 =	vor.u32 v29, v27;
	v27 =	vor.u32 v13, v28  }
0x276: {  	v13 =	vld.idx.msk [tilespmem:v6+s28+$0x0], $0xffff  }
0x277: {  	v22 =	vld.idx.msk [tilespmem:v22+s28+$0x0], $0xffff  }
0x278: {  	v5 =	vld.idx.msk [tilespmem:v21+s28+$0x0], $0xffff;
	v21 =	vadd.bf16 v12, v34  }
0x279: {  	v6 =	vld.idx.msk [tilespmem:v30+s28+$0x0], $0xffff  }
0x27a: {  	v12 =	vadd.bf16 v19, v16;
	v16 =	vand.u32 $0xFFFF, v26;
	v28 =	vld.idx.msk [tilespmem:v33+s28+$0x0], $0xffff  }
0x27b: {  	v8 =	vmax.bf16 v8, v14;
	v18 =	vadd.bf16 v24, v18;
	v24 =	vadd.s32 $0x2710, v16;
	v15 =	vld.idx.msk [tilespmem:v15+s28+$0x0], $0xffff  }
.Ltmp10:
0x27c: {  	v14 =	vadd.bf16 v13, v25;
	v13 =	vld.idx.msk [tilespmem:v39+s28+$0x0], $0xffff;
	(pc) =	sbr.rel @p0 .LBB2_23-.Ltmp10, $4  }
0x27d: {  	v3 =	vmax.bf16 v3, v17;
	v8 =	vmax.bf16 v8, v18;
	v19 =	vadd.bf16 v22, v31;
	v17 =	vld.idx.msk [tilespmem:v27+s28+$0x0], $0xffff  }
0x27e: {  	v3 =	vmax.bf16 v3, v4;
	v18 =	vld.idx.msk [tilespmem:v35+s2+$0x0], $0xffff  }
0x27f: {  	v3 =	vmax.bf16 v3, v19;
	v19 =	vld.idx.msk [tilespmem:v23+s28+$0x0], $0xffff  }
0x280: {  	v3 =	vmax.bf16 v3, v21;
	v4 =	vadd.bf16 v28, v20;
	v20 =	vld.idx.msk [tilespmem:v24+s2+$0x0], $0xffff  }
0x281: {  	_ = 	snop  }
0x282: {  	v0 =	vadd.s32 $0x2710, v2  }
0x283: {  	v58 =	vadd.s32 $0x2710, v7;
	_ =	sdelay $0x1  }
0x284: {  	v16 =	vld.idx.msk [tilespmem:v16+s2+$0x0], $0xffff  }
0x285: {  	v59 =	vld.idx.msk [tilespmem:v7+s2+$0x0], $0xffff  }
0x286: {  	v0 =	vld.idx.msk [tilespmem:v0+s2+$0x0], $0xffff  }
0x287: {  	v2 =	vld.idx.msk [tilespmem:v58+s2+$0x0], $0xffff;
	_ =	sdelay $0x1  }
0x288: {  	v15 =	vadd.bf16 v15, v18  }
0x289: {  	v60 =	vmax.bf16 v11, v12;
	v9 =	vadd.bf16 v19, v9;
	v1 =	vadd.bf16 v1, v59  }
0x28a: {  	v62 =	vmax.bf16 v10, v14;
	v61 =	vadd.bf16 v13, v16;
	v0 =	vadd.bf16 v5, v0  }
0x28b: {  	v17 =	vadd.bf16 v17, v20;
	v1 =	vmax.bf16 v8, v1;
	v2 =	vadd.bf16 v6, v2  }
0x28c: {  	s10 =	sadd.s32 $0x1, s10;
	v1 =	vmax.bf16 v1, v61;
	v5 =	vmax.bf16 v62, v15;
	v0 =	vmax.bf16 v60, v0  }
0x28d: {  	p0 =	sne.s32 s10, $0x40;
	v1 =	vmax.bf16 v3, v1;
	v2 =	vmax.bf16 v5, v2;
	v0 =	vmax.bf16 v0, v9  }
.Ltmp11:
0x28e: {  	v3 =	vshll.u32 v1, $0x10;
	v2 =	vmax.bf16 v2, v17;
	v0 =	vmax.bf16 v0, v4;
	(pc) =	sbr.rel @p0 .LBB2_22-.Ltmp11, $4  }
0x28f: {  	v1 =	vand.u32 $0xFFFF0000, v1;
	[tilespmem:s12+$0x1AC40] =	vst v3;
	v0 =	vmax.bf16 v0, v2  }
0x290: {  	[tilespmem:s12+$0x1B040] =	vst v1;
	v63 =	vshll.u32 v0, $0x10  }
0x291: {  	v0 =	vand.u32 $0xFFFF0000, v0;
	[tilespmem:s12+$0x1B440] =	vst v63  }
0x292: {  	s11 =	sadd.s32 $0x10, s11;
	[tilespmem:s12+$0x1B840] =	vst v0  }
0x293: {  	[hbm4b:s17+s29] =	stream.strided.scatter [tilespmem:s5], [sflag:$0x4], $0x1000, s30, s29, $0x38;
	[tilespmem:$0x1BC40] =	vst v63  }
0x294: {  	_ = 	snop  }
0x295: {  	[tilespmem:s0], [sflag:$0x2] =	stream.strided.gather [hbm4b:s18+s29], $0x8000, s30, s29, $0x38;
	[tilespmem:$0x1BC40] =	vst v63  }
0x296: {  	_ =	swait.ge [sflag:s1], $0x8000  }
0x297: {  	[sflag:s1] =	ssyncset.done $0x0  }
0x298: {  	[sflag:s1] =	ssyncadd.s32 $0xFFFF8000  }
0x299: {  	_ =	swait.ge [sflag:s6], $0x1000  }
0x29a: {  	[sflag:s6] =	ssyncset.done $0x0  }
0x29b: {  	s10 =	simm.s32 $0x0;
	s11 =	simm.s32 $0xAC40;
	[sflag:s6] =	ssyncadd.s32 $0xFFFFF000  }
.LBB2_26:
0x29c: {  	v0 =	vmov s11;
	_ =	sdelay $0x3  }
0x29d: {  	s12 =	simm.s32 $0x0  }
0x29e: {  	v1 =	vld.idx.msk [tilespmem:v0+s12+$0xFFFFF000 ss:$0x1], $0xffff;
	_ =	sdelay $0x1  }
0x29f: {  	v2 =	vld.idx.msk [tilespmem:v0+s12+$0xFFFFF400 ss:$0x1], $0xffff;
	_ =	sdelay $0x1  }
0x2a0: {  	v3 =	vld.idx.msk [tilespmem:v0+s12+$0xFFFFFC00 ss:$0x1], $0xffff  }
0x2a1: {  	v7 =	vld.idx.msk [tilespmem:v0+s12+$0x400 ss:$0x1], $0xffff;
	v5 =	vand.u32 $0xFFFF, v1  }
0x2a2: {  	v4 =	vld.idx.msk [tilespmem:v0+s12+$0xFFFFF800 ss:$0x1], $0xffff;
	v6 =	vshrl.u32 v1, $0x10  }
0x2a3: {  	v8 =	vld.idx.msk [tilespmem:v0+s12+$0x0 ss:$0x1], $0xffff;
	v9 =	vshrl.u32 v2, $0x10  }
0x2a4: {  	v10 =	vld.idx.msk [tilespmem:v0+s12+$0x800 ss:$0x1], $0xffff;
	v1 =	vand.u32 $0xFFFF, v2  }
0x2a5: {  	v12 =	vld.idx.msk [tilespmem:v0+s12+$0xC00 ss:$0x1], $0xffff;
	v11 =	vshrl.u32 v3, $0x10  }
0x2a6: {  	v15 =	vshrl.u32 v7, $0x10;
	v13 =	vld.idx.msk [tilespmem:v5+s2+$0x0], $0xffff  }
0x2a7: {  	v16 =	vshrl.u32 v4, $0x10;
	v17 =	vld.idx.msk [tilespmem:v6+s28+$0x0], $0xffff  }
0x2a8: {  	v19 =	vand.u32 $0xFFFF, v8;
	v18 =	vld.idx.msk [tilespmem:v9+s28+$0x0], $0xffff  }
0x2a9: {  	v21 =	vand.u32 $0xFFFF, v10;
	v10 =	vshrl.u32 v10, $0x10;
	v20 =	vld.idx.msk [tilespmem:v1+s2+$0x0], $0xffff  }
0x2aa: {  	v3 =	vand.u32 $0xFFFF, v3;
	v22 =	vld.idx.msk [tilespmem:v11+s28+$0x0], $0xffff  }
0x2ab: {  	v14 =	vadd.s32 $0x2710, v1;
	v1 =	vld.idx.msk [tilespmem:v15+s28+$0x0], $0xffff  }
0x2ac: {  	v8 =	vshrl.u32 v8, $0x10;
	v24 =	vld.idx.msk [tilespmem:v16+s28+$0x0], $0xffff  }
0x2ad: {  	v25 =	vld.idx.msk [tilespmem:v19+s2+$0x0], $0xffff  }
0x2ae: {  	v2 =	vand.u32 $0xFFFF, v4;
	v62 =	vshrl.u32 v12, $0x10;
	v23 =	vadd.s32 $0x2710, v6;
	v31 =	vld.idx.msk [tilespmem:v10+s28+$0x0], $0xffff  }
0x2af: {  	v26 =	vand.u32 $0x7, v9;
	v27 =	vand.u32 $0x7, v11;
	v19 =	vadd.s32 $0x2710, v19;
	v32 =	vld.idx.msk [tilespmem:v3+s2+$0x0], $0xffff  }
0x2b0: {  	v28 =	vadd.s32 $0x2710, v16;
	v23 =	vand.u32 $0x1FFF8, v23;
	v4 =	vld.idx.msk [tilespmem:v14+s2+$0x0], $0xffff;
	v14 =	vadd.s32 $0x2710, v21  }
0x2b1: {  	v5 =	vadd.s32 $0x2710, v5;
	v9 =	vadd.s32 $0x2710, v9;
	v6 =	vand.u32 $0x7, v6;
	v63 =	vld.idx.msk [tilespmem:v8+s28+$0x0], $0xffff  }
0x2b2: {  	v30 =	vadd.s32 $0x2710, v15;
	v21 =	vld.idx.msk [tilespmem:v21+s2+$0x0], $0xffff;
	v6 =	vor.u32 v6, v23;
	v9 =	vand.u32 $0x1FFF8, v9  }
0x2b3: {  	v28 =	vand.u32 $0x1FFF8, v28;
	v16 =	vand.u32 $0x7, v16;
	v23 =	vld.idx.msk [tilespmem:v2+s2+$0x0], $0xffff;
	v26 =	vor.u32 v26, v9  }
0x2b4: {  	v11 =	vadd.s32 $0x2710, v11;
	v15 =	vand.u32 $0x7, v15;
	v16 =	vor.u32 v16, v28;
	v9 =	vld.idx.msk [tilespmem:v19+s2+$0x0], $0xffff  }
0x2b5: {  	v3 =	vadd.s32 $0x2710, v3;
	v19 =	vand.u32 $0x1FFF8, v30;
	v29 =	vld.idx.msk [tilespmem:v14+s2+$0x0], $0xffff;
	v14 =	vadd.s32 $0x2710, v10  }
0x2b6: {  	v61 =	vld.idx.msk [tilespmem:v5+s2+$0x0], $0xffff;
	v10 =	vand.u32 $0x7, v10;
	v5 =	vand.u32 $0x1FFF8, v14;
	v14 =	vor.u32 v15, v19  }
0x2b7: {  	v19 =	vld.idx.msk [tilespmem:v6+s28+$0x0], $0xffff;
	v6 =	vand.u32 $0x1FFF8, v11;
	v10 =	vor.u32 v10, v5;
	v5 =	vadd.s32 $0x2710, v62  }
0x2b8: {  	v26 =	vld.idx.msk [tilespmem:v26+s28+$0x0], $0xffff;
	v15 =	vor.u32 v27, v6;
	v6 =	vand.u32 $0x7, v62;
	v5 =	vand.u32 $0x1FFF8, v5  }
0x2b9: {  	v33 =	vor.u32 v6, v5;
	v6 =	vadd.s32 $0x2710, v8;
	v5 =	vld.idx.msk [tilespmem:v16+s28+$0x0], $0xffff;
	v8 =	vand.u32 $0x7, v8  }
0x2ba: {  	v16 =	vand.u32 $0xFFFF, v12;
	v12 =	vadd.bf16 v17, v13;
	v13 =	vld.idx.msk [tilespmem:v62+s28+$0x0], $0xffff;
	v11 =	vand.u32 $0x1FFF8, v6  }
0x2bb: {  	v6 =	vld.idx.msk [tilespmem:v14+s28+$0x0], $0xffff;
	v34 =	vor.u32 v8, v11;
	v11 =	vimm.bf16 $0.0e+00  }
0x2bc: {  	v8 =	vadd.bf16 v18, v20;
	v20 =	vadd.s32 $0x2710, v16;
	v14 =	vadd.bf16 v24, v23;
	v10 =	vld.idx.msk [tilespmem:v10+s28+$0x0], $0xffff  }
0x2bd: {  	v22 =	vadd.bf16 v22, v32;
	v15 =	vld.idx.msk [tilespmem:v15+s28+$0x0], $0xffff;
	v18 =	vmax.bf16 v11, v12  }
0x2be: {  	v23 =	vadd.bf16 v63, v25;
	v12 =	vadd.bf16 v19, v61;
	v19 =	vmax.bf16 v18, v14;
	v18 =	vld.idx.msk [tilespmem:v3+s2+$0x0], $0xffff  }
0x2bf: {  	v7 =	vand.u32 $0xFFFF, v7;
	v21 =	vadd.bf16 v31, v21;
	v8 =	vmax.bf16 v11, v8;
	v17 =	vld.idx.msk [tilespmem:v33+s28+$0x0], $0xffff  }
0x2c0: {  	v14 =	vadd.bf16 v26, v4;
	v8 =	vmax.bf16 v8, v22;
	v3 =	vmax.bf16 v19, v23;
	v19 =	vld.idx.msk [tilespmem:v34+s28+$0x0], $0xffff  }
0x2c1: {  	s13 =	simm.s32 $0x8000;
	s12 =	sshll.u32 s10, $0x4;
	v3 =	vmax.bf16 v3, v21;
	v20 =	vld.idx.msk [tilespmem:v20+s2+$0x0], $0xffff;
	v4 =	vadd.bf16 v10, v29;
	v10 =	vimm.bf16 $0.0e+00  }
.LBB2_27:
0x2c2: {  	s14 =	sshra.s32 s13, $0x2;
	p0 =	sne.s32 s13, $0x18000;
	s13 =	sadd.s32 $0x8000, s13;
	v16 =	vld.idx.msk [tilespmem:v16+s2+$0x0], $0xffff  }
0x2c3: {  	v21 =	vld.idx.msk [tilespmem:v0+s14+$0xFFFFF000 ss:$0x1], $0xffff  }
0x2c4: {  	v22 =	vld.idx.msk [tilespmem:v0+s14+$0xFFFFF400 ss:$0x1], $0xffff  }
0x2c5: {  	v15 =	vadd.bf16 v15, v18;
	v23 =	vld.idx.msk [tilespmem:v0+s14+$0xFFFFF800 ss:$0x1], $0xffff  }
0x2c6: {  	v24 =	vadd.s32 $0x2710, v2;
	v19 =	vadd.bf16 v19, v9;
	v18 =	vld.idx.msk [tilespmem:v0+s14+$0xFFFFFC00 ss:$0x1], $0xffff  }
0x2c7: {  	v25 =	vadd.s32 $0x2710, v7;
	v17 =	vadd.bf16 v17, v20;
	v9 =	vld.idx.msk [tilespmem:v0+s14+$0x0 ss:$0x1], $0xffff  }
0x2c8: {  	v11 =	vmax.bf16 v11, v12;
	v2 =	vmax.bf16 v10, v14;
	v12 =	vadd.bf16 v13, v16;
	v20 =	vld.idx.msk [tilespmem:v0+s14+$0x400 ss:$0x1], $0xffff  }
0x2c9: {  	v15 =	vmax.bf16 v2, v15;
	v10 =	vshrl.u32 v21, $0x10;
	v13 =	vand.u32 $0xFFFF, v21;
	v14 =	vld.idx.msk [tilespmem:v0+s14+$0x800 ss:$0x1], $0xffff  }
0x2ca: {  	v16 =	vadd.s32 $0x2710, v13;
	v2 =	vadd.s32 $0x2710, v10;
	v21 =	vshrl.u32 v22, $0x10;
	v26 =	vld.idx.msk [tilespmem:v0+s14+$0xC00 ss:$0x1], $0xffff  }
0x2cb: {  	v22 =	vand.u32 $0xFFFF, v22;
	v27 =	vand.u32 $0x1FFF8, v2;
	v2 =	vand.u32 $0xFFFF, v23;
	v24 =	vld.idx.msk [tilespmem:v24+s2+$0x0], $0xffff  }
0x2cc: {  	v28 =	vand.u32 $0x7, v21;
	v29 =	vadd.s32 $0x2710, v21;
	v30 =	vshrl.u32 v18, $0x10;
	v25 =	vld.idx.msk [tilespmem:v25+s2+$0x0], $0xffff  }
0x2cd: {  	v23 =	vshrl.u32 v23, $0x10;
	v31 =	vand.u32 $0x7, v30;
	v32 =	vand.u32 $0xFFFF, v9;
	v7 =	vld.idx.msk [tilespmem:v7+s2+$0x0], $0xffff  }
0x2ce: {  	v33 =	vadd.s32 $0x2710, v22;
	v34 =	vadd.s32 $0x2710, v30;
	v35 =	vshrl.u32 v20, $0x10;
	v13 =	vld.idx.msk [tilespmem:v13+s2+$0x0], $0xffff  }
0x2cf: {  	v36 =	vand.u32 $0x7, v10;
	v38 =	vshrl.u32 v14, $0x10;
	v37 =	vld.idx.msk [tilespmem:v10+s28+$0x0], $0xffff;
	v10 =	vand.u32 $0xFFFF, v14  }
0x2d0: {  	v18 =	vand.u32 $0xFFFF, v18;
	v39 =	vadd.s32 $0x2710, v38;
	v14 =	vld.idx.msk [tilespmem:v21+s28+$0x0], $0xffff;
	v21 =	vadd.s32 $0x2710, v23  }
0x2d1: {  	v40 =	vadd.s32 $0x2710, v10;
	v39 =	vand.u32 $0x1FFF8, v39;
	v5 =	vadd.bf16 v5, v24;
	v22 =	vld.idx.msk [tilespmem:v22+s2+$0x0], $0xffff  }
0x2d2: {  	v41 =	vand.u32 $0x7, v38;
	v6 =	vadd.bf16 v6, v25;
	v24 =	vld.idx.msk [tilespmem:v30+s28+$0x0], $0xffff;
	v30 =	vadd.s32 $0x2710, v35  }
0x2d3: {  	v7 =	vadd.bf16 v1, v7;
	v25 =	vld.idx.msk [tilespmem:v33+s2+$0x0], $0xffff;
	v33 =	vand.u32 $0x7, v35;
	v30 =	vand.u32 $0x1FFF8, v30  }
0x2d4: {  	v42 =	vand.u32 $0x7, v23;
	v34 =	vand.u32 $0x1FFF8, v34;
	v1 =	vld.idx.msk [tilespmem:v35+s28+$0x0], $0xffff;
	v30 =	vor.u32 v33, v30  }
0x2d5: {  	v21 =	vand.u32 $0x1FFF8, v21;
	v6 =	vmax.bf16 v15, v6;
	v33 =	vor.u32 v41, v39;
	v23 =	vld.idx.msk [tilespmem:v23+s28+$0x0], $0xffff  }
0x2d6: {  	v15 =	vor.u32 v31, v34;
	v35 =	vadd.s32 $0x2710, v18;
	v31 =	vld.idx.msk [tilespmem:v32+s2+$0x0], $0xffff;
	v32 =	vadd.s32 $0x2710, v32  }
0x2d7: {  	v27 =	vor.u32 v36, v27;
	v21 =	vor.u32 v42, v21;
	v8 =	vmax.bf16 v8, v7;
	v34 =	vld.idx.msk [tilespmem:v10+s2+$0x0], $0xffff  }
0x2d8: {  	v29 =	vand.u32 $0x1FFF8, v29;
	v39 =	vshrl.u32 v26, $0x10;
	v10 =	vmax.bf16 v6, v17;
	v36 =	vld.idx.msk [tilespmem:v2+s2+$0x0], $0xffff  }
0x2d9: {  	v7 =	vand.u32 $0xFFFF, v20;
	v8 =	vmax.bf16 v8, v12;
	v14 =	vadd.bf16 v14, v22;
	v20 =	vld.idx.msk [tilespmem:v40+s2+$0x0], $0xffff  }
0x2da: {  	v17 =	vadd.bf16 v37, v13;
	v6 =	vor.u32 v28, v29;
	v13 =	vand.u32 $0x7, v39;
	v12 =	vld.idx.msk [tilespmem:v38+s28+$0x0], $0xffff  }
0x2db: {  	v5 =	vmax.bf16 v11, v5;
	v22 =	vshrl.u32 v9, $0x10;
	v28 =	vadd.s32 $0x2710, v39;
	v9 =	vld.idx.msk [tilespmem:v32+s2+$0x0], $0xffff  }
0x2dc: {  	v5 =	vmax.bf16 v5, v19;
	v29 =	vand.u32 $0x7, v22;
	v11 =	vadd.s32 $0x2710, v22;
	v16 =	vld.idx.msk [tilespmem:v16+s2+$0x0], $0xffff  }
0x2dd: {  	v28 =	vand.u32 $0x1FFF8, v28;
	v19 =	vld.idx.msk [tilespmem:v27+s28+$0x0], $0xffff;
	v27 =	vand.u32 $0x1FFF8, v11;
	v11 =	vmax.bf16 v5, v4  }
0x2de: {  	v4 =	vadd.bf16 v23, v36;
	v18 =	vld.idx.msk [tilespmem:v18+s2+$0x0], $0xffff;
	v23 =	vor.u32 v29, v27;
	v27 =	vor.u32 v13, v28  }
0x2df: {  	v13 =	vld.idx.msk [tilespmem:v6+s28+$0x0], $0xffff  }
0x2e0: {  	v22 =	vld.idx.msk [tilespmem:v22+s28+$0x0], $0xffff  }
0x2e1: {  	v5 =	vld.idx.msk [tilespmem:v21+s28+$0x0], $0xffff;
	v21 =	vadd.bf16 v12, v34  }
0x2e2: {  	v6 =	vld.idx.msk [tilespmem:v30+s28+$0x0], $0xffff  }
0x2e3: {  	v12 =	vadd.bf16 v19, v16;
	v16 =	vand.u32 $0xFFFF, v26;
	v28 =	vld.idx.msk [tilespmem:v33+s28+$0x0], $0xffff  }
0x2e4: {  	v8 =	vmax.bf16 v8, v14;
	v18 =	vadd.bf16 v24, v18;
	v24 =	vadd.s32 $0x2710, v16;
	v15 =	vld.idx.msk [tilespmem:v15+s28+$0x0], $0xffff  }
.Ltmp12:
0x2e5: {  	v14 =	vadd.bf16 v13, v25;
	v13 =	vld.idx.msk [tilespmem:v39+s28+$0x0], $0xffff;
	(pc) =	sbr.rel @p0 .LBB2_27-.Ltmp12, $4  }
0x2e6: {  	v3 =	vmax.bf16 v3, v17;
	v8 =	vmax.bf16 v8, v18;
	v19 =	vadd.bf16 v22, v31;
	v17 =	vld.idx.msk [tilespmem:v27+s28+$0x0], $0xffff  }
0x2e7: {  	v3 =	vmax.bf16 v3, v4;
	v18 =	vld.idx.msk [tilespmem:v35+s2+$0x0], $0xffff  }
0x2e8: {  	v3 =	vmax.bf16 v3, v19;
	v19 =	vld.idx.msk [tilespmem:v23+s28+$0x0], $0xffff  }
0x2e9: {  	v3 =	vmax.bf16 v3, v21;
	v4 =	vadd.bf16 v28, v20;
	v20 =	vld.idx.msk [tilespmem:v24+s2+$0x0], $0xffff  }
0x2ea: {  	_ = 	snop  }
0x2eb: {  	v0 =	vadd.s32 $0x2710, v2  }
0x2ec: {  	v58 =	vadd.s32 $0x2710, v7;
	_ =	sdelay $0x1  }
0x2ed: {  	v16 =	vld.idx.msk [tilespmem:v16+s2+$0x0], $0xffff  }
0x2ee: {  	v59 =	vld.idx.msk [tilespmem:v7+s2+$0x0], $0xffff  }
0x2ef: {  	v0 =	vld.idx.msk [tilespmem:v0+s2+$0x0], $0xffff  }
0x2f0: {  	v2 =	vld.idx.msk [tilespmem:v58+s2+$0x0], $0xffff;
	_ =	sdelay $0x1  }
0x2f1: {  	v15 =	vadd.bf16 v15, v18  }
0x2f2: {  	v60 =	vmax.bf16 v11, v12;
	v9 =	vadd.bf16 v19, v9;
	v1 =	vadd.bf16 v1, v59  }
0x2f3: {  	v62 =	vmax.bf16 v10, v14;
	v61 =	vadd.bf16 v13, v16;
	v0 =	vadd.bf16 v5, v0  }
0x2f4: {  	v17 =	vadd.bf16 v17, v20;
	v1 =	vmax.bf16 v8, v1;
	v2 =	vadd.bf16 v6, v2  }
0x2f5: {  	s10 =	sadd.s32 $0x1, s10;
	v1 =	vmax.bf16 v1, v61;
	v5 =	vmax.bf16 v62, v15;
	v0 =	vmax.bf16 v60, v0  }
0x2f6: {  	p0 =	sne.s32 s10, $0x40;
	v1 =	vmax.bf16 v3, v1;
	v2 =	vmax.bf16 v5, v2;
	v0 =	vmax.bf16 v0, v9  }
.Ltmp13:
0x2f7: {  	v3 =	vshll.u32 v1, $0x10;
	v2 =	vmax.bf16 v2, v17;
	v0 =	vmax.bf16 v0, v4;
	(pc) =	sbr.rel @p0 .LBB2_26-.Ltmp13, $4  }
0x2f8: {  	v1 =	vand.u32 $0xFFFF0000, v1;
	[tilespmem:s12+$0x19C40] =	vst v3;
	v0 =	vmax.bf16 v0, v2  }
0x2f9: {  	[tilespmem:s12+$0x1A040] =	vst v1;
	v63 =	vshll.u32 v0, $0x10  }
0x2fa: {  	v0 =	vand.u32 $0xFFFF0000, v0;
	[tilespmem:s12+$0x1A440] =	vst v63  }
0x2fb: {  	s11 =	sadd.s32 $0x10, s11;
	[tilespmem:s12+$0x1A840] =	vst v0  }
0x2fc: {  	[hbm4b:s19+s29] =	stream.strided.scatter [tilespmem:s3], [sflag:$0x3], $0x1000, s30, s29, $0x38;
	[tilespmem:$0x1BC40] =	vst v63  }
0x2fd: {  	_ = 	snop  }
0x2fe: {  	[tilespmem:s31], [sflag:$0x1] =	stream.strided.gather [hbm4b:s20+s29], $0x8000, s30, s29, $0x38;
	[tilespmem:$0x1BC40] =	vst v63  }
0x2ff: {  	_ =	swait.ge [sflag:s4], $0x8000  }
0x300: {  	[sflag:s4] =	ssyncset.done $0x0  }
0x301: {  	[sflag:s4] =	ssyncadd.s32 $0xFFFF8000  }
0x302: {  	_ =	swait.ge [sflag:s8], $0x1000  }
0x303: {  	[sflag:s8] =	ssyncset.done $0x0  }
0x304: {  	s10 =	simm.s32 $0x0;
	s11 =	simm.s32 $0x12C40;
	[sflag:s8] =	ssyncadd.s32 $0xFFFFF000  }
.LBB2_30:
0x305: {  	v0 =	vmov s11;
	_ =	sdelay $0x3  }
0x306: {  	s12 =	simm.s32 $0x0  }
0x307: {  	v1 =	vld.idx.msk [tilespmem:v0+s12+$0xFFFFF000 ss:$0x1], $0xffff;
	_ =	sdelay $0x1  }
0x308: {  	v2 =	vld.idx.msk [tilespmem:v0+s12+$0xFFFFF400 ss:$0x1], $0xffff;
	_ =	sdelay $0x1  }
0x309: {  	v3 =	vld.idx.msk [tilespmem:v0+s12+$0xFFFFFC00 ss:$0x1], $0xffff  }
0x30a: {  	v7 =	vld.idx.msk [tilespmem:v0+s12+$0x400 ss:$0x1], $0xffff;
	v5 =	vand.u32 $0xFFFF, v1  }
0x30b: {  	v4 =	vld.idx.msk [tilespmem:v0+s12+$0xFFFFF800 ss:$0x1], $0xffff;
	v6 =	vshrl.u32 v1, $0x10  }
0x30c: {  	v8 =	vld.idx.msk [tilespmem:v0+s12+$0x0 ss:$0x1], $0xffff;
	v9 =	vshrl.u32 v2, $0x10  }
0x30d: {  	v10 =	vld.idx.msk [tilespmem:v0+s12+$0x800 ss:$0x1], $0xffff;
	v1 =	vand.u32 $0xFFFF, v2  }
0x30e: {  	v12 =	vld.idx.msk [tilespmem:v0+s12+$0xC00 ss:$0x1], $0xffff;
	v11 =	vshrl.u32 v3, $0x10  }
0x30f: {  	v15 =	vshrl.u32 v7, $0x10;
	v13 =	vld.idx.msk [tilespmem:v5+s2+$0x0], $0xffff  }
0x310: {  	v16 =	vshrl.u32 v4, $0x10;
	v17 =	vld.idx.msk [tilespmem:v6+s28+$0x0], $0xffff  }
0x311: {  	v19 =	vand.u32 $0xFFFF, v8;
	v18 =	vld.idx.msk [tilespmem:v9+s28+$0x0], $0xffff  }
0x312: {  	v21 =	vand.u32 $0xFFFF, v10;
	v10 =	vshrl.u32 v10, $0x10;
	v20 =	vld.idx.msk [tilespmem:v1+s2+$0x0], $0xffff  }
0x313: {  	v3 =	vand.u32 $0xFFFF, v3;
	v22 =	vld.idx.msk [tilespmem:v11+s28+$0x0], $0xffff  }
0x314: {  	v14 =	vadd.s32 $0x2710, v1;
	v1 =	vld.idx.msk [tilespmem:v15+s28+$0x0], $0xffff  }
0x315: {  	v8 =	vshrl.u32 v8, $0x10;
	v24 =	vld.idx.msk [tilespmem:v16+s28+$0x0], $0xffff  }
0x316: {  	v25 =	vld.idx.msk [tilespmem:v19+s2+$0x0], $0xffff  }
0x317: {  	v2 =	vand.u32 $0xFFFF, v4;
	v62 =	vshrl.u32 v12, $0x10;
	v23 =	vadd.s32 $0x2710, v6;
	v31 =	vld.idx.msk [tilespmem:v10+s28+$0x0], $0xffff  }
0x318: {  	v26 =	vand.u32 $0x7, v9;
	v27 =	vand.u32 $0x7, v11;
	v19 =	vadd.s32 $0x2710, v19;
	v32 =	vld.idx.msk [tilespmem:v3+s2+$0x0], $0xffff  }
0x319: {  	v28 =	vadd.s32 $0x2710, v16;
	v23 =	vand.u32 $0x1FFF8, v23;
	v4 =	vld.idx.msk [tilespmem:v14+s2+$0x0], $0xffff;
	v14 =	vadd.s32 $0x2710, v21  }
0x31a: {  	v5 =	vadd.s32 $0x2710, v5;
	v9 =	vadd.s32 $0x2710, v9;
	v6 =	vand.u32 $0x7, v6;
	v63 =	vld.idx.msk [tilespmem:v8+s28+$0x0], $0xffff  }
0x31b: {  	v30 =	vadd.s32 $0x2710, v15;
	v21 =	vld.idx.msk [tilespmem:v21+s2+$0x0], $0xffff;
	v6 =	vor.u32 v6, v23;
	v9 =	vand.u32 $0x1FFF8, v9  }
0x31c: {  	v28 =	vand.u32 $0x1FFF8, v28;
	v16 =	vand.u32 $0x7, v16;
	v23 =	vld.idx.msk [tilespmem:v2+s2+$0x0], $0xffff;
	v26 =	vor.u32 v26, v9  }
0x31d: {  	v11 =	vadd.s32 $0x2710, v11;
	v15 =	vand.u32 $0x7, v15;
	v16 =	vor.u32 v16, v28;
	v9 =	vld.idx.msk [tilespmem:v19+s2+$0x0], $0xffff  }
0x31e: {  	v3 =	vadd.s32 $0x2710, v3;
	v19 =	vand.u32 $0x1FFF8, v30;
	v29 =	vld.idx.msk [tilespmem:v14+s2+$0x0], $0xffff;
	v14 =	vadd.s32 $0x2710, v10  }
0x31f: {  	v61 =	vld.idx.msk [tilespmem:v5+s2+$0x0], $0xffff;
	v10 =	vand.u32 $0x7, v10;
	v5 =	vand.u32 $0x1FFF8, v14;
	v14 =	vor.u32 v15, v19  }
0x320: {  	v19 =	vld.idx.msk [tilespmem:v6+s28+$0x0], $0xffff;
	v6 =	vand.u32 $0x1FFF8, v11;
	v10 =	vor.u32 v10, v5;
	v5 =	vadd.s32 $0x2710, v62  }
0x321: {  	v26 =	vld.idx.msk [tilespmem:v26+s28+$0x0], $0xffff;
	v15 =	vor.u32 v27, v6;
	v6 =	vand.u32 $0x7, v62;
	v5 =	vand.u32 $0x1FFF8, v5  }
0x322: {  	v33 =	vor.u32 v6, v5;
	v6 =	vadd.s32 $0x2710, v8;
	v5 =	vld.idx.msk [tilespmem:v16+s28+$0x0], $0xffff;
	v8 =	vand.u32 $0x7, v8  }
0x323: {  	v16 =	vand.u32 $0xFFFF, v12;
	v12 =	vadd.bf16 v17, v13;
	v13 =	vld.idx.msk [tilespmem:v62+s28+$0x0], $0xffff;
	v11 =	vand.u32 $0x1FFF8, v6  }
0x324: {  	v6 =	vld.idx.msk [tilespmem:v14+s28+$0x0], $0xffff;
	v34 =	vor.u32 v8, v11;
	v11 =	vimm.bf16 $0.0e+00  }
0x325: {  	v8 =	vadd.bf16 v18, v20;
	v20 =	vadd.s32 $0x2710, v16;
	v14 =	vadd.bf16 v24, v23;
	v10 =	vld.idx.msk [tilespmem:v10+s28+$0x0], $0xffff  }
0x326: {  	v22 =	vadd.bf16 v22, v32;
	v15 =	vld.idx.msk [tilespmem:v15+s28+$0x0], $0xffff;
	v18 =	vmax.bf16 v11, v12  }
0x327: {  	v23 =	vadd.bf16 v63, v25;
	v12 =	vadd.bf16 v19, v61;
	v19 =	vmax.bf16 v18, v14;
	v18 =	vld.idx.msk [tilespmem:v3+s2+$0x0], $0xffff  }
0x328: {  	v7 =	vand.u32 $0xFFFF, v7;
	v21 =	vadd.bf16 v31, v21;
	v8 =	vmax.bf16 v11, v8;
	v17 =	vld.idx.msk [tilespmem:v33+s28+$0x0], $0xffff  }
0x329: {  	v14 =	vadd.bf16 v26, v4;
	v8 =	vmax.bf16 v8, v22;
	v3 =	vmax.bf16 v19, v23;
	v19 =	vld.idx.msk [tilespmem:v34+s28+$0x0], $0xffff  }
0x32a: {  	s13 =	simm.s32 $0x8000;
	s12 =	sshll.u32 s10, $0x4;
	v3 =	vmax.bf16 v3, v21;
	v20 =	vld.idx.msk [tilespmem:v20+s2+$0x0], $0xffff;
	v4 =	vadd.bf16 v10, v29;
	v10 =	vimm.bf16 $0.0e+00  }
.LBB2_31:
0x32b: {  	s14 =	sshra.s32 s13, $0x2;
	p0 =	sne.s32 s13, $0x18000;
	s13 =	sadd.s32 $0x8000, s13;
	v16 =	vld.idx.msk [tilespmem:v16+s2+$0x0], $0xffff  }
0x32c: {  	v21 =	vld.idx.msk [tilespmem:v0+s14+$0xFFFFF000 ss:$0x1], $0xffff  }
0x32d: {  	v22 =	vld.idx.msk [tilespmem:v0+s14+$0xFFFFF400 ss:$0x1], $0xffff  }
0x32e: {  	v15 =	vadd.bf16 v15, v18;
	v23 =	vld.idx.msk [tilespmem:v0+s14+$0xFFFFF800 ss:$0x1], $0xffff  }
0x32f: {  	v24 =	vadd.s32 $0x2710, v2;
	v19 =	vadd.bf16 v19, v9;
	v18 =	vld.idx.msk [tilespmem:v0+s14+$0xFFFFFC00 ss:$0x1], $0xffff  }
0x330: {  	v25 =	vadd.s32 $0x2710, v7;
	v17 =	vadd.bf16 v17, v20;
	v9 =	vld.idx.msk [tilespmem:v0+s14+$0x0 ss:$0x1], $0xffff  }
0x331: {  	v11 =	vmax.bf16 v11, v12;
	v2 =	vmax.bf16 v10, v14;
	v12 =	vadd.bf16 v13, v16;
	v20 =	vld.idx.msk [tilespmem:v0+s14+$0x400 ss:$0x1], $0xffff  }
0x332: {  	v15 =	vmax.bf16 v2, v15;
	v10 =	vshrl.u32 v21, $0x10;
	v13 =	vand.u32 $0xFFFF, v21;
	v14 =	vld.idx.msk [tilespmem:v0+s14+$0x800 ss:$0x1], $0xffff  }
0x333: {  	v16 =	vadd.s32 $0x2710, v13;
	v2 =	vadd.s32 $0x2710, v10;
	v21 =	vshrl.u32 v22, $0x10;
	v26 =	vld.idx.msk [tilespmem:v0+s14+$0xC00 ss:$0x1], $0xffff  }
0x334: {  	v22 =	vand.u32 $0xFFFF, v22;
	v27 =	vand.u32 $0x1FFF8, v2;
	v2 =	vand.u32 $0xFFFF, v23;
	v24 =	vld.idx.msk [tilespmem:v24+s2+$0x0], $0xffff  }
0x335: {  	v28 =	vand.u32 $0x7, v21;
	v29 =	vadd.s32 $0x2710, v21;
	v30 =	vshrl.u32 v18, $0x10;
	v25 =	vld.idx.msk [tilespmem:v25+s2+$0x0], $0xffff  }
0x336: {  	v23 =	vshrl.u32 v23, $0x10;
	v31 =	vand.u32 $0x7, v30;
	v32 =	vand.u32 $0xFFFF, v9;
	v7 =	vld.idx.msk [tilespmem:v7+s2+$0x0], $0xffff  }
0x337: {  	v33 =	vadd.s32 $0x2710, v22;
	v34 =	vadd.s32 $0x2710, v30;
	v35 =	vshrl.u32 v20, $0x10;
	v13 =	vld.idx.msk [tilespmem:v13+s2+$0x0], $0xffff  }
0x338: {  	v36 =	vand.u32 $0x7, v10;
	v38 =	vshrl.u32 v14, $0x10;
	v37 =	vld.idx.msk [tilespmem:v10+s28+$0x0], $0xffff;
	v10 =	vand.u32 $0xFFFF, v14  }
0x339: {  	v18 =	vand.u32 $0xFFFF, v18;
	v39 =	vadd.s32 $0x2710, v38;
	v14 =	vld.idx.msk [tilespmem:v21+s28+$0x0], $0xffff;
	v21 =	vadd.s32 $0x2710, v23  }
0x33a: {  	v40 =	vadd.s32 $0x2710, v10;
	v39 =	vand.u32 $0x1FFF8, v39;
	v5 =	vadd.bf16 v5, v24;
	v22 =	vld.idx.msk [tilespmem:v22+s2+$0x0], $0xffff  }
0x33b: {  	v41 =	vand.u32 $0x7, v38;
	v6 =	vadd.bf16 v6, v25;
	v24 =	vld.idx.msk [tilespmem:v30+s28+$0x0], $0xffff;
	v30 =	vadd.s32 $0x2710, v35  }
0x33c: {  	v7 =	vadd.bf16 v1, v7;
	v25 =	vld.idx.msk [tilespmem:v33+s2+$0x0], $0xffff;
	v33 =	vand.u32 $0x7, v35;
	v30 =	vand.u32 $0x1FFF8, v30  }
0x33d: {  	v42 =	vand.u32 $0x7, v23;
	v34 =	vand.u32 $0x1FFF8, v34;
	v1 =	vld.idx.msk [tilespmem:v35+s28+$0x0], $0xffff;
	v30 =	vor.u32 v33, v30  }
0x33e: {  	v21 =	vand.u32 $0x1FFF8, v21;
	v6 =	vmax.bf16 v15, v6;
	v33 =	vor.u32 v41, v39;
	v23 =	vld.idx.msk [tilespmem:v23+s28+$0x0], $0xffff  }
0x33f: {  	v15 =	vor.u32 v31, v34;
	v35 =	vadd.s32 $0x2710, v18;
	v31 =	vld.idx.msk [tilespmem:v32+s2+$0x0], $0xffff;
	v32 =	vadd.s32 $0x2710, v32  }
0x340: {  	v27 =	vor.u32 v36, v27;
	v21 =	vor.u32 v42, v21;
	v8 =	vmax.bf16 v8, v7;
	v34 =	vld.idx.msk [tilespmem:v10+s2+$0x0], $0xffff  }
0x341: {  	v29 =	vand.u32 $0x1FFF8, v29;
	v39 =	vshrl.u32 v26, $0x10;
	v10 =	vmax.bf16 v6, v17;
	v36 =	vld.idx.msk [tilespmem:v2+s2+$0x0], $0xffff  }
0x342: {  	v7 =	vand.u32 $0xFFFF, v20;
	v8 =	vmax.bf16 v8, v12;
	v14 =	vadd.bf16 v14, v22;
	v20 =	vld.idx.msk [tilespmem:v40+s2+$0x0], $0xffff  }
0x343: {  	v17 =	vadd.bf16 v37, v13;
	v6 =	vor.u32 v28, v29;
	v13 =	vand.u32 $0x7, v39;
	v12 =	vld.idx.msk [tilespmem:v38+s28+$0x0], $0xffff  }
0x344: {  	v5 =	vmax.bf16 v11, v5;
	v22 =	vshrl.u32 v9, $0x10;
	v28 =	vadd.s32 $0x2710, v39;
	v9 =	vld.idx.msk [tilespmem:v32+s2+$0x0], $0xffff  }
0x345: {  	v5 =	vmax.bf16 v5, v19;
	v29 =	vand.u32 $0x7, v22;
	v11 =	vadd.s32 $0x2710, v22;
	v16 =	vld.idx.msk [tilespmem:v16+s2+$0x0], $0xffff  }
0x346: {  	v28 =	vand.u32 $0x1FFF8, v28;
	v19 =	vld.idx.msk [tilespmem:v27+s28+$0x0], $0xffff;
	v27 =	vand.u32 $0x1FFF8, v11;
	v11 =	vmax.bf16 v5, v4  }
0x347: {  	v4 =	vadd.bf16 v23, v36;
	v18 =	vld.idx.msk [tilespmem:v18+s2+$0x0], $0xffff;
	v23 =	vor.u32 v29, v27;
	v27 =	vor.u32 v13, v28  }
0x348: {  	v13 =	vld.idx.msk [tilespmem:v6+s28+$0x0], $0xffff  }
0x349: {  	v22 =	vld.idx.msk [tilespmem:v22+s28+$0x0], $0xffff  }
0x34a: {  	v5 =	vld.idx.msk [tilespmem:v21+s28+$0x0], $0xffff;
	v21 =	vadd.bf16 v12, v34  }
0x34b: {  	v6 =	vld.idx.msk [tilespmem:v30+s28+$0x0], $0xffff  }
0x34c: {  	v12 =	vadd.bf16 v19, v16;
	v16 =	vand.u32 $0xFFFF, v26;
	v28 =	vld.idx.msk [tilespmem:v33+s28+$0x0], $0xffff  }
0x34d: {  	v8 =	vmax.bf16 v8, v14;
	v18 =	vadd.bf16 v24, v18;
	v24 =	vadd.s32 $0x2710, v16;
	v15 =	vld.idx.msk [tilespmem:v15+s28+$0x0], $0xffff  }
.Ltmp14:
0x34e: {  	v14 =	vadd.bf16 v13, v25;
	v13 =	vld.idx.msk [tilespmem:v39+s28+$0x0], $0xffff;
	(pc) =	sbr.rel @p0 .LBB2_31-.Ltmp14, $4  }
0x34f: {  	v3 =	vmax.bf16 v3, v17;
	v8 =	vmax.bf16 v8, v18;
	v19 =	vadd.bf16 v22, v31;
	v17 =	vld.idx.msk [tilespmem:v27+s28+$0x0], $0xffff  }
0x350: {  	v3 =	vmax.bf16 v3, v4;
	v18 =	vld.idx.msk [tilespmem:v35+s2+$0x0], $0xffff  }
0x351: {  	v3 =	vmax.bf16 v3, v19;
	v19 =	vld.idx.msk [tilespmem:v23+s28+$0x0], $0xffff  }
0x352: {  	v3 =	vmax.bf16 v3, v21;
	v4 =	vadd.bf16 v28, v20;
	v20 =	vld.idx.msk [tilespmem:v24+s2+$0x0], $0xffff  }
0x353: {  	_ = 	snop  }
0x354: {  	v0 =	vadd.s32 $0x2710, v2  }
0x355: {  	v58 =	vadd.s32 $0x2710, v7;
	_ =	sdelay $0x1  }
0x356: {  	v16 =	vld.idx.msk [tilespmem:v16+s2+$0x0], $0xffff  }
0x357: {  	v59 =	vld.idx.msk [tilespmem:v7+s2+$0x0], $0xffff  }
0x358: {  	v0 =	vld.idx.msk [tilespmem:v0+s2+$0x0], $0xffff  }
0x359: {  	v2 =	vld.idx.msk [tilespmem:v58+s2+$0x0], $0xffff;
	_ =	sdelay $0x1  }
0x35a: {  	v15 =	vadd.bf16 v15, v18  }
0x35b: {  	v60 =	vmax.bf16 v11, v12;
	v9 =	vadd.bf16 v19, v9;
	v1 =	vadd.bf16 v1, v59  }
0x35c: {  	v62 =	vmax.bf16 v10, v14;
	v61 =	vadd.bf16 v13, v16;
	v0 =	vadd.bf16 v5, v0  }
0x35d: {  	v17 =	vadd.bf16 v17, v20;
	v1 =	vmax.bf16 v8, v1;
	v2 =	vadd.bf16 v6, v2  }
0x35e: {  	s10 =	sadd.s32 $0x1, s10;
	v1 =	vmax.bf16 v1, v61;
	v5 =	vmax.bf16 v62, v15;
	v0 =	vmax.bf16 v60, v0  }
0x35f: {  	p0 =	sne.s32 s10, $0x40;
	v1 =	vmax.bf16 v3, v1;
	v2 =	vmax.bf16 v5, v2;
	v0 =	vmax.bf16 v0, v9  }
.Ltmp15:
0x360: {  	v3 =	vshll.u32 v1, $0x10;
	v2 =	vmax.bf16 v2, v17;
	v0 =	vmax.bf16 v0, v4;
	(pc) =	sbr.rel @p0 .LBB2_30-.Ltmp15, $4  }
0x361: {  	v1 =	vand.u32 $0xFFFF0000, v1;
	[tilespmem:s12+$0x1AC40] =	vst v3;
	v0 =	vmax.bf16 v0, v2  }
0x362: {  	[tilespmem:s12+$0x1B040] =	vst v1;
	v63 =	vshll.u32 v0, $0x10  }
0x363: {  	v0 =	vand.u32 $0xFFFF0000, v0;
	[tilespmem:s12+$0x1B440] =	vst v63  }
0x364: {  	s11 =	sadd.s32 $0x10, s11;
	[tilespmem:s12+$0x1B840] =	vst v0  }
0x365: {  	[hbm4b:s21+s29] =	stream.strided.scatter [tilespmem:s5], [sflag:$0x4], $0x1000, s30, s29, $0x38;
	[tilespmem:$0x1BC40] =	vst v63  }
0x366: {  	s10 =	simm.s32 $0x11C40  }
0x367: {  	s11 =	simm.s32 $0x4E2;
	s13 =	sadd.s32 $0x0, s22;
	s12 =	simm.s32 $0x12040  }
.LBB2_34:
0x368: {  	[tilespmem:s10], [sflag:$0x2] =	stream.linear.gather [hbm4b:s13+s2], $0x310, $0x38;
	[tilespmem:$0x1BC40] =	vst v63  }
0x369: {  	s13 =	smov.u32 s11;
	s10 =	smov.u32 s12;
	p0 =	sne.s32 s11, $0x975E  }
.Ltmp16:
0x36a: {  	s11 =	sadd.s32 $0x4E2, s11;
	(pc) =	sbr.rel @p0 .LBB2_34-.Ltmp16, $2  }
0x36b: {  	_ =	sdelay $0x2  }
0x36c: {  	s12 =	sadd.s32 $0x400, s12;
	s13 =	sadd.s32 s13, s22  }
0x36d: {  	[tilespmem:s10], [sflag:$0x2] =	stream.linear.gather [hbm4b:s13+s2], $0x310, $0x38;
	[tilespmem:$0x1BC40] =	vst v63  }
0x36e: {  	_ =	swait.ge [sflag:s1], $0x8000  }
0x36f: {  	[sflag:s1] =	ssyncset.done $0x0  }
0x370: {  	[sflag:s1] =	ssyncadd.s32 $0xFFFF8000  }
0x371: {  	_ =	swait.ge [sflag:s6], $0x1000  }
0x372: {  	[sflag:s6] =	ssyncset.done $0x0  }
0x373: {  	s10 =	simm.s32 $0x0;
	s11 =	simm.s32 $0xAC40;
	[sflag:s6] =	ssyncadd.s32 $0xFFFFF000  }
.LBB2_36:
0x374: {  	v0 =	vmov s11;
	_ =	sdelay $0x3  }
0x375: {  	s12 =	simm.s32 $0x0  }
0x376: {  	v1 =	vld.idx.msk [tilespmem:v0+s12+$0xFFFFF000 ss:$0x1], $0xffff;
	_ =	sdelay $0x1  }
0x377: {  	v2 =	vld.idx.msk [tilespmem:v0+s12+$0xFFFFF400 ss:$0x1], $0xffff;
	_ =	sdelay $0x1  }
0x378: {  	v3 =	vld.idx.msk [tilespmem:v0+s12+$0xFFFFFC00 ss:$0x1], $0xffff  }
0x379: {  	v7 =	vld.idx.msk [tilespmem:v0+s12+$0x400 ss:$0x1], $0xffff;
	v5 =	vand.u32 $0xFFFF, v1  }
0x37a: {  	v4 =	vld.idx.msk [tilespmem:v0+s12+$0xFFFFF800 ss:$0x1], $0xffff;
	v6 =	vshrl.u32 v1, $0x10  }
0x37b: {  	v8 =	vld.idx.msk [tilespmem:v0+s12+$0x0 ss:$0x1], $0xffff;
	v9 =	vshrl.u32 v2, $0x10  }
0x37c: {  	v10 =	vld.idx.msk [tilespmem:v0+s12+$0x800 ss:$0x1], $0xffff;
	v1 =	vand.u32 $0xFFFF, v2  }
0x37d: {  	v12 =	vld.idx.msk [tilespmem:v0+s12+$0xC00 ss:$0x1], $0xffff;
	v11 =	vshrl.u32 v3, $0x10  }
0x37e: {  	v15 =	vshrl.u32 v7, $0x10;
	v13 =	vld.idx.msk [tilespmem:v5+s2+$0x0], $0xffff  }
0x37f: {  	v16 =	vshrl.u32 v4, $0x10;
	v17 =	vld.idx.msk [tilespmem:v6+s28+$0x0], $0xffff  }
0x380: {  	v19 =	vand.u32 $0xFFFF, v8;
	v18 =	vld.idx.msk [tilespmem:v9+s28+$0x0], $0xffff  }
0x381: {  	v21 =	vand.u32 $0xFFFF, v10;
	v10 =	vshrl.u32 v10, $0x10;
	v20 =	vld.idx.msk [tilespmem:v1+s2+$0x0], $0xffff  }
0x382: {  	v3 =	vand.u32 $0xFFFF, v3;
	v22 =	vld.idx.msk [tilespmem:v11+s28+$0x0], $0xffff  }
0x383: {  	v14 =	vadd.s32 $0x2710, v1;
	v1 =	vld.idx.msk [tilespmem:v15+s28+$0x0], $0xffff  }
0x384: {  	v8 =	vshrl.u32 v8, $0x10;
	v24 =	vld.idx.msk [tilespmem:v16+s28+$0x0], $0xffff  }
0x385: {  	v25 =	vld.idx.msk [tilespmem:v19+s2+$0x0], $0xffff  }
0x386: {  	v2 =	vand.u32 $0xFFFF, v4;
	v62 =	vshrl.u32 v12, $0x10;
	v23 =	vadd.s32 $0x2710, v6;
	v31 =	vld.idx.msk [tilespmem:v10+s28+$0x0], $0xffff  }
0x387: {  	v26 =	vand.u32 $0x7, v9;
	v27 =	vand.u32 $0x7, v11;
	v19 =	vadd.s32 $0x2710, v19;
	v32 =	vld.idx.msk [tilespmem:v3+s2+$0x0], $0xffff  }
0x388: {  	v28 =	vadd.s32 $0x2710, v16;
	v23 =	vand.u32 $0x1FFF8, v23;
	v4 =	vld.idx.msk [tilespmem:v14+s2+$0x0], $0xffff;
	v14 =	vadd.s32 $0x2710, v21  }
0x389: {  	v5 =	vadd.s32 $0x2710, v5;
	v9 =	vadd.s32 $0x2710, v9;
	v6 =	vand.u32 $0x7, v6;
	v63 =	vld.idx.msk [tilespmem:v8+s28+$0x0], $0xffff  }
0x38a: {  	v30 =	vadd.s32 $0x2710, v15;
	v21 =	vld.idx.msk [tilespmem:v21+s2+$0x0], $0xffff;
	v6 =	vor.u32 v6, v23;
	v9 =	vand.u32 $0x1FFF8, v9  }
0x38b: {  	v28 =	vand.u32 $0x1FFF8, v28;
	v16 =	vand.u32 $0x7, v16;
	v23 =	vld.idx.msk [tilespmem:v2+s2+$0x0], $0xffff;
	v26 =	vor.u32 v26, v9  }
0x38c: {  	v11 =	vadd.s32 $0x2710, v11;
	v15 =	vand.u32 $0x7, v15;
	v16 =	vor.u32 v16, v28;
	v9 =	vld.idx.msk [tilespmem:v19+s2+$0x0], $0xffff  }
0x38d: {  	v3 =	vadd.s32 $0x2710, v3;
	v19 =	vand.u32 $0x1FFF8, v30;
	v29 =	vld.idx.msk [tilespmem:v14+s2+$0x0], $0xffff;
	v14 =	vadd.s32 $0x2710, v10  }
0x38e: {  	v61 =	vld.idx.msk [tilespmem:v5+s2+$0x0], $0xffff;
	v10 =	vand.u32 $0x7, v10;
	v5 =	vand.u32 $0x1FFF8, v14;
	v14 =	vor.u32 v15, v19  }
0x38f: {  	v19 =	vld.idx.msk [tilespmem:v6+s28+$0x0], $0xffff;
	v6 =	vand.u32 $0x1FFF8, v11;
	v10 =	vor.u32 v10, v5;
	v5 =	vadd.s32 $0x2710, v62  }
0x390: {  	v26 =	vld.idx.msk [tilespmem:v26+s28+$0x0], $0xffff;
	v15 =	vor.u32 v27, v6;
	v6 =	vand.u32 $0x7, v62;
	v5 =	vand.u32 $0x1FFF8, v5  }
0x391: {  	v33 =	vor.u32 v6, v5;
	v6 =	vadd.s32 $0x2710, v8;
	v5 =	vld.idx.msk [tilespmem:v16+s28+$0x0], $0xffff;
	v8 =	vand.u32 $0x7, v8  }
0x392: {  	v16 =	vand.u32 $0xFFFF, v12;
	v12 =	vadd.bf16 v17, v13;
	v13 =	vld.idx.msk [tilespmem:v62+s28+$0x0], $0xffff;
	v11 =	vand.u32 $0x1FFF8, v6  }
0x393: {  	v6 =	vld.idx.msk [tilespmem:v14+s28+$0x0], $0xffff;
	v34 =	vor.u32 v8, v11;
	v11 =	vimm.bf16 $0.0e+00  }
0x394: {  	v8 =	vadd.bf16 v18, v20;
	v20 =	vadd.s32 $0x2710, v16;
	v14 =	vadd.bf16 v24, v23;
	v10 =	vld.idx.msk [tilespmem:v10+s28+$0x0], $0xffff  }
0x395: {  	v22 =	vadd.bf16 v22, v32;
	v15 =	vld.idx.msk [tilespmem:v15+s28+$0x0], $0xffff;
	v18 =	vmax.bf16 v11, v12  }
0x396: {  	v23 =	vadd.bf16 v63, v25;
	v12 =	vadd.bf16 v19, v61;
	v19 =	vmax.bf16 v18, v14;
	v18 =	vld.idx.msk [tilespmem:v3+s2+$0x0], $0xffff  }
0x397: {  	v7 =	vand.u32 $0xFFFF, v7;
	v21 =	vadd.bf16 v31, v21;
	v8 =	vmax.bf16 v11, v8;
	v17 =	vld.idx.msk [tilespmem:v33+s28+$0x0], $0xffff  }
0x398: {  	v14 =	vadd.bf16 v26, v4;
	v8 =	vmax.bf16 v8, v22;
	v3 =	vmax.bf16 v19, v23;
	v19 =	vld.idx.msk [tilespmem:v34+s28+$0x0], $0xffff  }
0x399: {  	s13 =	simm.s32 $0x8000;
	s12 =	sshll.u32 s10, $0x4;
	v3 =	vmax.bf16 v3, v21;
	v20 =	vld.idx.msk [tilespmem:v20+s2+$0x0], $0xffff;
	v4 =	vadd.bf16 v10, v29;
	v10 =	vimm.bf16 $0.0e+00  }
.LBB2_37:
0x39a: {  	s14 =	sshra.s32 s13, $0x2;
	p0 =	sne.s32 s13, $0x18000;
	s13 =	sadd.s32 $0x8000, s13;
	v16 =	vld.idx.msk [tilespmem:v16+s2+$0x0], $0xffff  }
0x39b: {  	v21 =	vld.idx.msk [tilespmem:v0+s14+$0xFFFFF000 ss:$0x1], $0xffff  }
0x39c: {  	v22 =	vld.idx.msk [tilespmem:v0+s14+$0xFFFFF400 ss:$0x1], $0xffff  }
0x39d: {  	v15 =	vadd.bf16 v15, v18;
	v23 =	vld.idx.msk [tilespmem:v0+s14+$0xFFFFF800 ss:$0x1], $0xffff  }
0x39e: {  	v24 =	vadd.s32 $0x2710, v2;
	v19 =	vadd.bf16 v19, v9;
	v18 =	vld.idx.msk [tilespmem:v0+s14+$0xFFFFFC00 ss:$0x1], $0xffff  }
0x39f: {  	v25 =	vadd.s32 $0x2710, v7;
	v17 =	vadd.bf16 v17, v20;
	v9 =	vld.idx.msk [tilespmem:v0+s14+$0x0 ss:$0x1], $0xffff  }
0x3a0: {  	v11 =	vmax.bf16 v11, v12;
	v2 =	vmax.bf16 v10, v14;
	v12 =	vadd.bf16 v13, v16;
	v20 =	vld.idx.msk [tilespmem:v0+s14+$0x400 ss:$0x1], $0xffff  }
0x3a1: {  	v15 =	vmax.bf16 v2, v15;
	v10 =	vshrl.u32 v21, $0x10;
	v13 =	vand.u32 $0xFFFF, v21;
	v14 =	vld.idx.msk [tilespmem:v0+s14+$0x800 ss:$0x1], $0xffff  }
0x3a2: {  	v16 =	vadd.s32 $0x2710, v13;
	v2 =	vadd.s32 $0x2710, v10;
	v21 =	vshrl.u32 v22, $0x10;
	v26 =	vld.idx.msk [tilespmem:v0+s14+$0xC00 ss:$0x1], $0xffff  }
0x3a3: {  	v22 =	vand.u32 $0xFFFF, v22;
	v27 =	vand.u32 $0x1FFF8, v2;
	v2 =	vand.u32 $0xFFFF, v23;
	v24 =	vld.idx.msk [tilespmem:v24+s2+$0x0], $0xffff  }
0x3a4: {  	v28 =	vand.u32 $0x7, v21;
	v29 =	vadd.s32 $0x2710, v21;
	v30 =	vshrl.u32 v18, $0x10;
	v25 =	vld.idx.msk [tilespmem:v25+s2+$0x0], $0xffff  }
0x3a5: {  	v23 =	vshrl.u32 v23, $0x10;
	v31 =	vand.u32 $0x7, v30;
	v32 =	vand.u32 $0xFFFF, v9;
	v7 =	vld.idx.msk [tilespmem:v7+s2+$0x0], $0xffff  }
0x3a6: {  	v33 =	vadd.s32 $0x2710, v22;
	v34 =	vadd.s32 $0x2710, v30;
	v35 =	vshrl.u32 v20, $0x10;
	v13 =	vld.idx.msk [tilespmem:v13+s2+$0x0], $0xffff  }
0x3a7: {  	v36 =	vand.u32 $0x7, v10;
	v38 =	vshrl.u32 v14, $0x10;
	v37 =	vld.idx.msk [tilespmem:v10+s28+$0x0], $0xffff;
	v10 =	vand.u32 $0xFFFF, v14  }
0x3a8: {  	v18 =	vand.u32 $0xFFFF, v18;
	v39 =	vadd.s32 $0x2710, v38;
	v14 =	vld.idx.msk [tilespmem:v21+s28+$0x0], $0xffff;
	v21 =	vadd.s32 $0x2710, v23  }
0x3a9: {  	v40 =	vadd.s32 $0x2710, v10;
	v39 =	vand.u32 $0x1FFF8, v39;
	v5 =	vadd.bf16 v5, v24;
	v22 =	vld.idx.msk [tilespmem:v22+s2+$0x0], $0xffff  }
0x3aa: {  	v41 =	vand.u32 $0x7, v38;
	v6 =	vadd.bf16 v6, v25;
	v24 =	vld.idx.msk [tilespmem:v30+s28+$0x0], $0xffff;
	v30 =	vadd.s32 $0x2710, v35  }
0x3ab: {  	v7 =	vadd.bf16 v1, v7;
	v25 =	vld.idx.msk [tilespmem:v33+s2+$0x0], $0xffff;
	v33 =	vand.u32 $0x7, v35;
	v30 =	vand.u32 $0x1FFF8, v30  }
0x3ac: {  	v42 =	vand.u32 $0x7, v23;
	v34 =	vand.u32 $0x1FFF8, v34;
	v1 =	vld.idx.msk [tilespmem:v35+s28+$0x0], $0xffff;
	v30 =	vor.u32 v33, v30  }
0x3ad: {  	v21 =	vand.u32 $0x1FFF8, v21;
	v6 =	vmax.bf16 v15, v6;
	v33 =	vor.u32 v41, v39;
	v23 =	vld.idx.msk [tilespmem:v23+s28+$0x0], $0xffff  }
0x3ae: {  	v15 =	vor.u32 v31, v34;
	v35 =	vadd.s32 $0x2710, v18;
	v31 =	vld.idx.msk [tilespmem:v32+s2+$0x0], $0xffff;
	v32 =	vadd.s32 $0x2710, v32  }
0x3af: {  	v27 =	vor.u32 v36, v27;
	v21 =	vor.u32 v42, v21;
	v8 =	vmax.bf16 v8, v7;
	v34 =	vld.idx.msk [tilespmem:v10+s2+$0x0], $0xffff  }
0x3b0: {  	v29 =	vand.u32 $0x1FFF8, v29;
	v39 =	vshrl.u32 v26, $0x10;
	v10 =	vmax.bf16 v6, v17;
	v36 =	vld.idx.msk [tilespmem:v2+s2+$0x0], $0xffff  }
0x3b1: {  	v7 =	vand.u32 $0xFFFF, v20;
	v8 =	vmax.bf16 v8, v12;
	v14 =	vadd.bf16 v14, v22;
	v20 =	vld.idx.msk [tilespmem:v40+s2+$0x0], $0xffff  }
0x3b2: {  	v17 =	vadd.bf16 v37, v13;
	v6 =	vor.u32 v28, v29;
	v13 =	vand.u32 $0x7, v39;
	v12 =	vld.idx.msk [tilespmem:v38+s28+$0x0], $0xffff  }
0x3b3: {  	v5 =	vmax.bf16 v11, v5;
	v22 =	vshrl.u32 v9, $0x10;
	v28 =	vadd.s32 $0x2710, v39;
	v9 =	vld.idx.msk [tilespmem:v32+s2+$0x0], $0xffff  }
0x3b4: {  	v5 =	vmax.bf16 v5, v19;
	v29 =	vand.u32 $0x7, v22;
	v11 =	vadd.s32 $0x2710, v22;
	v16 =	vld.idx.msk [tilespmem:v16+s2+$0x0], $0xffff  }
0x3b5: {  	v28 =	vand.u32 $0x1FFF8, v28;
	v19 =	vld.idx.msk [tilespmem:v27+s28+$0x0], $0xffff;
	v27 =	vand.u32 $0x1FFF8, v11;
	v11 =	vmax.bf16 v5, v4  }
0x3b6: {  	v4 =	vadd.bf16 v23, v36;
	v18 =	vld.idx.msk [tilespmem:v18+s2+$0x0], $0xffff;
	v23 =	vor.u32 v29, v27;
	v27 =	vor.u32 v13, v28  }
0x3b7: {  	v13 =	vld.idx.msk [tilespmem:v6+s28+$0x0], $0xffff  }
0x3b8: {  	v22 =	vld.idx.msk [tilespmem:v22+s28+$0x0], $0xffff  }
0x3b9: {  	v5 =	vld.idx.msk [tilespmem:v21+s28+$0x0], $0xffff;
	v21 =	vadd.bf16 v12, v34  }
0x3ba: {  	v6 =	vld.idx.msk [tilespmem:v30+s28+$0x0], $0xffff  }
0x3bb: {  	v12 =	vadd.bf16 v19, v16;
	v16 =	vand.u32 $0xFFFF, v26;
	v28 =	vld.idx.msk [tilespmem:v33+s28+$0x0], $0xffff  }
0x3bc: {  	v8 =	vmax.bf16 v8, v14;
	v18 =	vadd.bf16 v24, v18;
	v24 =	vadd.s32 $0x2710, v16;
	v15 =	vld.idx.msk [tilespmem:v15+s28+$0x0], $0xffff  }
.Ltmp17:
0x3bd: {  	v14 =	vadd.bf16 v13, v25;
	v13 =	vld.idx.msk [tilespmem:v39+s28+$0x0], $0xffff;
	(pc) =	sbr.rel @p0 .LBB2_37-.Ltmp17, $4  }
0x3be: {  	v3 =	vmax.bf16 v3, v17;
	v8 =	vmax.bf16 v8, v18;
	v19 =	vadd.bf16 v22, v31;
	v17 =	vld.idx.msk [tilespmem:v27+s28+$0x0], $0xffff  }
0x3bf: {  	v3 =	vmax.bf16 v3, v4;
	v18 =	vld.idx.msk [tilespmem:v35+s2+$0x0], $0xffff  }
0x3c0: {  	v3 =	vmax.bf16 v3, v19;
	v19 =	vld.idx.msk [tilespmem:v23+s28+$0x0], $0xffff  }
0x3c1: {  	v3 =	vmax.bf16 v3, v21;
	v4 =	vadd.bf16 v28, v20;
	v20 =	vld.idx.msk [tilespmem:v24+s2+$0x0], $0xffff  }
0x3c2: {  	_ = 	snop  }
0x3c3: {  	v0 =	vadd.s32 $0x2710, v2  }
0x3c4: {  	v58 =	vadd.s32 $0x2710, v7;
	_ =	sdelay $0x1  }
0x3c5: {  	v16 =	vld.idx.msk [tilespmem:v16+s2+$0x0], $0xffff  }
0x3c6: {  	v59 =	vld.idx.msk [tilespmem:v7+s2+$0x0], $0xffff  }
0x3c7: {  	v0 =	vld.idx.msk [tilespmem:v0+s2+$0x0], $0xffff  }
0x3c8: {  	v2 =	vld.idx.msk [tilespmem:v58+s2+$0x0], $0xffff;
	_ =	sdelay $0x1  }
0x3c9: {  	v15 =	vadd.bf16 v15, v18  }
0x3ca: {  	v60 =	vmax.bf16 v11, v12;
	v9 =	vadd.bf16 v19, v9;
	v1 =	vadd.bf16 v1, v59  }
0x3cb: {  	v62 =	vmax.bf16 v10, v14;
	v61 =	vadd.bf16 v13, v16;
	v0 =	vadd.bf16 v5, v0  }
0x3cc: {  	v17 =	vadd.bf16 v17, v20;
	v1 =	vmax.bf16 v8, v1;
	v2 =	vadd.bf16 v6, v2  }
0x3cd: {  	s10 =	sadd.s32 $0x1, s10;
	v1 =	vmax.bf16 v1, v61;
	v5 =	vmax.bf16 v62, v15;
	v0 =	vmax.bf16 v60, v0  }
0x3ce: {  	p0 =	sne.s32 s10, $0x40;
	v1 =	vmax.bf16 v3, v1;
	v2 =	vmax.bf16 v5, v2;
	v0 =	vmax.bf16 v0, v9  }
.Ltmp18:
0x3cf: {  	v3 =	vshll.u32 v1, $0x10;
	v2 =	vmax.bf16 v2, v17;
	v0 =	vmax.bf16 v0, v4;
	(pc) =	sbr.rel @p0 .LBB2_36-.Ltmp18, $4  }
0x3d0: {  	v1 =	vand.u32 $0xFFFF0000, v1;
	[tilespmem:s12+$0x19C40] =	vst v3;
	v0 =	vmax.bf16 v0, v2  }
0x3d1: {  	[tilespmem:s12+$0x1A040] =	vst v1;
	v63 =	vshll.u32 v0, $0x10  }
0x3d2: {  	v0 =	vand.u32 $0xFFFF0000, v0;
	[tilespmem:s12+$0x1A440] =	vst v63  }
0x3d3: {  	s11 =	sadd.s32 $0x10, s11;
	[tilespmem:s12+$0x1A840] =	vst v0  }
0x3d4: {  	[hbm4b:s23+s29] =	stream.strided.scatter [tilespmem:s3], [sflag:$0x3], $0x1000, s30, s29, $0x38;
	[tilespmem:$0x1BC40] =	vst v63  }
0x3d5: {  	_ =	swait.ge [sflag:s4], $0x6200  }
0x3d6: {  	[sflag:s4] =	ssyncset.done $0x0  }
0x3d7: {  	[sflag:s4] =	ssyncadd.s32 $0xFFFF9E00  }
0x3d8: {  	_ =	swait.ge [sflag:s8], $0x1000  }
0x3d9: {  	[sflag:s8] =	ssyncset.done $0x0  }
0x3da: {  	s10 =	simm.s32 $0x0;
	s11 =	simm.s32 $0x12C40;
	[sflag:s8] =	ssyncadd.s32 $0xFFFFF000  }
.LBB2_40:
0x3db: {  	v0 =	vmov s11;
	_ =	sdelay $0x3  }
0x3dc: {  	s12 =	simm.s32 $0x0  }
0x3dd: {  	v1 =	vld.idx.msk [tilespmem:v0+s12+$0xFFFFF000 ss:$0x1], $0xffff;
	_ =	sdelay $0x1  }
0x3de: {  	v2 =	vld.idx.msk [tilespmem:v0+s12+$0xFFFFF400 ss:$0x1], $0xffff;
	_ =	sdelay $0x1  }
0x3df: {  	v3 =	vld.idx.msk [tilespmem:v0+s12+$0xFFFFFC00 ss:$0x1], $0xffff  }
0x3e0: {  	v7 =	vld.idx.msk [tilespmem:v0+s12+$0x400 ss:$0x1], $0xffff;
	v5 =	vand.u32 $0xFFFF, v1  }
0x3e1: {  	v4 =	vld.idx.msk [tilespmem:v0+s12+$0xFFFFF800 ss:$0x1], $0xffff;
	v6 =	vshrl.u32 v1, $0x10  }
0x3e2: {  	v8 =	vld.idx.msk [tilespmem:v0+s12+$0x0 ss:$0x1], $0xffff;
	v9 =	vshrl.u32 v2, $0x10  }
0x3e3: {  	v10 =	vld.idx.msk [tilespmem:v0+s12+$0x800 ss:$0x1], $0xffff;
	v1 =	vand.u32 $0xFFFF, v2  }
0x3e4: {  	v12 =	vld.idx.msk [tilespmem:v0+s12+$0xC00 ss:$0x1], $0xffff;
	v11 =	vshrl.u32 v3, $0x10  }
0x3e5: {  	v15 =	vshrl.u32 v7, $0x10;
	v13 =	vld.idx.msk [tilespmem:v5+s2+$0x0], $0xffff  }
0x3e6: {  	v16 =	vshrl.u32 v4, $0x10;
	v17 =	vld.idx.msk [tilespmem:v6+s28+$0x0], $0xffff  }
0x3e7: {  	v19 =	vand.u32 $0xFFFF, v8;
	v18 =	vld.idx.msk [tilespmem:v9+s28+$0x0], $0xffff  }
0x3e8: {  	v21 =	vand.u32 $0xFFFF, v10;
	v10 =	vshrl.u32 v10, $0x10;
	v20 =	vld.idx.msk [tilespmem:v1+s2+$0x0], $0xffff  }
0x3e9: {  	v3 =	vand.u32 $0xFFFF, v3;
	v22 =	vld.idx.msk [tilespmem:v11+s28+$0x0], $0xffff  }
0x3ea: {  	v14 =	vadd.s32 $0x2710, v1;
	v1 =	vld.idx.msk [tilespmem:v15+s28+$0x0], $0xffff  }
0x3eb: {  	v8 =	vshrl.u32 v8, $0x10;
	v24 =	vld.idx.msk [tilespmem:v16+s28+$0x0], $0xffff  }
0x3ec: {  	v25 =	vld.idx.msk [tilespmem:v19+s2+$0x0], $0xffff  }
0x3ed: {  	v2 =	vand.u32 $0xFFFF, v4;
	v62 =	vshrl.u32 v12, $0x10;
	v23 =	vadd.s32 $0x2710, v6;
	v31 =	vld.idx.msk [tilespmem:v10+s28+$0x0], $0xffff  }
0x3ee: {  	v26 =	vand.u32 $0x7, v9;
	v27 =	vand.u32 $0x7, v11;
	v19 =	vadd.s32 $0x2710, v19;
	v32 =	vld.idx.msk [tilespmem:v3+s2+$0x0], $0xffff  }
0x3ef: {  	v28 =	vadd.s32 $0x2710, v16;
	v23 =	vand.u32 $0x1FFF8, v23;
	v4 =	vld.idx.msk [tilespmem:v14+s2+$0x0], $0xffff;
	v14 =	vadd.s32 $0x2710, v21  }
0x3f0: {  	v5 =	vadd.s32 $0x2710, v5;
	v9 =	vadd.s32 $0x2710, v9;
	v6 =	vand.u32 $0x7, v6;
	v63 =	vld.idx.msk [tilespmem:v8+s28+$0x0], $0xffff  }
0x3f1: {  	v30 =	vadd.s32 $0x2710, v15;
	v21 =	vld.idx.msk [tilespmem:v21+s2+$0x0], $0xffff;
	v6 =	vor.u32 v6, v23;
	v9 =	vand.u32 $0x1FFF8, v9  }
0x3f2: {  	v28 =	vand.u32 $0x1FFF8, v28;
	v16 =	vand.u32 $0x7, v16;
	v23 =	vld.idx.msk [tilespmem:v2+s2+$0x0], $0xffff;
	v26 =	vor.u32 v26, v9  }
0x3f3: {  	v11 =	vadd.s32 $0x2710, v11;
	v15 =	vand.u32 $0x7, v15;
	v16 =	vor.u32 v16, v28;
	v9 =	vld.idx.msk [tilespmem:v19+s2+$0x0], $0xffff  }
0x3f4: {  	v3 =	vadd.s32 $0x2710, v3;
	v19 =	vand.u32 $0x1FFF8, v30;
	v29 =	vld.idx.msk [tilespmem:v14+s2+$0x0], $0xffff;
	v14 =	vadd.s32 $0x2710, v10  }
0x3f5: {  	v61 =	vld.idx.msk [tilespmem:v5+s2+$0x0], $0xffff;
	v10 =	vand.u32 $0x7, v10;
	v5 =	vand.u32 $0x1FFF8, v14;
	v14 =	vor.u32 v15, v19  }
0x3f6: {  	v19 =	vld.idx.msk [tilespmem:v6+s28+$0x0], $0xffff;
	v6 =	vand.u32 $0x1FFF8, v11;
	v10 =	vor.u32 v10, v5;
	v5 =	vadd.s32 $0x2710, v62  }
0x3f7: {  	v26 =	vld.idx.msk [tilespmem:v26+s28+$0x0], $0xffff;
	v15 =	vor.u32 v27, v6;
	v6 =	vand.u32 $0x7, v62;
	v5 =	vand.u32 $0x1FFF8, v5  }
0x3f8: {  	v33 =	vor.u32 v6, v5;
	v6 =	vadd.s32 $0x2710, v8;
	v5 =	vld.idx.msk [tilespmem:v16+s28+$0x0], $0xffff;
	v8 =	vand.u32 $0x7, v8  }
0x3f9: {  	v16 =	vand.u32 $0xFFFF, v12;
	v12 =	vadd.bf16 v17, v13;
	v13 =	vld.idx.msk [tilespmem:v62+s28+$0x0], $0xffff;
	v11 =	vand.u32 $0x1FFF8, v6  }
0x3fa: {  	v6 =	vld.idx.msk [tilespmem:v14+s28+$0x0], $0xffff;
	v34 =	vor.u32 v8, v11;
	v11 =	vimm.bf16 $0.0e+00  }
0x3fb: {  	v8 =	vadd.bf16 v18, v20;
	v20 =	vadd.s32 $0x2710, v16;
	v14 =	vadd.bf16 v24, v23;
	v10 =	vld.idx.msk [tilespmem:v10+s28+$0x0], $0xffff  }
0x3fc: {  	v22 =	vadd.bf16 v22, v32;
	v15 =	vld.idx.msk [tilespmem:v15+s28+$0x0], $0xffff;
	v18 =	vmax.bf16 v11, v12  }
0x3fd: {  	v23 =	vadd.bf16 v63, v25;
	v12 =	vadd.bf16 v19, v61;
	v19 =	vmax.bf16 v18, v14;
	v18 =	vld.idx.msk [tilespmem:v3+s2+$0x0], $0xffff  }
0x3fe: {  	v7 =	vand.u32 $0xFFFF, v7;
	v21 =	vadd.bf16 v31, v21;
	v8 =	vmax.bf16 v11, v8;
	v17 =	vld.idx.msk [tilespmem:v33+s28+$0x0], $0xffff  }
0x3ff: {  	v14 =	vadd.bf16 v26, v4;
	v8 =	vmax.bf16 v8, v22;
	v3 =	vmax.bf16 v19, v23;
	v19 =	vld.idx.msk [tilespmem:v34+s28+$0x0], $0xffff  }
0x400: {  	s13 =	simm.s32 $0x8000;
	s12 =	sshll.u32 s10, $0x4;
	v3 =	vmax.bf16 v3, v21;
	v20 =	vld.idx.msk [tilespmem:v20+s2+$0x0], $0xffff;
	v4 =	vadd.bf16 v10, v29;
	v10 =	vimm.bf16 $0.0e+00  }
.LBB2_41:
0x401: {  	s14 =	sshra.s32 s13, $0x2;
	p0 =	sne.s32 s13, $0x18000;
	s13 =	sadd.s32 $0x8000, s13;
	v16 =	vld.idx.msk [tilespmem:v16+s2+$0x0], $0xffff  }
0x402: {  	v21 =	vld.idx.msk [tilespmem:v0+s14+$0xFFFFF000 ss:$0x1], $0xffff  }
0x403: {  	v22 =	vld.idx.msk [tilespmem:v0+s14+$0xFFFFF400 ss:$0x1], $0xffff  }
0x404: {  	v15 =	vadd.bf16 v15, v18;
	v23 =	vld.idx.msk [tilespmem:v0+s14+$0xFFFFF800 ss:$0x1], $0xffff  }
0x405: {  	v24 =	vadd.s32 $0x2710, v2;
	v19 =	vadd.bf16 v19, v9;
	v18 =	vld.idx.msk [tilespmem:v0+s14+$0xFFFFFC00 ss:$0x1], $0xffff  }
0x406: {  	v25 =	vadd.s32 $0x2710, v7;
	v17 =	vadd.bf16 v17, v20;
	v9 =	vld.idx.msk [tilespmem:v0+s14+$0x0 ss:$0x1], $0xffff  }
0x407: {  	v11 =	vmax.bf16 v11, v12;
	v2 =	vmax.bf16 v10, v14;
	v12 =	vadd.bf16 v13, v16;
	v20 =	vld.idx.msk [tilespmem:v0+s14+$0x400 ss:$0x1], $0xffff  }
0x408: {  	v15 =	vmax.bf16 v2, v15;
	v10 =	vshrl.u32 v21, $0x10;
	v13 =	vand.u32 $0xFFFF, v21;
	v14 =	vld.idx.msk [tilespmem:v0+s14+$0x800 ss:$0x1], $0xffff  }
0x409: {  	v16 =	vadd.s32 $0x2710, v13;
	v2 =	vadd.s32 $0x2710, v10;
	v21 =	vshrl.u32 v22, $0x10;
	v26 =	vld.idx.msk [tilespmem:v0+s14+$0xC00 ss:$0x1], $0xffff  }
0x40a: {  	v22 =	vand.u32 $0xFFFF, v22;
	v27 =	vand.u32 $0x1FFF8, v2;
	v2 =	vand.u32 $0xFFFF, v23;
	v24 =	vld.idx.msk [tilespmem:v24+s2+$0x0], $0xffff  }
0x40b: {  	v28 =	vand.u32 $0x7, v21;
	v29 =	vadd.s32 $0x2710, v21;
	v30 =	vshrl.u32 v18, $0x10;
	v25 =	vld.idx.msk [tilespmem:v25+s2+$0x0], $0xffff  }
0x40c: {  	v23 =	vshrl.u32 v23, $0x10;
	v31 =	vand.u32 $0x7, v30;
	v32 =	vand.u32 $0xFFFF, v9;
	v7 =	vld.idx.msk [tilespmem:v7+s2+$0x0], $0xffff  }
0x40d: {  	v33 =	vadd.s32 $0x2710, v22;
	v34 =	vadd.s32 $0x2710, v30;
	v35 =	vshrl.u32 v20, $0x10;
	v13 =	vld.idx.msk [tilespmem:v13+s2+$0x0], $0xffff  }
0x40e: {  	v36 =	vand.u32 $0x7, v10;
	v38 =	vshrl.u32 v14, $0x10;
	v37 =	vld.idx.msk [tilespmem:v10+s28+$0x0], $0xffff;
	v10 =	vand.u32 $0xFFFF, v14  }
0x40f: {  	v18 =	vand.u32 $0xFFFF, v18;
	v39 =	vadd.s32 $0x2710, v38;
	v14 =	vld.idx.msk [tilespmem:v21+s28+$0x0], $0xffff;
	v21 =	vadd.s32 $0x2710, v23  }
0x410: {  	v40 =	vadd.s32 $0x2710, v10;
	v39 =	vand.u32 $0x1FFF8, v39;
	v5 =	vadd.bf16 v5, v24;
	v22 =	vld.idx.msk [tilespmem:v22+s2+$0x0], $0xffff  }
0x411: {  	v41 =	vand.u32 $0x7, v38;
	v6 =	vadd.bf16 v6, v25;
	v24 =	vld.idx.msk [tilespmem:v30+s28+$0x0], $0xffff;
	v30 =	vadd.s32 $0x2710, v35  }
0x412: {  	v7 =	vadd.bf16 v1, v7;
	v25 =	vld.idx.msk [tilespmem:v33+s2+$0x0], $0xffff;
	v33 =	vand.u32 $0x7, v35;
	v30 =	vand.u32 $0x1FFF8, v30  }
0x413: {  	v42 =	vand.u32 $0x7, v23;
	v34 =	vand.u32 $0x1FFF8, v34;
	v1 =	vld.idx.msk [tilespmem:v35+s28+$0x0], $0xffff;
	v30 =	vor.u32 v33, v30  }
0x414: {  	v21 =	vand.u32 $0x1FFF8, v21;
	v6 =	vmax.bf16 v15, v6;
	v33 =	vor.u32 v41, v39;
	v23 =	vld.idx.msk [tilespmem:v23+s28+$0x0], $0xffff  }
0x415: {  	v15 =	vor.u32 v31, v34;
	v35 =	vadd.s32 $0x2710, v18;
	v31 =	vld.idx.msk [tilespmem:v32+s2+$0x0], $0xffff;
	v32 =	vadd.s32 $0x2710, v32  }
0x416: {  	v27 =	vor.u32 v36, v27;
	v21 =	vor.u32 v42, v21;
	v8 =	vmax.bf16 v8, v7;
	v34 =	vld.idx.msk [tilespmem:v10+s2+$0x0], $0xffff  }
0x417: {  	v29 =	vand.u32 $0x1FFF8, v29;
	v39 =	vshrl.u32 v26, $0x10;
	v10 =	vmax.bf16 v6, v17;
	v36 =	vld.idx.msk [tilespmem:v2+s2+$0x0], $0xffff  }
0x418: {  	v7 =	vand.u32 $0xFFFF, v20;
	v8 =	vmax.bf16 v8, v12;
	v14 =	vadd.bf16 v14, v22;
	v20 =	vld.idx.msk [tilespmem:v40+s2+$0x0], $0xffff  }
0x419: {  	v17 =	vadd.bf16 v37, v13;
	v6 =	vor.u32 v28, v29;
	v13 =	vand.u32 $0x7, v39;
	v12 =	vld.idx.msk [tilespmem:v38+s28+$0x0], $0xffff  }
0x41a: {  	v5 =	vmax.bf16 v11, v5;
	v22 =	vshrl.u32 v9, $0x10;
	v28 =	vadd.s32 $0x2710, v39;
	v9 =	vld.idx.msk [tilespmem:v32+s2+$0x0], $0xffff  }
0x41b: {  	v5 =	vmax.bf16 v5, v19;
	v29 =	vand.u32 $0x7, v22;
	v11 =	vadd.s32 $0x2710, v22;
	v16 =	vld.idx.msk [tilespmem:v16+s2+$0x0], $0xffff  }
0x41c: {  	v28 =	vand.u32 $0x1FFF8, v28;
	v19 =	vld.idx.msk [tilespmem:v27+s28+$0x0], $0xffff;
	v27 =	vand.u32 $0x1FFF8, v11;
	v11 =	vmax.bf16 v5, v4  }
0x41d: {  	v4 =	vadd.bf16 v23, v36;
	v18 =	vld.idx.msk [tilespmem:v18+s2+$0x0], $0xffff;
	v23 =	vor.u32 v29, v27;
	v27 =	vor.u32 v13, v28  }
0x41e: {  	v13 =	vld.idx.msk [tilespmem:v6+s28+$0x0], $0xffff  }
0x41f: {  	v22 =	vld.idx.msk [tilespmem:v22+s28+$0x0], $0xffff  }
0x420: {  	v5 =	vld.idx.msk [tilespmem:v21+s28+$0x0], $0xffff;
	v21 =	vadd.bf16 v12, v34  }
0x421: {  	v6 =	vld.idx.msk [tilespmem:v30+s28+$0x0], $0xffff  }
0x422: {  	v12 =	vadd.bf16 v19, v16;
	v16 =	vand.u32 $0xFFFF, v26;
	v28 =	vld.idx.msk [tilespmem:v33+s28+$0x0], $0xffff  }
0x423: {  	v8 =	vmax.bf16 v8, v14;
	v18 =	vadd.bf16 v24, v18;
	v24 =	vadd.s32 $0x2710, v16;
	v15 =	vld.idx.msk [tilespmem:v15+s28+$0x0], $0xffff  }
.Ltmp19:
0x424: {  	v14 =	vadd.bf16 v13, v25;
	v13 =	vld.idx.msk [tilespmem:v39+s28+$0x0], $0xffff;
	(pc) =	sbr.rel @p0 .LBB2_41-.Ltmp19, $4  }
0x425: {  	v3 =	vmax.bf16 v3, v17;
	v8 =	vmax.bf16 v8, v18;
	v19 =	vadd.bf16 v22, v31;
	v17 =	vld.idx.msk [tilespmem:v27+s28+$0x0], $0xffff  }
0x426: {  	v3 =	vmax.bf16 v3, v4;
	v18 =	vld.idx.msk [tilespmem:v35+s2+$0x0], $0xffff  }
0x427: {  	v3 =	vmax.bf16 v3, v19;
	v19 =	vld.idx.msk [tilespmem:v23+s28+$0x0], $0xffff  }
0x428: {  	v3 =	vmax.bf16 v3, v21;
	v4 =	vadd.bf16 v28, v20;
	v20 =	vld.idx.msk [tilespmem:v24+s2+$0x0], $0xffff  }
0x429: {  	_ = 	snop  }
0x42a: {  	v0 =	vadd.s32 $0x2710, v2  }
0x42b: {  	v58 =	vadd.s32 $0x2710, v7;
	_ =	sdelay $0x1  }
0x42c: {  	v16 =	vld.idx.msk [tilespmem:v16+s2+$0x0], $0xffff  }
0x42d: {  	v59 =	vld.idx.msk [tilespmem:v7+s2+$0x0], $0xffff  }
0x42e: {  	v0 =	vld.idx.msk [tilespmem:v0+s2+$0x0], $0xffff  }
0x42f: {  	v2 =	vld.idx.msk [tilespmem:v58+s2+$0x0], $0xffff;
	_ =	sdelay $0x1  }
0x430: {  	v15 =	vadd.bf16 v15, v18  }
0x431: {  	v60 =	vmax.bf16 v11, v12;
	v9 =	vadd.bf16 v19, v9;
	v1 =	vadd.bf16 v1, v59  }
0x432: {  	v62 =	vmax.bf16 v10, v14;
	v61 =	vadd.bf16 v13, v16;
	v0 =	vadd.bf16 v5, v0  }
0x433: {  	v17 =	vadd.bf16 v17, v20;
	v1 =	vmax.bf16 v8, v1;
	v2 =	vadd.bf16 v6, v2  }
0x434: {  	s10 =	sadd.s32 $0x1, s10;
	v1 =	vmax.bf16 v1, v61;
	v5 =	vmax.bf16 v62, v15;
	v0 =	vmax.bf16 v60, v0  }
0x435: {  	p0 =	sne.s32 s10, $0x31;
	v1 =	vmax.bf16 v3, v1;
	v2 =	vmax.bf16 v5, v2;
	v0 =	vmax.bf16 v0, v9  }
.Ltmp20:
0x436: {  	v3 =	vshll.u32 v1, $0x10;
	v2 =	vmax.bf16 v2, v17;
	v0 =	vmax.bf16 v0, v4;
	(pc) =	sbr.rel @p0 .LBB2_40-.Ltmp20, $4  }
0x437: {  	v1 =	vand.u32 $0xFFFF0000, v1;
	[tilespmem:s12+$0x1AC40] =	vst v3;
	v0 =	vmax.bf16 v0, v2  }
0x438: {  	[tilespmem:s12+$0x1B040] =	vst v1;
	v63 =	vshll.u32 v0, $0x10  }
0x439: {  	v0 =	vand.u32 $0xFFFF0000, v0;
	[tilespmem:s12+$0x1B440] =	vst v63  }
0x43a: {  	s11 =	sadd.s32 $0x10, s11;
	[tilespmem:s12+$0x1B840] =	vst v0  }
0x43b: {  	[hbm4b:s24+s2] =	stream.linear.scatter [tilespmem:s5], [sflag:$0x4], $0x310, $0x38;
	[tilespmem:$0x1BC40] =	vst v63  }
0x43c: {  	s10 =	sadd.s32 $0x4E2, s24;
	s11 =	simm.s32 $0x1B040  }
0x43d: {  	[hbm4b:s10+s2] =	stream.linear.scatter [tilespmem:s11], [sflag:$0x4], $0x310, $0x38;
	[tilespmem:$0x1BC40] =	vst v63  }
0x43e: {  	s12 =	simm.s32 $0x1B440;
	s11 =	sadd.s32 $0x9C4, s24  }
0x43f: {  	[hbm4b:s11+s2] =	stream.linear.scatter [tilespmem:s12], [sflag:$0x4], $0x310, $0x38;
	[tilespmem:$0x1BC40] =	vst v63  }
0x440: {  	s13 =	sadd.s32 $0xEA6, s24;
	s14 =	simm.s32 $0x1B840;
	s9 =	sadd.s32 $0x1, s9  }
0x441: {  	[hbm4b:s13+s2] =	stream.linear.scatter [tilespmem:s14], [sflag:$0x4], $0x310, $0x38;
	[tilespmem:$0x1BC40] =	vst v63  }
0x442: {  	p0 =	sne.s32 s9, s25;
	_ =	swait.ge [sflag:s6], $0x1000  }
.Ltmp21:
0x443: {  	[sflag:s6] =	ssyncset.done $0x0;
	(pc) =	sbr.rel @p0 .LBB2_1-.Ltmp21, $4  }
0x444: {  	[sflag:s6] =	ssyncadd.s32 $0xFFFFF000  }
0x445: {  	_ =	swait.ge [sflag:s8], $0xC40  }
0x446: {  	[sflag:s8] =	ssyncset.done $0x0  }
0x447: {  	[sflag:s8] =	ssyncadd.s32 $0xFFFFF3C0  }
0x448: {  	_ =	sfence.sel $0x180000  }
0x449: {  	[bflag:$0x0] =	sbarrier.arrive $0xFFFF  }
0x44a: {  	_ =	strace $0x90000047  }
0x44b: {  	s0 =	stileid.u32;
	[bflag:$0x2] =	sbarrier.arrive $0xFFFF  }
0x44c: {  	p0 =	sne.s32 s0, $0x0;
	s0 =	rddreg [dreg:$0x2]  }
0x44d: {  	s0 =	sadd.s32 @!p0 $0x100000, s0  }
0x44e: {  	[sflag:s0] =	ssyncadd.tile.s32 @!p0 $0x1;
	_ =	shalt  }
.Lfunc_end2:
_tile_overlayer_lowered:
.L_overlay_start_2:
0x44f: {  	(tag) =	ssettag $0x2  }
0x450: {  	s0 =	rddreg [dreg:$0x0];
	s2 =	stileid.u32  }
0x451: {  	s1 =	rddreg [dreg:$0x1];
	p0 =	sne.s32 s2, $0x0  }
0x452: {  	s3 =	rddreg [dreg:$0x2];
	[bflag:$0x3] =	sbarrier.arrive $0xFFFF;
	s2 =	simm.s32 @!p0 $0x1C05  }
0x453: {  	[timem:s3], [sflag:s2] =	dma.local @!p0 [hbm:s0], s1  }
0x454: {  	s0 =	simm.s32 @!p0 $0x5  }
0x455: {  	_ =	swait.ge @!p0 [sflag:s0], s1  }
0x456: {  	s1 =	ssub.s32 @!p0 $0x0, s1;
	[sflag:s0] =	ssyncset.done @!p0 $0x0  }
0x457: {  	[sflag:s0] =	ssyncadd.s32 @!p0 s1  }
0x458: {  	[bflag:$0x3] =	sbarrier.arrive $0xFFFF  }
0x459: {  	_ =	shalt  }

</sc_bundles>
